<compile_context>
chip_gen: v7x
topology: tpu7x:2x2x1
jax: 0.10.2.dev20260603
libtpu: 0.0.44.dev20260713+nightly
codegen_flags: <defaults>
</compile_context>

<pallas_src>
import dataclasses
import functools

import jax
import jax.numpy as jnp
from jax import lax
from jax.experimental import pallas as pl
from jax.experimental.pallas import tpu as pltpu
from jax.experimental.pallas import tpu_sc as plsc

N = 10000
E = 160000
DIN = 256
DH = 512
DOUT = 256
HALF = 128

NC = 2
NS = 16
B = 80
NB = E // NS // B
CH = 25
NCH = NB // CH
EPS = E // NS
NPAD = 10240
RPS = NPAD // NS
ZR = 128
MB = 2048
G = (N + MB - 1) // MB

@functools.lru_cache(maxsize=None)
def _sc_params():
    cp = pltpu.CompilerParams()
    if "needs_layout_passes" in pltpu.CompilerParams.__dataclass_fields__:
        cp = dataclasses.replace(cp, needs_layout_passes=False)
    return cp


@functools.lru_cache(maxsize=None)
def _mesh():
    return plsc.VectorSubcoreMesh(
        core_axis_name="c", subcore_axis_name="s", num_cores=NC, num_subcores=NS
    )


def _sc_hist(ei4):

    @functools.partial(
        pl.kernel,
        out_type=(
            jax.ShapeDtypeStruct((NPAD,), jnp.float32),
            jax.ShapeDtypeStruct((NPAD,), jnp.float32),
        ),
        mesh=_mesh(),
        scratch_types=[
            pltpu.VMEM_SHARED((NS, NPAD), jnp.float32),
            pltpu.VMEM((CH, B), jnp.int32),
            pltpu.VMEM((NPAD,), jnp.float32),
            pltpu.VMEM((NS, RPS), jnp.float32),
            pltpu.VMEM((RPS,), jnp.float32),
        ],
        compiler_params=_sc_params(),
    )
    def k(ei_hbm, cr_hbm, cc_hbm, shared, idxv, local, mbuf, res):
        cid = lax.axis_index("c")
        sid = lax.axis_index("s")

        @pl.loop(0, NPAD, step=16)
        def _(i):
            local[pl.ds(i, 16)] = jnp.zeros((16,), jnp.float32)

        def run(which, out_hbm):
            ones16 = jnp.ones((16,), jnp.float32)

            @pl.loop(0, NCH)
            def _(g):
                pltpu.sync_copy(ei_hbm.at[which, sid * NCH + g], idxv)

                @pl.loop(0, CH)
                def _(c):
                    @pl.loop(0, B, step=16)
                    def _(j):
                        plsc.addupdate_scatter(
                            local, [idxv[c, pl.ds(j, 16)]], ones16)

            pltpu.sync_copy(local, shared.at[sid])
            plsc.subcore_barrier()
            for r in range(NS):
                pltpu.sync_copy(shared.at[r, pl.ds(sid * RPS, RPS)],
                                mbuf.at[r])

            @pl.loop(0, RPS, step=16)
            def _(j):
                acc = mbuf[0, pl.ds(j, 16)]
                for r in range(1, NS):
                    acc = acc + mbuf[r, pl.ds(j, 16)]
                res[pl.ds(j, 16)] = acc

            pltpu.sync_copy(res, out_hbm.at[pl.ds(sid * RPS, RPS)])

        @pl.when(cid == 0)
        def _():
            run(0, cr_hbm)

        @pl.when(cid == 1)
        def _():
            run(1, cc_hbm)

    return k(ei4)


def _sc_propagate(ya, yb, ei4):

    @functools.partial(
        pl.kernel,
        out_type=(
            jax.ShapeDtypeStruct((NPAD, HALF), jnp.float32),
            jax.ShapeDtypeStruct((NPAD, HALF), jnp.float32),
        ),
        mesh=_mesh(),
        scratch_types=[
            pltpu.VMEM_SHARED((NPAD, HALF), jnp.float32),
            pltpu.VMEM((CH, B), jnp.int32),
            pltpu.VMEM((CH, B), jnp.int32),
            pltpu.VMEM((B, HALF), jnp.float32),
            pltpu.VMEM((B, HALF), jnp.float32),
            pltpu.SemaphoreType.DMA,
            pltpu.SemaphoreType.DMA,
        ],
    )
    def k(ya_hbm, yb_hbm, ei_hbm, za_hbm, zb_hbm,
          shared, rowc, colc, buf0, buf1, sem0, sem1):
        cid = lax.axis_index("c")
        sid = lax.axis_index("s")

        def run(y_hbm, z_hbm):
            @pl.when(sid < NS - 1)
            def _():
                sl = pl.ds(sid * 632, 632)
                pltpu.sync_copy(y_hbm.at[sl], shared.at[sl])

            @pl.when(sid == NS - 1)
            def _():
                sl = pl.ds((NS - 1) * 632, N - (NS - 1) * 632)
                pltpu.sync_copy(y_hbm.at[sl], shared.at[sl])

            plsc.subcore_barrier()

            @pl.loop(0, NCH)
            def _(g):
                blk = sid * NCH + g
                pltpu.sync_copy(ei_hbm.at[0, blk], rowc)
                pltpu.sync_copy(ei_hbm.at[1, blk], colc)
                pltpu.async_copy(y_hbm.at[rowc.at[0]], buf0, sem0)

                @pl.loop(0, CH - 1, step=2)
                def _(b):
                    pltpu.async_copy(y_hbm.at[rowc.at[b + 1]], buf1, sem1)
                    pltpu.make_async_copy(y_hbm.at[rowc.at[b]], buf0,
                                          sem0).wait()
                    pltpu.sync_copy(buf0, shared.at[colc.at[b]], add=True)
                    pltpu.async_copy(y_hbm.at[rowc.at[b + 2]], buf0, sem0)
                    pltpu.make_async_copy(y_hbm.at[rowc.at[b + 1]], buf1,
                                          sem1).wait()
                    pltpu.sync_copy(buf1, shared.at[colc.at[b + 1]], add=True)

                pltpu.make_async_copy(y_hbm.at[rowc.at[CH - 1]], buf0,
                                      sem0).wait()
                pltpu.sync_copy(buf0, shared.at[colc.at[CH - 1]], add=True)

            plsc.subcore_barrier()

            @pl.loop(0, RPS // ZR)
            def _(i):
                sl = pl.ds(sid * RPS + i * ZR, ZR)
                pltpu.sync_copy(shared.at[sl], z_hbm.at[sl])

        @pl.when(cid == 0)
        def _():
            run(ya_hbm, za_hbm)

        @pl.when(cid == 1)
        def _():
            run(yb_hbm, zb_hbm)

    return k(ya, yb, ei4)


def _tc_prep(cnt_r, cnt_c, x):

    def body(cr, cc, xr, dis_o, dis2_o, ya_o, yb_o):
        i = pl.program_id(0)
        dis = lax.rsqrt(cr[pl.ds(i * MB, MB)].reshape(MB, 1) + 1.0)
        dis2 = lax.rsqrt(cc[pl.ds(i * MB, MB)].reshape(MB, 1) + 1.0)
        dis_o[...] = dis
        dis2_o[...] = dis2
        ya_o[...] = dis * xr[:, :HALF]
        yb_o[...] = dis * xr[:, HALF:]

    return pl.pallas_call(
        body,
        grid=(G,),
        in_specs=[
            pl.BlockSpec((NPAD,), lambda i: (0,)),
            pl.BlockSpec((NPAD,), lambda i: (0,)),
            pl.BlockSpec((MB, DIN), lambda i: (i, 0)),
        ],
        out_specs=[
            pl.BlockSpec((MB, 1), lambda i: (i, 0)),
            pl.BlockSpec((MB, 1), lambda i: (i, 0)),
            pl.BlockSpec((MB, HALF), lambda i: (i, 0)),
            pl.BlockSpec((MB, HALF), lambda i: (i, 0)),
        ],
        out_shape=(
            jax.ShapeDtypeStruct((N, 1), jnp.float32),
            jax.ShapeDtypeStruct((N, 1), jnp.float32),
            jax.ShapeDtypeStruct((N, HALF), jnp.float32),
            jax.ShapeDtypeStruct((N, HALF), jnp.float32),
        ),
    )(cnt_r, cnt_c, x)


def _tc_mid(z1a, z1b, dis, dis2, W1, b1r, W2):

    def body(za, zb, d1, d2, w1, b1, w2, oa, ob):
        t = jnp.concatenate([za[...], zb[...]], axis=1)
        t = t * d1[...]
        h = jnp.dot(t, w1[...], preferred_element_type=jnp.float32) + b1[...]
        h = jnp.maximum(h, 0.0)
        y2 = jnp.dot(h, w2[...], preferred_element_type=jnp.float32) * d2[...]
        oa[...] = y2[:, :HALF]
        ob[...] = y2[:, HALF:]

    return pl.pallas_call(
        body,
        grid=(G,),
        in_specs=[
            pl.BlockSpec((MB, HALF), lambda i: (i, 0)),
            pl.BlockSpec((MB, HALF), lambda i: (i, 0)),
            pl.BlockSpec((MB, 1), lambda i: (i, 0)),
            pl.BlockSpec((MB, 1), lambda i: (i, 0)),
            pl.BlockSpec((DIN, DH), lambda i: (0, 0)),
            pl.BlockSpec((1, DH), lambda i: (0, 0)),
            pl.BlockSpec((DH, DOUT), lambda i: (0, 0)),
        ],
        out_specs=[
            pl.BlockSpec((MB, HALF), lambda i: (i, 0)),
            pl.BlockSpec((MB, HALF), lambda i: (i, 0)),
        ],
        out_shape=(
            jax.ShapeDtypeStruct((N, HALF), jnp.float32),
            jax.ShapeDtypeStruct((N, HALF), jnp.float32),
        ),
    )(z1a, z1b, dis, dis2, W1, b1r, W2)


def _tc_final(z2a, z2b, dis2, b2r):

    def body(za, zb, d2, b2, o):
        t = jnp.concatenate([za[...], zb[...]], axis=1)
        o[...] = t * d2[...] + b2[...]

    return pl.pallas_call(
        body,
        grid=(G,),
        in_specs=[
            pl.BlockSpec((MB, HALF), lambda i: (i, 0)),
            pl.BlockSpec((MB, HALF), lambda i: (i, 0)),
            pl.BlockSpec((MB, 1), lambda i: (i, 0)),
            pl.BlockSpec((1, DOUT), lambda i: (0, 0)),
        ],
        out_specs=pl.BlockSpec((MB, DOUT), lambda i: (i, 0)),
        out_shape=jax.ShapeDtypeStruct((N, DOUT), jnp.float32),
    )(z2a, z2b, dis2, b2r)


def kernel(x, edge_index, W1, b1, W2, b2):
    ei4 = edge_index.reshape(2, NS * NCH, CH, B)
    cnt_r, cnt_c = _sc_hist(ei4)
    dis, dis2, y1a, y1b = _tc_prep(cnt_r, cnt_c, x)
    z1a, z1b = _sc_propagate(y1a, y1b, ei4)
    y2a, y2b = _tc_mid(z1a, z1b, dis, dis2, W1, b1.reshape(1, DH), W2)
    z2a, z2b = _sc_propagate(y2a, y2b, ei4)
    return _tc_final(z2a, z2b, dis2, b2.reshape(1, DOUT))

# --- scband reference (transcript-rebuilt; emitter-appended) ---
"""Pipeline reference for scband-gcn-83708912599617 (READ-ONLY COPY).

The authoritative reference and input builder live on the scoring server;
editing this copy changes nothing except your own understanding.
"""

import jax, jax.numpy as jnp
import numpy as np

N = 10000
E = 160000
DIN = 256
DH = 512
DOUT = 256


def _add_self_loops(edge_index, num_nodes):
    loops = jnp.arange(num_nodes, dtype=edge_index.dtype)
    self_loops = jnp.stack([loops, loops], axis=0)
    return jnp.concatenate([edge_index, self_loops], axis=1)


def setup_inputs(seed: int = 0):
    key = jax.random.key(seed)
    k1, k2, k3, k4 = jax.random.split(key, 4)
    x = jax.random.normal(k1, (N, DIN), dtype=jnp.float32)
    edge_index = jax.random.randint(k2, (2, E), 0, N, dtype=jnp.int32)
    W1 = jax.random.normal(k3, (DIN, DH), dtype=jnp.float32) * 0.05
    b1 = jnp.zeros((DH,), dtype=jnp.float32)
    W2 = jax.random.normal(k4, (DH, DOUT), dtype=jnp.float32) * 0.05
    b2 = jnp.zeros((DOUT,), dtype=jnp.float32)
    return {"x": x, "edge_index": edge_index, "W1": W1, "b1": b1, "W2": W2, "b2": b2}


def reference(x, edge_index, W1, b1, W2, b2):
    num_nodes = x.shape[0]
    ei = _add_self_loops(edge_index, num_nodes)
    row, col = ei[0], ei[1]

    # --- GConv (custom): symmetric norm using degree of row (source) ---
    deg = jnp.zeros((num_nodes,), x.dtype).at[row].add(1.0)
    deg_inv_sqrt = jnp.where(deg > 0, deg ** -0.5, 0.0)
    norm = deg_inv_sqrt[row] * deg_inv_sqrt[col]
    msg = norm[:, None] * x[row]
    h = jnp.zeros((num_nodes, x.shape[1]), x.dtype).at[col].add(msg)

    # --- lin1 + relu (dropout is identity in eval mode) ---
    h = h @ W1 + b1
    h = jax.nn.relu(h)

    # --- GCNConv: x @ W2 then gcn_norm (degree from col/target) ---
    deg2 = jnp.zeros((num_nodes,), h.dtype).at[col].add(1.0)
    deg2_inv_sqrt = jnp.where(deg2 > 0, deg2 ** -0.5, 0.0)
    norm2 = deg2_inv_sqrt[row] * deg2_inv_sqrt[col]
    hw = h @ W2
    msg2 = norm2[:, None] * hw[row]
    out = jnp.zeros((num_nodes, hw.shape[1]), hw.dtype).at[col].add(msg2) + b2
    return out

if __name__ == "__main__":
    import jax
    _d = setup_inputs()
    print(jax.jit(kernel)(*tuple(_d.values())))

</pallas_src>

<mosaic_0001>
#map = affine_map<(d0, d1) -> (0, 0)>
#map1 = affine_map<(d0, d1) -> (0, 0, 0, 0)>
module attributes {stable_mosaic.version = 14 : i64} {
  func.func @k(%arg0: i32, %arg1: i32, %arg2: memref<10000x128xf32, #tpu.memory_space<hbm>>, %arg3: memref<10000x128xf32, #tpu.memory_space<hbm>>, %arg4: memref<2x80x25x80xi32, #tpu.memory_space<hbm>>, %arg5: memref<10240x128xf32, #tpu.memory_space<hbm>>, %arg6: memref<10240x128xf32, #tpu.memory_space<hbm>>, %arg7: memref<10240x128xf32, #tpu.memory_space<vmem_shared>>, %arg8: memref<25x80xi32, #tpu.memory_space<vmem>>, %arg9: memref<25x80xi32, #tpu.memory_space<vmem>>, %arg10: memref<80x128xf32, #tpu.memory_space<vmem>>, %arg11: memref<80x128xf32, #tpu.memory_space<vmem>>, %arg12: memref<!tpu.dma_semaphore, #tpu.memory_space<semaphore_mem>>, %arg13: memref<!tpu.dma_semaphore, #tpu.memory_space<semaphore_mem>>) attributes {dimension_semantics = [#tpu.dimension_semantics<core_parallel>, #tpu.dimension_semantics<subcore_parallel>], iteration_bounds = array<i64: 2, 16>, scalar_prefetch = 0 : i64, scratch_operands = 7 : i64, tpu.core_type = #tpu.core_type<sc_vector_subcore>, window_params = [{transform_indices = #map}, {transform_indices = #map}, {transform_indices = #map1}, {transform_indices = #map}, {transform_indices = #map}]} {
    %eq3A = arith.constant 0 : i32
    %eq3A_0 = arith.cmpi eq, %arg0, %eq3A : i32
    %convert_element_type3A = arith.extui %eq3A_0 : i1 to i32
    %cond3A = arith.constant 0 : i32
    %cond3A_1 = arith.cmpi ne, %convert_element_type3A, %cond3A : i32
    scf.if %cond3A_1 {
      %lt3A = arith.constant 15 : i32
      %lt3A_7 = arith.cmpi slt, %arg1, %lt3A : i32
      %convert_element_type3A_8 = arith.extui %lt3A_7 : i1 to i32
      %cond3A_9 = arith.constant 0 : i32
      %cond3A_10 = arith.cmpi ne, %convert_element_type3A_8, %cond3A_9 : i32
      scf.if %cond3A_10 {
        %mul3A = arith.constant 632 : i32
        %mul3A_26 = arith.muli %arg1, %mul3A : i32
        "tpu.region"() ({
          %run_scoped3A = tpu.sem_alloc : memref<!tpu.dma_semaphore, #tpu.memory_space<semaphore_mem>>
          %dma_start3A = arith.constant 0 : i32
          %dma_start3A_27 = tpu.memref_slice %arg7[%mul3A_26, %dma_start3A] : memref<10240x128xf32, #tpu.memory_space<vmem_shared>> -> memref<632x128xf32, #tpu.memory_space<vmem_shared>>
          %dma_start3A_28 = arith.constant 0 : i32
          %dma_start3A_29 = tpu.memref_slice %arg2[%mul3A_26, %dma_start3A_28] : memref<10000x128xf32, #tpu.memory_space<hbm>> -> memref<632x128xf32, #tpu.memory_space<hbm>>
          tpu.enqueue_dma source(%dma_start3A_29 : memref<632x128xf32, #tpu.memory_space<hbm>>) target(%dma_start3A_27 : memref<632x128xf32, #tpu.memory_space<vmem_shared>>) target_semaphore(%run_scoped3A : memref<!tpu.dma_semaphore, #tpu.memory_space<semaphore_mem>>)
          %dma_wait3A = arith.constant 0 : i32
          %dma_wait3A_30 = tpu.memref_slice %arg7[%mul3A_26, %dma_wait3A] : memref<10240x128xf32, #tpu.memory_space<vmem_shared>> -> memref<632x128xf32, #tpu.memory_space<vmem_shared>>
          %dma_wait3A_31 = arith.constant 0 : i32
          %dma_wait3A_32 = tpu.memref_slice %arg2[%mul3A_26, %dma_wait3A_31] : memref<10000x128xf32, #tpu.memory_space<hbm>> -> memref<632x128xf32, #tpu.memory_space<hbm>>
          tpu.wait_dma2 semaphore(%run_scoped3A : memref<!tpu.dma_semaphore, #tpu.memory_space<semaphore_mem>>) src(%dma_wait3A_32 : memref<632x128xf32, #tpu.memory_space<hbm>>) dst(%dma_wait3A_30 : memref<632x128xf32, #tpu.memory_space<vmem_shared>>)
          tpu.yield
        }) : () -> ()
      } else {
      }
      %eq3A_11 = arith.constant 15 : i32
      %eq3A_12 = arith.cmpi eq, %arg1, %eq3A_11 : i32
      %convert_element_type3A_13 = arith.extui %eq3A_12 : i1 to i32
      %cond3A_14 = arith.constant 0 : i32
      %cond3A_15 = arith.cmpi ne, %convert_element_type3A_13, %cond3A_14 : i32
      scf.if %cond3A_15 {
        "tpu.region"() ({
          %run_scoped3A = tpu.sem_alloc : memref<!tpu.dma_semaphore, #tpu.memory_space<semaphore_mem>>
          %dma_start3A = arith.constant 9480 : i32
          %dma_start3A_26 = arith.constant 0 : i32
          %dma_start3A_27 = tpu.memref_slice %arg7[%dma_start3A, %dma_start3A_26] : memref<10240x128xf32, #tpu.memory_space<vmem_shared>> -> memref<520x128xf32, #tpu.memory_space<vmem_shared>>
          %dma_start3A_28 = arith.constant 9480 : i32
          %dma_start3A_29 = arith.constant 0 : i32
          %dma_start3A_30 = tpu.memref_slice %arg2[%dma_start3A_28, %dma_start3A_29] : memref<10000x128xf32, #tpu.memory_space<hbm>> -> memref<520x128xf32, #tpu.memory_space<hbm>>
          tpu.enqueue_dma source(%dma_start3A_30 : memref<520x128xf32, #tpu.memory_space<hbm>>) target(%dma_start3A_27 : memref<520x128xf32, #tpu.memory_space<vmem_shared>>) target_semaphore(%run_scoped3A : memref<!tpu.dma_semaphore, #tpu.memory_space<semaphore_mem>>)
          %dma_wait3A = arith.constant 9480 : i32
          %dma_wait3A_31 = arith.constant 0 : i32
          %dma_wait3A_32 = tpu.memref_slice %arg7[%dma_wait3A, %dma_wait3A_31] : memref<10240x128xf32, #tpu.memory_space<vmem_shared>> -> memref<520x128xf32, #tpu.memory_space<vmem_shared>>
          %dma_wait3A_33 = arith.constant 9480 : i32
          %dma_wait3A_34 = arith.constant 0 : i32
          %dma_wait3A_35 = tpu.memref_slice %arg2[%dma_wait3A_33, %dma_wait3A_34] : memref<10000x128xf32, #tpu.memory_space<hbm>> -> memref<520x128xf32, #tpu.memory_space<hbm>>
          tpu.wait_dma2 semaphore(%run_scoped3A : memref<!tpu.dma_semaphore, #tpu.memory_space<semaphore_mem>>) src(%dma_wait3A_35 : memref<520x128xf32, #tpu.memory_space<hbm>>) dst(%dma_wait3A_32 : memref<520x128xf32, #tpu.memory_space<vmem_shared>>)
          tpu.yield
        }) : () -> ()
      } else {
      }
      %barrier3A = arith.constant 0 : index
      tpu.barrier barrier_id(%barrier3A)
      %scan3A = arith.constant 0 : i32
      %scan3A_16 = arith.constant 5 : i32
      %scan3A_17 = arith.addi %scan3A, %scan3A_16 : i32
      %scan3A_18 = arith.constant 1 : i32
      scf.for %scan3A_26 = %scan3A to %scan3A_17 step %scan3A_18  : i32 {
        %mul3A = arith.constant 1 : i32
        %mul3A_27 = arith.muli %scan3A_26, %mul3A : i32
        %add3A = arith.constant 0 : i32
        %add3A_28 = arith.addi %add3A, %mul3A_27 : i32
        %mul3A_29 = arith.constant 5 : i32
        %mul3A_30 = arith.muli %arg1, %mul3A_29 : i32
        %add3A_31 = arith.addi %mul3A_30, %add3A_28 : i32
        %run_scoped3A = arith.constant 0 : i32
        "tpu.region"() ({
          %run_scoped3A_51 = tpu.sem_alloc : memref<!tpu.dma_semaphore, #tpu.memory_space<semaphore_mem>>
          %dma_start3A_52 = arith.constant 0 : i32
          %dma_start3A_53 = arith.constant 0 : i32
          %dma_start3A_54 = tpu.memref_slice %arg4[%run_scoped3A, %add3A_31, %dma_start3A_52, %dma_start3A_53] : memref<2x80x25x80xi32, #tpu.memory_space<hbm>> -> memref<1x1x25x80xi32, #tpu.memory_space<hbm>>
          %dma_start3A_55 = tpu.memref_squeeze %dma_start3A_54 : memref<1x1x25x80xi32, #tpu.memory_space<hbm>> -> memref<25x80xi32, #tpu.memory_space<hbm>>
          %dma_start3A_56 = arith.constant 0 : i32
          %dma_start3A_57 = arith.constant 0 : i32
          %dma_start3A_58 = tpu.memref_slice %arg4[%run_scoped3A, %add3A_31, %dma_start3A_56, %dma_start3A_57] : memref<2x80x25x80xi32, #tpu.memory_space<hbm>> -> memref<1x1x25x80xi32, #tpu.memory_space<hbm>>
          %dma_start3A_59 = tpu.memref_squeeze %dma_start3A_58 : memref<1x1x25x80xi32, #tpu.memory_space<hbm>> -> memref<25x80xi32, #tpu.memory_space<hbm>>
          tpu.enqueue_dma source(%dma_start3A_59 : memref<25x80xi32, #tpu.memory_space<hbm>>) target(%arg8 : memref<25x80xi32, #tpu.memory_space<vmem>>) target_semaphore(%run_scoped3A_51 : memref<!tpu.dma_semaphore, #tpu.memory_space<semaphore_mem>>)
          %dma_wait3A_60 = arith.constant 0 : i32
          %dma_wait3A_61 = arith.constant 0 : i32
          %dma_wait3A_62 = tpu.memref_slice %arg4[%run_scoped3A, %add3A_31, %dma_wait3A_60, %dma_wait3A_61] : memref<2x80x25x80xi32, #tpu.memory_space<hbm>> -> memref<1x1x25x80xi32, #tpu.memory_space<hbm>>
          %dma_wait3A_63 = tpu.memref_squeeze %dma_wait3A_62 : memref<1x1x25x80xi32, #tpu.memory_space<hbm>> -> memref<25x80xi32, #tpu.memory_space<hbm>>
          %dma_wait3A_64 = arith.constant 0 : i32
          %dma_wait3A_65 = arith.constant 0 : i32
          %dma_wait3A_66 = tpu.memref_slice %arg4[%run_scoped3A, %add3A_31, %dma_wait3A_64, %dma_wait3A_65] : memref<2x80x25x80xi32, #tpu.memory_space<hbm>> -> memref<1x1x25x80xi32, #tpu.memory_space<hbm>>
          %dma_wait3A_67 = tpu.memref_squeeze %dma_wait3A_66 : memref<1x1x25x80xi32, #tpu.memory_space<hbm>> -> memref<25x80xi32, #tpu.memory_space<hbm>>
          tpu.wait_dma2 semaphore(%run_scoped3A_51 : memref<!tpu.dma_semaphore, #tpu.memory_space<semaphore_mem>>) src(%dma_wait3A_67 : memref<25x80xi32, #tpu.memory_space<hbm>>) dst(%arg8 : memref<25x80xi32, #tpu.memory_space<vmem>>)
          tpu.yield
        }) : () -> ()
        %run_scoped3A_32 = arith.constant 1 : i32
        "tpu.region"() ({
          %run_scoped3A_51 = tpu.sem_alloc : memref<!tpu.dma_semaphore, #tpu.memory_space<semaphore_mem>>
          %dma_start3A_52 = arith.constant 0 : i32
          %dma_start3A_53 = arith.constant 0 : i32
          %dma_start3A_54 = tpu.memref_slice %arg4[%run_scoped3A_32, %add3A_31, %dma_start3A_52, %dma_start3A_53] : memref<2x80x25x80xi32, #tpu.memory_space<hbm>> -> memref<1x1x25x80xi32, #tpu.memory_space<hbm>>
          %dma_start3A_55 = tpu.memref_squeeze %dma_start3A_54 : memref<1x1x25x80xi32, #tpu.memory_space<hbm>> -> memref<25x80xi32, #tpu.memory_space<hbm>>
          %dma_start3A_56 = arith.constant 0 : i32
          %dma_start3A_57 = arith.constant 0 : i32
          %dma_start3A_58 = tpu.memref_slice %arg4[%run_scoped3A_32, %add3A_31, %dma_start3A_56, %dma_start3A_57] : memref<2x80x25x80xi32, #tpu.memory_space<hbm>> -> memref<1x1x25x80xi32, #tpu.memory_space<hbm>>
          %dma_start3A_59 = tpu.memref_squeeze %dma_start3A_58 : memref<1x1x25x80xi32, #tpu.memory_space<hbm>> -> memref<25x80xi32, #tpu.memory_space<hbm>>
          tpu.enqueue_dma source(%dma_start3A_59 : memref<25x80xi32, #tpu.memory_space<hbm>>) target(%arg9 : memref<25x80xi32, #tpu.memory_space<vmem>>) target_semaphore(%run_scoped3A_51 : memref<!tpu.dma_semaphore, #tpu.memory_space<semaphore_mem>>)
          %dma_wait3A_60 = arith.constant 0 : i32
          %dma_wait3A_61 = arith.constant 0 : i32
          %dma_wait3A_62 = tpu.memref_slice %arg4[%run_scoped3A_32, %add3A_31, %dma_wait3A_60, %dma_wait3A_61] : memref<2x80x25x80xi32, #tpu.memory_space<hbm>> -> memref<1x1x25x80xi32, #tpu.memory_space<hbm>>
          %dma_wait3A_63 = tpu.memref_squeeze %dma_wait3A_62 : memref<1x1x25x80xi32, #tpu.memory_space<hbm>> -> memref<25x80xi32, #tpu.memory_space<hbm>>
          %dma_wait3A_64 = arith.constant 0 : i32
          %dma_wait3A_65 = arith.constant 0 : i32
          %dma_wait3A_66 = tpu.memref_slice %arg4[%run_scoped3A_32, %add3A_31, %dma_wait3A_64, %dma_wait3A_65] : memref<2x80x25x80xi32, #tpu.memory_space<hbm>> -> memref<1x1x25x80xi32, #tpu.memory_space<hbm>>
          %dma_wait3A_67 = tpu.memref_squeeze %dma_wait3A_66 : memref<1x1x25x80xi32, #tpu.memory_space<hbm>> -> memref<25x80xi32, #tpu.memory_space<hbm>>
          tpu.wait_dma2 semaphore(%run_scoped3A_51 : memref<!tpu.dma_semaphore, #tpu.memory_space<semaphore_mem>>) src(%dma_wait3A_67 : memref<25x80xi32, #tpu.memory_space<hbm>>) dst(%arg9 : memref<25x80xi32, #tpu.memory_space<vmem>>)
          tpu.yield
        }) : () -> ()
        %dma_start3A = arith.constant 0 : i32
        %dma_start3A_33 = arith.constant 0 : i32
        %dma_start3A_34 = tpu.memref_slice %arg8[%dma_start3A, %dma_start3A_33] : memref<25x80xi32, #tpu.memory_space<vmem>> -> memref<1x80xi32, #tpu.memory_space<vmem>>
        %dma_start3A_35 = tpu.memref_squeeze %dma_start3A_34 : memref<1x80xi32, #tpu.memory_space<vmem>> -> memref<80xi32, #tpu.memory_space<vmem>>
        %dma_start3A_36 = arith.constant 0 : i32
        %dma_start3A_37 = arith.constant 0 : i32
        %dma_start3A_38 = tpu.memref_slice %arg2[%dma_start3A_36, %dma_start3A_37] : memref<10000x128xf32, #tpu.memory_space<hbm>> -> memref<10000x128xf32, #tpu.memory_space<hbm>>
        tpu.enqueue_indirect_dma source(%dma_start3A_38 : memref<10000x128xf32, #tpu.memory_space<hbm>>) target(%arg10 : memref<80x128xf32, #tpu.memory_space<vmem>>) offsets(%dma_start3A_35 : memref<80xi32, #tpu.memory_space<vmem>>) semaphore(%arg12 : memref<!tpu.dma_semaphore, #tpu.memory_space<semaphore_mem>>)
        %scan3A_39 = arith.constant 0 : i32
        %scan3A_40 = arith.constant 12 : i32
        %scan3A_41 = arith.addi %scan3A_39, %scan3A_40 : i32
        %scan3A_42 = arith.constant 1 : i32
        scf.for %scan3A_51 = %scan3A_39 to %scan3A_41 step %scan3A_42  : i32 {
          %mul3A_52 = arith.constant 2 : i32
          %mul3A_53 = arith.muli %scan3A_51, %mul3A_52 : i32
          %add3A_54 = arith.constant 0 : i32
          %add3A_55 = arith.addi %add3A_54, %mul3A_53 : i32
          %add3A_56 = arith.constant 1 : i32
          %add3A_57 = arith.addi %add3A_55, %add3A_56 : i32
          %dma_start3A_58 = arith.constant 0 : i32
          %dma_start3A_59 = tpu.memref_slice %arg8[%add3A_57, %dma_start3A_58] : memref<25x80xi32, #tpu.memory_space<vmem>> -> memref<1x80xi32, #tpu.memory_space<vmem>>
          %dma_start3A_60 = tpu.memref_squeeze %dma_start3A_59 : memref<1x80xi32, #tpu.memory_space<vmem>> -> memref<80xi32, #tpu.memory_space<vmem>>
          %dma_start3A_61 = arith.constant 0 : i32
          %dma_start3A_62 = arith.constant 0 : i32
          %dma_start3A_63 = tpu.memref_slice %arg2[%dma_start3A_61, %dma_start3A_62] : memref<10000x128xf32, #tpu.memory_space<hbm>> -> memref<10000x128xf32, #tpu.memory_space<hbm>>
          tpu.enqueue_indirect_dma source(%dma_start3A_63 : memref<10000x128xf32, #tpu.memory_space<hbm>>) target(%arg11 : memref<80x128xf32, #tpu.memory_space<vmem>>) offsets(%dma_start3A_60 : memref<80xi32, #tpu.memory_space<vmem>>) semaphore(%arg13 : memref<!tpu.dma_semaphore, #tpu.memory_space<semaphore_mem>>)
          %dma_wait3A_64 = arith.constant 0 : i32
          %dma_wait3A_65 = tpu.memref_slice %arg8[%add3A_55, %dma_wait3A_64] : memref<25x80xi32, #tpu.memory_space<vmem>> -> memref<1x80xi32, #tpu.memory_space<vmem>>
          %dma_wait3A_66 = tpu.memref_squeeze %dma_wait3A_65 : memref<1x80xi32, #tpu.memory_space<vmem>> -> memref<80xi32, #tpu.memory_space<vmem>>
          %dma_wait3A_67 = arith.constant 0 : i32
          %dma_wait3A_68 = arith.constant 0 : i32
          %dma_wait3A_69 = tpu.memref_slice %arg2[%dma_wait3A_67, %dma_wait3A_68] : memref<10000x128xf32, #tpu.memory_space<hbm>> -> memref<10000x128xf32, #tpu.memory_space<hbm>>
          tpu.wait_indirect_dma semaphore(%arg12 : memref<!tpu.dma_semaphore, #tpu.memory_space<semaphore_mem>>) src(%dma_wait3A_69 : memref<10000x128xf32, #tpu.memory_space<hbm>>) dst(%arg10 : memref<80x128xf32, #tpu.memory_space<vmem>>)
          "tpu.region"() ({
            %run_scoped3A_88 = tpu.sem_alloc : memref<!tpu.dma_semaphore, #tpu.memory_space<semaphore_mem>>
            %dma_start3A_89 = arith.constant 0 : i32
            %dma_start3A_90 = tpu.memref_slice %arg9[%add3A_55, %dma_start3A_89] : memref<25x80xi32, #tpu.memory_space<vmem>> -> memref<1x80xi32, #tpu.memory_space<vmem>>
            %dma_start3A_91 = tpu.memref_squeeze %dma_start3A_90 : memref<1x80xi32, #tpu.memory_space<vmem>> -> memref<80xi32, #tpu.memory_space<vmem>>
            %dma_start3A_92 = arith.constant 0 : i32
            %dma_start3A_93 = arith.constant 0 : i32
            %dma_start3A_94 = tpu.memref_slice %arg7[%dma_start3A_92, %dma_start3A_93] : memref<10240x128xf32, #tpu.memory_space<vmem_shared>> -> memref<10240x128xf32, #tpu.memory_space<vmem_shared>>
            tpu.enqueue_indirect_dma source(%arg10 : memref<80x128xf32, #tpu.memory_space<vmem>>) target(%dma_start3A_94 : memref<10240x128xf32, #tpu.memory_space<vmem_shared>>) offsets(%dma_start3A_91 : memref<80xi32, #tpu.memory_space<vmem>>) semaphore(%run_scoped3A_88 : memref<!tpu.dma_semaphore, #tpu.memory_space<semaphore_mem>>) {add = true}
            %dma_wait3A_95 = arith.constant 0 : i32
            %dma_wait3A_96 = tpu.memref_slice %arg9[%add3A_55, %dma_wait3A_95] : memref<25x80xi32, #tpu.memory_space<vmem>> -> memref<1x80xi32, #tpu.memory_space<vmem>>
            %dma_wait3A_97 = tpu.memref_squeeze %dma_wait3A_96 : memref<1x80xi32, #tpu.memory_space<vmem>> -> memref<80xi32, #tpu.memory_space<vmem>>
            %dma_wait3A_98 = arith.constant 0 : i32
            %dma_wait3A_99 = arith.constant 0 : i32
            %dma_wait3A_100 = tpu.memref_slice %arg7[%dma_wait3A_98, %dma_wait3A_99] : memref<10240x128xf32, #tpu.memory_space<vmem_shared>> -> memref<10240x128xf32, #tpu.memory_space<vmem_shared>>
            tpu.wait_indirect_dma semaphore(%run_scoped3A_88 : memref<!tpu.dma_semaphore, #tpu.memory_space<semaphore_mem>>) src(%arg10 : memref<80x128xf32, #tpu.memory_space<vmem>>) dst(%dma_wait3A_100 : memref<10240x128xf32, #tpu.memory_space<vmem_shared>>)
            tpu.yield
          }) : () -> ()
          %add3A_70 = arith.constant 2 : i32
          %add3A_71 = arith.addi %add3A_55, %add3A_70 : i32
          %dma_start3A_72 = arith.constant 0 : i32
          %dma_start3A_73 = tpu.memref_slice %arg8[%add3A_71, %dma_start3A_72] : memref<25x80xi32, #tpu.memory_space<vmem>> -> memref<1x80xi32, #tpu.memory_space<vmem>>
          %dma_start3A_74 = tpu.memref_squeeze %dma_start3A_73 : memref<1x80xi32, #tpu.memory_space<vmem>> -> memref<80xi32, #tpu.memory_space<vmem>>
          %dma_start3A_75 = arith.constant 0 : i32
          %dma_start3A_76 = arith.constant 0 : i32
          %dma_start3A_77 = tpu.memref_slice %arg2[%dma_start3A_75, %dma_start3A_76] : memref<10000x128xf32, #tpu.memory_space<hbm>> -> memref<10000x128xf32, #tpu.memory_space<hbm>>
          tpu.enqueue_indirect_dma source(%dma_start3A_77 : memref<10000x128xf32, #tpu.memory_space<hbm>>) target(%arg10 : memref<80x128xf32, #tpu.memory_space<vmem>>) offsets(%dma_start3A_74 : memref<80xi32, #tpu.memory_space<vmem>>) semaphore(%arg12 : memref<!tpu.dma_semaphore, #tpu.memory_space<semaphore_mem>>)
          %add3A_78 = arith.constant 1 : i32
          %add3A_79 = arith.addi %add3A_55, %add3A_78 : i32
          %dma_wait3A_80 = arith.constant 0 : i32
          %dma_wait3A_81 = tpu.memref_slice %arg8[%add3A_79, %dma_wait3A_80] : memref<25x80xi32, #tpu.memory_space<vmem>> -> memref<1x80xi32, #tpu.memory_space<vmem>>
          %dma_wait3A_82 = tpu.memref_squeeze %dma_wait3A_81 : memref<1x80xi32, #tpu.memory_space<vmem>> -> memref<80xi32, #tpu.memory_space<vmem>>
          %dma_wait3A_83 = arith.constant 0 : i32
          %dma_wait3A_84 = arith.constant 0 : i32
          %dma_wait3A_85 = tpu.memref_slice %arg2[%dma_wait3A_83, %dma_wait3A_84] : memref<10000x128xf32, #tpu.memory_space<hbm>> -> memref<10000x128xf32, #tpu.memory_space<hbm>>
          tpu.wait_indirect_dma semaphore(%arg13 : memref<!tpu.dma_semaphore, #tpu.memory_space<semaphore_mem>>) src(%dma_wait3A_85 : memref<10000x128xf32, #tpu.memory_space<hbm>>) dst(%arg11 : memref<80x128xf32, #tpu.memory_space<vmem>>)
          %add3A_86 = arith.constant 1 : i32
          %add3A_87 = arith.addi %add3A_55, %add3A_86 : i32
          "tpu.region"() ({
            %run_scoped3A_88 = tpu.sem_alloc : memref<!tpu.dma_semaphore, #tpu.memory_space<semaphore_mem>>
            %dma_start3A_89 = arith.constant 0 : i32
            %dma_start3A_90 = tpu.memref_slice %arg9[%add3A_87, %dma_start3A_89] : memref<25x80xi32, #tpu.memory_space<vmem>> -> memref<1x80xi32, #tpu.memory_space<vmem>>
            %dma_start3A_91 = tpu.memref_squeeze %dma_start3A_90 : memref<1x80xi32, #tpu.memory_space<vmem>> -> memref<80xi32, #tpu.memory_space<vmem>>
            %dma_start3A_92 = arith.constant 0 : i32
            %dma_start3A_93 = arith.constant 0 : i32
            %dma_start3A_94 = tpu.memref_slice %arg7[%dma_start3A_92, %dma_start3A_93] : memref<10240x128xf32, #tpu.memory_space<vmem_shared>> -> memref<10240x128xf32, #tpu.memory_space<vmem_shared>>
            tpu.enqueue_indirect_dma source(%arg11 : memref<80x128xf32, #tpu.memory_space<vmem>>) target(%dma_start3A_94 : memref<10240x128xf32, #tpu.memory_space<vmem_shared>>) offsets(%dma_start3A_91 : memref<80xi32, #tpu.memory_space<vmem>>) semaphore(%run_scoped3A_88 : memref<!tpu.dma_semaphore, #tpu.memory_space<semaphore_mem>>) {add = true}
            %dma_wait3A_95 = arith.constant 0 : i32
            %dma_wait3A_96 = tpu.memref_slice %arg9[%add3A_87, %dma_wait3A_95] : memref<25x80xi32, #tpu.memory_space<vmem>> -> memref<1x80xi32, #tpu.memory_space<vmem>>
            %dma_wait3A_97 = tpu.memref_squeeze %dma_wait3A_96 : memref<1x80xi32, #tpu.memory_space<vmem>> -> memref<80xi32, #tpu.memory_space<vmem>>
            %dma_wait3A_98 = arith.constant 0 : i32
            %dma_wait3A_99 = arith.constant 0 : i32
            %dma_wait3A_100 = tpu.memref_slice %arg7[%dma_wait3A_98, %dma_wait3A_99] : memref<10240x128xf32, #tpu.memory_space<vmem_shared>> -> memref<10240x128xf32, #tpu.memory_space<vmem_shared>>
            tpu.wait_indirect_dma semaphore(%run_scoped3A_88 : memref<!tpu.dma_semaphore, #tpu.memory_space<semaphore_mem>>) src(%arg11 : memref<80x128xf32, #tpu.memory_space<vmem>>) dst(%dma_wait3A_100 : memref<10240x128xf32, #tpu.memory_space<vmem_shared>>)
            tpu.yield
          }) : () -> ()
        }
        %scan3A_43 = arith.constant 12 : i32
        %dma_wait3A = arith.constant 24 : i32
        %dma_wait3A_44 = arith.constant 0 : i32
        %dma_wait3A_45 = tpu.memref_slice %arg8[%dma_wait3A, %dma_wait3A_44] : memref<25x80xi32, #tpu.memory_space<vmem>> -> memref<1x80xi32, #tpu.memory_space<vmem>>
        %dma_wait3A_46 = tpu.memref_squeeze %dma_wait3A_45 : memref<1x80xi32, #tpu.memory_space<vmem>> -> memref<80xi32, #tpu.memory_space<vmem>>
        %dma_wait3A_47 = arith.constant 0 : i32
        %dma_wait3A_48 = arith.constant 0 : i32
        %dma_wait3A_49 = tpu.memref_slice %arg2[%dma_wait3A_47, %dma_wait3A_48] : memref<10000x128xf32, #tpu.memory_space<hbm>> -> memref<10000x128xf32, #tpu.memory_space<hbm>>
        tpu.wait_indirect_dma semaphore(%arg12 : memref<!tpu.dma_semaphore, #tpu.memory_space<semaphore_mem>>) src(%dma_wait3A_49 : memref<10000x128xf32, #tpu.memory_space<hbm>>) dst(%arg10 : memref<80x128xf32, #tpu.memory_space<vmem>>)
        %run_scoped3A_50 = arith.constant 24 : i32
        "tpu.region"() ({
          %run_scoped3A_51 = tpu.sem_alloc : memref<!tpu.dma_semaphore, #tpu.memory_space<semaphore_mem>>
          %dma_start3A_52 = arith.constant 0 : i32
          %dma_start3A_53 = tpu.memref_slice %arg9[%run_scoped3A_50, %dma_start3A_52] : memref<25x80xi32, #tpu.memory_space<vmem>> -> memref<1x80xi32, #tpu.memory_space<vmem>>
          %dma_start3A_54 = tpu.memref_squeeze %dma_start3A_53 : memref<1x80xi32, #tpu.memory_space<vmem>> -> memref<80xi32, #tpu.memory_space<vmem>>
          %dma_start3A_55 = arith.constant 0 : i32
          %dma_start3A_56 = arith.constant 0 : i32
          %dma_start3A_57 = tpu.memref_slice %arg7[%dma_start3A_55, %dma_start3A_56] : memref<10240x128xf32, #tpu.memory_space<vmem_shared>> -> memref<10240x128xf32, #tpu.memory_space<vmem_shared>>
          tpu.enqueue_indirect_dma source(%arg10 : memref<80x128xf32, #tpu.memory_space<vmem>>) target(%dma_start3A_57 : memref<10240x128xf32, #tpu.memory_space<vmem_shared>>) offsets(%dma_start3A_54 : memref<80xi32, #tpu.memory_space<vmem>>) semaphore(%run_scoped3A_51 : memref<!tpu.dma_semaphore, #tpu.memory_space<semaphore_mem>>) {add = true}
          %dma_wait3A_58 = arith.constant 0 : i32
          %dma_wait3A_59 = tpu.memref_slice %arg9[%run_scoped3A_50, %dma_wait3A_58] : memref<25x80xi32, #tpu.memory_space<vmem>> -> memref<1x80xi32, #tpu.memory_space<vmem>>
          %dma_wait3A_60 = tpu.memref_squeeze %dma_wait3A_59 : memref<1x80xi32, #tpu.memory_space<vmem>> -> memref<80xi32, #tpu.memory_space<vmem>>
          %dma_wait3A_61 = arith.constant 0 : i32
          %dma_wait3A_62 = arith.constant 0 : i32
          %dma_wait3A_63 = tpu.memref_slice %arg7[%dma_wait3A_61, %dma_wait3A_62] : memref<10240x128xf32, #tpu.memory_space<vmem_shared>> -> memref<10240x128xf32, #tpu.memory_space<vmem_shared>>
          tpu.wait_indirect_dma semaphore(%run_scoped3A_51 : memref<!tpu.dma_semaphore, #tpu.memory_space<semaphore_mem>>) src(%arg10 : memref<80x128xf32, #tpu.memory_space<vmem>>) dst(%dma_wait3A_63 : memref<10240x128xf32, #tpu.memory_space<vmem_shared>>)
          tpu.yield
        }) : () -> ()
      }
      %scan3A_19 = arith.constant 5 : i32
      %barrier3A_20 = arith.constant 0 : index
      tpu.barrier barrier_id(%barrier3A_20)
      %scan3A_21 = arith.constant 0 : i32
      %scan3A_22 = arith.constant 5 : i32
      %scan3A_23 = arith.addi %scan3A_21, %scan3A_22 : i32
      %scan3A_24 = arith.constant 1 : i32
      scf.for %scan3A_26 = %scan3A_21 to %scan3A_23 step %scan3A_24  : i32 {
        %mul3A = arith.constant 1 : i32
        %mul3A_27 = arith.muli %scan3A_26, %mul3A : i32
        %add3A = arith.constant 0 : i32
        %add3A_28 = arith.addi %add3A, %mul3A_27 : i32
        %mul3A_29 = arith.constant 640 : i32
        %mul3A_30 = arith.muli %arg1, %mul3A_29 : i32
        %mul3A_31 = arith.constant 128 : i32
        %mul3A_32 = arith.muli %add3A_28, %mul3A_31 : i32
        %add3A_33 = arith.addi %mul3A_30, %mul3A_32 : i32
        "tpu.region"() ({
          %run_scoped3A = tpu.sem_alloc : memref<!tpu.dma_semaphore, #tpu.memory_space<semaphore_mem>>
          %dma_start3A = arith.constant 0 : i32
          %dma_start3A_34 = tpu.memref_slice %arg5[%add3A_33, %dma_start3A] : memref<10240x128xf32, #tpu.memory_space<hbm>> -> memref<128x128xf32, #tpu.memory_space<hbm>>
          %dma_start3A_35 = arith.constant 0 : i32
          %dma_start3A_36 = tpu.memref_slice %arg7[%add3A_33, %dma_start3A_35] : memref<10240x128xf32, #tpu.memory_space<vmem_shared>> -> memref<128x128xf32, #tpu.memory_space<vmem_shared>>
          tpu.enqueue_dma source(%dma_start3A_36 : memref<128x128xf32, #tpu.memory_space<vmem_shared>>) target(%dma_start3A_34 : memref<128x128xf32, #tpu.memory_space<hbm>>) target_semaphore(%run_scoped3A : memref<!tpu.dma_semaphore, #tpu.memory_space<semaphore_mem>>)
          %dma_wait3A = arith.constant 0 : i32
          %dma_wait3A_37 = tpu.memref_slice %arg5[%add3A_33, %dma_wait3A] : memref<10240x128xf32, #tpu.memory_space<hbm>> -> memref<128x128xf32, #tpu.memory_space<hbm>>
          %dma_wait3A_38 = arith.constant 0 : i32
          %dma_wait3A_39 = tpu.memref_slice %arg7[%add3A_33, %dma_wait3A_38] : memref<10240x128xf32, #tpu.memory_space<vmem_shared>> -> memref<128x128xf32, #tpu.memory_space<vmem_shared>>
          tpu.wait_dma2 semaphore(%run_scoped3A : memref<!tpu.dma_semaphore, #tpu.memory_space<semaphore_mem>>) src(%dma_wait3A_39 : memref<128x128xf32, #tpu.memory_space<vmem_shared>>) dst(%dma_wait3A_37 : memref<128x128xf32, #tpu.memory_space<hbm>>)
          tpu.yield
        }) : () -> ()
      }
      %scan3A_25 = arith.constant 5 : i32
    } else {
    }
    %eq3A_2 = arith.constant 1 : i32
    %eq3A_3 = arith.cmpi eq, %arg0, %eq3A_2 : i32
    %convert_element_type3A_4 = arith.extui %eq3A_3 : i1 to i32
    %cond3A_5 = arith.constant 0 : i32
    %cond3A_6 = arith.cmpi ne, %convert_element_type3A_4, %cond3A_5 : i32
    scf.if %cond3A_6 {
      %lt3A = arith.constant 15 : i32
      %lt3A_7 = arith.cmpi slt, %arg1, %lt3A : i32
      %convert_element_type3A_8 = arith.extui %lt3A_7 : i1 to i32
      %cond3A_9 = arith.constant 0 : i32
      %cond3A_10 = arith.cmpi ne, %convert_element_type3A_8, %cond3A_9 : i32
      scf.if %cond3A_10 {
        %mul3A = arith.constant 632 : i32
        %mul3A_26 = arith.muli %arg1, %mul3A : i32
        "tpu.region"() ({
          %run_scoped3A = tpu.sem_alloc : memref<!tpu.dma_semaphore, #tpu.memory_space<semaphore_mem>>
          %dma_start3A = arith.constant 0 : i32
          %dma_start3A_27 = tpu.memref_slice %arg7[%mul3A_26, %dma_start3A] : memref<10240x128xf32, #tpu.memory_space<vmem_shared>> -> memref<632x128xf32, #tpu.memory_space<vmem_shared>>
          %dma_start3A_28 = arith.constant 0 : i32
          %dma_start3A_29 = tpu.memref_slice %arg3[%mul3A_26, %dma_start3A_28] : memref<10000x128xf32, #tpu.memory_space<hbm>> -> memref<632x128xf32, #tpu.memory_space<hbm>>
          tpu.enqueue_dma source(%dma_start3A_29 : memref<632x128xf32, #tpu.memory_space<hbm>>) target(%dma_start3A_27 : memref<632x128xf32, #tpu.memory_space<vmem_shared>>) target_semaphore(%run_scoped3A : memref<!tpu.dma_semaphore, #tpu.memory_space<semaphore_mem>>)
          %dma_wait3A = arith.constant 0 : i32
          %dma_wait3A_30 = tpu.memref_slice %arg7[%mul3A_26, %dma_wait3A] : memref<10240x128xf32, #tpu.memory_space<vmem_shared>> -> memref<632x128xf32, #tpu.memory_space<vmem_shared>>
          %dma_wait3A_31 = arith.constant 0 : i32
          %dma_wait3A_32 = tpu.memref_slice %arg3[%mul3A_26, %dma_wait3A_31] : memref<10000x128xf32, #tpu.memory_space<hbm>> -> memref<632x128xf32, #tpu.memory_space<hbm>>
          tpu.wait_dma2 semaphore(%run_scoped3A : memref<!tpu.dma_semaphore, #tpu.memory_space<semaphore_mem>>) src(%dma_wait3A_32 : memref<632x128xf32, #tpu.memory_space<hbm>>) dst(%dma_wait3A_30 : memref<632x128xf32, #tpu.memory_space<vmem_shared>>)
          tpu.yield
        }) : () -> ()
      } else {
      }
      %eq3A_11 = arith.constant 15 : i32
      %eq3A_12 = arith.cmpi eq, %arg1, %eq3A_11 : i32
      %convert_element_type3A_13 = arith.extui %eq3A_12 : i1 to i32
      %cond3A_14 = arith.constant 0 : i32
      %cond3A_15 = arith.cmpi ne, %convert_element_type3A_13, %cond3A_14 : i32
      scf.if %cond3A_15 {
        "tpu.region"() ({
          %run_scoped3A = tpu.sem_alloc : memref<!tpu.dma_semaphore, #tpu.memory_space<semaphore_mem>>
          %dma_start3A = arith.constant 9480 : i32
          %dma_start3A_26 = arith.constant 0 : i32
          %dma_start3A_27 = tpu.memref_slice %arg7[%dma_start3A, %dma_start3A_26] : memref<10240x128xf32, #tpu.memory_space<vmem_shared>> -> memref<520x128xf32, #tpu.memory_space<vmem_shared>>
          %dma_start3A_28 = arith.constant 9480 : i32
          %dma_start3A_29 = arith.constant 0 : i32
          %dma_start3A_30 = tpu.memref_slice %arg3[%dma_start3A_28, %dma_start3A_29] : memref<10000x128xf32, #tpu.memory_space<hbm>> -> memref<520x128xf32, #tpu.memory_space<hbm>>
          tpu.enqueue_dma source(%dma_start3A_30 : memref<520x128xf32, #tpu.memory_space<hbm>>) target(%dma_start3A_27 : memref<520x128xf32, #tpu.memory_space<vmem_shared>>) target_semaphore(%run_scoped3A : memref<!tpu.dma_semaphore, #tpu.memory_space<semaphore_mem>>)
          %dma_wait3A = arith.constant 9480 : i32
          %dma_wait3A_31 = arith.constant 0 : i32
          %dma_wait3A_32 = tpu.memref_slice %arg7[%dma_wait3A, %dma_wait3A_31] : memref<10240x128xf32, #tpu.memory_space<vmem_shared>> -> memref<520x128xf32, #tpu.memory_space<vmem_shared>>
          %dma_wait3A_33 = arith.constant 9480 : i32
          %dma_wait3A_34 = arith.constant 0 : i32
          %dma_wait3A_35 = tpu.memref_slice %arg3[%dma_wait3A_33, %dma_wait3A_34] : memref<10000x128xf32, #tpu.memory_space<hbm>> -> memref<520x128xf32, #tpu.memory_space<hbm>>
          tpu.wait_dma2 semaphore(%run_scoped3A : memref<!tpu.dma_semaphore, #tpu.memory_space<semaphore_mem>>) src(%dma_wait3A_35 : memref<520x128xf32, #tpu.memory_space<hbm>>) dst(%dma_wait3A_32 : memref<520x128xf32, #tpu.memory_space<vmem_shared>>)
          tpu.yield
        }) : () -> ()
      } else {
      }
      %barrier3A = arith.constant 0 : index
      tpu.barrier barrier_id(%barrier3A)
      %scan3A = arith.constant 0 : i32
      %scan3A_16 = arith.constant 5 : i32
      %scan3A_17 = arith.addi %scan3A, %scan3A_16 : i32
      %scan3A_18 = arith.constant 1 : i32
      scf.for %scan3A_26 = %scan3A to %scan3A_17 step %scan3A_18  : i32 {
        %mul3A = arith.constant 1 : i32
        %mul3A_27 = arith.muli %scan3A_26, %mul3A : i32
        %add3A = arith.constant 0 : i32
        %add3A_28 = arith.addi %add3A, %mul3A_27 : i32
        %mul3A_29 = arith.constant 5 : i32
        %mul3A_30 = arith.muli %arg1, %mul3A_29 : i32
        %add3A_31 = arith.addi %mul3A_30, %add3A_28 : i32
        %run_scoped3A = arith.constant 0 : i32
        "tpu.region"() ({
          %run_scoped3A_51 = tpu.sem_alloc : memref<!tpu.dma_semaphore, #tpu.memory_space<semaphore_mem>>
          %dma_start3A_52 = arith.constant 0 : i32
          %dma_start3A_53 = arith.constant 0 : i32
          %dma_start3A_54 = tpu.memref_slice %arg4[%run_scoped3A, %add3A_31, %dma_start3A_52, %dma_start3A_53] : memref<2x80x25x80xi32, #tpu.memory_space<hbm>> -> memref<1x1x25x80xi32, #tpu.memory_space<hbm>>
          %dma_start3A_55 = tpu.memref_squeeze %dma_start3A_54 : memref<1x1x25x80xi32, #tpu.memory_space<hbm>> -> memref<25x80xi32, #tpu.memory_space<hbm>>
          %dma_start3A_56 = arith.constant 0 : i32
          %dma_start3A_57 = arith.constant 0 : i32
          %dma_start3A_58 = tpu.memref_slice %arg4[%run_scoped3A, %add3A_31, %dma_start3A_56, %dma_start3A_57] : memref<2x80x25x80xi32, #tpu.memory_space<hbm>> -> memref<1x1x25x80xi32, #tpu.memory_space<hbm>>
          %dma_start3A_59 = tpu.memref_squeeze %dma_start3A_58 : memref<1x1x25x80xi32, #tpu.memory_space<hbm>> -> memref<25x80xi32, #tpu.memory_space<hbm>>
          tpu.enqueue_dma source(%dma_start3A_59 : memref<25x80xi32, #tpu.memory_space<hbm>>) target(%arg8 : memref<25x80xi32, #tpu.memory_space<vmem>>) target_semaphore(%run_scoped3A_51 : memref<!tpu.dma_semaphore, #tpu.memory_space<semaphore_mem>>)
          %dma_wait3A_60 = arith.constant 0 : i32
          %dma_wait3A_61 = arith.constant 0 : i32
          %dma_wait3A_62 = tpu.memref_slice %arg4[%run_scoped3A, %add3A_31, %dma_wait3A_60, %dma_wait3A_61] : memref<2x80x25x80xi32, #tpu.memory_space<hbm>> -> memref<1x1x25x80xi32, #tpu.memory_space<hbm>>
          %dma_wait3A_63 = tpu.memref_squeeze %dma_wait3A_62 : memref<1x1x25x80xi32, #tpu.memory_space<hbm>> -> memref<25x80xi32, #tpu.memory_space<hbm>>
          %dma_wait3A_64 = arith.constant 0 : i32
          %dma_wait3A_65 = arith.constant 0 : i32
          %dma_wait3A_66 = tpu.memref_slice %arg4[%run_scoped3A, %add3A_31, %dma_wait3A_64, %dma_wait3A_65] : memref<2x80x25x80xi32, #tpu.memory_space<hbm>> -> memref<1x1x25x80xi32, #tpu.memory_space<hbm>>
          %dma_wait3A_67 = tpu.memref_squeeze %dma_wait3A_66 : memref<1x1x25x80xi32, #tpu.memory_space<hbm>> -> memref<25x80xi32, #tpu.memory_space<hbm>>
          tpu.wait_dma2 semaphore(%run_scoped3A_51 : memref<!tpu.dma_semaphore, #tpu.memory_space<semaphore_mem>>) src(%dma_wait3A_67 : memref<25x80xi32, #tpu.memory_space<hbm>>) dst(%arg8 : memref<25x80xi32, #tpu.memory_space<vmem>>)
          tpu.yield
        }) : () -> ()
        %run_scoped3A_32 = arith.constant 1 : i32
        "tpu.region"() ({
          %run_scoped3A_51 = tpu.sem_alloc : memref<!tpu.dma_semaphore, #tpu.memory_space<semaphore_mem>>
          %dma_start3A_52 = arith.constant 0 : i32
          %dma_start3A_53 = arith.constant 0 : i32
          %dma_start3A_54 = tpu.memref_slice %arg4[%run_scoped3A_32, %add3A_31, %dma_start3A_52, %dma_start3A_53] : memref<2x80x25x80xi32, #tpu.memory_space<hbm>> -> memref<1x1x25x80xi32, #tpu.memory_space<hbm>>
          %dma_start3A_55 = tpu.memref_squeeze %dma_start3A_54 : memref<1x1x25x80xi32, #tpu.memory_space<hbm>> -> memref<25x80xi32, #tpu.memory_space<hbm>>
          %dma_start3A_56 = arith.constant 0 : i32
          %dma_start3A_57 = arith.constant 0 : i32
          %dma_start3A_58 = tpu.memref_slice %arg4[%run_scoped3A_32, %add3A_31, %dma_start3A_56, %dma_start3A_57] : memref<2x80x25x80xi32, #tpu.memory_space<hbm>> -> memref<1x1x25x80xi32, #tpu.memory_space<hbm>>
          %dma_start3A_59 = tpu.memref_squeeze %dma_start3A_58 : memref<1x1x25x80xi32, #tpu.memory_space<hbm>> -> memref<25x80xi32, #tpu.memory_space<hbm>>
          tpu.enqueue_dma source(%dma_start3A_59 : memref<25x80xi32, #tpu.memory_space<hbm>>) target(%arg9 : memref<25x80xi32, #tpu.memory_space<vmem>>) target_semaphore(%run_scoped3A_51 : memref<!tpu.dma_semaphore, #tpu.memory_space<semaphore_mem>>)
          %dma_wait3A_60 = arith.constant 0 : i32
          %dma_wait3A_61 = arith.constant 0 : i32
          %dma_wait3A_62 = tpu.memref_slice %arg4[%run_scoped3A_32, %add3A_31, %dma_wait3A_60, %dma_wait3A_61] : memref<2x80x25x80xi32, #tpu.memory_space<hbm>> -> memref<1x1x25x80xi32, #tpu.memory_space<hbm>>
          %dma_wait3A_63 = tpu.memref_squeeze %dma_wait3A_62 : memref<1x1x25x80xi32, #tpu.memory_space<hbm>> -> memref<25x80xi32, #tpu.memory_space<hbm>>
          %dma_wait3A_64 = arith.constant 0 : i32
          %dma_wait3A_65 = arith.constant 0 : i32
          %dma_wait3A_66 = tpu.memref_slice %arg4[%run_scoped3A_32, %add3A_31, %dma_wait3A_64, %dma_wait3A_65] : memref<2x80x25x80xi32, #tpu.memory_space<hbm>> -> memref<1x1x25x80xi32, #tpu.memory_space<hbm>>
          %dma_wait3A_67 = tpu.memref_squeeze %dma_wait3A_66 : memref<1x1x25x80xi32, #tpu.memory_space<hbm>> -> memref<25x80xi32, #tpu.memory_space<hbm>>
          tpu.wait_dma2 semaphore(%run_scoped3A_51 : memref<!tpu.dma_semaphore, #tpu.memory_space<semaphore_mem>>) src(%dma_wait3A_67 : memref<25x80xi32, #tpu.memory_space<hbm>>) dst(%arg9 : memref<25x80xi32, #tpu.memory_space<vmem>>)
          tpu.yield
        }) : () -> ()
        %dma_start3A = arith.constant 0 : i32
        %dma_start3A_33 = arith.constant 0 : i32
        %dma_start3A_34 = tpu.memref_slice %arg8[%dma_start3A, %dma_start3A_33] : memref<25x80xi32, #tpu.memory_space<vmem>> -> memref<1x80xi32, #tpu.memory_space<vmem>>
        %dma_start3A_35 = tpu.memref_squeeze %dma_start3A_34 : memref<1x80xi32, #tpu.memory_space<vmem>> -> memref<80xi32, #tpu.memory_space<vmem>>
        %dma_start3A_36 = arith.constant 0 : i32
        %dma_start3A_37 = arith.constant 0 : i32
        %dma_start3A_38 = tpu.memref_slice %arg3[%dma_start3A_36, %dma_start3A_37] : memref<10000x128xf32, #tpu.memory_space<hbm>> -> memref<10000x128xf32, #tpu.memory_space<hbm>>
        tpu.enqueue_indirect_dma source(%dma_start3A_38 : memref<10000x128xf32, #tpu.memory_space<hbm>>) target(%arg10 : memref<80x128xf32, #tpu.memory_space<vmem>>) offsets(%dma_start3A_35 : memref<80xi32, #tpu.memory_space<vmem>>) semaphore(%arg12 : memref<!tpu.dma_semaphore, #tpu.memory_space<semaphore_mem>>)
        %scan3A_39 = arith.constant 0 : i32
        %scan3A_40 = arith.constant 12 : i32
        %scan3A_41 = arith.addi %scan3A_39, %scan3A_40 : i32
        %scan3A_42 = arith.constant 1 : i32
        scf.for %scan3A_51 = %scan3A_39 to %scan3A_41 step %scan3A_42  : i32 {
          %mul3A_52 = arith.constant 2 : i32
          %mul3A_53 = arith.muli %scan3A_51, %mul3A_52 : i32
          %add3A_54 = arith.constant 0 : i32
          %add3A_55 = arith.addi %add3A_54, %mul3A_53 : i32
          %add3A_56 = arith.constant 1 : i32
          %add3A_57 = arith.addi %add3A_55, %add3A_56 : i32
          %dma_start3A_58 = arith.constant 0 : i32
          %dma_start3A_59 = tpu.memref_slice %arg8[%add3A_57, %dma_start3A_58] : memref<25x80xi32, #tpu.memory_space<vmem>> -> memref<1x80xi32, #tpu.memory_space<vmem>>
          %dma_start3A_60 = tpu.memref_squeeze %dma_start3A_59 : memref<1x80xi32, #tpu.memory_space<vmem>> -> memref<80xi32, #tpu.memory_space<vmem>>
          %dma_start3A_61 = arith.constant 0 : i32
          %dma_start3A_62 = arith.constant 0 : i32
          %dma_start3A_63 = tpu.memref_slice %arg3[%dma_start3A_61, %dma_start3A_62] : memref<10000x128xf32, #tpu.memory_space<hbm>> -> memref<10000x128xf32, #tpu.memory_space<hbm>>
          tpu.enqueue_indirect_dma source(%dma_start3A_63 : memref<10000x128xf32, #tpu.memory_space<hbm>>) target(%arg11 : memref<80x128xf32, #tpu.memory_space<vmem>>) offsets(%dma_start3A_60 : memref<80xi32, #tpu.memory_space<vmem>>) semaphore(%arg13 : memref<!tpu.dma_semaphore, #tpu.memory_space<semaphore_mem>>)
          %dma_wait3A_64 = arith.constant 0 : i32
          %dma_wait3A_65 = tpu.memref_slice %arg8[%add3A_55, %dma_wait3A_64] : memref<25x80xi32, #tpu.memory_space<vmem>> -> memref<1x80xi32, #tpu.memory_space<vmem>>
          %dma_wait3A_66 = tpu.memref_squeeze %dma_wait3A_65 : memref<1x80xi32, #tpu.memory_space<vmem>> -> memref<80xi32, #tpu.memory_space<vmem>>
          %dma_wait3A_67 = arith.constant 0 : i32
          %dma_wait3A_68 = arith.constant 0 : i32
          %dma_wait3A_69 = tpu.memref_slice %arg3[%dma_wait3A_67, %dma_wait3A_68] : memref<10000x128xf32, #tpu.memory_space<hbm>> -> memref<10000x128xf32, #tpu.memory_space<hbm>>
          tpu.wait_indirect_dma semaphore(%arg12 : memref<!tpu.dma_semaphore, #tpu.memory_space<semaphore_mem>>) src(%dma_wait3A_69 : memref<10000x128xf32, #tpu.memory_space<hbm>>) dst(%arg10 : memref<80x128xf32, #tpu.memory_space<vmem>>)
          "tpu.region"() ({
            %run_scoped3A_88 = tpu.sem_alloc : memref<!tpu.dma_semaphore, #tpu.memory_space<semaphore_mem>>
            %dma_start3A_89 = arith.constant 0 : i32
            %dma_start3A_90 = tpu.memref_slice %arg9[%add3A_55, %dma_start3A_89] : memref<25x80xi32, #tpu.memory_space<vmem>> -> memref<1x80xi32, #tpu.memory_space<vmem>>
            %dma_start3A_91 = tpu.memref_squeeze %dma_start3A_90 : memref<1x80xi32, #tpu.memory_space<vmem>> -> memref<80xi32, #tpu.memory_space<vmem>>
            %dma_start3A_92 = arith.constant 0 : i32
            %dma_start3A_93 = arith.constant 0 : i32
            %dma_start3A_94 = tpu.memref_slice %arg7[%dma_start3A_92, %dma_start3A_93] : memref<10240x128xf32, #tpu.memory_space<vmem_shared>> -> memref<10240x128xf32, #tpu.memory_space<vmem_shared>>
            tpu.enqueue_indirect_dma source(%arg10 : memref<80x128xf32, #tpu.memory_space<vmem>>) target(%dma_start3A_94 : memref<10240x128xf32, #tpu.memory_space<vmem_shared>>) offsets(%dma_start3A_91 : memref<80xi32, #tpu.memory_space<vmem>>) semaphore(%run_scoped3A_88 : memref<!tpu.dma_semaphore, #tpu.memory_space<semaphore_mem>>) {add = true}
            %dma_wait3A_95 = arith.constant 0 : i32
            %dma_wait3A_96 = tpu.memref_slice %arg9[%add3A_55, %dma_wait3A_95] : memref<25x80xi32, #tpu.memory_space<vmem>> -> memref<1x80xi32, #tpu.memory_space<vmem>>
            %dma_wait3A_97 = tpu.memref_squeeze %dma_wait3A_96 : memref<1x80xi32, #tpu.memory_space<vmem>> -> memref<80xi32, #tpu.memory_space<vmem>>
            %dma_wait3A_98 = arith.constant 0 : i32
            %dma_wait3A_99 = arith.constant 0 : i32
            %dma_wait3A_100 = tpu.memref_slice %arg7[%dma_wait3A_98, %dma_wait3A_99] : memref<10240x128xf32, #tpu.memory_space<vmem_shared>> -> memref<10240x128xf32, #tpu.memory_space<vmem_shared>>
            tpu.wait_indirect_dma semaphore(%run_scoped3A_88 : memref<!tpu.dma_semaphore, #tpu.memory_space<semaphore_mem>>) src(%arg10 : memref<80x128xf32, #tpu.memory_space<vmem>>) dst(%dma_wait3A_100 : memref<10240x128xf32, #tpu.memory_space<vmem_shared>>)
            tpu.yield
          }) : () -> ()
          %add3A_70 = arith.constant 2 : i32
          %add3A_71 = arith.addi %add3A_55, %add3A_70 : i32
          %dma_start3A_72 = arith.constant 0 : i32
          %dma_start3A_73 = tpu.memref_slice %arg8[%add3A_71, %dma_start3A_72] : memref<25x80xi32, #tpu.memory_space<vmem>> -> memref<1x80xi32, #tpu.memory_space<vmem>>
          %dma_start3A_74 = tpu.memref_squeeze %dma_start3A_73 : memref<1x80xi32, #tpu.memory_space<vmem>> -> memref<80xi32, #tpu.memory_space<vmem>>
          %dma_start3A_75 = arith.constant 0 : i32
          %dma_start3A_76 = arith.constant 0 : i32
          %dma_start3A_77 = tpu.memref_slice %arg3[%dma_start3A_75, %dma_start3A_76] : memref<10000x128xf32, #tpu.memory_space<hbm>> -> memref<10000x128xf32, #tpu.memory_space<hbm>>
          tpu.enqueue_indirect_dma source(%dma_start3A_77 : memref<10000x128xf32, #tpu.memory_space<hbm>>) target(%arg10 : memref<80x128xf32, #tpu.memory_space<vmem>>) offsets(%dma_start3A_74 : memref<80xi32, #tpu.memory_space<vmem>>) semaphore(%arg12 : memref<!tpu.dma_semaphore, #tpu.memory_space<semaphore_mem>>)
          %add3A_78 = arith.constant 1 : i32
          %add3A_79 = arith.addi %add3A_55, %add3A_78 : i32
          %dma_wait3A_80 = arith.constant 0 : i32
          %dma_wait3A_81 = tpu.memref_slice %arg8[%add3A_79, %dma_wait3A_80] : memref<25x80xi32, #tpu.memory_space<vmem>> -> memref<1x80xi32, #tpu.memory_space<vmem>>
          %dma_wait3A_82 = tpu.memref_squeeze %dma_wait3A_81 : memref<1x80xi32, #tpu.memory_space<vmem>> -> memref<80xi32, #tpu.memory_space<vmem>>
          %dma_wait3A_83 = arith.constant 0 : i32
          %dma_wait3A_84 = arith.constant 0 : i32
          %dma_wait3A_85 = tpu.memref_slice %arg3[%dma_wait3A_83, %dma_wait3A_84] : memref<10000x128xf32, #tpu.memory_space<hbm>> -> memref<10000x128xf32, #tpu.memory_space<hbm>>
          tpu.wait_indirect_dma semaphore(%arg13 : memref<!tpu.dma_semaphore, #tpu.memory_space<semaphore_mem>>) src(%dma_wait3A_85 : memref<10000x128xf32, #tpu.memory_space<hbm>>) dst(%arg11 : memref<80x128xf32, #tpu.memory_space<vmem>>)
          %add3A_86 = arith.constant 1 : i32
          %add3A_87 = arith.addi %add3A_55, %add3A_86 : i32
          "tpu.region"() ({
            %run_scoped3A_88 = tpu.sem_alloc : memref<!tpu.dma_semaphore, #tpu.memory_space<semaphore_mem>>
            %dma_start3A_89 = arith.constant 0 : i32
            %dma_start3A_90 = tpu.memref_slice %arg9[%add3A_87, %dma_start3A_89] : memref<25x80xi32, #tpu.memory_space<vmem>> -> memref<1x80xi32, #tpu.memory_space<vmem>>
            %dma_start3A_91 = tpu.memref_squeeze %dma_start3A_90 : memref<1x80xi32, #tpu.memory_space<vmem>> -> memref<80xi32, #tpu.memory_space<vmem>>
            %dma_start3A_92 = arith.constant 0 : i32
            %dma_start3A_93 = arith.constant 0 : i32
            %dma_start3A_94 = tpu.memref_slice %arg7[%dma_start3A_92, %dma_start3A_93] : memref<10240x128xf32, #tpu.memory_space<vmem_shared>> -> memref<10240x128xf32, #tpu.memory_space<vmem_shared>>
            tpu.enqueue_indirect_dma source(%arg11 : memref<80x128xf32, #tpu.memory_space<vmem>>) target(%dma_start3A_94 : memref<10240x128xf32, #tpu.memory_space<vmem_shared>>) offsets(%dma_start3A_91 : memref<80xi32, #tpu.memory_space<vmem>>) semaphore(%run_scoped3A_88 : memref<!tpu.dma_semaphore, #tpu.memory_space<semaphore_mem>>) {add = true}
            %dma_wait3A_95 = arith.constant 0 : i32
            %dma_wait3A_96 = tpu.memref_slice %arg9[%add3A_87, %dma_wait3A_95] : memref<25x80xi32, #tpu.memory_space<vmem>> -> memref<1x80xi32, #tpu.memory_space<vmem>>
            %dma_wait3A_97 = tpu.memref_squeeze %dma_wait3A_96 : memref<1x80xi32, #tpu.memory_space<vmem>> -> memref<80xi32, #tpu.memory_space<vmem>>
            %dma_wait3A_98 = arith.constant 0 : i32
            %dma_wait3A_99 = arith.constant 0 : i32
            %dma_wait3A_100 = tpu.memref_slice %arg7[%dma_wait3A_98, %dma_wait3A_99] : memref<10240x128xf32, #tpu.memory_space<vmem_shared>> -> memref<10240x128xf32, #tpu.memory_space<vmem_shared>>
            tpu.wait_indirect_dma semaphore(%run_scoped3A_88 : memref<!tpu.dma_semaphore, #tpu.memory_space<semaphore_mem>>) src(%arg11 : memref<80x128xf32, #tpu.memory_space<vmem>>) dst(%dma_wait3A_100 : memref<10240x128xf32, #tpu.memory_space<vmem_shared>>)
            tpu.yield
          }) : () -> ()
        }
        %scan3A_43 = arith.constant 12 : i32
        %dma_wait3A = arith.constant 24 : i32
        %dma_wait3A_44 = arith.constant 0 : i32
        %dma_wait3A_45 = tpu.memref_slice %arg8[%dma_wait3A, %dma_wait3A_44] : memref<25x80xi32, #tpu.memory_space<vmem>> -> memref<1x80xi32, #tpu.memory_space<vmem>>
        %dma_wait3A_46 = tpu.memref_squeeze %dma_wait3A_45 : memref<1x80xi32, #tpu.memory_space<vmem>> -> memref<80xi32, #tpu.memory_space<vmem>>
        %dma_wait3A_47 = arith.constant 0 : i32
        %dma_wait3A_48 = arith.constant 0 : i32
        %dma_wait3A_49 = tpu.memref_slice %arg3[%dma_wait3A_47, %dma_wait3A_48] : memref<10000x128xf32, #tpu.memory_space<hbm>> -> memref<10000x128xf32, #tpu.memory_space<hbm>>
        tpu.wait_indirect_dma semaphore(%arg12 : memref<!tpu.dma_semaphore, #tpu.memory_space<semaphore_mem>>) src(%dma_wait3A_49 : memref<10000x128xf32, #tpu.memory_space<hbm>>) dst(%arg10 : memref<80x128xf32, #tpu.memory_space<vmem>>)
        %run_scoped3A_50 = arith.constant 24 : i32
        "tpu.region"() ({
          %run_scoped3A_51 = tpu.sem_alloc : memref<!tpu.dma_semaphore, #tpu.memory_space<semaphore_mem>>
          %dma_start3A_52 = arith.constant 0 : i32
          %dma_start3A_53 = tpu.memref_slice %arg9[%run_scoped3A_50, %dma_start3A_52] : memref<25x80xi32, #tpu.memory_space<vmem>> -> memref<1x80xi32, #tpu.memory_space<vmem>>
          %dma_start3A_54 = tpu.memref_squeeze %dma_start3A_53 : memref<1x80xi32, #tpu.memory_space<vmem>> -> memref<80xi32, #tpu.memory_space<vmem>>
          %dma_start3A_55 = arith.constant 0 : i32
          %dma_start3A_56 = arith.constant 0 : i32
          %dma_start3A_57 = tpu.memref_slice %arg7[%dma_start3A_55, %dma_start3A_56] : memref<10240x128xf32, #tpu.memory_space<vmem_shared>> -> memref<10240x128xf32, #tpu.memory_space<vmem_shared>>
          tpu.enqueue_indirect_dma source(%arg10 : memref<80x128xf32, #tpu.memory_space<vmem>>) target(%dma_start3A_57 : memref<10240x128xf32, #tpu.memory_space<vmem_shared>>) offsets(%dma_start3A_54 : memref<80xi32, #tpu.memory_space<vmem>>) semaphore(%run_scoped3A_51 : memref<!tpu.dma_semaphore, #tpu.memory_space<semaphore_mem>>) {add = true}
          %dma_wait3A_58 = arith.constant 0 : i32
          %dma_wait3A_59 = tpu.memref_slice %arg9[%run_scoped3A_50, %dma_wait3A_58] : memref<25x80xi32, #tpu.memory_space<vmem>> -> memref<1x80xi32, #tpu.memory_space<vmem>>
          %dma_wait3A_60 = tpu.memref_squeeze %dma_wait3A_59 : memref<1x80xi32, #tpu.memory_space<vmem>> -> memref<80xi32, #tpu.memory_space<vmem>>
          %dma_wait3A_61 = arith.constant 0 : i32
          %dma_wait3A_62 = arith.constant 0 : i32
          %dma_wait3A_63 = tpu.memref_slice %arg7[%dma_wait3A_61, %dma_wait3A_62] : memref<10240x128xf32, #tpu.memory_space<vmem_shared>> -> memref<10240x128xf32, #tpu.memory_space<vmem_shared>>
          tpu.wait_indirect_dma semaphore(%run_scoped3A_51 : memref<!tpu.dma_semaphore, #tpu.memory_space<semaphore_mem>>) src(%arg10 : memref<80x128xf32, #tpu.memory_space<vmem>>) dst(%dma_wait3A_63 : memref<10240x128xf32, #tpu.memory_space<vmem_shared>>)
          tpu.yield
        }) : () -> ()
      }
      %scan3A_19 = arith.constant 5 : i32
      %barrier3A_20 = arith.constant 0 : index
      tpu.barrier barrier_id(%barrier3A_20)
      %scan3A_21 = arith.constant 0 : i32
      %scan3A_22 = arith.constant 5 : i32
      %scan3A_23 = arith.addi %scan3A_21, %scan3A_22 : i32
      %scan3A_24 = arith.constant 1 : i32
      scf.for %scan3A_26 = %scan3A_21 to %scan3A_23 step %scan3A_24  : i32 {
        %mul3A = arith.constant 1 : i32
        %mul3A_27 = arith.muli %scan3A_26, %mul3A : i32
        %add3A = arith.constant 0 : i32
        %add3A_28 = arith.addi %add3A, %mul3A_27 : i32
        %mul3A_29 = arith.constant 640 : i32
        %mul3A_30 = arith.muli %arg1, %mul3A_29 : i32
        %mul3A_31 = arith.constant 128 : i32
        %mul3A_32 = arith.muli %add3A_28, %mul3A_31 : i32
        %add3A_33 = arith.addi %mul3A_30, %mul3A_32 : i32
        "tpu.region"() ({
          %run_scoped3A = tpu.sem_alloc : memref<!tpu.dma_semaphore, #tpu.memory_space<semaphore_mem>>
          %dma_start3A = arith.constant 0 : i32
          %dma_start3A_34 = tpu.memref_slice %arg6[%add3A_33, %dma_start3A] : memref<10240x128xf32, #tpu.memory_space<hbm>> -> memref<128x128xf32, #tpu.memory_space<hbm>>
          %dma_start3A_35 = arith.constant 0 : i32
          %dma_start3A_36 = tpu.memref_slice %arg7[%add3A_33, %dma_start3A_35] : memref<10240x128xf32, #tpu.memory_space<vmem_shared>> -> memref<128x128xf32, #tpu.memory_space<vmem_shared>>
          tpu.enqueue_dma source(%dma_start3A_36 : memref<128x128xf32, #tpu.memory_space<vmem_shared>>) target(%dma_start3A_34 : memref<128x128xf32, #tpu.memory_space<hbm>>) target_semaphore(%run_scoped3A : memref<!tpu.dma_semaphore, #tpu.memory_space<semaphore_mem>>)
          %dma_wait3A = arith.constant 0 : i32
          %dma_wait3A_37 = tpu.memref_slice %arg6[%add3A_33, %dma_wait3A] : memref<10240x128xf32, #tpu.memory_space<hbm>> -> memref<128x128xf32, #tpu.memory_space<hbm>>
          %dma_wait3A_38 = arith.constant 0 : i32
          %dma_wait3A_39 = tpu.memref_slice %arg7[%add3A_33, %dma_wait3A_38] : memref<10240x128xf32, #tpu.memory_space<vmem_shared>> -> memref<128x128xf32, #tpu.memory_space<vmem_shared>>
          tpu.wait_dma2 semaphore(%run_scoped3A : memref<!tpu.dma_semaphore, #tpu.memory_space<semaphore_mem>>) src(%dma_wait3A_39 : memref<128x128xf32, #tpu.memory_space<vmem_shared>>) dst(%dma_wait3A_37 : memref<128x128xf32, #tpu.memory_space<hbm>>)
          tpu.yield
        }) : () -> ()
      }
      %scan3A_25 = arith.constant 5 : i32
    } else {
    }
    return
  }
}

#map = affine_map<(d0, d1) -> (0, 0, 0, 0)>
#map1 = affine_map<(d0, d1) -> (0)>
module attributes {stable_mosaic.version = 14 : i64} {
  func.func @k(%arg0: i32, %arg1: i32, %arg2: memref<2x80x25x80xi32, #tpu.memory_space<hbm>>, %arg3: memref<10240xf32, #tpu.memory_space<hbm>>, %arg4: memref<10240xf32, #tpu.memory_space<hbm>>, %arg5: memref<16x10240xf32, #tpu.memory_space<vmem_shared>>, %arg6: memref<25x80xi32, #tpu.memory_space<vmem>>, %arg7: memref<10240xf32, #tpu.memory_space<vmem>>, %arg8: memref<16x640xf32, #tpu.memory_space<vmem>>, %arg9: memref<640xf32, #tpu.memory_space<vmem>>) attributes {dimension_semantics = [#tpu.dimension_semantics<core_parallel>, #tpu.dimension_semantics<subcore_parallel>], iteration_bounds = array<i64: 2, 16>, scalar_prefetch = 0 : i64, scratch_operands = 5 : i64, tpu.core_type = #tpu.core_type<sc_vector_subcore>, window_params = [{transform_indices = #map}, {transform_indices = #map1}, {transform_indices = #map1}]} {
    %scan3A = arith.constant 0 : i32
    %scan3A_0 = arith.constant 640 : i32
    %scan3A_1 = arith.addi %scan3A, %scan3A_0 : i32
    %scan3A_2 = arith.constant 1 : i32
    scf.for %scan3A_11 = %scan3A to %scan3A_1 step %scan3A_2  : i32 {
      %mul3A = arith.constant 16 : i32
      %mul3A_12 = arith.muli %scan3A_11, %mul3A : i32
      %add3A = arith.constant 0 : i32
      %add3A_13 = arith.addi %add3A, %mul3A_12 : i32
      %broadcast_in_dim3A = arith.constant 0.000000e+00 : f32
      %broadcast_in_dim3A_14 = vector.broadcast %broadcast_in_dim3A : f32 to vector<16xf32>
      %swap3A = arith.index_cast %add3A_13 : i32 to index
      %swap3A_15 = tpu.vector_load %arg7[%swap3A] {strides = array<i32>} : memref<10240xf32, #tpu.memory_space<vmem>>, vector<16xf32>,
      tpu.vector_store %arg7[%swap3A], %broadcast_in_dim3A_14 {strides = array<i32>} : memref<10240xf32, #tpu.memory_space<vmem>>, vector<16xf32>,
    }
    %scan3A_3 = arith.constant 640 : i32
    %eq3A = arith.constant 0 : i32
    %eq3A_4 = arith.cmpi eq, %arg0, %eq3A : i32
    %convert_element_type3A = arith.extui %eq3A_4 : i1 to i32
    %cond3A = arith.constant 0 : i32
    %cond3A_5 = arith.cmpi ne, %convert_element_type3A, %cond3A : i32
    scf.if %cond3A_5 {
      %broadcast_in_dim3A = arith.constant 1.000000e+00 : f32
      %broadcast_in_dim3A_11 = vector.broadcast %broadcast_in_dim3A : f32 to vector<16xf32>
      %scan3A_12 = arith.constant 0 : i32
      %scan3A_13 = arith.constant 5 : i32
      %scan3A_14 = arith.addi %scan3A_12, %scan3A_13 : i32
      %scan3A_15 = arith.constant 1 : i32
      scf.for %scan3A_86 = %scan3A_12 to %scan3A_14 step %scan3A_15  : i32 {
        %mul3A_87 = arith.constant 1 : i32
        %mul3A_88 = arith.muli %scan3A_86, %mul3A_87 : i32
        %add3A = arith.constant 0 : i32
        %add3A_89 = arith.addi %add3A, %mul3A_88 : i32
        %mul3A_90 = arith.constant 5 : i32
        %mul3A_91 = arith.muli %arg1, %mul3A_90 : i32
        %add3A_92 = arith.addi %mul3A_91, %add3A_89 : i32
        %run_scoped3A_93 = arith.constant 0 : i32
        "tpu.region"() ({
          %run_scoped3A_99 = tpu.sem_alloc : memref<!tpu.dma_semaphore, #tpu.memory_space<semaphore_mem>>
          %dma_start3A = arith.constant 0 : i32
          %dma_start3A_100 = arith.constant 0 : i32
          %dma_start3A_101 = tpu.memref_slice %arg2[%run_scoped3A_93, %add3A_92, %dma_start3A, %dma_start3A_100] : memref<2x80x25x80xi32, #tpu.memory_space<hbm>> -> memref<1x1x25x80xi32, #tpu.memory_space<hbm>>
          %dma_start3A_102 = tpu.memref_squeeze %dma_start3A_101 : memref<1x1x25x80xi32, #tpu.memory_space<hbm>> -> memref<25x80xi32, #tpu.memory_space<hbm>>
          %dma_start3A_103 = arith.constant 0 : i32
          %dma_start3A_104 = arith.constant 0 : i32
          %dma_start3A_105 = tpu.memref_slice %arg2[%run_scoped3A_93, %add3A_92, %dma_start3A_103, %dma_start3A_104] : memref<2x80x25x80xi32, #tpu.memory_space<hbm>> -> memref<1x1x25x80xi32, #tpu.memory_space<hbm>>
          %dma_start3A_106 = tpu.memref_squeeze %dma_start3A_105 : memref<1x1x25x80xi32, #tpu.memory_space<hbm>> -> memref<25x80xi32, #tpu.memory_space<hbm>>
          tpu.enqueue_dma source(%dma_start3A_106 : memref<25x80xi32, #tpu.memory_space<hbm>>) target(%arg6 : memref<25x80xi32, #tpu.memory_space<vmem>>) target_semaphore(%run_scoped3A_99 : memref<!tpu.dma_semaphore, #tpu.memory_space<semaphore_mem>>)
          %dma_wait3A = arith.constant 0 : i32
          %dma_wait3A_107 = arith.constant 0 : i32
          %dma_wait3A_108 = tpu.memref_slice %arg2[%run_scoped3A_93, %add3A_92, %dma_wait3A, %dma_wait3A_107] : memref<2x80x25x80xi32, #tpu.memory_space<hbm>> -> memref<1x1x25x80xi32, #tpu.memory_space<hbm>>
          %dma_wait3A_109 = tpu.memref_squeeze %dma_wait3A_108 : memref<1x1x25x80xi32, #tpu.memory_space<hbm>> -> memref<25x80xi32, #tpu.memory_space<hbm>>
          %dma_wait3A_110 = arith.constant 0 : i32
          %dma_wait3A_111 = arith.constant 0 : i32
          %dma_wait3A_112 = tpu.memref_slice %arg2[%run_scoped3A_93, %add3A_92, %dma_wait3A_110, %dma_wait3A_111] : memref<2x80x25x80xi32, #tpu.memory_space<hbm>> -> memref<1x1x25x80xi32, #tpu.memory_space<hbm>>
          %dma_wait3A_113 = tpu.memref_squeeze %dma_wait3A_112 : memref<1x1x25x80xi32, #tpu.memory_space<hbm>> -> memref<25x80xi32, #tpu.memory_space<hbm>>
          tpu.wait_dma2 semaphore(%run_scoped3A_99 : memref<!tpu.dma_semaphore, #tpu.memory_space<semaphore_mem>>) src(%dma_wait3A_113 : memref<25x80xi32, #tpu.memory_space<hbm>>) dst(%arg6 : memref<25x80xi32, #tpu.memory_space<vmem>>)
          tpu.yield
        }) : () -> ()
        %scan3A_94 = arith.constant 0 : i32
        %scan3A_95 = arith.constant 25 : i32
        %scan3A_96 = arith.addi %scan3A_94, %scan3A_95 : i32
        %scan3A_97 = arith.constant 1 : i32
        scf.for %scan3A_99 = %scan3A_94 to %scan3A_96 step %scan3A_97  : i32 {
          %mul3A_100 = arith.constant 1 : i32
          %mul3A_101 = arith.muli %scan3A_99, %mul3A_100 : i32
          %add3A_102 = arith.constant 0 : i32
          %add3A_103 = arith.addi %add3A_102, %mul3A_101 : i32
          %scan3A_104 = arith.constant 0 : i32
          %scan3A_105 = arith.constant 5 : i32
          %scan3A_106 = arith.addi %scan3A_104, %scan3A_105 : i32
          %scan3A_107 = arith.constant 1 : i32
          scf.for %scan3A_109 = %scan3A_104 to %scan3A_106 step %scan3A_107  : i32 {
            %mul3A_110 = arith.constant 16 : i32
            %mul3A_111 = arith.muli %scan3A_109, %mul3A_110 : i32
            %add3A_112 = arith.constant 0 : i32
            %add3A_113 = arith.addi %add3A_112, %mul3A_111 : i32
            %get3A = arith.index_cast %add3A_103 : i32 to index
            %get3A_114 = arith.index_cast %add3A_113 : i32 to index
            %get3A_115 = tpu.vector_load %arg6[%get3A, %get3A_114] {strides = array<i32>} : memref<25x80xi32, #tpu.memory_space<vmem>>, vector<16xi32>,
            tpu.vector_store_idx %arg7[%get3A_115], %broadcast_in_dim3A_11 {add = true} : memref<10240xf32, #tpu.memory_space<vmem>>[vector<16xi32>], vector<16xf32>,
          }
          %scan3A_108 = arith.constant 5 : i32
        }
        %scan3A_98 = arith.constant 25 : i32
      }
      %scan3A_16 = arith.constant 5 : i32
      "tpu.region"() ({
        %run_scoped3A_86 = tpu.sem_alloc : memref<!tpu.dma_semaphore, #tpu.memory_space<semaphore_mem>>
        %dma_start3A = arith.constant 0 : i32
        %dma_start3A_87 = tpu.memref_slice %arg5[%arg1, %dma_start3A] : memref<16x10240xf32, #tpu.memory_space<vmem_shared>> -> memref<1x10240xf32, #tpu.memory_space<vmem_shared>>
        %dma_start3A_88 = tpu.memref_squeeze %dma_start3A_87 : memref<1x10240xf32, #tpu.memory_space<vmem_shared>> -> memref<10240xf32, #tpu.memory_space<vmem_shared>>
        %dma_start3A_89 = arith.constant 0 : i32
        %dma_start3A_90 = tpu.memref_slice %arg5[%arg1, %dma_start3A_89] : memref<16x10240xf32, #tpu.memory_space<vmem_shared>> -> memref<1x10240xf32, #tpu.memory_space<vmem_shared>>
        %dma_start3A_91 = tpu.memref_squeeze %dma_start3A_90 : memref<1x10240xf32, #tpu.memory_space<vmem_shared>> -> memref<10240xf32, #tpu.memory_space<vmem_shared>>
        tpu.enqueue_dma source(%arg7 : memref<10240xf32, #tpu.memory_space<vmem>>) target(%dma_start3A_91 : memref<10240xf32, #tpu.memory_space<vmem_shared>>) target_semaphore(%run_scoped3A_86 : memref<!tpu.dma_semaphore, #tpu.memory_space<semaphore_mem>>)
        %dma_wait3A = arith.constant 0 : i32
        %dma_wait3A_92 = tpu.memref_slice %arg5[%arg1, %dma_wait3A] : memref<16x10240xf32, #tpu.memory_space<vmem_shared>> -> memref<1x10240xf32, #tpu.memory_space<vmem_shared>>
        %dma_wait3A_93 = tpu.memref_squeeze %dma_wait3A_92 : memref<1x10240xf32, #tpu.memory_space<vmem_shared>> -> memref<10240xf32, #tpu.memory_space<vmem_shared>>
        %dma_wait3A_94 = arith.constant 0 : i32
        %dma_wait3A_95 = tpu.memref_slice %arg5[%arg1, %dma_wait3A_94] : memref<16x10240xf32, #tpu.memory_space<vmem_shared>> -> memref<1x10240xf32, #tpu.memory_space<vmem_shared>>
        %dma_wait3A_96 = tpu.memref_squeeze %dma_wait3A_95 : memref<1x10240xf32, #tpu.memory_space<vmem_shared>> -> memref<10240xf32, #tpu.memory_space<vmem_shared>>
        tpu.wait_dma2 semaphore(%run_scoped3A_86 : memref<!tpu.dma_semaphore, #tpu.memory_space<semaphore_mem>>) src(%arg7 : memref<10240xf32, #tpu.memory_space<vmem>>) dst(%dma_wait3A_96 : memref<10240xf32, #tpu.memory_space<vmem_shared>>)
        tpu.yield
      }) : () -> ()
      %barrier3A = arith.constant 0 : index
      tpu.barrier barrier_id(%barrier3A)
      %mul3A = arith.constant 640 : i32
      %mul3A_17 = arith.muli %arg1, %mul3A : i32
      %run_scoped3A = arith.constant 0 : i32
      %run_scoped3A_18 = arith.constant 0 : i32
      "tpu.region"() ({
        %run_scoped3A_86 = tpu.sem_alloc : memref<!tpu.dma_semaphore, #tpu.memory_space<semaphore_mem>>
        %dma_start3A = arith.constant 0 : i32
        %dma_start3A_87 = tpu.memref_slice %arg8[%run_scoped3A_18, %dma_start3A] : memref<16x640xf32, #tpu.memory_space<vmem>> -> memref<1x640xf32, #tpu.memory_space<vmem>>
        %dma_start3A_88 = tpu.memref_squeeze %dma_start3A_87 : memref<1x640xf32, #tpu.memory_space<vmem>> -> memref<640xf32, #tpu.memory_space<vmem>>
        %dma_start3A_89 = tpu.memref_slice %arg5[%run_scoped3A, %mul3A_17] : memref<16x10240xf32, #tpu.memory_space<vmem_shared>> -> memref<1x640xf32, #tpu.memory_space<vmem_shared>>
        %dma_start3A_90 = tpu.memref_squeeze %dma_start3A_89 : memref<1x640xf32, #tpu.memory_space<vmem_shared>> -> memref<640xf32, #tpu.memory_space<vmem_shared>>
        %dma_start3A_91 = arith.constant 0 : i32
        %dma_start3A_92 = tpu.memref_slice %arg8[%run_scoped3A_18, %dma_start3A_91] : memref<16x640xf32, #tpu.memory_space<vmem>> -> memref<1x640xf32, #tpu.memory_space<vmem>>
        %dma_start3A_93 = tpu.memref_squeeze %dma_start3A_92 : memref<1x640xf32, #tpu.memory_space<vmem>> -> memref<640xf32, #tpu.memory_space<vmem>>
        %dma_start3A_94 = tpu.memref_slice %arg5[%run_scoped3A, %mul3A_17] : memref<16x10240xf32, #tpu.memory_space<vmem_shared>> -> memref<1x640xf32, #tpu.memory_space<vmem_shared>>
        %dma_start3A_95 = tpu.memref_squeeze %dma_start3A_94 : memref<1x640xf32, #tpu.memory_space<vmem_shared>> -> memref<640xf32, #tpu.memory_space<vmem_shared>>
        tpu.enqueue_dma source(%dma_start3A_95 : memref<640xf32, #tpu.memory_space<vmem_shared>>) target(%dma_start3A_93 : memref<640xf32, #tpu.memory_space<vmem>>) target_semaphore(%run_scoped3A_86 : memref<!tpu.dma_semaphore, #tpu.memory_space<semaphore_mem>>)
        %dma_wait3A = arith.constant 0 : i32
        %dma_wait3A_96 = tpu.memref_slice %arg8[%run_scoped3A_18, %dma_wait3A] : memref<16x640xf32, #tpu.memory_space<vmem>> -> memref<1x640xf32, #tpu.memory_space<vmem>>
        %dma_wait3A_97 = tpu.memref_squeeze %dma_wait3A_96 : memref<1x640xf32, #tpu.memory_space<vmem>> -> memref<640xf32, #tpu.memory_space<vmem>>
        %dma_wait3A_98 = tpu.memref_slice %arg5[%run_scoped3A, %mul3A_17] : memref<16x10240xf32, #tpu.memory_space<vmem_shared>> -> memref<1x640xf32, #tpu.memory_space<vmem_shared>>
        %dma_wait3A_99 = tpu.memref_squeeze %dma_wait3A_98 : memref<1x640xf32, #tpu.memory_space<vmem_shared>> -> memref<640xf32, #tpu.memory_space<vmem_shared>>
        %dma_wait3A_100 = arith.constant 0 : i32
        %dma_wait3A_101 = tpu.memref_slice %arg8[%run_scoped3A_18, %dma_wait3A_100] : memref<16x640xf32, #tpu.memory_space<vmem>> -> memref<1x640xf32, #tpu.memory_space<vmem>>
        %dma_wait3A_102 = tpu.memref_squeeze %dma_wait3A_101 : memref<1x640xf32, #tpu.memory_space<vmem>> -> memref<640xf32, #tpu.memory_space<vmem>>
        %dma_wait3A_103 = tpu.memref_slice %arg5[%run_scoped3A, %mul3A_17] : memref<16x10240xf32, #tpu.memory_space<vmem_shared>> -> memref<1x640xf32, #tpu.memory_space<vmem_shared>>
        %dma_wait3A_104 = tpu.memref_squeeze %dma_wait3A_103 : memref<1x640xf32, #tpu.memory_space<vmem_shared>> -> memref<640xf32, #tpu.memory_space<vmem_shared>>
        tpu.wait_dma2 semaphore(%run_scoped3A_86 : memref<!tpu.dma_semaphore, #tpu.memory_space<semaphore_mem>>) src(%dma_wait3A_104 : memref<640xf32, #tpu.memory_space<vmem_shared>>) dst(%dma_wait3A_102 : memref<640xf32, #tpu.memory_space<vmem>>)
        tpu.yield
      }) : () -> ()
      %mul3A_19 = arith.constant 640 : i32
      %mul3A_20 = arith.muli %arg1, %mul3A_19 : i32
      %run_scoped3A_21 = arith.constant 1 : i32
      %run_scoped3A_22 = arith.constant 1 : i32
      "tpu.region"() ({
        %run_scoped3A_86 = tpu.sem_alloc : memref<!tpu.dma_semaphore, #tpu.memory_space<semaphore_mem>>
        %dma_start3A = arith.constant 0 : i32
        %dma_start3A_87 = tpu.memref_slice %arg8[%run_scoped3A_22, %dma_start3A] : memref<16x640xf32, #tpu.memory_space<vmem>> -> memref<1x640xf32, #tpu.memory_space<vmem>>
        %dma_start3A_88 = tpu.memref_squeeze %dma_start3A_87 : memref<1x640xf32, #tpu.memory_space<vmem>> -> memref<640xf32, #tpu.memory_space<vmem>>
        %dma_start3A_89 = tpu.memref_slice %arg5[%run_scoped3A_21, %mul3A_20] : memref<16x10240xf32, #tpu.memory_space<vmem_shared>> -> memref<1x640xf32, #tpu.memory_space<vmem_shared>>
        %dma_start3A_90 = tpu.memref_squeeze %dma_start3A_89 : memref<1x640xf32, #tpu.memory_space<vmem_shared>> -> memref<640xf32, #tpu.memory_space<vmem_shared>>
        %dma_start3A_91 = arith.constant 0 : i32
        %dma_start3A_92 = tpu.memref_slice %arg8[%run_scoped3A_22, %dma_start3A_91] : memref<16x640xf32, #tpu.memory_space<vmem>> -> memref<1x640xf32, #tpu.memory_space<vmem>>
        %dma_start3A_93 = tpu.memref_squeeze %dma_start3A_92 : memref<1x640xf32, #tpu.memory_space<vmem>> -> memref<640xf32, #tpu.memory_space<vmem>>
        %dma_start3A_94 = tpu.memref_slice %arg5[%run_scoped3A_21, %mul3A_20] : memref<16x10240xf32, #tpu.memory_space<vmem_shared>> -> memref<1x640xf32, #tpu.memory_space<vmem_shared>>
        %dma_start3A_95 = tpu.memref_squeeze %dma_start3A_94 : memref<1x640xf32, #tpu.memory_space<vmem_shared>> -> memref<640xf32, #tpu.memory_space<vmem_shared>>
        tpu.enqueue_dma source(%dma_start3A_95 : memref<640xf32, #tpu.memory_space<vmem_shared>>) target(%dma_start3A_93 : memref<640xf32, #tpu.memory_space<vmem>>) target_semaphore(%run_scoped3A_86 : memref<!tpu.dma_semaphore, #tpu.memory_space<semaphore_mem>>)
        %dma_wait3A = arith.constant 0 : i32
        %dma_wait3A_96 = tpu.memref_slice %arg8[%run_scoped3A_22, %dma_wait3A] : memref<16x640xf32, #tpu.memory_space<vmem>> -> memref<1x640xf32, #tpu.memory_space<vmem>>
        %dma_wait3A_97 = tpu.memref_squeeze %dma_wait3A_96 : memref<1x640xf32, #tpu.memory_space<vmem>> -> memref<640xf32, #tpu.memory_space<vmem>>
        %dma_wait3A_98 = tpu.memref_slice %arg5[%run_scoped3A_21, %mul3A_20] : memref<16x10240xf32, #tpu.memory_space<vmem_shared>> -> memref<1x640xf32, #tpu.memory_space<vmem_shared>>
        %dma_wait3A_99 = tpu.memref_squeeze %dma_wait3A_98 : memref<1x640xf32, #tpu.memory_space<vmem_shared>> -> memref<640xf32, #tpu.memory_space<vmem_shared>>
        %dma_wait3A_100 = arith.constant 0 : i32
        %dma_wait3A_101 = tpu.memref_slice %arg8[%run_scoped3A_22, %dma_wait3A_100] : memref<16x640xf32, #tpu.memory_space<vmem>> -> memref<1x640xf32, #tpu.memory_space<vmem>>
        %dma_wait3A_102 = tpu.memref_squeeze %dma_wait3A_101 : memref<1x640xf32, #tpu.memory_space<vmem>> -> memref<640xf32, #tpu.memory_space<vmem>>
        %dma_wait3A_103 = tpu.memref_slice %arg5[%run_scoped3A_21, %mul3A_20] : memref<16x10240xf32, #tpu.memory_space<vmem_shared>> -> memref<1x640xf32, #tpu.memory_space<vmem_shared>>
        %dma_wait3A_104 = tpu.memref_squeeze %dma_wait3A_103 : memref<1x640xf32, #tpu.memory_space<vmem_shared>> -> memref<640xf32, #tpu.memory_space<vmem_shared>>
        tpu.wait_dma2 semaphore(%run_scoped3A_86 : memref<!tpu.dma_semaphore, #tpu.memory_space<semaphore_mem>>) src(%dma_wait3A_104 : memref<640xf32, #tpu.memory_space<vmem_shared>>) dst(%dma_wait3A_102 : memref<640xf32, #tpu.memory_space<vmem>>)
        tpu.yield
      }) : () -> ()
      %mul3A_23 = arith.constant 640 : i32
      %mul3A_24 = arith.muli %arg1, %mul3A_23 : i32
      %run_scoped3A_25 = arith.constant 2 : i32
      %run_scoped3A_26 = arith.constant 2 : i32
      "tpu.region"() ({
        %run_scoped3A_86 = tpu.sem_alloc : memref<!tpu.dma_semaphore, #tpu.memory_space<semaphore_mem>>
        %dma_start3A = arith.constant 0 : i32
        %dma_start3A_87 = tpu.memref_slice %arg8[%run_scoped3A_26, %dma_start3A] : memref<16x640xf32, #tpu.memory_space<vmem>> -> memref<1x640xf32, #tpu.memory_space<vmem>>
        %dma_start3A_88 = tpu.memref_squeeze %dma_start3A_87 : memref<1x640xf32, #tpu.memory_space<vmem>> -> memref<640xf32, #tpu.memory_space<vmem>>
        %dma_start3A_89 = tpu.memref_slice %arg5[%run_scoped3A_25, %mul3A_24] : memref<16x10240xf32, #tpu.memory_space<vmem_shared>> -> memref<1x640xf32, #tpu.memory_space<vmem_shared>>
        %dma_start3A_90 = tpu.memref_squeeze %dma_start3A_89 : memref<1x640xf32, #tpu.memory_space<vmem_shared>> -> memref<640xf32, #tpu.memory_space<vmem_shared>>
        %dma_start3A_91 = arith.constant 0 : i32
        %dma_start3A_92 = tpu.memref_slice %arg8[%run_scoped3A_26, %dma_start3A_91] : memref<16x640xf32, #tpu.memory_space<vmem>> -> memref<1x640xf32, #tpu.memory_space<vmem>>
        %dma_start3A_93 = tpu.memref_squeeze %dma_start3A_92 : memref<1x640xf32, #tpu.memory_space<vmem>> -> memref<640xf32, #tpu.memory_space<vmem>>
        %dma_start3A_94 = tpu.memref_slice %arg5[%run_scoped3A_25, %mul3A_24] : memref<16x10240xf32, #tpu.memory_space<vmem_shared>> -> memref<1x640xf32, #tpu.memory_space<vmem_shared>>
        %dma_start3A_95 = tpu.memref_squeeze %dma_start3A_94 : memref<1x640xf32, #tpu.memory_space<vmem_shared>> -> memref<640xf32, #tpu.memory_space<vmem_shared>>
        tpu.enqueue_dma source(%dma_start3A_95 : memref<640xf32, #tpu.memory_space<vmem_shared>>) target(%dma_start3A_93 : memref<640xf32, #tpu.memory_space<vmem>>) target_semaphore(%run_scoped3A_86 : memref<!tpu.dma_semaphore, #tpu.memory_space<semaphore_mem>>)
        %dma_wait3A = arith.constant 0 : i32
        %dma_wait3A_96 = tpu.memref_slice %arg8[%run_scoped3A_26, %dma_wait3A] : memref<16x640xf32, #tpu.memory_space<vmem>> -> memref<1x640xf32, #tpu.memory_space<vmem>>
        %dma_wait3A_97 = tpu.memref_squeeze %dma_wait3A_96 : memref<1x640xf32, #tpu.memory_space<vmem>> -> memref<640xf32, #tpu.memory_space<vmem>>
        %dma_wait3A_98 = tpu.memref_slice %arg5[%run_scoped3A_25, %mul3A_24] : memref<16x10240xf32, #tpu.memory_space<vmem_shared>> -> memref<1x640xf32, #tpu.memory_space<vmem_shared>>
        %dma_wait3A_99 = tpu.memref_squeeze %dma_wait3A_98 : memref<1x640xf32, #tpu.memory_space<vmem_shared>> -> memref<640xf32, #tpu.memory_space<vmem_shared>>
        %dma_wait3A_100 = arith.constant 0 : i32
        %dma_wait3A_101 = tpu.memref_slice %arg8[%run_scoped3A_26, %dma_wait3A_100] : memref<16x640xf32, #tpu.memory_space<vmem>> -> memref<1x640xf32, #tpu.memory_space<vmem>>
        %dma_wait3A_102 = tpu.memref_squeeze %dma_wait3A_101 : memref<1x640xf32, #tpu.memory_space<vmem>> -> memref<640xf32, #tpu.memory_space<vmem>>
        %dma_wait3A_103 = tpu.memref_slice %arg5[%run_scoped3A_25, %mul3A_24] : memref<16x10240xf32, #tpu.memory_space<vmem_shared>> -> memref<1x640xf32, #tpu.memory_space<vmem_shared>>
        %dma_wait3A_104 = tpu.memref_squeeze %dma_wait3A_103 : memref<1x640xf32, #tpu.memory_space<vmem_shared>> -> memref<640xf32, #tpu.memory_space<vmem_shared>>
        tpu.wait_dma2 semaphore(%run_scoped3A_86 : memref<!tpu.dma_semaphore, #tpu.memory_space<semaphore_mem>>) src(%dma_wait3A_104 : memref<640xf32, #tpu.memory_space<vmem_shared>>) dst(%dma_wait3A_102 : memref<640xf32, #tpu.memory_space<vmem>>)
        tpu.yield
      }) : () -> ()
      %mul3A_27 = arith.constant 640 : i32
      %mul3A_28 = arith.muli %arg1, %mul3A_27 : i32
      %run_scoped3A_29 = arith.constant 3 : i32
      %run_scoped3A_30 = arith.constant 3 : i32
      "tpu.region"() ({
        %run_scoped3A_86 = tpu.sem_alloc : memref<!tpu.dma_semaphore, #tpu.memory_space<semaphore_mem>>
        %dma_start3A = arith.constant 0 : i32
        %dma_start3A_87 = tpu.memref_slice %arg8[%run_scoped3A_30, %dma_start3A] : memref<16x640xf32, #tpu.memory_space<vmem>> -> memref<1x640xf32, #tpu.memory_space<vmem>>
        %dma_start3A_88 = tpu.memref_squeeze %dma_start3A_87 : memref<1x640xf32, #tpu.memory_space<vmem>> -> memref<640xf32, #tpu.memory_space<vmem>>
        %dma_start3A_89 = tpu.memref_slice %arg5[%run_scoped3A_29, %mul3A_28] : memref<16x10240xf32, #tpu.memory_space<vmem_shared>> -> memref<1x640xf32, #tpu.memory_space<vmem_shared>>
        %dma_start3A_90 = tpu.memref_squeeze %dma_start3A_89 : memref<1x640xf32, #tpu.memory_space<vmem_shared>> -> memref<640xf32, #tpu.memory_space<vmem_shared>>
        %dma_start3A_91 = arith.constant 0 : i32
        %dma_start3A_92 = tpu.memref_slice %arg8[%run_scoped3A_30, %dma_start3A_91] : memref<16x640xf32, #tpu.memory_space<vmem>> -> memref<1x640xf32, #tpu.memory_space<vmem>>
        %dma_start3A_93 = tpu.memref_squeeze %dma_start3A_92 : memref<1x640xf32, #tpu.memory_space<vmem>> -> memref<640xf32, #tpu.memory_space<vmem>>
        %dma_start3A_94 = tpu.memref_slice %arg5[%run_scoped3A_29, %mul3A_28] : memref<16x10240xf32, #tpu.memory_space<vmem_shared>> -> memref<1x640xf32, #tpu.memory_space<vmem_shared>>
        %dma_start3A_95 = tpu.memref_squeeze %dma_start3A_94 : memref<1x640xf32, #tpu.memory_space<vmem_shared>> -> memref<640xf32, #tpu.memory_space<vmem_shared>>
        tpu.enqueue_dma source(%dma_start3A_95 : memref<640xf32, #tpu.memory_space<vmem_shared>>) target(%dma_start3A_93 : memref<640xf32, #tpu.memory_space<vmem>>) target_semaphore(%run_scoped3A_86 : memref<!tpu.dma_semaphore, #tpu.memory_space<semaphore_mem>>)
        %dma_wait3A = arith.constant 0 : i32
        %dma_wait3A_96 = tpu.memref_slice %arg8[%run_scoped3A_30, %dma_wait3A] : memref<16x640xf32, #tpu.memory_space<vmem>> -> memref<1x640xf32, #tpu.memory_space<vmem>>
        %dma_wait3A_97 = tpu.memref_squeeze %dma_wait3A_96 : memref<1x640xf32, #tpu.memory_space<vmem>> -> memref<640xf32, #tpu.memory_space<vmem>>
        %dma_wait3A_98 = tpu.memref_slice %arg5[%run_scoped3A_29, %mul3A_28] : memref<16x10240xf32, #tpu.memory_space<vmem_shared>> -> memref<1x640xf32, #tpu.memory_space<vmem_shared>>
        %dma_wait3A_99 = tpu.memref_squeeze %dma_wait3A_98 : memref<1x640xf32, #tpu.memory_space<vmem_shared>> -> memref<640xf32, #tpu.memory_space<vmem_shared>>
        %dma_wait3A_100 = arith.constant 0 : i32
        %dma_wait3A_101 = tpu.memref_slice %arg8[%run_scoped3A_30, %dma_wait3A_100] : memref<16x640xf32, #tpu.memory_space<vmem>> -> memref<1x640xf32, #tpu.memory_space<vmem>>
        %dma_wait3A_102 = tpu.memref_squeeze %dma_wait3A_101 : memref<1x640xf32, #tpu.memory_space<vmem>> -> memref<640xf32, #tpu.memory_space<vmem>>
        %dma_wait3A_103 = tpu.memref_slice %arg5[%run_scoped3A_29, %mul3A_28] : memref<16x10240xf32, #tpu.memory_space<vmem_shared>> -> memref<1x640xf32, #tpu.memory_space<vmem_shared>>
        %dma_wait3A_104 = tpu.memref_squeeze %dma_wait3A_103 : memref<1x640xf32, #tpu.memory_space<vmem_shared>> -> memref<640xf32, #tpu.memory_space<vmem_shared>>
        tpu.wait_dma2 semaphore(%run_scoped3A_86 : memref<!tpu.dma_semaphore, #tpu.memory_space<semaphore_mem>>) src(%dma_wait3A_104 : memref<640xf32, #tpu.memory_space<vmem_shared>>) dst(%dma_wait3A_102 : memref<640xf32, #tpu.memory_space<vmem>>)
        tpu.yield
      }) : () -> ()
      %mul3A_31 = arith.constant 640 : i32
      %mul3A_32 = arith.muli %arg1, %mul3A_31 : i32
      %run_scoped3A_33 = arith.constant 4 : i32
      %run_scoped3A_34 = arith.constant 4 : i32
      "tpu.region"() ({
        %run_scoped3A_86 = tpu.sem_alloc : memref<!tpu.dma_semaphore, #tpu.memory_space<semaphore_mem>>
        %dma_start3A = arith.constant 0 : i32
        %dma_start3A_87 = tpu.memref_slice %arg8[%run_scoped3A_34, %dma_start3A] : memref<16x640xf32, #tpu.memory_space<vmem>> -> memref<1x640xf32, #tpu.memory_space<vmem>>
        %dma_start3A_88 = tpu.memref_squeeze %dma_start3A_87 : memref<1x640xf32, #tpu.memory_space<vmem>> -> memref<640xf32, #tpu.memory_space<vmem>>
        %dma_start3A_89 = tpu.memref_slice %arg5[%run_scoped3A_33, %mul3A_32] : memref<16x10240xf32, #tpu.memory_space<vmem_shared>> -> memref<1x640xf32, #tpu.memory_space<vmem_shared>>
        %dma_start3A_90 = tpu.memref_squeeze %dma_start3A_89 : memref<1x640xf32, #tpu.memory_space<vmem_shared>> -> memref<640xf32, #tpu.memory_space<vmem_shared>>
        %dma_start3A_91 = arith.constant 0 : i32
        %dma_start3A_92 = tpu.memref_slice %arg8[%run_scoped3A_34, %dma_start3A_91] : memref<16x640xf32, #tpu.memory_space<vmem>> -> memref<1x640xf32, #tpu.memory_space<vmem>>
        %dma_start3A_93 = tpu.memref_squeeze %dma_start3A_92 : memref<1x640xf32, #tpu.memory_space<vmem>> -> memref<640xf32, #tpu.memory_space<vmem>>
        %dma_start3A_94 = tpu.memref_slice %arg5[%run_scoped3A_33, %mul3A_32] : memref<16x10240xf32, #tpu.memory_space<vmem_shared>> -> memref<1x640xf32, #tpu.memory_space<vmem_shared>>
        %dma_start3A_95 = tpu.memref_squeeze %dma_start3A_94 : memref<1x640xf32, #tpu.memory_space<vmem_shared>> -> memref<640xf32, #tpu.memory_space<vmem_shared>>
        tpu.enqueue_dma source(%dma_start3A_95 : memref<640xf32, #tpu.memory_space<vmem_shared>>) target(%dma_start3A_93 : memref<640xf32, #tpu.memory_space<vmem>>) target_semaphore(%run_scoped3A_86 : memref<!tpu.dma_semaphore, #tpu.memory_space<semaphore_mem>>)
        %dma_wait3A = arith.constant 0 : i32
        %dma_wait3A_96 = tpu.memref_slice %arg8[%run_scoped3A_34, %dma_wait3A] : memref<16x640xf32, #tpu.memory_space<vmem>> -> memref<1x640xf32, #tpu.memory_space<vmem>>
        %dma_wait3A_97 = tpu.memref_squeeze %dma_wait3A_96 : memref<1x640xf32, #tpu.memory_space<vmem>> -> memref<640xf32, #tpu.memory_space<vmem>>
        %dma_wait3A_98 = tpu.memref_slice %arg5[%run_scoped3A_33, %mul3A_32] : memref<16x10240xf32, #tpu.memory_space<vmem_shared>> -> memref<1x640xf32, #tpu.memory_space<vmem_shared>>
        %dma_wait3A_99 = tpu.memref_squeeze %dma_wait3A_98 : memref<1x640xf32, #tpu.memory_space<vmem_shared>> -> memref<640xf32, #tpu.memory_space<vmem_shared>>
        %dma_wait3A_100 = arith.constant 0 : i32
        %dma_wait3A_101 = tpu.memref_slice %arg8[%run_scoped3A_34, %dma_wait3A_100] : memref<16x640xf32, #tpu.memory_space<vmem>> -> memref<1x640xf32, #tpu.memory_space<vmem>>
        %dma_wait3A_102 = tpu.memref_squeeze %dma_wait3A_101 : memref<1x640xf32, #tpu.memory_space<vmem>> -> memref<640xf32, #tpu.memory_space<vmem>>
        %dma_wait3A_103 = tpu.memref_slice %arg5[%run_scoped3A_33, %mul3A_32] : memref<16x10240xf32, #tpu.memory_space<vmem_shared>> -> memref<1x640xf32, #tpu.memory_space<vmem_shared>>
        %dma_wait3A_104 = tpu.memref_squeeze %dma_wait3A_103 : memref<1x640xf32, #tpu.memory_space<vmem_shared>> -> memref<640xf32, #tpu.memory_space<vmem_shared>>
        tpu.wait_dma2 semaphore(%run_scoped3A_86 : memref<!tpu.dma_semaphore, #tpu.memory_space<semaphore_mem>>) src(%dma_wait3A_104 : memref<640xf32, #tpu.memory_space<vmem_shared>>) dst(%dma_wait3A_102 : memref<640xf32, #tpu.memory_space<vmem>>)
        tpu.yield
      }) : () -> ()
      %mul3A_35 = arith.constant 640 : i32
      %mul3A_36 = arith.muli %arg1, %mul3A_35 : i32
      %run_scoped3A_37 = arith.constant 5 : i32
      %run_scoped3A_38 = arith.constant 5 : i32
      "tpu.region"() ({
        %run_scoped3A_86 = tpu.sem_alloc : memref<!tpu.dma_semaphore, #tpu.memory_space<semaphore_mem>>
        %dma_start3A = arith.constant 0 : i32
        %dma_start3A_87 = tpu.memref_slice %arg8[%run_scoped3A_38, %dma_start3A] : memref<16x640xf32, #tpu.memory_space<vmem>> -> memref<1x640xf32, #tpu.memory_space<vmem>>
        %dma_start3A_88 = tpu.memref_squeeze %dma_start3A_87 : memref<1x640xf32, #tpu.memory_space<vmem>> -> memref<640xf32, #tpu.memory_space<vmem>>
        %dma_start3A_89 = tpu.memref_slice %arg5[%run_scoped3A_37, %mul3A_36] : memref<16x10240xf32, #tpu.memory_space<vmem_shared>> -> memref<1x640xf32, #tpu.memory_space<vmem_shared>>
        %dma_start3A_90 = tpu.memref_squeeze %dma_start3A_89 : memref<1x640xf32, #tpu.memory_space<vmem_shared>> -> memref<640xf32, #tpu.memory_space<vmem_shared>>
        %dma_start3A_91 = arith.constant 0 : i32
        %dma_start3A_92 = tpu.memref_slice %arg8[%run_scoped3A_38, %dma_start3A_91] : memref<16x640xf32, #tpu.memory_space<vmem>> -> memref<1x640xf32, #tpu.memory_space<vmem>>
        %dma_start3A_93 = tpu.memref_squeeze %dma_start3A_92 : memref<1x640xf32, #tpu.memory_space<vmem>> -> memref<640xf32, #tpu.memory_space<vmem>>
        %dma_start3A_94 = tpu.memref_slice %arg5[%run_scoped3A_37, %mul3A_36] : memref<16x10240xf32, #tpu.memory_space<vmem_shared>> -> memref<1x640xf32, #tpu.memory_space<vmem_shared>>
        %dma_start3A_95 = tpu.memref_squeeze %dma_start3A_94 : memref<1x640xf32, #tpu.memory_space<vmem_shared>> -> memref<640xf32, #tpu.memory_space<vmem_shared>>
        tpu.enqueue_dma source(%dma_start3A_95 : memref<640xf32, #tpu.memory_space<vmem_shared>>) target(%dma_start3A_93 : memref<640xf32, #tpu.memory_space<vmem>>) target_semaphore(%run_scoped3A_86 : memref<!tpu.dma_semaphore, #tpu.memory_space<semaphore_mem>>)
        %dma_wait3A = arith.constant 0 : i32
        %dma_wait3A_96 = tpu.memref_slice %arg8[%run_scoped3A_38, %dma_wait3A] : memref<16x640xf32, #tpu.memory_space<vmem>> -> memref<1x640xf32, #tpu.memory_space<vmem>>
        %dma_wait3A_97 = tpu.memref_squeeze %dma_wait3A_96 : memref<1x640xf32, #tpu.memory_space<vmem>> -> memref<640xf32, #tpu.memory_space<vmem>>
        %dma_wait3A_98 = tpu.memref_slice %arg5[%run_scoped3A_37, %mul3A_36] : memref<16x10240xf32, #tpu.memory_space<vmem_shared>> -> memref<1x640xf32, #tpu.memory_space<vmem_shared>>
        %dma_wait3A_99 = tpu.memref_squeeze %dma_wait3A_98 : memref<1x640xf32, #tpu.memory_space<vmem_shared>> -> memref<640xf32, #tpu.memory_space<vmem_shared>>
        %dma_wait3A_100 = arith.constant 0 : i32
        %dma_wait3A_101 = tpu.memref_slice %arg8[%run_scoped3A_38, %dma_wait3A_100] : memref<16x640xf32, #tpu.memory_space<vmem>> -> memref<1x640xf32, #tpu.memory_space<vmem>>
        %dma_wait3A_102 = tpu.memref_squeeze %dma_wait3A_101 : memref<1x640xf32, #tpu.memory_space<vmem>> -> memref<640xf32, #tpu.memory_space<vmem>>
        %dma_wait3A_103 = tpu.memref_slice %arg5[%run_scoped3A_37, %mul3A_36] : memref<16x10240xf32, #tpu.memory_space<vmem_shared>> -> memref<1x640xf32, #tpu.memory_space<vmem_shared>>
        %dma_wait3A_104 = tpu.memref_squeeze %dma_wait3A_103 : memref<1x640xf32, #tpu.memory_space<vmem_shared>> -> memref<640xf32, #tpu.memory_space<vmem_shared>>
        tpu.wait_dma2 semaphore(%run_scoped3A_86 : memref<!tpu.dma_semaphore, #tpu.memory_space<semaphore_mem>>) src(%dma_wait3A_104 : memref<640xf32, #tpu.memory_space<vmem_shared>>) dst(%dma_wait3A_102 : memref<640xf32, #tpu.memory_space<vmem>>)
        tpu.yield
      }) : () -> ()
      %mul3A_39 = arith.constant 640 : i32
      %mul3A_40 = arith.muli %arg1, %mul3A_39 : i32
      %run_scoped3A_41 = arith.constant 6 : i32
      %run_scoped3A_42 = arith.constant 6 : i32
      "tpu.region"() ({
        %run_scoped3A_86 = tpu.sem_alloc : memref<!tpu.dma_semaphore, #tpu.memory_space<semaphore_mem>>
        %dma_start3A = arith.constant 0 : i32
        %dma_start3A_87 = tpu.memref_slice %arg8[%run_scoped3A_42, %dma_start3A] : memref<16x640xf32, #tpu.memory_space<vmem>> -> memref<1x640xf32, #tpu.memory_space<vmem>>
        %dma_start3A_88 = tpu.memref_squeeze %dma_start3A_87 : memref<1x640xf32, #tpu.memory_space<vmem>> -> memref<640xf32, #tpu.memory_space<vmem>>
        %dma_start3A_89 = tpu.memref_slice %arg5[%run_scoped3A_41, %mul3A_40] : memref<16x10240xf32, #tpu.memory_space<vmem_shared>> -> memref<1x640xf32, #tpu.memory_space<vmem_shared>>
        %dma_start3A_90 = tpu.memref_squeeze %dma_start3A_89 : memref<1x640xf32, #tpu.memory_space<vmem_shared>> -> memref<640xf32, #tpu.memory_space<vmem_shared>>
        %dma_start3A_91 = arith.constant 0 : i32
        %dma_start3A_92 = tpu.memref_slice %arg8[%run_scoped3A_42, %dma_start3A_91] : memref<16x640xf32, #tpu.memory_space<vmem>> -> memref<1x640xf32, #tpu.memory_space<vmem>>
        %dma_start3A_93 = tpu.memref_squeeze %dma_start3A_92 : memref<1x640xf32, #tpu.memory_space<vmem>> -> memref<640xf32, #tpu.memory_space<vmem>>
        %dma_start3A_94 = tpu.memref_slice %arg5[%run_scoped3A_41, %mul3A_40] : memref<16x10240xf32, #tpu.memory_space<vmem_shared>> -> memref<1x640xf32, #tpu.memory_space<vmem_shared>>
        %dma_start3A_95 = tpu.memref_squeeze %dma_start3A_94 : memref<1x640xf32, #tpu.memory_space<vmem_shared>> -> memref<640xf32, #tpu.memory_space<vmem_shared>>
        tpu.enqueue_dma source(%dma_start3A_95 : memref<640xf32, #tpu.memory_space<vmem_shared>>) target(%dma_start3A_93 : memref<640xf32, #tpu.memory_space<vmem>>) target_semaphore(%run_scoped3A_86 : memref<!tpu.dma_semaphore, #tpu.memory_space<semaphore_mem>>)
        %dma_wait3A = arith.constant 0 : i32
        %dma_wait3A_96 = tpu.memref_slice %arg8[%run_scoped3A_42, %dma_wait3A] : memref<16x640xf32, #tpu.memory_space<vmem>> -> memref<1x640xf32, #tpu.memory_space<vmem>>
        %dma_wait3A_97 = tpu.memref_squeeze %dma_wait3A_96 : memref<1x640xf32, #tpu.memory_space<vmem>> -> memref<640xf32, #tpu.memory_space<vmem>>
        %dma_wait3A_98 = tpu.memref_slice %arg5[%run_scoped3A_41, %mul3A_40] : memref<16x10240xf32, #tpu.memory_space<vmem_shared>> -> memref<1x640xf32, #tpu.memory_space<vmem_shared>>
        %dma_wait3A_99 = tpu.memref_squeeze %dma_wait3A_98 : memref<1x640xf32, #tpu.memory_space<vmem_shared>> -> memref<640xf32, #tpu.memory_space<vmem_shared>>
        %dma_wait3A_100 = arith.constant 0 : i32
        %dma_wait3A_101 = tpu.memref_slice %arg8[%run_scoped3A_42, %dma_wait3A_100] : memref<16x640xf32, #tpu.memory_space<vmem>> -> memref<1x640xf32, #tpu.memory_space<vmem>>
        %dma_wait3A_102 = tpu.memref_squeeze %dma_wait3A_101 : memref<1x640xf32, #tpu.memory_space<vmem>> -> memref<640xf32, #tpu.memory_space<vmem>>
        %dma_wait3A_103 = tpu.memref_slice %arg5[%run_scoped3A_41, %mul3A_40] : memref<16x10240xf32, #tpu.memory_space<vmem_shared>> -> memref<1x640xf32, #tpu.memory_space<vmem_shared>>
        %dma_wait3A_104 = tpu.memref_squeeze %dma_wait3A_103 : memref<1x640xf32, #tpu.memory_space<vmem_shared>> -> memref<640xf32, #tpu.memory_space<vmem_shared>>
        tpu.wait_dma2 semaphore(%run_scoped3A_86 : memref<!tpu.dma_semaphore, #tpu.memory_space<semaphore_mem>>) src(%dma_wait3A_104 : memref<640xf32, #tpu.memory_space<vmem_shared>>) dst(%dma_wait3A_102 : memref<640xf32, #tpu.memory_space<vmem>>)
        tpu.yield
      }) : () -> ()
      %mul3A_43 = arith.constant 640 : i32
      %mul3A_44 = arith.muli %arg1, %mul3A_43 : i32
      %run_scoped3A_45 = arith.constant 7 : i32
      %run_scoped3A_46 = arith.constant 7 : i32
      "tpu.region"() ({
        %run_scoped3A_86 = tpu.sem_alloc : memref<!tpu.dma_semaphore, #tpu.memory_space<semaphore_mem>>
        %dma_start3A = arith.constant 0 : i32
        %dma_start3A_87 = tpu.memref_slice %arg8[%run_scoped3A_46, %dma_start3A] : memref<16x640xf32, #tpu.memory_space<vmem>> -> memref<1x640xf32, #tpu.memory_space<vmem>>
        %dma_start3A_88 = tpu.memref_squeeze %dma_start3A_87 : memref<1x640xf32, #tpu.memory_space<vmem>> -> memref<640xf32, #tpu.memory_space<vmem>>
        %dma_start3A_89 = tpu.memref_slice %arg5[%run_scoped3A_45, %mul3A_44] : memref<16x10240xf32, #tpu.memory_space<vmem_shared>> -> memref<1x640xf32, #tpu.memory_space<vmem_shared>>
        %dma_start3A_90 = tpu.memref_squeeze %dma_start3A_89 : memref<1x640xf32, #tpu.memory_space<vmem_shared>> -> memref<640xf32, #tpu.memory_space<vmem_shared>>
        %dma_start3A_91 = arith.constant 0 : i32
        %dma_start3A_92 = tpu.memref_slice %arg8[%run_scoped3A_46, %dma_start3A_91] : memref<16x640xf32, #tpu.memory_space<vmem>> -> memref<1x640xf32, #tpu.memory_space<vmem>>
        %dma_start3A_93 = tpu.memref_squeeze %dma_start3A_92 : memref<1x640xf32, #tpu.memory_space<vmem>> -> memref<640xf32, #tpu.memory_space<vmem>>
        %dma_start3A_94 = tpu.memref_slice %arg5[%run_scoped3A_45, %mul3A_44] : memref<16x10240xf32, #tpu.memory_space<vmem_shared>> -> memref<1x640xf32, #tpu.memory_space<vmem_shared>>
        %dma_start3A_95 = tpu.memref_squeeze %dma_start3A_94 : memref<1x640xf32, #tpu.memory_space<vmem_shared>> -> memref<640xf32, #tpu.memory_space<vmem_shared>>
        tpu.enqueue_dma source(%dma_start3A_95 : memref<640xf32, #tpu.memory_space<vmem_shared>>) target(%dma_start3A_93 : memref<640xf32, #tpu.memory_space<vmem>>) target_semaphore(%run_scoped3A_86 : memref<!tpu.dma_semaphore, #tpu.memory_space<semaphore_mem>>)
        %dma_wait3A = arith.constant 0 : i32
        %dma_wait3A_96 = tpu.memref_slice %arg8[%run_scoped3A_46, %dma_wait3A] : memref<16x640xf32, #tpu.memory_space<vmem>> -> memref<1x640xf32, #tpu.memory_space<vmem>>
        %dma_wait3A_97 = tpu.memref_squeeze %dma_wait3A_96 : memref<1x640xf32, #tpu.memory_space<vmem>> -> memref<640xf32, #tpu.memory_space<vmem>>
        %dma_wait3A_98 = tpu.memref_slice %arg5[%run_scoped3A_45, %mul3A_44] : memref<16x10240xf32, #tpu.memory_space<vmem_shared>> -> memref<1x640xf32, #tpu.memory_space<vmem_shared>>
        %dma_wait3A_99 = tpu.memref_squeeze %dma_wait3A_98 : memref<1x640xf32, #tpu.memory_space<vmem_shared>> -> memref<640xf32, #tpu.memory_space<vmem_shared>>
        %dma_wait3A_100 = arith.constant 0 : i32
        %dma_wait3A_101 = tpu.memref_slice %arg8[%run_scoped3A_46, %dma_wait3A_100] : memref<16x640xf32, #tpu.memory_space<vmem>> -> memref<1x640xf32, #tpu.memory_space<vmem>>
        %dma_wait3A_102 = tpu.memref_squeeze %dma_wait3A_101 : memref<1x640xf32, #tpu.memory_space<vmem>> -> memref<640xf32, #tpu.memory_space<vmem>>
        %dma_wait3A_103 = tpu.memref_slice %arg5[%run_scoped3A_45, %mul3A_44] : memref<16x10240xf32, #tpu.memory_space<vmem_shared>> -> memref<1x640xf32, #tpu.memory_space<vmem_shared>>
        %dma_wait3A_104 = tpu.memref_squeeze %dma_wait3A_103 : memref<1x640xf32, #tpu.memory_space<vmem_shared>> -> memref<640xf32, #tpu.memory_space<vmem_shared>>
        tpu.wait_dma2 semaphore(%run_scoped3A_86 : memref<!tpu.dma_semaphore, #tpu.memory_space<semaphore_mem>>) src(%dma_wait3A_104 : memref<640xf32, #tpu.memory_space<vmem_shared>>) dst(%dma_wait3A_102 : memref<640xf32, #tpu.memory_space<vmem>>)
        tpu.yield
      }) : () -> ()
      %mul3A_47 = arith.constant 640 : i32
      %mul3A_48 = arith.muli %arg1, %mul3A_47 : i32
      %run_scoped3A_49 = arith.constant 8 : i32
      %run_scoped3A_50 = arith.constant 8 : i32
      "tpu.region"() ({
        %run_scoped3A_86 = tpu.sem_alloc : memref<!tpu.dma_semaphore, #tpu.memory_space<semaphore_mem>>
        %dma_start3A = arith.constant 0 : i32
        %dma_start3A_87 = tpu.memref_slice %arg8[%run_scoped3A_50, %dma_start3A] : memref<16x640xf32, #tpu.memory_space<vmem>> -> memref<1x640xf32, #tpu.memory_space<vmem>>
        %dma_start3A_88 = tpu.memref_squeeze %dma_start3A_87 : memref<1x640xf32, #tpu.memory_space<vmem>> -> memref<640xf32, #tpu.memory_space<vmem>>
        %dma_start3A_89 = tpu.memref_slice %arg5[%run_scoped3A_49, %mul3A_48] : memref<16x10240xf32, #tpu.memory_space<vmem_shared>> -> memref<1x640xf32, #tpu.memory_space<vmem_shared>>
        %dma_start3A_90 = tpu.memref_squeeze %dma_start3A_89 : memref<1x640xf32, #tpu.memory_space<vmem_shared>> -> memref<640xf32, #tpu.memory_space<vmem_shared>>
        %dma_start3A_91 = arith.constant 0 : i32
        %dma_start3A_92 = tpu.memref_slice %arg8[%run_scoped3A_50, %dma_start3A_91] : memref<16x640xf32, #tpu.memory_space<vmem>> -> memref<1x640xf32, #tpu.memory_space<vmem>>
        %dma_start3A_93 = tpu.memref_squeeze %dma_start3A_92 : memref<1x640xf32, #tpu.memory_space<vmem>> -> memref<640xf32, #tpu.memory_space<vmem>>
        %dma_start3A_94 = tpu.memref_slice %arg5[%run_scoped3A_49, %mul3A_48] : memref<16x10240xf32, #tpu.memory_space<vmem_shared>> -> memref<1x640xf32, #tpu.memory_space<vmem_shared>>
        %dma_start3A_95 = tpu.memref_squeeze %dma_start3A_94 : memref<1x640xf32, #tpu.memory_space<vmem_shared>> -> memref<640xf32, #tpu.memory_space<vmem_shared>>
        tpu.enqueue_dma source(%dma_start3A_95 : memref<640xf32, #tpu.memory_space<vmem_shared>>) target(%dma_start3A_93 : memref<640xf32, #tpu.memory_space<vmem>>) target_semaphore(%run_scoped3A_86 : memref<!tpu.dma_semaphore, #tpu.memory_space<semaphore_mem>>)
        %dma_wait3A = arith.constant 0 : i32
        %dma_wait3A_96 = tpu.memref_slice %arg8[%run_scoped3A_50, %dma_wait3A] : memref<16x640xf32, #tpu.memory_space<vmem>> -> memref<1x640xf32, #tpu.memory_space<vmem>>
        %dma_wait3A_97 = tpu.memref_squeeze %dma_wait3A_96 : memref<1x640xf32, #tpu.memory_space<vmem>> -> memref<640xf32, #tpu.memory_space<vmem>>
        %dma_wait3A_98 = tpu.memref_slice %arg5[%run_scoped3A_49, %mul3A_48] : memref<16x10240xf32, #tpu.memory_space<vmem_shared>> -> memref<1x640xf32, #tpu.memory_space<vmem_shared>>
        %dma_wait3A_99 = tpu.memref_squeeze %dma_wait3A_98 : memref<1x640xf32, #tpu.memory_space<vmem_shared>> -> memref<640xf32, #tpu.memory_space<vmem_shared>>
        %dma_wait3A_100 = arith.constant 0 : i32
        %dma_wait3A_101 = tpu.memref_slice %arg8[%run_scoped3A_50, %dma_wait3A_100] : memref<16x640xf32, #tpu.memory_space<vmem>> -> memref<1x640xf32, #tpu.memory_space<vmem>>
        %dma_wait3A_102 = tpu.memref_squeeze %dma_wait3A_101 : memref<1x640xf32, #tpu.memory_space<vmem>> -> memref<640xf32, #tpu.memory_space<vmem>>
        %dma_wait3A_103 = tpu.memref_slice %arg5[%run_scoped3A_49, %mul3A_48] : memref<16x10240xf32, #tpu.memory_space<vmem_shared>> -> memref<1x640xf32, #tpu.memory_space<vmem_shared>>
        %dma_wait3A_104 = tpu.memref_squeeze %dma_wait3A_103 : memref<1x640xf32, #tpu.memory_space<vmem_shared>> -> memref<640xf32, #tpu.memory_space<vmem_shared>>
        tpu.wait_dma2 semaphore(%run_scoped3A_86 : memref<!tpu.dma_semaphore, #tpu.memory_space<semaphore_mem>>) src(%dma_wait3A_104 : memref<640xf32, #tpu.memory_space<vmem_shared>>) dst(%dma_wait3A_102 : memref<640xf32, #tpu.memory_space<vmem>>)
        tpu.yield
      }) : () -> ()
      %mul3A_51 = arith.constant 640 : i32
      %mul3A_52 = arith.muli %arg1, %mul3A_51 : i32
      %run_scoped3A_53 = arith.constant 9 : i32
      %run_scoped3A_54 = arith.constant 9 : i32
      "tpu.region"() ({
        %run_scoped3A_86 = tpu.sem_alloc : memref<!tpu.dma_semaphore, #tpu.memory_space<semaphore_mem>>
        %dma_start3A = arith.constant 0 : i32
        %dma_start3A_87 = tpu.memref_slice %arg8[%run_scoped3A_54, %dma_start3A] : memref<16x640xf32, #tpu.memory_space<vmem>> -> memref<1x640xf32, #tpu.memory_space<vmem>>
        %dma_start3A_88 = tpu.memref_squeeze %dma_start3A_87 : memref<1x640xf32, #tpu.memory_space<vmem>> -> memref<640xf32, #tpu.memory_space<vmem>>
        %dma_start3A_89 = tpu.memref_slice %arg5[%run_scoped3A_53, %mul3A_52] : memref<16x10240xf32, #tpu.memory_space<vmem_shared>> -> memref<1x640xf32, #tpu.memory_space<vmem_shared>>
        %dma_start3A_90 = tpu.memref_squeeze %dma_start3A_89 : memref<1x640xf32, #tpu.memory_space<vmem_shared>> -> memref<640xf32, #tpu.memory_space<vmem_shared>>
        %dma_start3A_91 = arith.constant 0 : i32
        %dma_start3A_92 = tpu.memref_slice %arg8[%run_scoped3A_54, %dma_start3A_91] : memref<16x640xf32, #tpu.memory_space<vmem>> -> memref<1x640xf32, #tpu.memory_space<vmem>>
        %dma_start3A_93 = tpu.memref_squeeze %dma_start3A_92 : memref<1x640xf32, #tpu.memory_space<vmem>> -> memref<640xf32, #tpu.memory_space<vmem>>
        %dma_start3A_94 = tpu.memref_slice %arg5[%run_scoped3A_53, %mul3A_52] : memref<16x10240xf32, #tpu.memory_space<vmem_shared>> -> memref<1x640xf32, #tpu.memory_space<vmem_shared>>
        %dma_start3A_95 = tpu.memref_squeeze %dma_start3A_94 : memref<1x640xf32, #tpu.memory_space<vmem_shared>> -> memref<640xf32, #tpu.memory_space<vmem_shared>>
        tpu.enqueue_dma source(%dma_start3A_95 : memref<640xf32, #tpu.memory_space<vmem_shared>>) target(%dma_start3A_93 : memref<640xf32, #tpu.memory_space<vmem>>) target_semaphore(%run_scoped3A_86 : memref<!tpu.dma_semaphore, #tpu.memory_space<semaphore_mem>>)
        %dma_wait3A = arith.constant 0 : i32
        %dma_wait3A_96 = tpu.memref_slice %arg8[%run_scoped3A_54, %dma_wait3A] : memref<16x640xf32, #tpu.memory_space<vmem>> -> memref<1x640xf32, #tpu.memory_space<vmem>>
        %dma_wait3A_97 = tpu.memref_squeeze %dma_wait3A_96 : memref<1x640xf32, #tpu.memory_space<vmem>> -> memref<640xf32, #tpu.memory_space<vmem>>
        %dma_wait3A_98 = tpu.memref_slice %arg5[%run_scoped3A_53, %mul3A_52] : memref<16x10240xf32, #tpu.memory_space<vmem_shared>> -> memref<1x640xf32, #tpu.memory_space<vmem_shared>>
        %dma_wait3A_99 = tpu.memref_squeeze %dma_wait3A_98 : memref<1x640xf32, #tpu.memory_space<vmem_shared>> -> memref<640xf32, #tpu.memory_space<vmem_shared>>
        %dma_wait3A_100 = arith.constant 0 : i32
        %dma_wait3A_101 = tpu.memref_slice %arg8[%run_scoped3A_54, %dma_wait3A_100] : memref<16x640xf32, #tpu.memory_space<vmem>> -> memref<1x640xf32, #tpu.memory_space<vmem>>
        %dma_wait3A_102 = tpu.memref_squeeze %dma_wait3A_101 : memref<1x640xf32, #tpu.memory_space<vmem>> -> memref<640xf32, #tpu.memory_space<vmem>>
        %dma_wait3A_103 = tpu.memref_slice %arg5[%run_scoped3A_53, %mul3A_52] : memref<16x10240xf32, #tpu.memory_space<vmem_shared>> -> memref<1x640xf32, #tpu.memory_space<vmem_shared>>
        %dma_wait3A_104 = tpu.memref_squeeze %dma_wait3A_103 : memref<1x640xf32, #tpu.memory_space<vmem_shared>> -> memref<640xf32, #tpu.memory_space<vmem_shared>>
        tpu.wait_dma2 semaphore(%run_scoped3A_86 : memref<!tpu.dma_semaphore, #tpu.memory_space<semaphore_mem>>) src(%dma_wait3A_104 : memref<640xf32, #tpu.memory_space<vmem_shared>>) dst(%dma_wait3A_102 : memref<640xf32, #tpu.memory_space<vmem>>)
        tpu.yield
      }) : () -> ()
      %mul3A_55 = arith.constant 640 : i32
      %mul3A_56 = arith.muli %arg1, %mul3A_55 : i32
      %run_scoped3A_57 = arith.constant 10 : i32
      %run_scoped3A_58 = arith.constant 10 : i32
      "tpu.region"() ({
        %run_scoped3A_86 = tpu.sem_alloc : memref<!tpu.dma_semaphore, #tpu.memory_space<semaphore_mem>>
        %dma_start3A = arith.constant 0 : i32
        %dma_start3A_87 = tpu.memref_slice %arg8[%run_scoped3A_58, %dma_start3A] : memref<16x640xf32, #tpu.memory_space<vmem>> -> memref<1x640xf32, #tpu.memory_space<vmem>>
        %dma_start3A_88 = tpu.memref_squeeze %dma_start3A_87 : memref<1x640xf32, #tpu.memory_space<vmem>> -> memref<640xf32, #tpu.memory_space<vmem>>
        %dma_start3A_89 = tpu.memref_slice %arg5[%run_scoped3A_57, %mul3A_56] : memref<16x10240xf32, #tpu.memory_space<vmem_shared>> -> memref<1x640xf32, #tpu.memory_space<vmem_shared>>
        %dma_start3A_90 = tpu.memref_squeeze %dma_start3A_89 : memref<1x640xf32, #tpu.memory_space<vmem_shared>> -> memref<640xf32, #tpu.memory_space<vmem_shared>>
        %dma_start3A_91 = arith.constant 0 : i32
        %dma_start3A_92 = tpu.memref_slice %arg8[%run_scoped3A_58, %dma_start3A_91] : memref<16x640xf32, #tpu.memory_space<vmem>> -> memref<1x640xf32, #tpu.memory_space<vmem>>
        %dma_start3A_93 = tpu.memref_squeeze %dma_start3A_92 : memref<1x640xf32, #tpu.memory_space<vmem>> -> memref<640xf32, #tpu.memory_space<vmem>>
        %dma_start3A_94 = tpu.memref_slice %arg5[%run_scoped3A_57, %mul3A_56] : memref<16x10240xf32, #tpu.memory_space<vmem_shared>> -> memref<1x640xf32, #tpu.memory_space<vmem_shared>>
        %dma_start3A_95 = tpu.memref_squeeze %dma_start3A_94 : memref<1x640xf32, #tpu.memory_space<vmem_shared>> -> memref<640xf32, #tpu.memory_space<vmem_shared>>
        tpu.enqueue_dma source(%dma_start3A_95 : memref<640xf32, #tpu.memory_space<vmem_shared>>) target(%dma_start3A_93 : memref<640xf32, #tpu.memory_space<vmem>>) target_semaphore(%run_scoped3A_86 : memref<!tpu.dma_semaphore, #tpu.memory_space<semaphore_mem>>)
        %dma_wait3A = arith.constant 0 : i32
        %dma_wait3A_96 = tpu.memref_slice %arg8[%run_scoped3A_58, %dma_wait3A] : memref<16x640xf32, #tpu.memory_space<vmem>> -> memref<1x640xf32, #tpu.memory_space<vmem>>
        %dma_wait3A_97 = tpu.memref_squeeze %dma_wait3A_96 : memref<1x640xf32, #tpu.memory_space<vmem>> -> memref<640xf32, #tpu.memory_space<vmem>>
        %dma_wait3A_98 = tpu.memref_slice %arg5[%run_scoped3A_57, %mul3A_56] : memref<16x10240xf32, #tpu.memory_space<vmem_shared>> -> memref<1x640xf32, #tpu.memory_space<vmem_shared>>
        %dma_wait3A_99 = tpu.memref_squeeze %dma_wait3A_98 : memref<1x640xf32, #tpu.memory_space<vmem_shared>> -> memref<640xf32, #tpu.memory_space<vmem_shared>>
        %dma_wait3A_100 = arith.constant 0 : i32
        %dma_wait3A_101 = tpu.memref_slice %arg8[%run_scoped3A_58, %dma_wait3A_100] : memref<16x640xf32, #tpu.memory_space<vmem>> -> memref<1x640xf32, #tpu.memory_space<vmem>>
        %dma_wait3A_102 = tpu.memref_squeeze %dma_wait3A_101 : memref<1x640xf32, #tpu.memory_space<vmem>> -> memref<640xf32, #tpu.memory_space<vmem>>
        %dma_wait3A_103 = tpu.memref_slice %arg5[%run_scoped3A_57, %mul3A_56] : memref<16x10240xf32, #tpu.memory_space<vmem_shared>> -> memref<1x640xf32, #tpu.memory_space<vmem_shared>>
        %dma_wait3A_104 = tpu.memref_squeeze %dma_wait3A_103 : memref<1x640xf32, #tpu.memory_space<vmem_shared>> -> memref<640xf32, #tpu.memory_space<vmem_shared>>
        tpu.wait_dma2 semaphore(%run_scoped3A_86 : memref<!tpu.dma_semaphore, #tpu.memory_space<semaphore_mem>>) src(%dma_wait3A_104 : memref<640xf32, #tpu.memory_space<vmem_shared>>) dst(%dma_wait3A_102 : memref<640xf32, #tpu.memory_space<vmem>>)
        tpu.yield
      }) : () -> ()
      %mul3A_59 = arith.constant 640 : i32
      %mul3A_60 = arith.muli %arg1, %mul3A_59 : i32
      %run_scoped3A_61 = arith.constant 11 : i32
      %run_scoped3A_62 = arith.constant 11 : i32
      "tpu.region"() ({
        %run_scoped3A_86 = tpu.sem_alloc : memref<!tpu.dma_semaphore, #tpu.memory_space<semaphore_mem>>
        %dma_start3A = arith.constant 0 : i32
        %dma_start3A_87 = tpu.memref_slice %arg8[%run_scoped3A_62, %dma_start3A] : memref<16x640xf32, #tpu.memory_space<vmem>> -> memref<1x640xf32, #tpu.memory_space<vmem>>
        %dma_start3A_88 = tpu.memref_squeeze %dma_start3A_87 : memref<1x640xf32, #tpu.memory_space<vmem>> -> memref<640xf32, #tpu.memory_space<vmem>>
        %dma_start3A_89 = tpu.memref_slice %arg5[%run_scoped3A_61, %mul3A_60] : memref<16x10240xf32, #tpu.memory_space<vmem_shared>> -> memref<1x640xf32, #tpu.memory_space<vmem_shared>>
        %dma_start3A_90 = tpu.memref_squeeze %dma_start3A_89 : memref<1x640xf32, #tpu.memory_space<vmem_shared>> -> memref<640xf32, #tpu.memory_space<vmem_shared>>
        %dma_start3A_91 = arith.constant 0 : i32
        %dma_start3A_92 = tpu.memref_slice %arg8[%run_scoped3A_62, %dma_start3A_91] : memref<16x640xf32, #tpu.memory_space<vmem>> -> memref<1x640xf32, #tpu.memory_space<vmem>>
        %dma_start3A_93 = tpu.memref_squeeze %dma_start3A_92 : memref<1x640xf32, #tpu.memory_space<vmem>> -> memref<640xf32, #tpu.memory_space<vmem>>
        %dma_start3A_94 = tpu.memref_slice %arg5[%run_scoped3A_61, %mul3A_60] : memref<16x10240xf32, #tpu.memory_space<vmem_shared>> -> memref<1x640xf32, #tpu.memory_space<vmem_shared>>
        %dma_start3A_95 = tpu.memref_squeeze %dma_start3A_94 : memref<1x640xf32, #tpu.memory_space<vmem_shared>> -> memref<640xf32, #tpu.memory_space<vmem_shared>>
        tpu.enqueue_dma source(%dma_start3A_95 : memref<640xf32, #tpu.memory_space<vmem_shared>>) target(%dma_start3A_93 : memref<640xf32, #tpu.memory_space<vmem>>) target_semaphore(%run_scoped3A_86 : memref<!tpu.dma_semaphore, #tpu.memory_space<semaphore_mem>>)
        %dma_wait3A = arith.constant 0 : i32
        %dma_wait3A_96 = tpu.memref_slice %arg8[%run_scoped3A_62, %dma_wait3A] : memref<16x640xf32, #tpu.memory_space<vmem>> -> memref<1x640xf32, #tpu.memory_space<vmem>>
        %dma_wait3A_97 = tpu.memref_squeeze %dma_wait3A_96 : memref<1x640xf32, #tpu.memory_space<vmem>> -> memref<640xf32, #tpu.memory_space<vmem>>
        %dma_wait3A_98 = tpu.memref_slice %arg5[%run_scoped3A_61, %mul3A_60] : memref<16x10240xf32, #tpu.memory_space<vmem_shared>> -> memref<1x640xf32, #tpu.memory_space<vmem_shared>>
        %dma_wait3A_99 = tpu.memref_squeeze %dma_wait3A_98 : memref<1x640xf32, #tpu.memory_space<vmem_shared>> -> memref<640xf32, #tpu.memory_space<vmem_shared>>
        %dma_wait3A_100 = arith.constant 0 : i32
        %dma_wait3A_101 = tpu.memref_slice %arg8[%run_scoped3A_62, %dma_wait3A_100] : memref<16x640xf32, #tpu.memory_space<vmem>> -> memref<1x640xf32, #tpu.memory_space<vmem>>
        %dma_wait3A_102 = tpu.memref_squeeze %dma_wait3A_101 : memref<1x640xf32, #tpu.memory_space<vmem>> -> memref<640xf32, #tpu.memory_space<vmem>>
        %dma_wait3A_103 = tpu.memref_slice %arg5[%run_scoped3A_61, %mul3A_60] : memref<16x10240xf32, #tpu.memory_space<vmem_shared>> -> memref<1x640xf32, #tpu.memory_space<vmem_shared>>
        %dma_wait3A_104 = tpu.memref_squeeze %dma_wait3A_103 : memref<1x640xf32, #tpu.memory_space<vmem_shared>> -> memref<640xf32, #tpu.memory_space<vmem_shared>>
        tpu.wait_dma2 semaphore(%run_scoped3A_86 : memref<!tpu.dma_semaphore, #tpu.memory_space<semaphore_mem>>) src(%dma_wait3A_104 : memref<640xf32, #tpu.memory_space<vmem_shared>>) dst(%dma_wait3A_102 : memref<640xf32, #tpu.memory_space<vmem>>)
        tpu.yield
      }) : () -> ()
      %mul3A_63 = arith.constant 640 : i32
      %mul3A_64 = arith.muli %arg1, %mul3A_63 : i32
      %run_scoped3A_65 = arith.constant 12 : i32
      %run_scoped3A_66 = arith.constant 12 : i32
      "tpu.region"() ({
        %run_scoped3A_86 = tpu.sem_alloc : memref<!tpu.dma_semaphore, #tpu.memory_space<semaphore_mem>>
        %dma_start3A = arith.constant 0 : i32
        %dma_start3A_87 = tpu.memref_slice %arg8[%run_scoped3A_66, %dma_start3A] : memref<16x640xf32, #tpu.memory_space<vmem>> -> memref<1x640xf32, #tpu.memory_space<vmem>>
        %dma_start3A_88 = tpu.memref_squeeze %dma_start3A_87 : memref<1x640xf32, #tpu.memory_space<vmem>> -> memref<640xf32, #tpu.memory_space<vmem>>
        %dma_start3A_89 = tpu.memref_slice %arg5[%run_scoped3A_65, %mul3A_64] : memref<16x10240xf32, #tpu.memory_space<vmem_shared>> -> memref<1x640xf32, #tpu.memory_space<vmem_shared>>
        %dma_start3A_90 = tpu.memref_squeeze %dma_start3A_89 : memref<1x640xf32, #tpu.memory_space<vmem_shared>> -> memref<640xf32, #tpu.memory_space<vmem_shared>>
        %dma_start3A_91 = arith.constant 0 : i32
        %dma_start3A_92 = tpu.memref_slice %arg8[%run_scoped3A_66, %dma_start3A_91] : memref<16x640xf32, #tpu.memory_space<vmem>> -> memref<1x640xf32, #tpu.memory_space<vmem>>
        %dma_start3A_93 = tpu.memref_squeeze %dma_start3A_92 : memref<1x640xf32, #tpu.memory_space<vmem>> -> memref<640xf32, #tpu.memory_space<vmem>>
        %dma_start3A_94 = tpu.memref_slice %arg5[%run_scoped3A_65, %mul3A_64] : memref<16x10240xf32, #tpu.memory_space<vmem_shared>> -> memref<1x640xf32, #tpu.memory_space<vmem_shared>>
        %dma_start3A_95 = tpu.memref_squeeze %dma_start3A_94 : memref<1x640xf32, #tpu.memory_space<vmem_shared>> -> memref<640xf32, #tpu.memory_space<vmem_shared>>
        tpu.enqueue_dma source(%dma_start3A_95 : memref<640xf32, #tpu.memory_space<vmem_shared>>) target(%dma_start3A_93 : memref<640xf32, #tpu.memory_space<vmem>>) target_semaphore(%run_scoped3A_86 : memref<!tpu.dma_semaphore, #tpu.memory_space<semaphore_mem>>)
        %dma_wait3A = arith.constant 0 : i32
        %dma_wait3A_96 = tpu.memref_slice %arg8[%run_scoped3A_66, %dma_wait3A] : memref<16x640xf32, #tpu.memory_space<vmem>> -> memref<1x640xf32, #tpu.memory_space<vmem>>
        %dma_wait3A_97 = tpu.memref_squeeze %dma_wait3A_96 : memref<1x640xf32, #tpu.memory_space<vmem>> -> memref<640xf32, #tpu.memory_space<vmem>>
        %dma_wait3A_98 = tpu.memref_slice %arg5[%run_scoped3A_65, %mul3A_64] : memref<16x10240xf32, #tpu.memory_space<vmem_shared>> -> memref<1x640xf32, #tpu.memory_space<vmem_shared>>
        %dma_wait3A_99 = tpu.memref_squeeze %dma_wait3A_98 : memref<1x640xf32, #tpu.memory_space<vmem_shared>> -> memref<640xf32, #tpu.memory_space<vmem_shared>>
        %dma_wait3A_100 = arith.constant 0 : i32
        %dma_wait3A_101 = tpu.memref_slice %arg8[%run_scoped3A_66, %dma_wait3A_100] : memref<16x640xf32, #tpu.memory_space<vmem>> -> memref<1x640xf32, #tpu.memory_space<vmem>>
        %dma_wait3A_102 = tpu.memref_squeeze %dma_wait3A_101 : memref<1x640xf32, #tpu.memory_space<vmem>> -> memref<640xf32, #tpu.memory_space<vmem>>
        %dma_wait3A_103 = tpu.memref_slice %arg5[%run_scoped3A_65, %mul3A_64] : memref<16x10240xf32, #tpu.memory_space<vmem_shared>> -> memref<1x640xf32, #tpu.memory_space<vmem_shared>>
        %dma_wait3A_104 = tpu.memref_squeeze %dma_wait3A_103 : memref<1x640xf32, #tpu.memory_space<vmem_shared>> -> memref<640xf32, #tpu.memory_space<vmem_shared>>
        tpu.wait_dma2 semaphore(%run_scoped3A_86 : memref<!tpu.dma_semaphore, #tpu.memory_space<semaphore_mem>>) src(%dma_wait3A_104 : memref<640xf32, #tpu.memory_space<vmem_shared>>) dst(%dma_wait3A_102 : memref<640xf32, #tpu.memory_space<vmem>>)
        tpu.yield
      }) : () -> ()
      %mul3A_67 = arith.constant 640 : i32
      %mul3A_68 = arith.muli %arg1, %mul3A_67 : i32
      %run_scoped3A_69 = arith.constant 13 : i32
      %run_scoped3A_70 = arith.constant 13 : i32
      "tpu.region"() ({
        %run_scoped3A_86 = tpu.sem_alloc : memref<!tpu.dma_semaphore, #tpu.memory_space<semaphore_mem>>
        %dma_start3A = arith.constant 0 : i32
        %dma_start3A_87 = tpu.memref_slice %arg8[%run_scoped3A_70, %dma_start3A] : memref<16x640xf32, #tpu.memory_space<vmem>> -> memref<1x640xf32, #tpu.memory_space<vmem>>
        %dma_start3A_88 = tpu.memref_squeeze %dma_start3A_87 : memref<1x640xf32, #tpu.memory_space<vmem>> -> memref<640xf32, #tpu.memory_space<vmem>>
        %dma_start3A_89 = tpu.memref_slice %arg5[%run_scoped3A_69, %mul3A_68] : memref<16x10240xf32, #tpu.memory_space<vmem_shared>> -> memref<1x640xf32, #tpu.memory_space<vmem_shared>>
        %dma_start3A_90 = tpu.memref_squeeze %dma_start3A_89 : memref<1x640xf32, #tpu.memory_space<vmem_shared>> -> memref<640xf32, #tpu.memory_space<vmem_shared>>
        %dma_start3A_91 = arith.constant 0 : i32
        %dma_start3A_92 = tpu.memref_slice %arg8[%run_scoped3A_70, %dma_start3A_91] : memref<16x640xf32, #tpu.memory_space<vmem>> -> memref<1x640xf32, #tpu.memory_space<vmem>>
        %dma_start3A_93 = tpu.memref_squeeze %dma_start3A_92 : memref<1x640xf32, #tpu.memory_space<vmem>> -> memref<640xf32, #tpu.memory_space<vmem>>
        %dma_start3A_94 = tpu.memref_slice %arg5[%run_scoped3A_69, %mul3A_68] : memref<16x10240xf32, #tpu.memory_space<vmem_shared>> -> memref<1x640xf32, #tpu.memory_space<vmem_shared>>
        %dma_start3A_95 = tpu.memref_squeeze %dma_start3A_94 : memref<1x640xf32, #tpu.memory_space<vmem_shared>> -> memref<640xf32, #tpu.memory_space<vmem_shared>>
        tpu.enqueue_dma source(%dma_start3A_95 : memref<640xf32, #tpu.memory_space<vmem_shared>>) target(%dma_start3A_93 : memref<640xf32, #tpu.memory_space<vmem>>) target_semaphore(%run_scoped3A_86 : memref<!tpu.dma_semaphore, #tpu.memory_space<semaphore_mem>>)
        %dma_wait3A = arith.constant 0 : i32
        %dma_wait3A_96 = tpu.memref_slice %arg8[%run_scoped3A_70, %dma_wait3A] : memref<16x640xf32, #tpu.memory_space<vmem>> -> memref<1x640xf32, #tpu.memory_space<vmem>>
        %dma_wait3A_97 = tpu.memref_squeeze %dma_wait3A_96 : memref<1x640xf32, #tpu.memory_space<vmem>> -> memref<640xf32, #tpu.memory_space<vmem>>
        %dma_wait3A_98 = tpu.memref_slice %arg5[%run_scoped3A_69, %mul3A_68] : memref<16x10240xf32, #tpu.memory_space<vmem_shared>> -> memref<1x640xf32, #tpu.memory_space<vmem_shared>>
        %dma_wait3A_99 = tpu.memref_squeeze %dma_wait3A_98 : memref<1x640xf32, #tpu.memory_space<vmem_shared>> -> memref<640xf32, #tpu.memory_space<vmem_shared>>
        %dma_wait3A_100 = arith.constant 0 : i32
        %dma_wait3A_101 = tpu.memref_slice %arg8[%run_scoped3A_70, %dma_wait3A_100] : memref<16x640xf32, #tpu.memory_space<vmem>> -> memref<1x640xf32, #tpu.memory_space<vmem>>
        %dma_wait3A_102 = tpu.memref_squeeze %dma_wait3A_101 : memref<1x640xf32, #tpu.memory_space<vmem>> -> memref<640xf32, #tpu.memory_space<vmem>>
        %dma_wait3A_103 = tpu.memref_slice %arg5[%run_scoped3A_69, %mul3A_68] : memref<16x10240xf32, #tpu.memory_space<vmem_shared>> -> memref<1x640xf32, #tpu.memory_space<vmem_shared>>
        %dma_wait3A_104 = tpu.memref_squeeze %dma_wait3A_103 : memref<1x640xf32, #tpu.memory_space<vmem_shared>> -> memref<640xf32, #tpu.memory_space<vmem_shared>>
        tpu.wait_dma2 semaphore(%run_scoped3A_86 : memref<!tpu.dma_semaphore, #tpu.memory_space<semaphore_mem>>) src(%dma_wait3A_104 : memref<640xf32, #tpu.memory_space<vmem_shared>>) dst(%dma_wait3A_102 : memref<640xf32, #tpu.memory_space<vmem>>)
        tpu.yield
      }) : () -> ()
      %mul3A_71 = arith.constant 640 : i32
      %mul3A_72 = arith.muli %arg1, %mul3A_71 : i32
      %run_scoped3A_73 = arith.constant 14 : i32
      %run_scoped3A_74 = arith.constant 14 : i32
      "tpu.region"() ({
        %run_scoped3A_86 = tpu.sem_alloc : memref<!tpu.dma_semaphore, #tpu.memory_space<semaphore_mem>>
        %dma_start3A = arith.constant 0 : i32
        %dma_start3A_87 = tpu.memref_slice %arg8[%run_scoped3A_74, %dma_start3A] : memref<16x640xf32, #tpu.memory_space<vmem>> -> memref<1x640xf32, #tpu.memory_space<vmem>>
        %dma_start3A_88 = tpu.memref_squeeze %dma_start3A_87 : memref<1x640xf32, #tpu.memory_space<vmem>> -> memref<640xf32, #tpu.memory_space<vmem>>
        %dma_start3A_89 = tpu.memref_slice %arg5[%run_scoped3A_73, %mul3A_72] : memref<16x10240xf32, #tpu.memory_space<vmem_shared>> -> memref<1x640xf32, #tpu.memory_space<vmem_shared>>
        %dma_start3A_90 = tpu.memref_squeeze %dma_start3A_89 : memref<1x640xf32, #tpu.memory_space<vmem_shared>> -> memref<640xf32, #tpu.memory_space<vmem_shared>>
        %dma_start3A_91 = arith.constant 0 : i32
        %dma_start3A_92 = tpu.memref_slice %arg8[%run_scoped3A_74, %dma_start3A_91] : memref<16x640xf32, #tpu.memory_space<vmem>> -> memref<1x640xf32, #tpu.memory_space<vmem>>
        %dma_start3A_93 = tpu.memref_squeeze %dma_start3A_92 : memref<1x640xf32, #tpu.memory_space<vmem>> -> memref<640xf32, #tpu.memory_space<vmem>>
        %dma_start3A_94 = tpu.memref_slice %arg5[%run_scoped3A_73, %mul3A_72] : memref<16x10240xf32, #tpu.memory_space<vmem_shared>> -> memref<1x640xf32, #tpu.memory_space<vmem_shared>>
        %dma_start3A_95 = tpu.memref_squeeze %dma_start3A_94 : memref<1x640xf32, #tpu.memory_space<vmem_shared>> -> memref<640xf32, #tpu.memory_space<vmem_shared>>
        tpu.enqueue_dma source(%dma_start3A_95 : memref<640xf32, #tpu.memory_space<vmem_shared>>) target(%dma_start3A_93 : memref<640xf32, #tpu.memory_space<vmem>>) target_semaphore(%run_scoped3A_86 : memref<!tpu.dma_semaphore, #tpu.memory_space<semaphore_mem>>)
        %dma_wait3A = arith.constant 0 : i32
        %dma_wait3A_96 = tpu.memref_slice %arg8[%run_scoped3A_74, %dma_wait3A] : memref<16x640xf32, #tpu.memory_space<vmem>> -> memref<1x640xf32, #tpu.memory_space<vmem>>
        %dma_wait3A_97 = tpu.memref_squeeze %dma_wait3A_96 : memref<1x640xf32, #tpu.memory_space<vmem>> -> memref<640xf32, #tpu.memory_space<vmem>>
        %dma_wait3A_98 = tpu.memref_slice %arg5[%run_scoped3A_73, %mul3A_72] : memref<16x10240xf32, #tpu.memory_space<vmem_shared>> -> memref<1x640xf32, #tpu.memory_space<vmem_shared>>
        %dma_wait3A_99 = tpu.memref_squeeze %dma_wait3A_98 : memref<1x640xf32, #tpu.memory_space<vmem_shared>> -> memref<640xf32, #tpu.memory_space<vmem_shared>>
        %dma_wait3A_100 = arith.constant 0 : i32
        %dma_wait3A_101 = tpu.memref_slice %arg8[%run_scoped3A_74, %dma_wait3A_100] : memref<16x640xf32, #tpu.memory_space<vmem>> -> memref<1x640xf32, #tpu.memory_space<vmem>>
        %dma_wait3A_102 = tpu.memref_squeeze %dma_wait3A_101 : memref<1x640xf32, #tpu.memory_space<vmem>> -> memref<640xf32, #tpu.memory_space<vmem>>
        %dma_wait3A_103 = tpu.memref_slice %arg5[%run_scoped3A_73, %mul3A_72] : memref<16x10240xf32, #tpu.memory_space<vmem_shared>> -> memref<1x640xf32, #tpu.memory_space<vmem_shared>>
        %dma_wait3A_104 = tpu.memref_squeeze %dma_wait3A_103 : memref<1x640xf32, #tpu.memory_space<vmem_shared>> -> memref<640xf32, #tpu.memory_space<vmem_shared>>
        tpu.wait_dma2 semaphore(%run_scoped3A_86 : memref<!tpu.dma_semaphore, #tpu.memory_space<semaphore_mem>>) src(%dma_wait3A_104 : memref<640xf32, #tpu.memory_space<vmem_shared>>) dst(%dma_wait3A_102 : memref<640xf32, #tpu.memory_space<vmem>>)
        tpu.yield
      }) : () -> ()
      %mul3A_75 = arith.constant 640 : i32
      %mul3A_76 = arith.muli %arg1, %mul3A_75 : i32
      %run_scoped3A_77 = arith.constant 15 : i32
      %run_scoped3A_78 = arith.constant 15 : i32
      "tpu.region"() ({
        %run_scoped3A_86 = tpu.sem_alloc : memref<!tpu.dma_semaphore, #tpu.memory_space<semaphore_mem>>
        %dma_start3A = arith.constant 0 : i32
        %dma_start3A_87 = tpu.memref_slice %arg8[%run_scoped3A_78, %dma_start3A] : memref<16x640xf32, #tpu.memory_space<vmem>> -> memref<1x640xf32, #tpu.memory_space<vmem>>
        %dma_start3A_88 = tpu.memref_squeeze %dma_start3A_87 : memref<1x640xf32, #tpu.memory_space<vmem>> -> memref<640xf32, #tpu.memory_space<vmem>>
        %dma_start3A_89 = tpu.memref_slice %arg5[%run_scoped3A_77, %mul3A_76] : memref<16x10240xf32, #tpu.memory_space<vmem_shared>> -> memref<1x640xf32, #tpu.memory_space<vmem_shared>>
        %dma_start3A_90 = tpu.memref_squeeze %dma_start3A_89 : memref<1x640xf32, #tpu.memory_space<vmem_shared>> -> memref<640xf32, #tpu.memory_space<vmem_shared>>
        %dma_start3A_91 = arith.constant 0 : i32
        %dma_start3A_92 = tpu.memref_slice %arg8[%run_scoped3A_78, %dma_start3A_91] : memref<16x640xf32, #tpu.memory_space<vmem>> -> memref<1x640xf32, #tpu.memory_space<vmem>>
        %dma_start3A_93 = tpu.memref_squeeze %dma_start3A_92 : memref<1x640xf32, #tpu.memory_space<vmem>> -> memref<640xf32, #tpu.memory_space<vmem>>
        %dma_start3A_94 = tpu.memref_slice %arg5[%run_scoped3A_77, %mul3A_76] : memref<16x10240xf32, #tpu.memory_space<vmem_shared>> -> memref<1x640xf32, #tpu.memory_space<vmem_shared>>
        %dma_start3A_95 = tpu.memref_squeeze %dma_start3A_94 : memref<1x640xf32, #tpu.memory_space<vmem_shared>> -> memref<640xf32, #tpu.memory_space<vmem_shared>>
        tpu.enqueue_dma source(%dma_start3A_95 : memref<640xf32, #tpu.memory_space<vmem_shared>>) target(%dma_start3A_93 : memref<640xf32, #tpu.memory_space<vmem>>) target_semaphore(%run_scoped3A_86 : memref<!tpu.dma_semaphore, #tpu.memory_space<semaphore_mem>>)
        %dma_wait3A = arith.constant 0 : i32
        %dma_wait3A_96 = tpu.memref_slice %arg8[%run_scoped3A_78, %dma_wait3A] : memref<16x640xf32, #tpu.memory_space<vmem>> -> memref<1x640xf32, #tpu.memory_space<vmem>>
        %dma_wait3A_97 = tpu.memref_squeeze %dma_wait3A_96 : memref<1x640xf32, #tpu.memory_space<vmem>> -> memref<640xf32, #tpu.memory_space<vmem>>
        %dma_wait3A_98 = tpu.memref_slice %arg5[%run_scoped3A_77, %mul3A_76] : memref<16x10240xf32, #tpu.memory_space<vmem_shared>> -> memref<1x640xf32, #tpu.memory_space<vmem_shared>>
        %dma_wait3A_99 = tpu.memref_squeeze %dma_wait3A_98 : memref<1x640xf32, #tpu.memory_space<vmem_shared>> -> memref<640xf32, #tpu.memory_space<vmem_shared>>
        %dma_wait3A_100 = arith.constant 0 : i32
        %dma_wait3A_101 = tpu.memref_slice %arg8[%run_scoped3A_78, %dma_wait3A_100] : memref<16x640xf32, #tpu.memory_space<vmem>> -> memref<1x640xf32, #tpu.memory_space<vmem>>
        %dma_wait3A_102 = tpu.memref_squeeze %dma_wait3A_101 : memref<1x640xf32, #tpu.memory_space<vmem>> -> memref<640xf32, #tpu.memory_space<vmem>>
        %dma_wait3A_103 = tpu.memref_slice %arg5[%run_scoped3A_77, %mul3A_76] : memref<16x10240xf32, #tpu.memory_space<vmem_shared>> -> memref<1x640xf32, #tpu.memory_space<vmem_shared>>
        %dma_wait3A_104 = tpu.memref_squeeze %dma_wait3A_103 : memref<1x640xf32, #tpu.memory_space<vmem_shared>> -> memref<640xf32, #tpu.memory_space<vmem_shared>>
        tpu.wait_dma2 semaphore(%run_scoped3A_86 : memref<!tpu.dma_semaphore, #tpu.memory_space<semaphore_mem>>) src(%dma_wait3A_104 : memref<640xf32, #tpu.memory_space<vmem_shared>>) dst(%dma_wait3A_102 : memref<640xf32, #tpu.memory_space<vmem>>)
        tpu.yield
      }) : () -> ()
      %scan3A_79 = arith.constant 0 : i32
      %scan3A_80 = arith.constant 40 : i32
      %scan3A_81 = arith.addi %scan3A_79, %scan3A_80 : i32
      %scan3A_82 = arith.constant 1 : i32
      scf.for %scan3A_86 = %scan3A_79 to %scan3A_81 step %scan3A_82  : i32 {
        %mul3A_87 = arith.constant 16 : i32
        %mul3A_88 = arith.muli %scan3A_86, %mul3A_87 : i32
        %add3A = arith.constant 0 : i32
        %add3A_89 = arith.addi %add3A, %mul3A_88 : i32
        %get3A = arith.constant 0 : i32
        %get3A_90 = arith.index_cast %get3A : i32 to index
        %get3A_91 = arith.index_cast %add3A_89 : i32 to index
        %get3A_92 = tpu.vector_load %arg8[%get3A_90, %get3A_91] {strides = array<i32>} : memref<16x640xf32, #tpu.memory_space<vmem>>, vector<16xf32>,
        %get3A_93 = arith.constant 1 : i32
        %get3A_94 = arith.index_cast %get3A_93 : i32 to index
        %get3A_95 = arith.index_cast %add3A_89 : i32 to index
        %get3A_96 = tpu.vector_load %arg8[%get3A_94, %get3A_95] {strides = array<i32>} : memref<16x640xf32, #tpu.memory_space<vmem>>, vector<16xf32>,
        %add3A_97 = arith.addf %get3A_92, %get3A_96 : vector<16xf32>
        %get3A_98 = arith.constant 2 : i32
        %get3A_99 = arith.index_cast %get3A_98 : i32 to index
        %get3A_100 = arith.index_cast %add3A_89 : i32 to index
        %get3A_101 = tpu.vector_load %arg8[%get3A_99, %get3A_100] {strides = array<i32>} : memref<16x640xf32, #tpu.memory_space<vmem>>, vector<16xf32>,
        %add3A_102 = arith.addf %add3A_97, %get3A_101 : vector<16xf32>
        %get3A_103 = arith.constant 3 : i32
        %get3A_104 = arith.index_cast %get3A_103 : i32 to index
        %get3A_105 = arith.index_cast %add3A_89 : i32 to index
        %get3A_106 = tpu.vector_load %arg8[%get3A_104, %get3A_105] {strides = array<i32>} : memref<16x640xf32, #tpu.memory_space<vmem>>, vector<16xf32>,
        %add3A_107 = arith.addf %add3A_102, %get3A_106 : vector<16xf32>
        %get3A_108 = arith.constant 4 : i32
        %get3A_109 = arith.index_cast %get3A_108 : i32 to index
        %get3A_110 = arith.index_cast %add3A_89 : i32 to index
        %get3A_111 = tpu.vector_load %arg8[%get3A_109, %get3A_110] {strides = array<i32>} : memref<16x640xf32, #tpu.memory_space<vmem>>, vector<16xf32>,
        %add3A_112 = arith.addf %add3A_107, %get3A_111 : vector<16xf32>
        %get3A_113 = arith.constant 5 : i32
        %get3A_114 = arith.index_cast %get3A_113 : i32 to index
        %get3A_115 = arith.index_cast %add3A_89 : i32 to index
        %get3A_116 = tpu.vector_load %arg8[%get3A_114, %get3A_115] {strides = array<i32>} : memref<16x640xf32, #tpu.memory_space<vmem>>, vector<16xf32>,
        %add3A_117 = arith.addf %add3A_112, %get3A_116 : vector<16xf32>
        %get3A_118 = arith.constant 6 : i32
        %get3A_119 = arith.index_cast %get3A_118 : i32 to index
        %get3A_120 = arith.index_cast %add3A_89 : i32 to index
        %get3A_121 = tpu.vector_load %arg8[%get3A_119, %get3A_120] {strides = array<i32>} : memref<16x640xf32, #tpu.memory_space<vmem>>, vector<16xf32>,
        %add3A_122 = arith.addf %add3A_117, %get3A_121 : vector<16xf32>
        %get3A_123 = arith.constant 7 : i32
        %get3A_124 = arith.index_cast %get3A_123 : i32 to index
        %get3A_125 = arith.index_cast %add3A_89 : i32 to index
        %get3A_126 = tpu.vector_load %arg8[%get3A_124, %get3A_125] {strides = array<i32>} : memref<16x640xf32, #tpu.memory_space<vmem>>, vector<16xf32>,
        %add3A_127 = arith.addf %add3A_122, %get3A_126 : vector<16xf32>
        %get3A_128 = arith.constant 8 : i32
        %get3A_129 = arith.index_cast %get3A_128 : i32 to index
        %get3A_130 = arith.index_cast %add3A_89 : i32 to index
        %get3A_131 = tpu.vector_load %arg8[%get3A_129, %get3A_130] {strides = array<i32>} : memref<16x640xf32, #tpu.memory_space<vmem>>, vector<16xf32>,
        %add3A_132 = arith.addf %add3A_127, %get3A_131 : vector<16xf32>
        %get3A_133 = arith.constant 9 : i32
        %get3A_134 = arith.index_cast %get3A_133 : i32 to index
        %get3A_135 = arith.index_cast %add3A_89 : i32 to index
        %get3A_136 = tpu.vector_load %arg8[%get3A_134, %get3A_135] {strides = array<i32>} : memref<16x640xf32, #tpu.memory_space<vmem>>, vector<16xf32>,
        %add3A_137 = arith.addf %add3A_132, %get3A_136 : vector<16xf32>
        %get3A_138 = arith.constant 10 : i32
        %get3A_139 = arith.index_cast %get3A_138 : i32 to index
        %get3A_140 = arith.index_cast %add3A_89 : i32 to index
        %get3A_141 = tpu.vector_load %arg8[%get3A_139, %get3A_140] {strides = array<i32>} : memref<16x640xf32, #tpu.memory_space<vmem>>, vector<16xf32>,
        %add3A_142 = arith.addf %add3A_137, %get3A_141 : vector<16xf32>
        %get3A_143 = arith.constant 11 : i32
        %get3A_144 = arith.index_cast %get3A_143 : i32 to index
        %get3A_145 = arith.index_cast %add3A_89 : i32 to index
        %get3A_146 = tpu.vector_load %arg8[%get3A_144, %get3A_145] {strides = array<i32>} : memref<16x640xf32, #tpu.memory_space<vmem>>, vector<16xf32>,
        %add3A_147 = arith.addf %add3A_142, %get3A_146 : vector<16xf32>
        %get3A_148 = arith.constant 12 : i32
        %get3A_149 = arith.index_cast %get3A_148 : i32 to index
        %get3A_150 = arith.index_cast %add3A_89 : i32 to index
        %get3A_151 = tpu.vector_load %arg8[%get3A_149, %get3A_150] {strides = array<i32>} : memref<16x640xf32, #tpu.memory_space<vmem>>, vector<16xf32>,
        %add3A_152 = arith.addf %add3A_147, %get3A_151 : vector<16xf32>
        %get3A_153 = arith.constant 13 : i32
        %get3A_154 = arith.index_cast %get3A_153 : i32 to index
        %get3A_155 = arith.index_cast %add3A_89 : i32 to index
        %get3A_156 = tpu.vector_load %arg8[%get3A_154, %get3A_155] {strides = array<i32>} : memref<16x640xf32, #tpu.memory_space<vmem>>, vector<16xf32>,
        %add3A_157 = arith.addf %add3A_152, %get3A_156 : vector<16xf32>
        %get3A_158 = arith.constant 14 : i32
        %get3A_159 = arith.index_cast %get3A_158 : i32 to index
        %get3A_160 = arith.index_cast %add3A_89 : i32 to index
        %get3A_161 = tpu.vector_load %arg8[%get3A_159, %get3A_160] {strides = array<i32>} : memref<16x640xf32, #tpu.memory_space<vmem>>, vector<16xf32>,
        %add3A_162 = arith.addf %add3A_157, %get3A_161 : vector<16xf32>
        %get3A_163 = arith.constant 15 : i32
        %get3A_164 = arith.index_cast %get3A_163 : i32 to index
        %get3A_165 = arith.index_cast %add3A_89 : i32 to index
        %get3A_166 = tpu.vector_load %arg8[%get3A_164, %get3A_165] {strides = array<i32>} : memref<16x640xf32, #tpu.memory_space<vmem>>, vector<16xf32>,
        %add3A_167 = arith.addf %add3A_162, %get3A_166 : vector<16xf32>
        %swap3A = arith.index_cast %add3A_89 : i32 to index
        %swap3A_168 = tpu.vector_load %arg9[%swap3A] {strides = array<i32>} : memref<640xf32, #tpu.memory_space<vmem>>, vector<16xf32>,
        tpu.vector_store %arg9[%swap3A], %add3A_167 {strides = array<i32>} : memref<640xf32, #tpu.memory_space<vmem>>, vector<16xf32>,
      }
      %scan3A_83 = arith.constant 40 : i32
      %mul3A_84 = arith.constant 640 : i32
      %mul3A_85 = arith.muli %arg1, %mul3A_84 : i32
      "tpu.region"() ({
        %run_scoped3A_86 = tpu.sem_alloc : memref<!tpu.dma_semaphore, #tpu.memory_space<semaphore_mem>>
        %dma_start3A = tpu.memref_slice %arg3[%mul3A_85] : memref<10240xf32, #tpu.memory_space<hbm>> -> memref<640xf32, #tpu.memory_space<hbm>>
        %dma_start3A_87 = tpu.memref_slice %arg3[%mul3A_85] : memref<10240xf32, #tpu.memory_space<hbm>> -> memref<640xf32, #tpu.memory_space<hbm>>
        tpu.enqueue_dma source(%arg9 : memref<640xf32, #tpu.memory_space<vmem>>) target(%dma_start3A_87 : memref<640xf32, #tpu.memory_space<hbm>>) target_semaphore(%run_scoped3A_86 : memref<!tpu.dma_semaphore, #tpu.memory_space<semaphore_mem>>)
        %dma_wait3A = tpu.memref_slice %arg3[%mul3A_85] : memref<10240xf32, #tpu.memory_space<hbm>> -> memref<640xf32, #tpu.memory_space<hbm>>
        %dma_wait3A_88 = tpu.memref_slice %arg3[%mul3A_85] : memref<10240xf32, #tpu.memory_space<hbm>> -> memref<640xf32, #tpu.memory_space<hbm>>
        tpu.wait_dma2 semaphore(%run_scoped3A_86 : memref<!tpu.dma_semaphore, #tpu.memory_space<semaphore_mem>>) src(%arg9 : memref<640xf32, #tpu.memory_space<vmem>>) dst(%dma_wait3A_88 : memref<640xf32, #tpu.memory_space<hbm>>)
        tpu.yield
      }) : () -> ()
    } else {
    }
    %eq3A_6 = arith.constant 1 : i32
    %eq3A_7 = arith.cmpi eq, %arg0, %eq3A_6 : i32
    %convert_element_type3A_8 = arith.extui %eq3A_7 : i1 to i32
    %cond3A_9 = arith.constant 0 : i32
    %cond3A_10 = arith.cmpi ne, %convert_element_type3A_8, %cond3A_9 : i32
    scf.if %cond3A_10 {
      %broadcast_in_dim3A = arith.constant 1.000000e+00 : f32
      %broadcast_in_dim3A_11 = vector.broadcast %broadcast_in_dim3A : f32 to vector<16xf32>
      %scan3A_12 = arith.constant 0 : i32
      %scan3A_13 = arith.constant 5 : i32
      %scan3A_14 = arith.addi %scan3A_12, %scan3A_13 : i32
      %scan3A_15 = arith.constant 1 : i32
      scf.for %scan3A_86 = %scan3A_12 to %scan3A_14 step %scan3A_15  : i32 {
        %mul3A_87 = arith.constant 1 : i32
        %mul3A_88 = arith.muli %scan3A_86, %mul3A_87 : i32
        %add3A = arith.constant 0 : i32
        %add3A_89 = arith.addi %add3A, %mul3A_88 : i32
        %mul3A_90 = arith.constant 5 : i32
        %mul3A_91 = arith.muli %arg1, %mul3A_90 : i32
        %add3A_92 = arith.addi %mul3A_91, %add3A_89 : i32
        %run_scoped3A_93 = arith.constant 1 : i32
        "tpu.region"() ({
          %run_scoped3A_99 = tpu.sem_alloc : memref<!tpu.dma_semaphore, #tpu.memory_space<semaphore_mem>>
          %dma_start3A = arith.constant 0 : i32
          %dma_start3A_100 = arith.constant 0 : i32
          %dma_start3A_101 = tpu.memref_slice %arg2[%run_scoped3A_93, %add3A_92, %dma_start3A, %dma_start3A_100] : memref<2x80x25x80xi32, #tpu.memory_space<hbm>> -> memref<1x1x25x80xi32, #tpu.memory_space<hbm>>
          %dma_start3A_102 = tpu.memref_squeeze %dma_start3A_101 : memref<1x1x25x80xi32, #tpu.memory_space<hbm>> -> memref<25x80xi32, #tpu.memory_space<hbm>>
          %dma_start3A_103 = arith.constant 0 : i32
          %dma_start3A_104 = arith.constant 0 : i32
          %dma_start3A_105 = tpu.memref_slice %arg2[%run_scoped3A_93, %add3A_92, %dma_start3A_103, %dma_start3A_104] : memref<2x80x25x80xi32, #tpu.memory_space<hbm>> -> memref<1x1x25x80xi32, #tpu.memory_space<hbm>>
          %dma_start3A_106 = tpu.memref_squeeze %dma_start3A_105 : memref<1x1x25x80xi32, #tpu.memory_space<hbm>> -> memref<25x80xi32, #tpu.memory_space<hbm>>
          tpu.enqueue_dma source(%dma_start3A_106 : memref<25x80xi32, #tpu.memory_space<hbm>>) target(%arg6 : memref<25x80xi32, #tpu.memory_space<vmem>>) target_semaphore(%run_scoped3A_99 : memref<!tpu.dma_semaphore, #tpu.memory_space<semaphore_mem>>)
          %dma_wait3A = arith.constant 0 : i32
          %dma_wait3A_107 = arith.constant 0 : i32
          %dma_wait3A_108 = tpu.memref_slice %arg2[%run_scoped3A_93, %add3A_92, %dma_wait3A, %dma_wait3A_107] : memref<2x80x25x80xi32, #tpu.memory_space<hbm>> -> memref<1x1x25x80xi32, #tpu.memory_space<hbm>>
          %dma_wait3A_109 = tpu.memref_squeeze %dma_wait3A_108 : memref<1x1x25x80xi32, #tpu.memory_space<hbm>> -> memref<25x80xi32, #tpu.memory_space<hbm>>
          %dma_wait3A_110 = arith.constant 0 : i32
          %dma_wait3A_111 = arith.constant 0 : i32
          %dma_wait3A_112 = tpu.memref_slice %arg2[%run_scoped3A_93, %add3A_92, %dma_wait3A_110, %dma_wait3A_111] : memref<2x80x25x80xi32, #tpu.memory_space<hbm>> -> memref<1x1x25x80xi32, #tpu.memory_space<hbm>>
          %dma_wait3A_113 = tpu.memref_squeeze %dma_wait3A_112 : memref<1x1x25x80xi32, #tpu.memory_space<hbm>> -> memref<25x80xi32, #tpu.memory_space<hbm>>
          tpu.wait_dma2 semaphore(%run_scoped3A_99 : memref<!tpu.dma_semaphore, #tpu.memory_space<semaphore_mem>>) src(%dma_wait3A_113 : memref<25x80xi32, #tpu.memory_space<hbm>>) dst(%arg6 : memref<25x80xi32, #tpu.memory_space<vmem>>)
          tpu.yield
        }) : () -> ()
        %scan3A_94 = arith.constant 0 : i32
        %scan3A_95 = arith.constant 25 : i32
        %scan3A_96 = arith.addi %scan3A_94, %scan3A_95 : i32
        %scan3A_97 = arith.constant 1 : i32
        scf.for %scan3A_99 = %scan3A_94 to %scan3A_96 step %scan3A_97  : i32 {
          %mul3A_100 = arith.constant 1 : i32
          %mul3A_101 = arith.muli %scan3A_99, %mul3A_100 : i32
          %add3A_102 = arith.constant 0 : i32
          %add3A_103 = arith.addi %add3A_102, %mul3A_101 : i32
          %scan3A_104 = arith.constant 0 : i32
          %scan3A_105 = arith.constant 5 : i32
          %scan3A_106 = arith.addi %scan3A_104, %scan3A_105 : i32
          %scan3A_107 = arith.constant 1 : i32
          scf.for %scan3A_109 = %scan3A_104 to %scan3A_106 step %scan3A_107  : i32 {
            %mul3A_110 = arith.constant 16 : i32
            %mul3A_111 = arith.muli %scan3A_109, %mul3A_110 : i32
            %add3A_112 = arith.constant 0 : i32
            %add3A_113 = arith.addi %add3A_112, %mul3A_111 : i32
            %get3A = arith.index_cast %add3A_103 : i32 to index
            %get3A_114 = arith.index_cast %add3A_113 : i32 to index
            %get3A_115 = tpu.vector_load %arg6[%get3A, %get3A_114] {strides = array<i32>} : memref<25x80xi32, #tpu.memory_space<vmem>>, vector<16xi32>,
            tpu.vector_store_idx %arg7[%get3A_115], %broadcast_in_dim3A_11 {add = true} : memref<10240xf32, #tpu.memory_space<vmem>>[vector<16xi32>], vector<16xf32>,
          }
          %scan3A_108 = arith.constant 5 : i32
        }
        %scan3A_98 = arith.constant 25 : i32
      }
      %scan3A_16 = arith.constant 5 : i32
      "tpu.region"() ({
        %run_scoped3A_86 = tpu.sem_alloc : memref<!tpu.dma_semaphore, #tpu.memory_space<semaphore_mem>>
        %dma_start3A = arith.constant 0 : i32
        %dma_start3A_87 = tpu.memref_slice %arg5[%arg1, %dma_start3A] : memref<16x10240xf32, #tpu.memory_space<vmem_shared>> -> memref<1x10240xf32, #tpu.memory_space<vmem_shared>>
        %dma_start3A_88 = tpu.memref_squeeze %dma_start3A_87 : memref<1x10240xf32, #tpu.memory_space<vmem_shared>> -> memref<10240xf32, #tpu.memory_space<vmem_shared>>
        %dma_start3A_89 = arith.constant 0 : i32
        %dma_start3A_90 = tpu.memref_slice %arg5[%arg1, %dma_start3A_89] : memref<16x10240xf32, #tpu.memory_space<vmem_shared>> -> memref<1x10240xf32, #tpu.memory_space<vmem_shared>>
        %dma_start3A_91 = tpu.memref_squeeze %dma_start3A_90 : memref<1x10240xf32, #tpu.memory_space<vmem_shared>> -> memref<10240xf32, #tpu.memory_space<vmem_shared>>
        tpu.enqueue_dma source(%arg7 : memref<10240xf32, #tpu.memory_space<vmem>>) target(%dma_start3A_91 : memref<10240xf32, #tpu.memory_space<vmem_shared>>) target_semaphore(%run_scoped3A_86 : memref<!tpu.dma_semaphore, #tpu.memory_space<semaphore_mem>>)
        %dma_wait3A = arith.constant 0 : i32
        %dma_wait3A_92 = tpu.memref_slice %arg5[%arg1, %dma_wait3A] : memref<16x10240xf32, #tpu.memory_space<vmem_shared>> -> memref<1x10240xf32, #tpu.memory_space<vmem_shared>>
        %dma_wait3A_93 = tpu.memref_squeeze %dma_wait3A_92 : memref<1x10240xf32, #tpu.memory_space<vmem_shared>> -> memref<10240xf32, #tpu.memory_space<vmem_shared>>
        %dma_wait3A_94 = arith.constant 0 : i32
        %dma_wait3A_95 = tpu.memref_slice %arg5[%arg1, %dma_wait3A_94] : memref<16x10240xf32, #tpu.memory_space<vmem_shared>> -> memref<1x10240xf32, #tpu.memory_space<vmem_shared>>
        %dma_wait3A_96 = tpu.memref_squeeze %dma_wait3A_95 : memref<1x10240xf32, #tpu.memory_space<vmem_shared>> -> memref<10240xf32, #tpu.memory_space<vmem_shared>>
        tpu.wait_dma2 semaphore(%run_scoped3A_86 : memref<!tpu.dma_semaphore, #tpu.memory_space<semaphore_mem>>) src(%arg7 : memref<10240xf32, #tpu.memory_space<vmem>>) dst(%dma_wait3A_96 : memref<10240xf32, #tpu.memory_space<vmem_shared>>)
        tpu.yield
      }) : () -> ()
      %barrier3A = arith.constant 0 : index
      tpu.barrier barrier_id(%barrier3A)
      %mul3A = arith.constant 640 : i32
      %mul3A_17 = arith.muli %arg1, %mul3A : i32
      %run_scoped3A = arith.constant 0 : i32
      %run_scoped3A_18 = arith.constant 0 : i32
      "tpu.region"() ({
        %run_scoped3A_86 = tpu.sem_alloc : memref<!tpu.dma_semaphore, #tpu.memory_space<semaphore_mem>>
        %dma_start3A = arith.constant 0 : i32
        %dma_start3A_87 = tpu.memref_slice %arg8[%run_scoped3A_18, %dma_start3A] : memref<16x640xf32, #tpu.memory_space<vmem>> -> memref<1x640xf32, #tpu.memory_space<vmem>>
        %dma_start3A_88 = tpu.memref_squeeze %dma_start3A_87 : memref<1x640xf32, #tpu.memory_space<vmem>> -> memref<640xf32, #tpu.memory_space<vmem>>
        %dma_start3A_89 = tpu.memref_slice %arg5[%run_scoped3A, %mul3A_17] : memref<16x10240xf32, #tpu.memory_space<vmem_shared>> -> memref<1x640xf32, #tpu.memory_space<vmem_shared>>
        %dma_start3A_90 = tpu.memref_squeeze %dma_start3A_89 : memref<1x640xf32, #tpu.memory_space<vmem_shared>> -> memref<640xf32, #tpu.memory_space<vmem_shared>>
        %dma_start3A_91 = arith.constant 0 : i32
        %dma_start3A_92 = tpu.memref_slice %arg8[%run_scoped3A_18, %dma_start3A_91] : memref<16x640xf32, #tpu.memory_space<vmem>> -> memref<1x640xf32, #tpu.memory_space<vmem>>
        %dma_start3A_93 = tpu.memref_squeeze %dma_start3A_92 : memref<1x640xf32, #tpu.memory_space<vmem>> -> memref<640xf32, #tpu.memory_space<vmem>>
        %dma_start3A_94 = tpu.memref_slice %arg5[%run_scoped3A, %mul3A_17] : memref<16x10240xf32, #tpu.memory_space<vmem_shared>> -> memref<1x640xf32, #tpu.memory_space<vmem_shared>>
        %dma_start3A_95 = tpu.memref_squeeze %dma_start3A_94 : memref<1x640xf32, #tpu.memory_space<vmem_shared>> -> memref<640xf32, #tpu.memory_space<vmem_shared>>
        tpu.enqueue_dma source(%dma_start3A_95 : memref<640xf32, #tpu.memory_space<vmem_shared>>) target(%dma_start3A_93 : memref<640xf32, #tpu.memory_space<vmem>>) target_semaphore(%run_scoped3A_86 : memref<!tpu.dma_semaphore, #tpu.memory_space<semaphore_mem>>)
        %dma_wait3A = arith.constant 0 : i32
        %dma_wait3A_96 = tpu.memref_slice %arg8[%run_scoped3A_18, %dma_wait3A] : memref<16x640xf32, #tpu.memory_space<vmem>> -> memref<1x640xf32, #tpu.memory_space<vmem>>
        %dma_wait3A_97 = tpu.memref_squeeze %dma_wait3A_96 : memref<1x640xf32, #tpu.memory_space<vmem>> -> memref<640xf32, #tpu.memory_space<vmem>>
        %dma_wait3A_98 = tpu.memref_slice %arg5[%run_scoped3A, %mul3A_17] : memref<16x10240xf32, #tpu.memory_space<vmem_shared>> -> memref<1x640xf32, #tpu.memory_space<vmem_shared>>
        %dma_wait3A_99 = tpu.memref_squeeze %dma_wait3A_98 : memref<1x640xf32, #tpu.memory_space<vmem_shared>> -> memref<640xf32, #tpu.memory_space<vmem_shared>>
        %dma_wait3A_100 = arith.constant 0 : i32
        %dma_wait3A_101 = tpu.memref_slice %arg8[%run_scoped3A_18, %dma_wait3A_100] : memref<16x640xf32, #tpu.memory_space<vmem>> -> memref<1x640xf32, #tpu.memory_space<vmem>>
        %dma_wait3A_102 = tpu.memref_squeeze %dma_wait3A_101 : memref<1x640xf32, #tpu.memory_space<vmem>> -> memref<640xf32, #tpu.memory_space<vmem>>
        %dma_wait3A_103 = tpu.memref_slice %arg5[%run_scoped3A, %mul3A_17] : memref<16x10240xf32, #tpu.memory_space<vmem_shared>> -> memref<1x640xf32, #tpu.memory_space<vmem_shared>>
        %dma_wait3A_104 = tpu.memref_squeeze %dma_wait3A_103 : memref<1x640xf32, #tpu.memory_space<vmem_shared>> -> memref<640xf32, #tpu.memory_space<vmem_shared>>
        tpu.wait_dma2 semaphore(%run_scoped3A_86 : memref<!tpu.dma_semaphore, #tpu.memory_space<semaphore_mem>>) src(%dma_wait3A_104 : memref<640xf32, #tpu.memory_space<vmem_shared>>) dst(%dma_wait3A_102 : memref<640xf32, #tpu.memory_space<vmem>>)
        tpu.yield
      }) : () -> ()
      %mul3A_19 = arith.constant 640 : i32
      %mul3A_20 = arith.muli %arg1, %mul3A_19 : i32
      %run_scoped3A_21 = arith.constant 1 : i32
      %run_scoped3A_22 = arith.constant 1 : i32
      "tpu.region"() ({
        %run_scoped3A_86 = tpu.sem_alloc : memref<!tpu.dma_semaphore, #tpu.memory_space<semaphore_mem>>
        %dma_start3A = arith.constant 0 : i32
        %dma_start3A_87 = tpu.memref_slice %arg8[%run_scoped3A_22, %dma_start3A] : memref<16x640xf32, #tpu.memory_space<vmem>> -> memref<1x640xf32, #tpu.memory_space<vmem>>
        %dma_start3A_88 = tpu.memref_squeeze %dma_start3A_87 : memref<1x640xf32, #tpu.memory_space<vmem>> -> memref<640xf32, #tpu.memory_space<vmem>>
        %dma_start3A_89 = tpu.memref_slice %arg5[%run_scoped3A_21, %mul3A_20] : memref<16x10240xf32, #tpu.memory_space<vmem_shared>> -> memref<1x640xf32, #tpu.memory_space<vmem_shared>>
        %dma_start3A_90 = tpu.memref_squeeze %dma_start3A_89 : memref<1x640xf32, #tpu.memory_space<vmem_shared>> -> memref<640xf32, #tpu.memory_space<vmem_shared>>
        %dma_start3A_91 = arith.constant 0 : i32
        %dma_start3A_92 = tpu.memref_slice %arg8[%run_scoped3A_22, %dma_start3A_91] : memref<16x640xf32, #tpu.memory_space<vmem>> -> memref<1x640xf32, #tpu.memory_space<vmem>>
        %dma_start3A_93 = tpu.memref_squeeze %dma_start3A_92 : memref<1x640xf32, #tpu.memory_space<vmem>> -> memref<640xf32, #tpu.memory_space<vmem>>
        %dma_start3A_94 = tpu.memref_slice %arg5[%run_scoped3A_21, %mul3A_20] : memref<16x10240xf32, #tpu.memory_space<vmem_shared>> -> memref<1x640xf32, #tpu.memory_space<vmem_shared>>
        %dma_start3A_95 = tpu.memref_squeeze %dma_start3A_94 : memref<1x640xf32, #tpu.memory_space<vmem_shared>> -> memref<640xf32, #tpu.memory_space<vmem_shared>>
        tpu.enqueue_dma source(%dma_start3A_95 : memref<640xf32, #tpu.memory_space<vmem_shared>>) target(%dma_start3A_93 : memref<640xf32, #tpu.memory_space<vmem>>) target_semaphore(%run_scoped3A_86 : memref<!tpu.dma_semaphore, #tpu.memory_space<semaphore_mem>>)
        %dma_wait3A = arith.constant 0 : i32
        %dma_wait3A_96 = tpu.memref_slice %arg8[%run_scoped3A_22, %dma_wait3A] : memref<16x640xf32, #tpu.memory_space<vmem>> -> memref<1x640xf32, #tpu.memory_space<vmem>>
        %dma_wait3A_97 = tpu.memref_squeeze %dma_wait3A_96 : memref<1x640xf32, #tpu.memory_space<vmem>> -> memref<640xf32, #tpu.memory_space<vmem>>
        %dma_wait3A_98 = tpu.memref_slice %arg5[%run_scoped3A_21, %mul3A_20] : memref<16x10240xf32, #tpu.memory_space<vmem_shared>> -> memref<1x640xf32, #tpu.memory_space<vmem_shared>>
        %dma_wait3A_99 = tpu.memref_squeeze %dma_wait3A_98 : memref<1x640xf32, #tpu.memory_space<vmem_shared>> -> memref<640xf32, #tpu.memory_space<vmem_shared>>
        %dma_wait3A_100 = arith.constant 0 : i32
        %dma_wait3A_101 = tpu.memref_slice %arg8[%run_scoped3A_22, %dma_wait3A_100] : memref<16x640xf32, #tpu.memory_space<vmem>> -> memref<1x640xf32, #tpu.memory_space<vmem>>
        %dma_wait3A_102 = tpu.memref_squeeze %dma_wait3A_101 : memref<1x640xf32, #tpu.memory_space<vmem>> -> memref<640xf32, #tpu.memory_space<vmem>>
        %dma_wait3A_103 = tpu.memref_slice %arg5[%run_scoped3A_21, %mul3A_20] : memref<16x10240xf32, #tpu.memory_space<vmem_shared>> -> memref<1x640xf32, #tpu.memory_space<vmem_shared>>
        %dma_wait3A_104 = tpu.memref_squeeze %dma_wait3A_103 : memref<1x640xf32, #tpu.memory_space<vmem_shared>> -> memref<640xf32, #tpu.memory_space<vmem_shared>>
        tpu.wait_dma2 semaphore(%run_scoped3A_86 : memref<!tpu.dma_semaphore, #tpu.memory_space<semaphore_mem>>) src(%dma_wait3A_104 : memref<640xf32, #tpu.memory_space<vmem_shared>>) dst(%dma_wait3A_102 : memref<640xf32, #tpu.memory_space<vmem>>)
        tpu.yield
      }) : () -> ()
      %mul3A_23 = arith.constant 640 : i32
      %mul3A_24 = arith.muli %arg1, %mul3A_23 : i32
      %run_scoped3A_25 = arith.constant 2 : i32
      %run_scoped3A_26 = arith.constant 2 : i32
      "tpu.region"() ({
        %run_scoped3A_86 = tpu.sem_alloc : memref<!tpu.dma_semaphore, #tpu.memory_space<semaphore_mem>>
        %dma_start3A = arith.constant 0 : i32
        %dma_start3A_87 = tpu.memref_slice %arg8[%run_scoped3A_26, %dma_start3A] : memref<16x640xf32, #tpu.memory_space<vmem>> -> memref<1x640xf32, #tpu.memory_space<vmem>>
        %dma_start3A_88 = tpu.memref_squeeze %dma_start3A_87 : memref<1x640xf32, #tpu.memory_space<vmem>> -> memref<640xf32, #tpu.memory_space<vmem>>
        %dma_start3A_89 = tpu.memref_slice %arg5[%run_scoped3A_25, %mul3A_24] : memref<16x10240xf32, #tpu.memory_space<vmem_shared>> -> memref<1x640xf32, #tpu.memory_space<vmem_shared>>
        %dma_start3A_90 = tpu.memref_squeeze %dma_start3A_89 : memref<1x640xf32, #tpu.memory_space<vmem_shared>> -> memref<640xf32, #tpu.memory_space<vmem_shared>>
        %dma_start3A_91 = arith.constant 0 : i32
        %dma_start3A_92 = tpu.memref_slice %arg8[%run_scoped3A_26, %dma_start3A_91] : memref<16x640xf32, #tpu.memory_space<vmem>> -> memref<1x640xf32, #tpu.memory_space<vmem>>
        %dma_start3A_93 = tpu.memref_squeeze %dma_start3A_92 : memref<1x640xf32, #tpu.memory_space<vmem>> -> memref<640xf32, #tpu.memory_space<vmem>>
        %dma_start3A_94 = tpu.memref_slice %arg5[%run_scoped3A_25, %mul3A_24] : memref<16x10240xf32, #tpu.memory_space<vmem_shared>> -> memref<1x640xf32, #tpu.memory_space<vmem_shared>>
        %dma_start3A_95 = tpu.memref_squeeze %dma_start3A_94 : memref<1x640xf32, #tpu.memory_space<vmem_shared>> -> memref<640xf32, #tpu.memory_space<vmem_shared>>
        tpu.enqueue_dma source(%dma_start3A_95 : memref<640xf32, #tpu.memory_space<vmem_shared>>) target(%dma_start3A_93 : memref<640xf32, #tpu.memory_space<vmem>>) target_semaphore(%run_scoped3A_86 : memref<!tpu.dma_semaphore, #tpu.memory_space<semaphore_mem>>)
        %dma_wait3A = arith.constant 0 : i32
        %dma_wait3A_96 = tpu.memref_slice %arg8[%run_scoped3A_26, %dma_wait3A] : memref<16x640xf32, #tpu.memory_space<vmem>> -> memref<1x640xf32, #tpu.memory_space<vmem>>
        %dma_wait3A_97 = tpu.memref_squeeze %dma_wait3A_96 : memref<1x640xf32, #tpu.memory_space<vmem>> -> memref<640xf32, #tpu.memory_space<vmem>>
        %dma_wait3A_98 = tpu.memref_slice %arg5[%run_scoped3A_25, %mul3A_24] : memref<16x10240xf32, #tpu.memory_space<vmem_shared>> -> memref<1x640xf32, #tpu.memory_space<vmem_shared>>
        %dma_wait3A_99 = tpu.memref_squeeze %dma_wait3A_98 : memref<1x640xf32, #tpu.memory_space<vmem_shared>> -> memref<640xf32, #tpu.memory_space<vmem_shared>>
        %dma_wait3A_100 = arith.constant 0 : i32
        %dma_wait3A_101 = tpu.memref_slice %arg8[%run_scoped3A_26, %dma_wait3A_100] : memref<16x640xf32, #tpu.memory_space<vmem>> -> memref<1x640xf32, #tpu.memory_space<vmem>>
        %dma_wait3A_102 = tpu.memref_squeeze %dma_wait3A_101 : memref<1x640xf32, #tpu.memory_space<vmem>> -> memref<640xf32, #tpu.memory_space<vmem>>
        %dma_wait3A_103 = tpu.memref_slice %arg5[%run_scoped3A_25, %mul3A_24] : memref<16x10240xf32, #tpu.memory_space<vmem_shared>> -> memref<1x640xf32, #tpu.memory_space<vmem_shared>>
        %dma_wait3A_104 = tpu.memref_squeeze %dma_wait3A_103 : memref<1x640xf32, #tpu.memory_space<vmem_shared>> -> memref<640xf32, #tpu.memory_space<vmem_shared>>
        tpu.wait_dma2 semaphore(%run_scoped3A_86 : memref<!tpu.dma_semaphore, #tpu.memory_space<semaphore_mem>>) src(%dma_wait3A_104 : memref<640xf32, #tpu.memory_space<vmem_shared>>) dst(%dma_wait3A_102 : memref<640xf32, #tpu.memory_space<vmem>>)
        tpu.yield
      }) : () -> ()
      %mul3A_27 = arith.constant 640 : i32
      %mul3A_28 = arith.muli %arg1, %mul3A_27 : i32
      %run_scoped3A_29 = arith.constant 3 : i32
      %run_scoped3A_30 = arith.constant 3 : i32
      "tpu.region"() ({
        %run_scoped3A_86 = tpu.sem_alloc : memref<!tpu.dma_semaphore, #tpu.memory_space<semaphore_mem>>
        %dma_start3A = arith.constant 0 : i32
        %dma_start3A_87 = tpu.memref_slice %arg8[%run_scoped3A_30, %dma_start3A] : memref<16x640xf32, #tpu.memory_space<vmem>> -> memref<1x640xf32, #tpu.memory_space<vmem>>
        %dma_start3A_88 = tpu.memref_squeeze %dma_start3A_87 : memref<1x640xf32, #tpu.memory_space<vmem>> -> memref<640xf32, #tpu.memory_space<vmem>>
        %dma_start3A_89 = tpu.memref_slice %arg5[%run_scoped3A_29, %mul3A_28] : memref<16x10240xf32, #tpu.memory_space<vmem_shared>> -> memref<1x640xf32, #tpu.memory_space<vmem_shared>>
        %dma_start3A_90 = tpu.memref_squeeze %dma_start3A_89 : memref<1x640xf32, #tpu.memory_space<vmem_shared>> -> memref<640xf32, #tpu.memory_space<vmem_shared>>
        %dma_start3A_91 = arith.constant 0 : i32
        %dma_start3A_92 = tpu.memref_slice %arg8[%run_scoped3A_30, %dma_start3A_91] : memref<16x640xf32, #tpu.memory_space<vmem>> -> memref<1x640xf32, #tpu.memory_space<vmem>>
        %dma_start3A_93 = tpu.memref_squeeze %dma_start3A_92 : memref<1x640xf32, #tpu.memory_space<vmem>> -> memref<640xf32, #tpu.memory_space<vmem>>
        %dma_start3A_94 = tpu.memref_slice %arg5[%run_scoped3A_29, %mul3A_28] : memref<16x10240xf32, #tpu.memory_space<vmem_shared>> -> memref<1x640xf32, #tpu.memory_space<vmem_shared>>
        %dma_start3A_95 = tpu.memref_squeeze %dma_start3A_94 : memref<1x640xf32, #tpu.memory_space<vmem_shared>> -> memref<640xf32, #tpu.memory_space<vmem_shared>>
        tpu.enqueue_dma source(%dma_start3A_95 : memref<640xf32, #tpu.memory_space<vmem_shared>>) target(%dma_start3A_93 : memref<640xf32, #tpu.memory_space<vmem>>) target_semaphore(%run_scoped3A_86 : memref<!tpu.dma_semaphore, #tpu.memory_space<semaphore_mem>>)
        %dma_wait3A = arith.constant 0 : i32
        %dma_wait3A_96 = tpu.memref_slice %arg8[%run_scoped3A_30, %dma_wait3A] : memref<16x640xf32, #tpu.memory_space<vmem>> -> memref<1x640xf32, #tpu.memory_space<vmem>>
        %dma_wait3A_97 = tpu.memref_squeeze %dma_wait3A_96 : memref<1x640xf32, #tpu.memory_space<vmem>> -> memref<640xf32, #tpu.memory_space<vmem>>
        %dma_wait3A_98 = tpu.memref_slice %arg5[%run_scoped3A_29, %mul3A_28] : memref<16x10240xf32, #tpu.memory_space<vmem_shared>> -> memref<1x640xf32, #tpu.memory_space<vmem_shared>>
        %dma_wait3A_99 = tpu.memref_squeeze %dma_wait3A_98 : memref<1x640xf32, #tpu.memory_space<vmem_shared>> -> memref<640xf32, #tpu.memory_space<vmem_shared>>
        %dma_wait3A_100 = arith.constant 0 : i32
        %dma_wait3A_101 = tpu.memref_slice %arg8[%run_scoped3A_30, %dma_wait3A_100] : memref<16x640xf32, #tpu.memory_space<vmem>> -> memref<1x640xf32, #tpu.memory_space<vmem>>
        %dma_wait3A_102 = tpu.memref_squeeze %dma_wait3A_101 : memref<1x640xf32, #tpu.memory_space<vmem>> -> memref<640xf32, #tpu.memory_space<vmem>>
        %dma_wait3A_103 = tpu.memref_slice %arg5[%run_scoped3A_29, %mul3A_28] : memref<16x10240xf32, #tpu.memory_space<vmem_shared>> -> memref<1x640xf32, #tpu.memory_space<vmem_shared>>
        %dma_wait3A_104 = tpu.memref_squeeze %dma_wait3A_103 : memref<1x640xf32, #tpu.memory_space<vmem_shared>> -> memref<640xf32, #tpu.memory_space<vmem_shared>>
        tpu.wait_dma2 semaphore(%run_scoped3A_86 : memref<!tpu.dma_semaphore, #tpu.memory_space<semaphore_mem>>) src(%dma_wait3A_104 : memref<640xf32, #tpu.memory_space<vmem_shared>>) dst(%dma_wait3A_102 : memref<640xf32, #tpu.memory_space<vmem>>)
        tpu.yield
      }) : () -> ()
      %mul3A_31 = arith.constant 640 : i32
      %mul3A_32 = arith.muli %arg1, %mul3A_31 : i32
      %run_scoped3A_33 = arith.constant 4 : i32
      %run_scoped3A_34 = arith.constant 4 : i32
      "tpu.region"() ({
        %run_scoped3A_86 = tpu.sem_alloc : memref<!tpu.dma_semaphore, #tpu.memory_space<semaphore_mem>>
        %dma_start3A = arith.constant 0 : i32
        %dma_start3A_87 = tpu.memref_slice %arg8[%run_scoped3A_34, %dma_start3A] : memref<16x640xf32, #tpu.memory_space<vmem>> -> memref<1x640xf32, #tpu.memory_space<vmem>>
        %dma_start3A_88 = tpu.memref_squeeze %dma_start3A_87 : memref<1x640xf32, #tpu.memory_space<vmem>> -> memref<640xf32, #tpu.memory_space<vmem>>
        %dma_start3A_89 = tpu.memref_slice %arg5[%run_scoped3A_33, %mul3A_32] : memref<16x10240xf32, #tpu.memory_space<vmem_shared>> -> memref<1x640xf32, #tpu.memory_space<vmem_shared>>
        %dma_start3A_90 = tpu.memref_squeeze %dma_start3A_89 : memref<1x640xf32, #tpu.memory_space<vmem_shared>> -> memref<640xf32, #tpu.memory_space<vmem_shared>>
        %dma_start3A_91 = arith.constant 0 : i32
        %dma_start3A_92 = tpu.memref_slice %arg8[%run_scoped3A_34, %dma_start3A_91] : memref<16x640xf32, #tpu.memory_space<vmem>> -> memref<1x640xf32, #tpu.memory_space<vmem>>
        %dma_start3A_93 = tpu.memref_squeeze %dma_start3A_92 : memref<1x640xf32, #tpu.memory_space<vmem>> -> memref<640xf32, #tpu.memory_space<vmem>>
        %dma_start3A_94 = tpu.memref_slice %arg5[%run_scoped3A_33, %mul3A_32] : memref<16x10240xf32, #tpu.memory_space<vmem_shared>> -> memref<1x640xf32, #tpu.memory_space<vmem_shared>>
        %dma_start3A_95 = tpu.memref_squeeze %dma_start3A_94 : memref<1x640xf32, #tpu.memory_space<vmem_shared>> -> memref<640xf32, #tpu.memory_space<vmem_shared>>
        tpu.enqueue_dma source(%dma_start3A_95 : memref<640xf32, #tpu.memory_space<vmem_shared>>) target(%dma_start3A_93 : memref<640xf32, #tpu.memory_space<vmem>>) target_semaphore(%run_scoped3A_86 : memref<!tpu.dma_semaphore, #tpu.memory_space<semaphore_mem>>)
        %dma_wait3A = arith.constant 0 : i32
        %dma_wait3A_96 = tpu.memref_slice %arg8[%run_scoped3A_34, %dma_wait3A] : memref<16x640xf32, #tpu.memory_space<vmem>> -> memref<1x640xf32, #tpu.memory_space<vmem>>
        %dma_wait3A_97 = tpu.memref_squeeze %dma_wait3A_96 : memref<1x640xf32, #tpu.memory_space<vmem>> -> memref<640xf32, #tpu.memory_space<vmem>>
        %dma_wait3A_98 = tpu.memref_slice %arg5[%run_scoped3A_33, %mul3A_32] : memref<16x10240xf32, #tpu.memory_space<vmem_shared>> -> memref<1x640xf32, #tpu.memory_space<vmem_shared>>
        %dma_wait3A_99 = tpu.memref_squeeze %dma_wait3A_98 : memref<1x640xf32, #tpu.memory_space<vmem_shared>> -> memref<640xf32, #tpu.memory_space<vmem_shared>>
        %dma_wait3A_100 = arith.constant 0 : i32
        %dma_wait3A_101 = tpu.memref_slice %arg8[%run_scoped3A_34, %dma_wait3A_100] : memref<16x640xf32, #tpu.memory_space<vmem>> -> memref<1x640xf32, #tpu.memory_space<vmem>>
        %dma_wait3A_102 = tpu.memref_squeeze %dma_wait3A_101 : memref<1x640xf32, #tpu.memory_space<vmem>> -> memref<640xf32, #tpu.memory_space<vmem>>
        %dma_wait3A_103 = tpu.memref_slice %arg5[%run_scoped3A_33, %mul3A_32] : memref<16x10240xf32, #tpu.memory_space<vmem_shared>> -> memref<1x640xf32, #tpu.memory_space<vmem_shared>>
        %dma_wait3A_104 = tpu.memref_squeeze %dma_wait3A_103 : memref<1x640xf32, #tpu.memory_space<vmem_shared>> -> memref<640xf32, #tpu.memory_space<vmem_shared>>
        tpu.wait_dma2 semaphore(%run_scoped3A_86 : memref<!tpu.dma_semaphore, #tpu.memory_space<semaphore_mem>>) src(%dma_wait3A_104 : memref<640xf32, #tpu.memory_space<vmem_shared>>) dst(%dma_wait3A_102 : memref<640xf32, #tpu.memory_space<vmem>>)
        tpu.yield
      }) : () -> ()
      %mul3A_35 = arith.constant 640 : i32
      %mul3A_36 = arith.muli %arg1, %mul3A_35 : i32
      %run_scoped3A_37 = arith.constant 5 : i32
      %run_scoped3A_38 = arith.constant 5 : i32
      "tpu.region"() ({
        %run_scoped3A_86 = tpu.sem_alloc : memref<!tpu.dma_semaphore, #tpu.memory_space<semaphore_mem>>
        %dma_start3A = arith.constant 0 : i32
        %dma_start3A_87 = tpu.memref_slice %arg8[%run_scoped3A_38, %dma_start3A] : memref<16x640xf32, #tpu.memory_space<vmem>> -> memref<1x640xf32, #tpu.memory_space<vmem>>
        %dma_start3A_88 = tpu.memref_squeeze %dma_start3A_87 : memref<1x640xf32, #tpu.memory_space<vmem>> -> memref<640xf32, #tpu.memory_space<vmem>>
        %dma_start3A_89 = tpu.memref_slice %arg5[%run_scoped3A_37, %mul3A_36] : memref<16x10240xf32, #tpu.memory_space<vmem_shared>> -> memref<1x640xf32, #tpu.memory_space<vmem_shared>>
        %dma_start3A_90 = tpu.memref_squeeze %dma_start3A_89 : memref<1x640xf32, #tpu.memory_space<vmem_shared>> -> memref<640xf32, #tpu.memory_space<vmem_shared>>
        %dma_start3A_91 = arith.constant 0 : i32
        %dma_start3A_92 = tpu.memref_slice %arg8[%run_scoped3A_38, %dma_start3A_91] : memref<16x640xf32, #tpu.memory_space<vmem>> -> memref<1x640xf32, #tpu.memory_space<vmem>>
        %dma_start3A_93 = tpu.memref_squeeze %dma_start3A_92 : memref<1x640xf32, #tpu.memory_space<vmem>> -> memref<640xf32, #tpu.memory_space<vmem>>
        %dma_start3A_94 = tpu.memref_slice %arg5[%run_scoped3A_37, %mul3A_36] : memref<16x10240xf32, #tpu.memory_space<vmem_shared>> -> memref<1x640xf32, #tpu.memory_space<vmem_shared>>
        %dma_start3A_95 = tpu.memref_squeeze %dma_start3A_94 : memref<1x640xf32, #tpu.memory_space<vmem_shared>> -> memref<640xf32, #tpu.memory_space<vmem_shared>>
        tpu.enqueue_dma source(%dma_start3A_95 : memref<640xf32, #tpu.memory_space<vmem_shared>>) target(%dma_start3A_93 : memref<640xf32, #tpu.memory_space<vmem>>) target_semaphore(%run_scoped3A_86 : memref<!tpu.dma_semaphore, #tpu.memory_space<semaphore_mem>>)
        %dma_wait3A = arith.constant 0 : i32
        %dma_wait3A_96 = tpu.memref_slice %arg8[%run_scoped3A_38, %dma_wait3A] : memref<16x640xf32, #tpu.memory_space<vmem>> -> memref<1x640xf32, #tpu.memory_space<vmem>>
        %dma_wait3A_97 = tpu.memref_squeeze %dma_wait3A_96 : memref<1x640xf32, #tpu.memory_space<vmem>> -> memref<640xf32, #tpu.memory_space<vmem>>
        %dma_wait3A_98 = tpu.memref_slice %arg5[%run_scoped3A_37, %mul3A_36] : memref<16x10240xf32, #tpu.memory_space<vmem_shared>> -> memref<1x640xf32, #tpu.memory_space<vmem_shared>>
        %dma_wait3A_99 = tpu.memref_squeeze %dma_wait3A_98 : memref<1x640xf32, #tpu.memory_space<vmem_shared>> -> memref<640xf32, #tpu.memory_space<vmem_shared>>
        %dma_wait3A_100 = arith.constant 0 : i32
        %dma_wait3A_101 = tpu.memref_slice %arg8[%run_scoped3A_38, %dma_wait3A_100] : memref<16x640xf32, #tpu.memory_space<vmem>> -> memref<1x640xf32, #tpu.memory_space<vmem>>
        %dma_wait3A_102 = tpu.memref_squeeze %dma_wait3A_101 : memref<1x640xf32, #tpu.memory_space<vmem>> -> memref<640xf32, #tpu.memory_space<vmem>>
        %dma_wait3A_103 = tpu.memref_slice %arg5[%run_scoped3A_37, %mul3A_36] : memref<16x10240xf32, #tpu.memory_space<vmem_shared>> -> memref<1x640xf32, #tpu.memory_space<vmem_shared>>
        %dma_wait3A_104 = tpu.memref_squeeze %dma_wait3A_103 : memref<1x640xf32, #tpu.memory_space<vmem_shared>> -> memref<640xf32, #tpu.memory_space<vmem_shared>>
        tpu.wait_dma2 semaphore(%run_scoped3A_86 : memref<!tpu.dma_semaphore, #tpu.memory_space<semaphore_mem>>) src(%dma_wait3A_104 : memref<640xf32, #tpu.memory_space<vmem_shared>>) dst(%dma_wait3A_102 : memref<640xf32, #tpu.memory_space<vmem>>)
        tpu.yield
      }) : () -> ()
      %mul3A_39 = arith.constant 640 : i32
      %mul3A_40 = arith.muli %arg1, %mul3A_39 : i32
      %run_scoped3A_41 = arith.constant 6 : i32
      %run_scoped3A_42 = arith.constant 6 : i32
      "tpu.region"() ({
        %run_scoped3A_86 = tpu.sem_alloc : memref<!tpu.dma_semaphore, #tpu.memory_space<semaphore_mem>>
        %dma_start3A = arith.constant 0 : i32
        %dma_start3A_87 = tpu.memref_slice %arg8[%run_scoped3A_42, %dma_start3A] : memref<16x640xf32, #tpu.memory_space<vmem>> -> memref<1x640xf32, #tpu.memory_space<vmem>>
        %dma_start3A_88 = tpu.memref_squeeze %dma_start3A_87 : memref<1x640xf32, #tpu.memory_space<vmem>> -> memref<640xf32, #tpu.memory_space<vmem>>
        %dma_start3A_89 = tpu.memref_slice %arg5[%run_scoped3A_41, %mul3A_40] : memref<16x10240xf32, #tpu.memory_space<vmem_shared>> -> memref<1x640xf32, #tpu.memory_space<vmem_shared>>
        %dma_start3A_90 = tpu.memref_squeeze %dma_start3A_89 : memref<1x640xf32, #tpu.memory_space<vmem_shared>> -> memref<640xf32, #tpu.memory_space<vmem_shared>>
        %dma_start3A_91 = arith.constant 0 : i32
        %dma_start3A_92 = tpu.memref_slice %arg8[%run_scoped3A_42, %dma_start3A_91] : memref<16x640xf32, #tpu.memory_space<vmem>> -> memref<1x640xf32, #tpu.memory_space<vmem>>
        %dma_start3A_93 = tpu.memref_squeeze %dma_start3A_92 : memref<1x640xf32, #tpu.memory_space<vmem>> -> memref<640xf32, #tpu.memory_space<vmem>>
        %dma_start3A_94 = tpu.memref_slice %arg5[%run_scoped3A_41, %mul3A_40] : memref<16x10240xf32, #tpu.memory_space<vmem_shared>> -> memref<1x640xf32, #tpu.memory_space<vmem_shared>>
        %dma_start3A_95 = tpu.memref_squeeze %dma_start3A_94 : memref<1x640xf32, #tpu.memory_space<vmem_shared>> -> memref<640xf32, #tpu.memory_space<vmem_shared>>
        tpu.enqueue_dma source(%dma_start3A_95 : memref<640xf32, #tpu.memory_space<vmem_shared>>) target(%dma_start3A_93 : memref<640xf32, #tpu.memory_space<vmem>>) target_semaphore(%run_scoped3A_86 : memref<!tpu.dma_semaphore, #tpu.memory_space<semaphore_mem>>)
        %dma_wait3A = arith.constant 0 : i32
        %dma_wait3A_96 = tpu.memref_slice %arg8[%run_scoped3A_42, %dma_wait3A] : memref<16x640xf32, #tpu.memory_space<vmem>> -> memref<1x640xf32, #tpu.memory_space<vmem>>
        %dma_wait3A_97 = tpu.memref_squeeze %dma_wait3A_96 : memref<1x640xf32, #tpu.memory_space<vmem>> -> memref<640xf32, #tpu.memory_space<vmem>>
        %dma_wait3A_98 = tpu.memref_slice %arg5[%run_scoped3A_41, %mul3A_40] : memref<16x10240xf32, #tpu.memory_space<vmem_shared>> -> memref<1x640xf32, #tpu.memory_space<vmem_shared>>
        %dma_wait3A_99 = tpu.memref_squeeze %dma_wait3A_98 : memref<1x640xf32, #tpu.memory_space<vmem_shared>> -> memref<640xf32, #tpu.memory_space<vmem_shared>>
        %dma_wait3A_100 = arith.constant 0 : i32
        %dma_wait3A_101 = tpu.memref_slice %arg8[%run_scoped3A_42, %dma_wait3A_100] : memref<16x640xf32, #tpu.memory_space<vmem>> -> memref<1x640xf32, #tpu.memory_space<vmem>>
        %dma_wait3A_102 = tpu.memref_squeeze %dma_wait3A_101 : memref<1x640xf32, #tpu.memory_space<vmem>> -> memref<640xf32, #tpu.memory_space<vmem>>
        %dma_wait3A_103 = tpu.memref_slice %arg5[%run_scoped3A_41, %mul3A_40] : memref<16x10240xf32, #tpu.memory_space<vmem_shared>> -> memref<1x640xf32, #tpu.memory_space<vmem_shared>>
        %dma_wait3A_104 = tpu.memref_squeeze %dma_wait3A_103 : memref<1x640xf32, #tpu.memory_space<vmem_shared>> -> memref<640xf32, #tpu.memory_space<vmem_shared>>
        tpu.wait_dma2 semaphore(%run_scoped3A_86 : memref<!tpu.dma_semaphore, #tpu.memory_space<semaphore_mem>>) src(%dma_wait3A_104 : memref<640xf32, #tpu.memory_space<vmem_shared>>) dst(%dma_wait3A_102 : memref<640xf32, #tpu.memory_space<vmem>>)
        tpu.yield
      }) : () -> ()
      %mul3A_43 = arith.constant 640 : i32
      %mul3A_44 = arith.muli %arg1, %mul3A_43 : i32
      %run_scoped3A_45 = arith.constant 7 : i32
      %run_scoped3A_46 = arith.constant 7 : i32
      "tpu.region"() ({
        %run_scoped3A_86 = tpu.sem_alloc : memref<!tpu.dma_semaphore, #tpu.memory_space<semaphore_mem>>
        %dma_start3A = arith.constant 0 : i32
        %dma_start3A_87 = tpu.memref_slice %arg8[%run_scoped3A_46, %dma_start3A] : memref<16x640xf32, #tpu.memory_space<vmem>> -> memref<1x640xf32, #tpu.memory_space<vmem>>
        %dma_start3A_88 = tpu.memref_squeeze %dma_start3A_87 : memref<1x640xf32, #tpu.memory_space<vmem>> -> memref<640xf32, #tpu.memory_space<vmem>>
        %dma_start3A_89 = tpu.memref_slice %arg5[%run_scoped3A_45, %mul3A_44] : memref<16x10240xf32, #tpu.memory_space<vmem_shared>> -> memref<1x640xf32, #tpu.memory_space<vmem_shared>>
        %dma_start3A_90 = tpu.memref_squeeze %dma_start3A_89 : memref<1x640xf32, #tpu.memory_space<vmem_shared>> -> memref<640xf32, #tpu.memory_space<vmem_shared>>
        %dma_start3A_91 = arith.constant 0 : i32
        %dma_start3A_92 = tpu.memref_slice %arg8[%run_scoped3A_46, %dma_start3A_91] : memref<16x640xf32, #tpu.memory_space<vmem>> -> memref<1x640xf32, #tpu.memory_space<vmem>>
        %dma_start3A_93 = tpu.memref_squeeze %dma_start3A_92 : memref<1x640xf32, #tpu.memory_space<vmem>> -> memref<640xf32, #tpu.memory_space<vmem>>
        %dma_start3A_94 = tpu.memref_slice %arg5[%run_scoped3A_45, %mul3A_44] : memref<16x10240xf32, #tpu.memory_space<vmem_shared>> -> memref<1x640xf32, #tpu.memory_space<vmem_shared>>
        %dma_start3A_95 = tpu.memref_squeeze %dma_start3A_94 : memref<1x640xf32, #tpu.memory_space<vmem_shared>> -> memref<640xf32, #tpu.memory_space<vmem_shared>>
        tpu.enqueue_dma source(%dma_start3A_95 : memref<640xf32, #tpu.memory_space<vmem_shared>>) target(%dma_start3A_93 : memref<640xf32, #tpu.memory_space<vmem>>) target_semaphore(%run_scoped3A_86 : memref<!tpu.dma_semaphore, #tpu.memory_space<semaphore_mem>>)
        %dma_wait3A = arith.constant 0 : i32
        %dma_wait3A_96 = tpu.memref_slice %arg8[%run_scoped3A_46, %dma_wait3A] : memref<16x640xf32, #tpu.memory_space<vmem>> -> memref<1x640xf32, #tpu.memory_space<vmem>>
        %dma_wait3A_97 = tpu.memref_squeeze %dma_wait3A_96 : memref<1x640xf32, #tpu.memory_space<vmem>> -> memref<640xf32, #tpu.memory_space<vmem>>
        %dma_wait3A_98 = tpu.memref_slice %arg5[%run_scoped3A_45, %mul3A_44] : memref<16x10240xf32, #tpu.memory_space<vmem_shared>> -> memref<1x640xf32, #tpu.memory_space<vmem_shared>>
        %dma_wait3A_99 = tpu.memref_squeeze %dma_wait3A_98 : memref<1x640xf32, #tpu.memory_space<vmem_shared>> -> memref<640xf32, #tpu.memory_space<vmem_shared>>
        %dma_wait3A_100 = arith.constant 0 : i32
        %dma_wait3A_101 = tpu.memref_slice %arg8[%run_scoped3A_46, %dma_wait3A_100] : memref<16x640xf32, #tpu.memory_space<vmem>> -> memref<1x640xf32, #tpu.memory_space<vmem>>
        %dma_wait3A_102 = tpu.memref_squeeze %dma_wait3A_101 : memref<1x640xf32, #tpu.memory_space<vmem>> -> memref<640xf32, #tpu.memory_space<vmem>>
        %dma_wait3A_103 = tpu.memref_slice %arg5[%run_scoped3A_45, %mul3A_44] : memref<16x10240xf32, #tpu.memory_space<vmem_shared>> -> memref<1x640xf32, #tpu.memory_space<vmem_shared>>
        %dma_wait3A_104 = tpu.memref_squeeze %dma_wait3A_103 : memref<1x640xf32, #tpu.memory_space<vmem_shared>> -> memref<640xf32, #tpu.memory_space<vmem_shared>>
        tpu.wait_dma2 semaphore(%run_scoped3A_86 : memref<!tpu.dma_semaphore, #tpu.memory_space<semaphore_mem>>) src(%dma_wait3A_104 : memref<640xf32, #tpu.memory_space<vmem_shared>>) dst(%dma_wait3A_102 : memref<640xf32, #tpu.memory_space<vmem>>)
        tpu.yield
      }) : () -> ()
      %mul3A_47 = arith.constant 640 : i32
      %mul3A_48 = arith.muli %arg1, %mul3A_47 : i32
      %run_scoped3A_49 = arith.constant 8 : i32
      %run_scoped3A_50 = arith.constant 8 : i32
      "tpu.region"() ({
        %run_scoped3A_86 = tpu.sem_alloc : memref<!tpu.dma_semaphore, #tpu.memory_space<semaphore_mem>>
        %dma_start3A = arith.constant 0 : i32
        %dma_start3A_87 = tpu.memref_slice %arg8[%run_scoped3A_50, %dma_start3A] : memref<16x640xf32, #tpu.memory_space<vmem>> -> memref<1x640xf32, #tpu.memory_space<vmem>>
        %dma_start3A_88 = tpu.memref_squeeze %dma_start3A_87 : memref<1x640xf32, #tpu.memory_space<vmem>> -> memref<640xf32, #tpu.memory_space<vmem>>
        %dma_start3A_89 = tpu.memref_slice %arg5[%run_scoped3A_49, %mul3A_48] : memref<16x10240xf32, #tpu.memory_space<vmem_shared>> -> memref<1x640xf32, #tpu.memory_space<vmem_shared>>
        %dma_start3A_90 = tpu.memref_squeeze %dma_start3A_89 : memref<1x640xf32, #tpu.memory_space<vmem_shared>> -> memref<640xf32, #tpu.memory_space<vmem_shared>>
        %dma_start3A_91 = arith.constant 0 : i32
        %dma_start3A_92 = tpu.memref_slice %arg8[%run_scoped3A_50, %dma_start3A_91] : memref<16x640xf32, #tpu.memory_space<vmem>> -> memref<1x640xf32, #tpu.memory_space<vmem>>
        %dma_start3A_93 = tpu.memref_squeeze %dma_start3A_92 : memref<1x640xf32, #tpu.memory_space<vmem>> -> memref<640xf32, #tpu.memory_space<vmem>>
        %dma_start3A_94 = tpu.memref_slice %arg5[%run_scoped3A_49, %mul3A_48] : memref<16x10240xf32, #tpu.memory_space<vmem_shared>> -> memref<1x640xf32, #tpu.memory_space<vmem_shared>>
        %dma_start3A_95 = tpu.memref_squeeze %dma_start3A_94 : memref<1x640xf32, #tpu.memory_space<vmem_shared>> -> memref<640xf32, #tpu.memory_space<vmem_shared>>
        tpu.enqueue_dma source(%dma_start3A_95 : memref<640xf32, #tpu.memory_space<vmem_shared>>) target(%dma_start3A_93 : memref<640xf32, #tpu.memory_space<vmem>>) target_semaphore(%run_scoped3A_86 : memref<!tpu.dma_semaphore, #tpu.memory_space<semaphore_mem>>)
        %dma_wait3A = arith.constant 0 : i32
        %dma_wait3A_96 = tpu.memref_slice %arg8[%run_scoped3A_50, %dma_wait3A] : memref<16x640xf32, #tpu.memory_space<vmem>> -> memref<1x640xf32, #tpu.memory_space<vmem>>
        %dma_wait3A_97 = tpu.memref_squeeze %dma_wait3A_96 : memref<1x640xf32, #tpu.memory_space<vmem>> -> memref<640xf32, #tpu.memory_space<vmem>>
        %dma_wait3A_98 = tpu.memref_slice %arg5[%run_scoped3A_49, %mul3A_48] : memref<16x10240xf32, #tpu.memory_space<vmem_shared>> -> memref<1x640xf32, #tpu.memory_space<vmem_shared>>
        %dma_wait3A_99 = tpu.memref_squeeze %dma_wait3A_98 : memref<1x640xf32, #tpu.memory_space<vmem_shared>> -> memref<640xf32, #tpu.memory_space<vmem_shared>>
        %dma_wait3A_100 = arith.constant 0 : i32
        %dma_wait3A_101 = tpu.memref_slice %arg8[%run_scoped3A_50, %dma_wait3A_100] : memref<16x640xf32, #tpu.memory_space<vmem>> -> memref<1x640xf32, #tpu.memory_space<vmem>>
        %dma_wait3A_102 = tpu.memref_squeeze %dma_wait3A_101 : memref<1x640xf32, #tpu.memory_space<vmem>> -> memref<640xf32, #tpu.memory_space<vmem>>
        %dma_wait3A_103 = tpu.memref_slice %arg5[%run_scoped3A_49, %mul3A_48] : memref<16x10240xf32, #tpu.memory_space<vmem_shared>> -> memref<1x640xf32, #tpu.memory_space<vmem_shared>>
        %dma_wait3A_104 = tpu.memref_squeeze %dma_wait3A_103 : memref<1x640xf32, #tpu.memory_space<vmem_shared>> -> memref<640xf32, #tpu.memory_space<vmem_shared>>
        tpu.wait_dma2 semaphore(%run_scoped3A_86 : memref<!tpu.dma_semaphore, #tpu.memory_space<semaphore_mem>>) src(%dma_wait3A_104 : memref<640xf32, #tpu.memory_space<vmem_shared>>) dst(%dma_wait3A_102 : memref<640xf32, #tpu.memory_space<vmem>>)
        tpu.yield
      }) : () -> ()
      %mul3A_51 = arith.constant 640 : i32
      %mul3A_52 = arith.muli %arg1, %mul3A_51 : i32
      %run_scoped3A_53 = arith.constant 9 : i32
      %run_scoped3A_54 = arith.constant 9 : i32
      "tpu.region"() ({
        %run_scoped3A_86 = tpu.sem_alloc : memref<!tpu.dma_semaphore, #tpu.memory_space<semaphore_mem>>
        %dma_start3A = arith.constant 0 : i32
        %dma_start3A_87 = tpu.memref_slice %arg8[%run_scoped3A_54, %dma_start3A] : memref<16x640xf32, #tpu.memory_space<vmem>> -> memref<1x640xf32, #tpu.memory_space<vmem>>
        %dma_start3A_88 = tpu.memref_squeeze %dma_start3A_87 : memref<1x640xf32, #tpu.memory_space<vmem>> -> memref<640xf32, #tpu.memory_space<vmem>>
        %dma_start3A_89 = tpu.memref_slice %arg5[%run_scoped3A_53, %mul3A_52] : memref<16x10240xf32, #tpu.memory_space<vmem_shared>> -> memref<1x640xf32, #tpu.memory_space<vmem_shared>>
        %dma_start3A_90 = tpu.memref_squeeze %dma_start3A_89 : memref<1x640xf32, #tpu.memory_space<vmem_shared>> -> memref<640xf32, #tpu.memory_space<vmem_shared>>
        %dma_start3A_91 = arith.constant 0 : i32
        %dma_start3A_92 = tpu.memref_slice %arg8[%run_scoped3A_54, %dma_start3A_91] : memref<16x640xf32, #tpu.memory_space<vmem>> -> memref<1x640xf32, #tpu.memory_space<vmem>>
        %dma_start3A_93 = tpu.memref_squeeze %dma_start3A_92 : memref<1x640xf32, #tpu.memory_space<vmem>> -> memref<640xf32, #tpu.memory_space<vmem>>
        %dma_start3A_94 = tpu.memref_slice %arg5[%run_scoped3A_53, %mul3A_52] : memref<16x10240xf32, #tpu.memory_space<vmem_shared>> -> memref<1x640xf32, #tpu.memory_space<vmem_shared>>
        %dma_start3A_95 = tpu.memref_squeeze %dma_start3A_94 : memref<1x640xf32, #tpu.memory_space<vmem_shared>> -> memref<640xf32, #tpu.memory_space<vmem_shared>>
        tpu.enqueue_dma source(%dma_start3A_95 : memref<640xf32, #tpu.memory_space<vmem_shared>>) target(%dma_start3A_93 : memref<640xf32, #tpu.memory_space<vmem>>) target_semaphore(%run_scoped3A_86 : memref<!tpu.dma_semaphore, #tpu.memory_space<semaphore_mem>>)
        %dma_wait3A = arith.constant 0 : i32
        %dma_wait3A_96 = tpu.memref_slice %arg8[%run_scoped3A_54, %dma_wait3A] : memref<16x640xf32, #tpu.memory_space<vmem>> -> memref<1x640xf32, #tpu.memory_space<vmem>>
        %dma_wait3A_97 = tpu.memref_squeeze %dma_wait3A_96 : memref<1x640xf32, #tpu.memory_space<vmem>> -> memref<640xf32, #tpu.memory_space<vmem>>
        %dma_wait3A_98 = tpu.memref_slice %arg5[%run_scoped3A_53, %mul3A_52] : memref<16x10240xf32, #tpu.memory_space<vmem_shared>> -> memref<1x640xf32, #tpu.memory_space<vmem_shared>>
        %dma_wait3A_99 = tpu.memref_squeeze %dma_wait3A_98 : memref<1x640xf32, #tpu.memory_space<vmem_shared>> -> memref<640xf32, #tpu.memory_space<vmem_shared>>
        %dma_wait3A_100 = arith.constant 0 : i32
        %dma_wait3A_101 = tpu.memref_slice %arg8[%run_scoped3A_54, %dma_wait3A_100] : memref<16x640xf32, #tpu.memory_space<vmem>> -> memref<1x640xf32, #tpu.memory_space<vmem>>
        %dma_wait3A_102 = tpu.memref_squeeze %dma_wait3A_101 : memref<1x640xf32, #tpu.memory_space<vmem>> -> memref<640xf32, #tpu.memory_space<vmem>>
        %dma_wait3A_103 = tpu.memref_slice %arg5[%run_scoped3A_53, %mul3A_52] : memref<16x10240xf32, #tpu.memory_space<vmem_shared>> -> memref<1x640xf32, #tpu.memory_space<vmem_shared>>
        %dma_wait3A_104 = tpu.memref_squeeze %dma_wait3A_103 : memref<1x640xf32, #tpu.memory_space<vmem_shared>> -> memref<640xf32, #tpu.memory_space<vmem_shared>>
        tpu.wait_dma2 semaphore(%run_scoped3A_86 : memref<!tpu.dma_semaphore, #tpu.memory_space<semaphore_mem>>) src(%dma_wait3A_104 : memref<640xf32, #tpu.memory_space<vmem_shared>>) dst(%dma_wait3A_102 : memref<640xf32, #tpu.memory_space<vmem>>)
        tpu.yield
      }) : () -> ()
      %mul3A_55 = arith.constant 640 : i32
      %mul3A_56 = arith.muli %arg1, %mul3A_55 : i32
      %run_scoped3A_57 = arith.constant 10 : i32
      %run_scoped3A_58 = arith.constant 10 : i32
      "tpu.region"() ({
        %run_scoped3A_86 = tpu.sem_alloc : memref<!tpu.dma_semaphore, #tpu.memory_space<semaphore_mem>>
        %dma_start3A = arith.constant 0 : i32
        %dma_start3A_87 = tpu.memref_slice %arg8[%run_scoped3A_58, %dma_start3A] : memref<16x640xf32, #tpu.memory_space<vmem>> -> memref<1x640xf32, #tpu.memory_space<vmem>>
        %dma_start3A_88 = tpu.memref_squeeze %dma_start3A_87 : memref<1x640xf32, #tpu.memory_space<vmem>> -> memref<640xf32, #tpu.memory_space<vmem>>
        %dma_start3A_89 = tpu.memref_slice %arg5[%run_scoped3A_57, %mul3A_56] : memref<16x10240xf32, #tpu.memory_space<vmem_shared>> -> memref<1x640xf32, #tpu.memory_space<vmem_shared>>
        %dma_start3A_90 = tpu.memref_squeeze %dma_start3A_89 : memref<1x640xf32, #tpu.memory_space<vmem_shared>> -> memref<640xf32, #tpu.memory_space<vmem_shared>>
        %dma_start3A_91 = arith.constant 0 : i32
        %dma_start3A_92 = tpu.memref_slice %arg8[%run_scoped3A_58, %dma_start3A_91] : memref<16x640xf32, #tpu.memory_space<vmem>> -> memref<1x640xf32, #tpu.memory_space<vmem>>
        %dma_start3A_93 = tpu.memref_squeeze %dma_start3A_92 : memref<1x640xf32, #tpu.memory_space<vmem>> -> memref<640xf32, #tpu.memory_space<vmem>>
        %dma_start3A_94 = tpu.memref_slice %arg5[%run_scoped3A_57, %mul3A_56] : memref<16x10240xf32, #tpu.memory_space<vmem_shared>> -> memref<1x640xf32, #tpu.memory_space<vmem_shared>>
        %dma_start3A_95 = tpu.memref_squeeze %dma_start3A_94 : memref<1x640xf32, #tpu.memory_space<vmem_shared>> -> memref<640xf32, #tpu.memory_space<vmem_shared>>
        tpu.enqueue_dma source(%dma_start3A_95 : memref<640xf32, #tpu.memory_space<vmem_shared>>) target(%dma_start3A_93 : memref<640xf32, #tpu.memory_space<vmem>>) target_semaphore(%run_scoped3A_86 : memref<!tpu.dma_semaphore, #tpu.memory_space<semaphore_mem>>)
        %dma_wait3A = arith.constant 0 : i32
        %dma_wait3A_96 = tpu.memref_slice %arg8[%run_scoped3A_58, %dma_wait3A] : memref<16x640xf32, #tpu.memory_space<vmem>> -> memref<1x640xf32, #tpu.memory_space<vmem>>
        %dma_wait3A_97 = tpu.memref_squeeze %dma_wait3A_96 : memref<1x640xf32, #tpu.memory_space<vmem>> -> memref<640xf32, #tpu.memory_space<vmem>>
        %dma_wait3A_98 = tpu.memref_slice %arg5[%run_scoped3A_57, %mul3A_56] : memref<16x10240xf32, #tpu.memory_space<vmem_shared>> -> memref<1x640xf32, #tpu.memory_space<vmem_shared>>
        %dma_wait3A_99 = tpu.memref_squeeze %dma_wait3A_98 : memref<1x640xf32, #tpu.memory_space<vmem_shared>> -> memref<640xf32, #tpu.memory_space<vmem_shared>>
        %dma_wait3A_100 = arith.constant 0 : i32
        %dma_wait3A_101 = tpu.memref_slice %arg8[%run_scoped3A_58, %dma_wait3A_100] : memref<16x640xf32, #tpu.memory_space<vmem>> -> memref<1x640xf32, #tpu.memory_space<vmem>>
        %dma_wait3A_102 = tpu.memref_squeeze %dma_wait3A_101 : memref<1x640xf32, #tpu.memory_space<vmem>> -> memref<640xf32, #tpu.memory_space<vmem>>
        %dma_wait3A_103 = tpu.memref_slice %arg5[%run_scoped3A_57, %mul3A_56] : memref<16x10240xf32, #tpu.memory_space<vmem_shared>> -> memref<1x640xf32, #tpu.memory_space<vmem_shared>>
        %dma_wait3A_104 = tpu.memref_squeeze %dma_wait3A_103 : memref<1x640xf32, #tpu.memory_space<vmem_shared>> -> memref<640xf32, #tpu.memory_space<vmem_shared>>
        tpu.wait_dma2 semaphore(%run_scoped3A_86 : memref<!tpu.dma_semaphore, #tpu.memory_space<semaphore_mem>>) src(%dma_wait3A_104 : memref<640xf32, #tpu.memory_space<vmem_shared>>) dst(%dma_wait3A_102 : memref<640xf32, #tpu.memory_space<vmem>>)
        tpu.yield
      }) : () -> ()
      %mul3A_59 = arith.constant 640 : i32
      %mul3A_60 = arith.muli %arg1, %mul3A_59 : i32
      %run_scoped3A_61 = arith.constant 11 : i32
      %run_scoped3A_62 = arith.constant 11 : i32
      "tpu.region"() ({
        %run_scoped3A_86 = tpu.sem_alloc : memref<!tpu.dma_semaphore, #tpu.memory_space<semaphore_mem>>
        %dma_start3A = arith.constant 0 : i32
        %dma_start3A_87 = tpu.memref_slice %arg8[%run_scoped3A_62, %dma_start3A] : memref<16x640xf32, #tpu.memory_space<vmem>> -> memref<1x640xf32, #tpu.memory_space<vmem>>
        %dma_start3A_88 = tpu.memref_squeeze %dma_start3A_87 : memref<1x640xf32, #tpu.memory_space<vmem>> -> memref<640xf32, #tpu.memory_space<vmem>>
        %dma_start3A_89 = tpu.memref_slice %arg5[%run_scoped3A_61, %mul3A_60] : memref<16x10240xf32, #tpu.memory_space<vmem_shared>> -> memref<1x640xf32, #tpu.memory_space<vmem_shared>>
        %dma_start3A_90 = tpu.memref_squeeze %dma_start3A_89 : memref<1x640xf32, #tpu.memory_space<vmem_shared>> -> memref<640xf32, #tpu.memory_space<vmem_shared>>
        %dma_start3A_91 = arith.constant 0 : i32
        %dma_start3A_92 = tpu.memref_slice %arg8[%run_scoped3A_62, %dma_start3A_91] : memref<16x640xf32, #tpu.memory_space<vmem>> -> memref<1x640xf32, #tpu.memory_space<vmem>>
        %dma_start3A_93 = tpu.memref_squeeze %dma_start3A_92 : memref<1x640xf32, #tpu.memory_space<vmem>> -> memref<640xf32, #tpu.memory_space<vmem>>
        %dma_start3A_94 = tpu.memref_slice %arg5[%run_scoped3A_61, %mul3A_60] : memref<16x10240xf32, #tpu.memory_space<vmem_shared>> -> memref<1x640xf32, #tpu.memory_space<vmem_shared>>
        %dma_start3A_95 = tpu.memref_squeeze %dma_start3A_94 : memref<1x640xf32, #tpu.memory_space<vmem_shared>> -> memref<640xf32, #tpu.memory_space<vmem_shared>>
        tpu.enqueue_dma source(%dma_start3A_95 : memref<640xf32, #tpu.memory_space<vmem_shared>>) target(%dma_start3A_93 : memref<640xf32, #tpu.memory_space<vmem>>) target_semaphore(%run_scoped3A_86 : memref<!tpu.dma_semaphore, #tpu.memory_space<semaphore_mem>>)
        %dma_wait3A = arith.constant 0 : i32
        %dma_wait3A_96 = tpu.memref_slice %arg8[%run_scoped3A_62, %dma_wait3A] : memref<16x640xf32, #tpu.memory_space<vmem>> -> memref<1x640xf32, #tpu.memory_space<vmem>>
        %dma_wait3A_97 = tpu.memref_squeeze %dma_wait3A_96 : memref<1x640xf32, #tpu.memory_space<vmem>> -> memref<640xf32, #tpu.memory_space<vmem>>
        %dma_wait3A_98 = tpu.memref_slice %arg5[%run_scoped3A_61, %mul3A_60] : memref<16x10240xf32, #tpu.memory_space<vmem_shared>> -> memref<1x640xf32, #tpu.memory_space<vmem_shared>>
        %dma_wait3A_99 = tpu.memref_squeeze %dma_wait3A_98 : memref<1x640xf32, #tpu.memory_space<vmem_shared>> -> memref<640xf32, #tpu.memory_space<vmem_shared>>
        %dma_wait3A_100 = arith.constant 0 : i32
        %dma_wait3A_101 = tpu.memref_slice %arg8[%run_scoped3A_62, %dma_wait3A_100] : memref<16x640xf32, #tpu.memory_space<vmem>> -> memref<1x640xf32, #tpu.memory_space<vmem>>
        %dma_wait3A_102 = tpu.memref_squeeze %dma_wait3A_101 : memref<1x640xf32, #tpu.memory_space<vmem>> -> memref<640xf32, #tpu.memory_space<vmem>>
        %dma_wait3A_103 = tpu.memref_slice %arg5[%run_scoped3A_61, %mul3A_60] : memref<16x10240xf32, #tpu.memory_space<vmem_shared>> -> memref<1x640xf32, #tpu.memory_space<vmem_shared>>
        %dma_wait3A_104 = tpu.memref_squeeze %dma_wait3A_103 : memref<1x640xf32, #tpu.memory_space<vmem_shared>> -> memref<640xf32, #tpu.memory_space<vmem_shared>>
        tpu.wait_dma2 semaphore(%run_scoped3A_86 : memref<!tpu.dma_semaphore, #tpu.memory_space<semaphore_mem>>) src(%dma_wait3A_104 : memref<640xf32, #tpu.memory_space<vmem_shared>>) dst(%dma_wait3A_102 : memref<640xf32, #tpu.memory_space<vmem>>)
        tpu.yield
      }) : () -> ()
      %mul3A_63 = arith.constant 640 : i32
      %mul3A_64 = arith.muli %arg1, %mul3A_63 : i32
      %run_scoped3A_65 = arith.constant 12 : i32
      %run_scoped3A_66 = arith.constant 12 : i32
      "tpu.region"() ({
        %run_scoped3A_86 = tpu.sem_alloc : memref<!tpu.dma_semaphore, #tpu.memory_space<semaphore_mem>>
        %dma_start3A = arith.constant 0 : i32
        %dma_start3A_87 = tpu.memref_slice %arg8[%run_scoped3A_66, %dma_start3A] : memref<16x640xf32, #tpu.memory_space<vmem>> -> memref<1x640xf32, #tpu.memory_space<vmem>>
        %dma_start3A_88 = tpu.memref_squeeze %dma_start3A_87 : memref<1x640xf32, #tpu.memory_space<vmem>> -> memref<640xf32, #tpu.memory_space<vmem>>
        %dma_start3A_89 = tpu.memref_slice %arg5[%run_scoped3A_65, %mul3A_64] : memref<16x10240xf32, #tpu.memory_space<vmem_shared>> -> memref<1x640xf32, #tpu.memory_space<vmem_shared>>
        %dma_start3A_90 = tpu.memref_squeeze %dma_start3A_89 : memref<1x640xf32, #tpu.memory_space<vmem_shared>> -> memref<640xf32, #tpu.memory_space<vmem_shared>>
        %dma_start3A_91 = arith.constant 0 : i32
        %dma_start3A_92 = tpu.memref_slice %arg8[%run_scoped3A_66, %dma_start3A_91] : memref<16x640xf32, #tpu.memory_space<vmem>> -> memref<1x640xf32, #tpu.memory_space<vmem>>
        %dma_start3A_93 = tpu.memref_squeeze %dma_start3A_92 : memref<1x640xf32, #tpu.memory_space<vmem>> -> memref<640xf32, #tpu.memory_space<vmem>>
        %dma_start3A_94 = tpu.memref_slice %arg5[%run_scoped3A_65, %mul3A_64] : memref<16x10240xf32, #tpu.memory_space<vmem_shared>> -> memref<1x640xf32, #tpu.memory_space<vmem_shared>>
        %dma_start3A_95 = tpu.memref_squeeze %dma_start3A_94 : memref<1x640xf32, #tpu.memory_space<vmem_shared>> -> memref<640xf32, #tpu.memory_space<vmem_shared>>
        tpu.enqueue_dma source(%dma_start3A_95 : memref<640xf32, #tpu.memory_space<vmem_shared>>) target(%dma_start3A_93 : memref<640xf32, #tpu.memory_space<vmem>>) target_semaphore(%run_scoped3A_86 : memref<!tpu.dma_semaphore, #tpu.memory_space<semaphore_mem>>)
        %dma_wait3A = arith.constant 0 : i32
        %dma_wait3A_96 = tpu.memref_slice %arg8[%run_scoped3A_66, %dma_wait3A] : memref<16x640xf32, #tpu.memory_space<vmem>> -> memref<1x640xf32, #tpu.memory_space<vmem>>
        %dma_wait3A_97 = tpu.memref_squeeze %dma_wait3A_96 : memref<1x640xf32, #tpu.memory_space<vmem>> -> memref<640xf32, #tpu.memory_space<vmem>>
        %dma_wait3A_98 = tpu.memref_slice %arg5[%run_scoped3A_65, %mul3A_64] : memref<16x10240xf32, #tpu.memory_space<vmem_shared>> -> memref<1x640xf32, #tpu.memory_space<vmem_shared>>
        %dma_wait3A_99 = tpu.memref_squeeze %dma_wait3A_98 : memref<1x640xf32, #tpu.memory_space<vmem_shared>> -> memref<640xf32, #tpu.memory_space<vmem_shared>>
        %dma_wait3A_100 = arith.constant 0 : i32
        %dma_wait3A_101 = tpu.memref_slice %arg8[%run_scoped3A_66, %dma_wait3A_100] : memref<16x640xf32, #tpu.memory_space<vmem>> -> memref<1x640xf32, #tpu.memory_space<vmem>>
        %dma_wait3A_102 = tpu.memref_squeeze %dma_wait3A_101 : memref<1x640xf32, #tpu.memory_space<vmem>> -> memref<640xf32, #tpu.memory_space<vmem>>
        %dma_wait3A_103 = tpu.memref_slice %arg5[%run_scoped3A_65, %mul3A_64] : memref<16x10240xf32, #tpu.memory_space<vmem_shared>> -> memref<1x640xf32, #tpu.memory_space<vmem_shared>>
        %dma_wait3A_104 = tpu.memref_squeeze %dma_wait3A_103 : memref<1x640xf32, #tpu.memory_space<vmem_shared>> -> memref<640xf32, #tpu.memory_space<vmem_shared>>
        tpu.wait_dma2 semaphore(%run_scoped3A_86 : memref<!tpu.dma_semaphore, #tpu.memory_space<semaphore_mem>>) src(%dma_wait3A_104 : memref<640xf32, #tpu.memory_space<vmem_shared>>) dst(%dma_wait3A_102 : memref<640xf32, #tpu.memory_space<vmem>>)
        tpu.yield
      }) : () -> ()
      %mul3A_67 = arith.constant 640 : i32
      %mul3A_68 = arith.muli %arg1, %mul3A_67 : i32
      %run_scoped3A_69 = arith.constant 13 : i32
      %run_scoped3A_70 = arith.constant 13 : i32
      "tpu.region"() ({
        %run_scoped3A_86 = tpu.sem_alloc : memref<!tpu.dma_semaphore, #tpu.memory_space<semaphore_mem>>
        %dma_start3A = arith.constant 0 : i32
        %dma_start3A_87 = tpu.memref_slice %arg8[%run_scoped3A_70, %dma_start3A] : memref<16x640xf32, #tpu.memory_space<vmem>> -> memref<1x640xf32, #tpu.memory_space<vmem>>
        %dma_start3A_88 = tpu.memref_squeeze %dma_start3A_87 : memref<1x640xf32, #tpu.memory_space<vmem>> -> memref<640xf32, #tpu.memory_space<vmem>>
        %dma_start3A_89 = tpu.memref_slice %arg5[%run_scoped3A_69, %mul3A_68] : memref<16x10240xf32, #tpu.memory_space<vmem_shared>> -> memref<1x640xf32, #tpu.memory_space<vmem_shared>>
        %dma_start3A_90 = tpu.memref_squeeze %dma_start3A_89 : memref<1x640xf32, #tpu.memory_space<vmem_shared>> -> memref<640xf32, #tpu.memory_space<vmem_shared>>
        %dma_start3A_91 = arith.constant 0 : i32
        %dma_start3A_92 = tpu.memref_slice %arg8[%run_scoped3A_70, %dma_start3A_91] : memref<16x640xf32, #tpu.memory_space<vmem>> -> memref<1x640xf32, #tpu.memory_space<vmem>>
        %dma_start3A_93 = tpu.memref_squeeze %dma_start3A_92 : memref<1x640xf32, #tpu.memory_space<vmem>> -> memref<640xf32, #tpu.memory_space<vmem>>
        %dma_start3A_94 = tpu.memref_slice %arg5[%run_scoped3A_69, %mul3A_68] : memref<16x10240xf32, #tpu.memory_space<vmem_shared>> -> memref<1x640xf32, #tpu.memory_space<vmem_shared>>
        %dma_start3A_95 = tpu.memref_squeeze %dma_start3A_94 : memref<1x640xf32, #tpu.memory_space<vmem_shared>> -> memref<640xf32, #tpu.memory_space<vmem_shared>>
        tpu.enqueue_dma source(%dma_start3A_95 : memref<640xf32, #tpu.memory_space<vmem_shared>>) target(%dma_start3A_93 : memref<640xf32, #tpu.memory_space<vmem>>) target_semaphore(%run_scoped3A_86 : memref<!tpu.dma_semaphore, #tpu.memory_space<semaphore_mem>>)
        %dma_wait3A = arith.constant 0 : i32
        %dma_wait3A_96 = tpu.memref_slice %arg8[%run_scoped3A_70, %dma_wait3A] : memref<16x640xf32, #tpu.memory_space<vmem>> -> memref<1x640xf32, #tpu.memory_space<vmem>>
        %dma_wait3A_97 = tpu.memref_squeeze %dma_wait3A_96 : memref<1x640xf32, #tpu.memory_space<vmem>> -> memref<640xf32, #tpu.memory_space<vmem>>
        %dma_wait3A_98 = tpu.memref_slice %arg5[%run_scoped3A_69, %mul3A_68] : memref<16x10240xf32, #tpu.memory_space<vmem_shared>> -> memref<1x640xf32, #tpu.memory_space<vmem_shared>>
        %dma_wait3A_99 = tpu.memref_squeeze %dma_wait3A_98 : memref<1x640xf32, #tpu.memory_space<vmem_shared>> -> memref<640xf32, #tpu.memory_space<vmem_shared>>
        %dma_wait3A_100 = arith.constant 0 : i32
        %dma_wait3A_101 = tpu.memref_slice %arg8[%run_scoped3A_70, %dma_wait3A_100] : memref<16x640xf32, #tpu.memory_space<vmem>> -> memref<1x640xf32, #tpu.memory_space<vmem>>
        %dma_wait3A_102 = tpu.memref_squeeze %dma_wait3A_101 : memref<1x640xf32, #tpu.memory_space<vmem>> -> memref<640xf32, #tpu.memory_space<vmem>>
        %dma_wait3A_103 = tpu.memref_slice %arg5[%run_scoped3A_69, %mul3A_68] : memref<16x10240xf32, #tpu.memory_space<vmem_shared>> -> memref<1x640xf32, #tpu.memory_space<vmem_shared>>
        %dma_wait3A_104 = tpu.memref_squeeze %dma_wait3A_103 : memref<1x640xf32, #tpu.memory_space<vmem_shared>> -> memref<640xf32, #tpu.memory_space<vmem_shared>>
        tpu.wait_dma2 semaphore(%run_scoped3A_86 : memref<!tpu.dma_semaphore, #tpu.memory_space<semaphore_mem>>) src(%dma_wait3A_104 : memref<640xf32, #tpu.memory_space<vmem_shared>>) dst(%dma_wait3A_102 : memref<640xf32, #tpu.memory_space<vmem>>)
        tpu.yield
      }) : () -> ()
      %mul3A_71 = arith.constant 640 : i32
      %mul3A_72 = arith.muli %arg1, %mul3A_71 : i32
      %run_scoped3A_73 = arith.constant 14 : i32
      %run_scoped3A_74 = arith.constant 14 : i32
      "tpu.region"() ({
        %run_scoped3A_86 = tpu.sem_alloc : memref<!tpu.dma_semaphore, #tpu.memory_space<semaphore_mem>>
        %dma_start3A = arith.constant 0 : i32
        %dma_start3A_87 = tpu.memref_slice %arg8[%run_scoped3A_74, %dma_start3A] : memref<16x640xf32, #tpu.memory_space<vmem>> -> memref<1x640xf32, #tpu.memory_space<vmem>>
        %dma_start3A_88 = tpu.memref_squeeze %dma_start3A_87 : memref<1x640xf32, #tpu.memory_space<vmem>> -> memref<640xf32, #tpu.memory_space<vmem>>
        %dma_start3A_89 = tpu.memref_slice %arg5[%run_scoped3A_73, %mul3A_72] : memref<16x10240xf32, #tpu.memory_space<vmem_shared>> -> memref<1x640xf32, #tpu.memory_space<vmem_shared>>
        %dma_start3A_90 = tpu.memref_squeeze %dma_start3A_89 : memref<1x640xf32, #tpu.memory_space<vmem_shared>> -> memref<640xf32, #tpu.memory_space<vmem_shared>>
        %dma_start3A_91 = arith.constant 0 : i32
        %dma_start3A_92 = tpu.memref_slice %arg8[%run_scoped3A_74, %dma_start3A_91] : memref<16x640xf32, #tpu.memory_space<vmem>> -> memref<1x640xf32, #tpu.memory_space<vmem>>
        %dma_start3A_93 = tpu.memref_squeeze %dma_start3A_92 : memref<1x640xf32, #tpu.memory_space<vmem>> -> memref<640xf32, #tpu.memory_space<vmem>>
        %dma_start3A_94 = tpu.memref_slice %arg5[%run_scoped3A_73, %mul3A_72] : memref<16x10240xf32, #tpu.memory_space<vmem_shared>> -> memref<1x640xf32, #tpu.memory_space<vmem_shared>>
        %dma_start3A_95 = tpu.memref_squeeze %dma_start3A_94 : memref<1x640xf32, #tpu.memory_space<vmem_shared>> -> memref<640xf32, #tpu.memory_space<vmem_shared>>
        tpu.enqueue_dma source(%dma_start3A_95 : memref<640xf32, #tpu.memory_space<vmem_shared>>) target(%dma_start3A_93 : memref<640xf32, #tpu.memory_space<vmem>>) target_semaphore(%run_scoped3A_86 : memref<!tpu.dma_semaphore, #tpu.memory_space<semaphore_mem>>)
        %dma_wait3A = arith.constant 0 : i32
        %dma_wait3A_96 = tpu.memref_slice %arg8[%run_scoped3A_74, %dma_wait3A] : memref<16x640xf32, #tpu.memory_space<vmem>> -> memref<1x640xf32, #tpu.memory_space<vmem>>
        %dma_wait3A_97 = tpu.memref_squeeze %dma_wait3A_96 : memref<1x640xf32, #tpu.memory_space<vmem>> -> memref<640xf32, #tpu.memory_space<vmem>>
        %dma_wait3A_98 = tpu.memref_slice %arg5[%run_scoped3A_73, %mul3A_72] : memref<16x10240xf32, #tpu.memory_space<vmem_shared>> -> memref<1x640xf32, #tpu.memory_space<vmem_shared>>
        %dma_wait3A_99 = tpu.memref_squeeze %dma_wait3A_98 : memref<1x640xf32, #tpu.memory_space<vmem_shared>> -> memref<640xf32, #tpu.memory_space<vmem_shared>>
        %dma_wait3A_100 = arith.constant 0 : i32
        %dma_wait3A_101 = tpu.memref_slice %arg8[%run_scoped3A_74, %dma_wait3A_100] : memref<16x640xf32, #tpu.memory_space<vmem>> -> memref<1x640xf32, #tpu.memory_space<vmem>>
        %dma_wait3A_102 = tpu.memref_squeeze %dma_wait3A_101 : memref<1x640xf32, #tpu.memory_space<vmem>> -> memref<640xf32, #tpu.memory_space<vmem>>
        %dma_wait3A_103 = tpu.memref_slice %arg5[%run_scoped3A_73, %mul3A_72] : memref<16x10240xf32, #tpu.memory_space<vmem_shared>> -> memref<1x640xf32, #tpu.memory_space<vmem_shared>>
        %dma_wait3A_104 = tpu.memref_squeeze %dma_wait3A_103 : memref<1x640xf32, #tpu.memory_space<vmem_shared>> -> memref<640xf32, #tpu.memory_space<vmem_shared>>
        tpu.wait_dma2 semaphore(%run_scoped3A_86 : memref<!tpu.dma_semaphore, #tpu.memory_space<semaphore_mem>>) src(%dma_wait3A_104 : memref<640xf32, #tpu.memory_space<vmem_shared>>) dst(%dma_wait3A_102 : memref<640xf32, #tpu.memory_space<vmem>>)
        tpu.yield
      }) : () -> ()
      %mul3A_75 = arith.constant 640 : i32
      %mul3A_76 = arith.muli %arg1, %mul3A_75 : i32
      %run_scoped3A_77 = arith.constant 15 : i32
      %run_scoped3A_78 = arith.constant 15 : i32
      "tpu.region"() ({
        %run_scoped3A_86 = tpu.sem_alloc : memref<!tpu.dma_semaphore, #tpu.memory_space<semaphore_mem>>
        %dma_start3A = arith.constant 0 : i32
        %dma_start3A_87 = tpu.memref_slice %arg8[%run_scoped3A_78, %dma_start3A] : memref<16x640xf32, #tpu.memory_space<vmem>> -> memref<1x640xf32, #tpu.memory_space<vmem>>
        %dma_start3A_88 = tpu.memref_squeeze %dma_start3A_87 : memref<1x640xf32, #tpu.memory_space<vmem>> -> memref<640xf32, #tpu.memory_space<vmem>>
        %dma_start3A_89 = tpu.memref_slice %arg5[%run_scoped3A_77, %mul3A_76] : memref<16x10240xf32, #tpu.memory_space<vmem_shared>> -> memref<1x640xf32, #tpu.memory_space<vmem_shared>>
        %dma_start3A_90 = tpu.memref_squeeze %dma_start3A_89 : memref<1x640xf32, #tpu.memory_space<vmem_shared>> -> memref<640xf32, #tpu.memory_space<vmem_shared>>
        %dma_start3A_91 = arith.constant 0 : i32
        %dma_start3A_92 = tpu.memref_slice %arg8[%run_scoped3A_78, %dma_start3A_91] : memref<16x640xf32, #tpu.memory_space<vmem>> -> memref<1x640xf32, #tpu.memory_space<vmem>>
        %dma_start3A_93 = tpu.memref_squeeze %dma_start3A_92 : memref<1x640xf32, #tpu.memory_space<vmem>> -> memref<640xf32, #tpu.memory_space<vmem>>
        %dma_start3A_94 = tpu.memref_slice %arg5[%run_scoped3A_77, %mul3A_76] : memref<16x10240xf32, #tpu.memory_space<vmem_shared>> -> memref<1x640xf32, #tpu.memory_space<vmem_shared>>
        %dma_start3A_95 = tpu.memref_squeeze %dma_start3A_94 : memref<1x640xf32, #tpu.memory_space<vmem_shared>> -> memref<640xf32, #tpu.memory_space<vmem_shared>>
        tpu.enqueue_dma source(%dma_start3A_95 : memref<640xf32, #tpu.memory_space<vmem_shared>>) target(%dma_start3A_93 : memref<640xf32, #tpu.memory_space<vmem>>) target_semaphore(%run_scoped3A_86 : memref<!tpu.dma_semaphore, #tpu.memory_space<semaphore_mem>>)
        %dma_wait3A = arith.constant 0 : i32
        %dma_wait3A_96 = tpu.memref_slice %arg8[%run_scoped3A_78, %dma_wait3A] : memref<16x640xf32, #tpu.memory_space<vmem>> -> memref<1x640xf32, #tpu.memory_space<vmem>>
        %dma_wait3A_97 = tpu.memref_squeeze %dma_wait3A_96 : memref<1x640xf32, #tpu.memory_space<vmem>> -> memref<640xf32, #tpu.memory_space<vmem>>
        %dma_wait3A_98 = tpu.memref_slice %arg5[%run_scoped3A_77, %mul3A_76] : memref<16x10240xf32, #tpu.memory_space<vmem_shared>> -> memref<1x640xf32, #tpu.memory_space<vmem_shared>>
        %dma_wait3A_99 = tpu.memref_squeeze %dma_wait3A_98 : memref<1x640xf32, #tpu.memory_space<vmem_shared>> -> memref<640xf32, #tpu.memory_space<vmem_shared>>
        %dma_wait3A_100 = arith.constant 0 : i32
        %dma_wait3A_101 = tpu.memref_slice %arg8[%run_scoped3A_78, %dma_wait3A_100] : memref<16x640xf32, #tpu.memory_space<vmem>> -> memref<1x640xf32, #tpu.memory_space<vmem>>
        %dma_wait3A_102 = tpu.memref_squeeze %dma_wait3A_101 : memref<1x640xf32, #tpu.memory_space<vmem>> -> memref<640xf32, #tpu.memory_space<vmem>>
        %dma_wait3A_103 = tpu.memref_slice %arg5[%run_scoped3A_77, %mul3A_76] : memref<16x10240xf32, #tpu.memory_space<vmem_shared>> -> memref<1x640xf32, #tpu.memory_space<vmem_shared>>
        %dma_wait3A_104 = tpu.memref_squeeze %dma_wait3A_103 : memref<1x640xf32, #tpu.memory_space<vmem_shared>> -> memref<640xf32, #tpu.memory_space<vmem_shared>>
        tpu.wait_dma2 semaphore(%run_scoped3A_86 : memref<!tpu.dma_semaphore, #tpu.memory_space<semaphore_mem>>) src(%dma_wait3A_104 : memref<640xf32, #tpu.memory_space<vmem_shared>>) dst(%dma_wait3A_102 : memref<640xf32, #tpu.memory_space<vmem>>)
        tpu.yield
      }) : () -> ()
      %scan3A_79 = arith.constant 0 : i32
      %scan3A_80 = arith.constant 40 : i32
      %scan3A_81 = arith.addi %scan3A_79, %scan3A_80 : i32
      %scan3A_82 = arith.constant 1 : i32
      scf.for %scan3A_86 = %scan3A_79 to %scan3A_81 step %scan3A_82  : i32 {
        %mul3A_87 = arith.constant 16 : i32
        %mul3A_88 = arith.muli %scan3A_86, %mul3A_87 : i32
        %add3A = arith.constant 0 : i32
        %add3A_89 = arith.addi %add3A, %mul3A_88 : i32
        %get3A = arith.constant 0 : i32
        %get3A_90 = arith.index_cast %get3A : i32 to index
        %get3A_91 = arith.index_cast %add3A_89 : i32 to index
        %get3A_92 = tpu.vector_load %arg8[%get3A_90, %get3A_91] {strides = array<i32>} : memref<16x640xf32, #tpu.memory_space<vmem>>, vector<16xf32>,
        %get3A_93 = arith.constant 1 : i32
        %get3A_94 = arith.index_cast %get3A_93 : i32 to index
        %get3A_95 = arith.index_cast %add3A_89 : i32 to index
        %get3A_96 = tpu.vector_load %arg8[%get3A_94, %get3A_95] {strides = array<i32>} : memref<16x640xf32, #tpu.memory_space<vmem>>, vector<16xf32>,
        %add3A_97 = arith.addf %get3A_92, %get3A_96 : vector<16xf32>
        %get3A_98 = arith.constant 2 : i32
        %get3A_99 = arith.index_cast %get3A_98 : i32 to index
        %get3A_100 = arith.index_cast %add3A_89 : i32 to index
        %get3A_101 = tpu.vector_load %arg8[%get3A_99, %get3A_100] {strides = array<i32>} : memref<16x640xf32, #tpu.memory_space<vmem>>, vector<16xf32>,
        %add3A_102 = arith.addf %add3A_97, %get3A_101 : vector<16xf32>
        %get3A_103 = arith.constant 3 : i32
        %get3A_104 = arith.index_cast %get3A_103 : i32 to index
        %get3A_105 = arith.index_cast %add3A_89 : i32 to index
        %get3A_106 = tpu.vector_load %arg8[%get3A_104, %get3A_105] {strides = array<i32>} : memref<16x640xf32, #tpu.memory_space<vmem>>, vector<16xf32>,
        %add3A_107 = arith.addf %add3A_102, %get3A_106 : vector<16xf32>
        %get3A_108 = arith.constant 4 : i32
        %get3A_109 = arith.index_cast %get3A_108 : i32 to index
        %get3A_110 = arith.index_cast %add3A_89 : i32 to index
        %get3A_111 = tpu.vector_load %arg8[%get3A_109, %get3A_110] {strides = array<i32>} : memref<16x640xf32, #tpu.memory_space<vmem>>, vector<16xf32>,
        %add3A_112 = arith.addf %add3A_107, %get3A_111 : vector<16xf32>
        %get3A_113 = arith.constant 5 : i32
        %get3A_114 = arith.index_cast %get3A_113 : i32 to index
        %get3A_115 = arith.index_cast %add3A_89 : i32 to index
        %get3A_116 = tpu.vector_load %arg8[%get3A_114, %get3A_115] {strides = array<i32>} : memref<16x640xf32, #tpu.memory_space<vmem>>, vector<16xf32>,
        %add3A_117 = arith.addf %add3A_112, %get3A_116 : vector<16xf32>
        %get3A_118 = arith.constant 6 : i32
        %get3A_119 = arith.index_cast %get3A_118 : i32 to index
        %get3A_120 = arith.index_cast %add3A_89 : i32 to index
        %get3A_121 = tpu.vector_load %arg8[%get3A_119, %get3A_120] {strides = array<i32>} : memref<16x640xf32, #tpu.memory_space<vmem>>, vector<16xf32>,
        %add3A_122 = arith.addf %add3A_117, %get3A_121 : vector<16xf32>
        %get3A_123 = arith.constant 7 : i32
        %get3A_124 = arith.index_cast %get3A_123 : i32 to index
        %get3A_125 = arith.index_cast %add3A_89 : i32 to index
        %get3A_126 = tpu.vector_load %arg8[%get3A_124, %get3A_125] {strides = array<i32>} : memref<16x640xf32, #tpu.memory_space<vmem>>, vector<16xf32>,
        %add3A_127 = arith.addf %add3A_122, %get3A_126 : vector<16xf32>
        %get3A_128 = arith.constant 8 : i32
        %get3A_129 = arith.index_cast %get3A_128 : i32 to index
        %get3A_130 = arith.index_cast %add3A_89 : i32 to index
        %get3A_131 = tpu.vector_load %arg8[%get3A_129, %get3A_130] {strides = array<i32>} : memref<16x640xf32, #tpu.memory_space<vmem>>, vector<16xf32>,
        %add3A_132 = arith.addf %add3A_127, %get3A_131 : vector<16xf32>
        %get3A_133 = arith.constant 9 : i32
        %get3A_134 = arith.index_cast %get3A_133 : i32 to index
        %get3A_135 = arith.index_cast %add3A_89 : i32 to index
        %get3A_136 = tpu.vector_load %arg8[%get3A_134, %get3A_135] {strides = array<i32>} : memref<16x640xf32, #tpu.memory_space<vmem>>, vector<16xf32>,
        %add3A_137 = arith.addf %add3A_132, %get3A_136 : vector<16xf32>
        %get3A_138 = arith.constant 10 : i32
        %get3A_139 = arith.index_cast %get3A_138 : i32 to index
        %get3A_140 = arith.index_cast %add3A_89 : i32 to index
        %get3A_141 = tpu.vector_load %arg8[%get3A_139, %get3A_140] {strides = array<i32>} : memref<16x640xf32, #tpu.memory_space<vmem>>, vector<16xf32>,
        %add3A_142 = arith.addf %add3A_137, %get3A_141 : vector<16xf32>
        %get3A_143 = arith.constant 11 : i32
        %get3A_144 = arith.index_cast %get3A_143 : i32 to index
        %get3A_145 = arith.index_cast %add3A_89 : i32 to index
        %get3A_146 = tpu.vector_load %arg8[%get3A_144, %get3A_145] {strides = array<i32>} : memref<16x640xf32, #tpu.memory_space<vmem>>, vector<16xf32>,
        %add3A_147 = arith.addf %add3A_142, %get3A_146 : vector<16xf32>
        %get3A_148 = arith.constant 12 : i32
        %get3A_149 = arith.index_cast %get3A_148 : i32 to index
        %get3A_150 = arith.index_cast %add3A_89 : i32 to index
        %get3A_151 = tpu.vector_load %arg8[%get3A_149, %get3A_150] {strides = array<i32>} : memref<16x640xf32, #tpu.memory_space<vmem>>, vector<16xf32>,
        %add3A_152 = arith.addf %add3A_147, %get3A_151 : vector<16xf32>
        %get3A_153 = arith.constant 13 : i32
        %get3A_154 = arith.index_cast %get3A_153 : i32 to index
        %get3A_155 = arith.index_cast %add3A_89 : i32 to index
        %get3A_156 = tpu.vector_load %arg8[%get3A_154, %get3A_155] {strides = array<i32>} : memref<16x640xf32, #tpu.memory_space<vmem>>, vector<16xf32>,
        %add3A_157 = arith.addf %add3A_152, %get3A_156 : vector<16xf32>
        %get3A_158 = arith.constant 14 : i32
        %get3A_159 = arith.index_cast %get3A_158 : i32 to index
        %get3A_160 = arith.index_cast %add3A_89 : i32 to index
        %get3A_161 = tpu.vector_load %arg8[%get3A_159, %get3A_160] {strides = array<i32>} : memref<16x640xf32, #tpu.memory_space<vmem>>, vector<16xf32>,
        %add3A_162 = arith.addf %add3A_157, %get3A_161 : vector<16xf32>
        %get3A_163 = arith.constant 15 : i32
        %get3A_164 = arith.index_cast %get3A_163 : i32 to index
        %get3A_165 = arith.index_cast %add3A_89 : i32 to index
        %get3A_166 = tpu.vector_load %arg8[%get3A_164, %get3A_165] {strides = array<i32>} : memref<16x640xf32, #tpu.memory_space<vmem>>, vector<16xf32>,
        %add3A_167 = arith.addf %add3A_162, %get3A_166 : vector<16xf32>
        %swap3A = arith.index_cast %add3A_89 : i32 to index
        %swap3A_168 = tpu.vector_load %arg9[%swap3A] {strides = array<i32>} : memref<640xf32, #tpu.memory_space<vmem>>, vector<16xf32>,
        tpu.vector_store %arg9[%swap3A], %add3A_167 {strides = array<i32>} : memref<640xf32, #tpu.memory_space<vmem>>, vector<16xf32>,
      }
      %scan3A_83 = arith.constant 40 : i32
      %mul3A_84 = arith.constant 640 : i32
      %mul3A_85 = arith.muli %arg1, %mul3A_84 : i32
      "tpu.region"() ({
        %run_scoped3A_86 = tpu.sem_alloc : memref<!tpu.dma_semaphore, #tpu.memory_space<semaphore_mem>>
        %dma_start3A = tpu.memref_slice %arg4[%mul3A_85] : memref<10240xf32, #tpu.memory_space<hbm>> -> memref<640xf32, #tpu.memory_space<hbm>>
        %dma_start3A_87 = tpu.memref_slice %arg4[%mul3A_85] : memref<10240xf32, #tpu.memory_space<hbm>> -> memref<640xf32, #tpu.memory_space<hbm>>
        tpu.enqueue_dma source(%arg9 : memref<640xf32, #tpu.memory_space<vmem>>) target(%dma_start3A_87 : memref<640xf32, #tpu.memory_space<hbm>>) target_semaphore(%run_scoped3A_86 : memref<!tpu.dma_semaphore, #tpu.memory_space<semaphore_mem>>)
        %dma_wait3A = tpu.memref_slice %arg4[%mul3A_85] : memref<10240xf32, #tpu.memory_space<hbm>> -> memref<640xf32, #tpu.memory_space<hbm>>
        %dma_wait3A_88 = tpu.memref_slice %arg4[%mul3A_85] : memref<10240xf32, #tpu.memory_space<hbm>> -> memref<640xf32, #tpu.memory_space<hbm>>
        tpu.wait_dma2 semaphore(%run_scoped3A_86 : memref<!tpu.dma_semaphore, #tpu.memory_space<semaphore_mem>>) src(%arg9 : memref<640xf32, #tpu.memory_space<vmem>>) dst(%dma_wait3A_88 : memref<640xf32, #tpu.memory_space<hbm>>)
        tpu.yield
      }) : () -> ()
    } else {
    }
    return
  }
}

#map = affine_map<(d0, d1) -> (0, 0)>
#map1 = affine_map<(d0, d1) -> (0, 0, 0, 0)>
module attributes {stable_mosaic.version = 14 : i64} {
  func.func @k(%arg0: i32, %arg1: i32, %arg2: memref<10000x128xf32, #tpu.memory_space<hbm>>, %arg3: memref<10000x128xf32, #tpu.memory_space<hbm>>, %arg4: memref<2x80x25x80xi32, #tpu.memory_space<hbm>>, %arg5: memref<10240x128xf32, #tpu.memory_space<hbm>>, %arg6: memref<10240x128xf32, #tpu.memory_space<hbm>>, %arg7: memref<10240x128xf32, #tpu.memory_space<vmem_shared>>, %arg8: memref<25x80xi32, #tpu.memory_space<vmem>>, %arg9: memref<25x80xi32, #tpu.memory_space<vmem>>, %arg10: memref<80x128xf32, #tpu.memory_space<vmem>>, %arg11: memref<80x128xf32, #tpu.memory_space<vmem>>, %arg12: memref<!tpu.dma_semaphore, #tpu.memory_space<semaphore_mem>>, %arg13: memref<!tpu.dma_semaphore, #tpu.memory_space<semaphore_mem>>) attributes {dimension_semantics = [#tpu.dimension_semantics<core_parallel>, #tpu.dimension_semantics<subcore_parallel>], iteration_bounds = array<i64: 2, 16>, scalar_prefetch = 0 : i64, scratch_operands = 7 : i64, tpu.core_type = #tpu.core_type<sc_vector_subcore>, window_params = [{transform_indices = #map}, {transform_indices = #map}, {transform_indices = #map1}, {transform_indices = #map}, {transform_indices = #map}]} {
    %eq3A = arith.constant 0 : i32
    %eq3A_0 = arith.cmpi eq, %arg0, %eq3A : i32
    %convert_element_type3A = arith.extui %eq3A_0 : i1 to i32
    %cond3A = arith.constant 0 : i32
    %cond3A_1 = arith.cmpi ne, %convert_element_type3A, %cond3A : i32
    scf.if %cond3A_1 {
      %lt3A = arith.constant 15 : i32
      %lt3A_7 = arith.cmpi slt, %arg1, %lt3A : i32
      %convert_element_type3A_8 = arith.extui %lt3A_7 : i1 to i32
      %cond3A_9 = arith.constant 0 : i32
      %cond3A_10 = arith.cmpi ne, %convert_element_type3A_8, %cond3A_9 : i32
      scf.if %cond3A_10 {
        %mul3A = arith.constant 632 : i32
        %mul3A_26 = arith.muli %arg1, %mul3A : i32
        "tpu.region"() ({
          %run_scoped3A = tpu.sem_alloc : memref<!tpu.dma_semaphore, #tpu.memory_space<semaphore_mem>>
          %dma_start3A = arith.constant 0 : i32
          %dma_start3A_27 = tpu.memref_slice %arg7[%mul3A_26, %dma_start3A] : memref<10240x128xf32, #tpu.memory_space<vmem_shared>> -> memref<632x128xf32, #tpu.memory_space<vmem_shared>>
          %dma_start3A_28 = arith.constant 0 : i32
          %dma_start3A_29 = tpu.memref_slice %arg2[%mul3A_26, %dma_start3A_28] : memref<10000x128xf32, #tpu.memory_space<hbm>> -> memref<632x128xf32, #tpu.memory_space<hbm>>
          tpu.enqueue_dma source(%dma_start3A_29 : memref<632x128xf32, #tpu.memory_space<hbm>>) target(%dma_start3A_27 : memref<632x128xf32, #tpu.memory_space<vmem_shared>>) target_semaphore(%run_scoped3A : memref<!tpu.dma_semaphore, #tpu.memory_space<semaphore_mem>>)
          %dma_wait3A = arith.constant 0 : i32
          %dma_wait3A_30 = tpu.memref_slice %arg7[%mul3A_26, %dma_wait3A] : memref<10240x128xf32, #tpu.memory_space<vmem_shared>> -> memref<632x128xf32, #tpu.memory_space<vmem_shared>>
          %dma_wait3A_31 = arith.constant 0 : i32
          %dma_wait3A_32 = tpu.memref_slice %arg2[%mul3A_26, %dma_wait3A_31] : memref<10000x128xf32, #tpu.memory_space<hbm>> -> memref<632x128xf32, #tpu.memory_space<hbm>>
          tpu.wait_dma2 semaphore(%run_scoped3A : memref<!tpu.dma_semaphore, #tpu.memory_space<semaphore_mem>>) src(%dma_wait3A_32 : memref<632x128xf32, #tpu.memory_space<hbm>>) dst(%dma_wait3A_30 : memref<632x128xf32, #tpu.memory_space<vmem_shared>>)
          tpu.yield
        }) : () -> ()
      } else {
      }
      %eq3A_11 = arith.constant 15 : i32
      %eq3A_12 = arith.cmpi eq, %arg1, %eq3A_11 : i32
      %convert_element_type3A_13 = arith.extui %eq3A_12 : i1 to i32
      %cond3A_14 = arith.constant 0 : i32
      %cond3A_15 = arith.cmpi ne, %convert_element_type3A_13, %cond3A_14 : i32
      scf.if %cond3A_15 {
        "tpu.region"() ({
          %run_scoped3A = tpu.sem_alloc : memref<!tpu.dma_semaphore, #tpu.memory_space<semaphore_mem>>
          %dma_start3A = arith.constant 9480 : i32
          %dma_start3A_26 = arith.constant 0 : i32
          %dma_start3A_27 = tpu.memref_slice %arg7[%dma_start3A, %dma_start3A_26] : memref<10240x128xf32, #tpu.memory_space<vmem_shared>> -> memref<520x128xf32, #tpu.memory_space<vmem_shared>>
          %dma_start3A_28 = arith.constant 9480 : i32
          %dma_start3A_29 = arith.constant 0 : i32
          %dma_start3A_30 = tpu.memref_slice %arg2[%dma_start3A_28, %dma_start3A_29] : memref<10000x128xf32, #tpu.memory_space<hbm>> -> memref<520x128xf32, #tpu.memory_space<hbm>>
          tpu.enqueue_dma source(%dma_start3A_30 : memref<520x128xf32, #tpu.memory_space<hbm>>) target(%dma_start3A_27 : memref<520x128xf32, #tpu.memory_space<vmem_shared>>) target_semaphore(%run_scoped3A : memref<!tpu.dma_semaphore, #tpu.memory_space<semaphore_mem>>)
          %dma_wait3A = arith.constant 9480 : i32
          %dma_wait3A_31 = arith.constant 0 : i32
          %dma_wait3A_32 = tpu.memref_slice %arg7[%dma_wait3A, %dma_wait3A_31] : memref<10240x128xf32, #tpu.memory_space<vmem_shared>> -> memref<520x128xf32, #tpu.memory_space<vmem_shared>>
          %dma_wait3A_33 = arith.constant 9480 : i32
          %dma_wait3A_34 = arith.constant 0 : i32
          %dma_wait3A_35 = tpu.memref_slice %arg2[%dma_wait3A_33, %dma_wait3A_34] : memref<10000x128xf32, #tpu.memory_space<hbm>> -> memref<520x128xf32, #tpu.memory_space<hbm>>
          tpu.wait_dma2 semaphore(%run_scoped3A : memref<!tpu.dma_semaphore, #tpu.memory_space<semaphore_mem>>) src(%dma_wait3A_35 : memref<520x128xf32, #tpu.memory_space<hbm>>) dst(%dma_wait3A_32 : memref<520x128xf32, #tpu.memory_space<vmem_shared>>)
          tpu.yield
        }) : () -> ()
      } else {
      }
      %barrier3A = arith.constant 0 : index
      tpu.barrier barrier_id(%barrier3A)
      %scan3A = arith.constant 0 : i32
      %scan3A_16 = arith.constant 5 : i32
      %scan3A_17 = arith.addi %scan3A, %scan3A_16 : i32
      %scan3A_18 = arith.constant 1 : i32
      scf.for %scan3A_26 = %scan3A to %scan3A_17 step %scan3A_18  : i32 {
        %mul3A = arith.constant 1 : i32
        %mul3A_27 = arith.muli %scan3A_26, %mul3A : i32
        %add3A = arith.constant 0 : i32
        %add3A_28 = arith.addi %add3A, %mul3A_27 : i32
        %mul3A_29 = arith.constant 5 : i32
        %mul3A_30 = arith.muli %arg1, %mul3A_29 : i32
        %add3A_31 = arith.addi %mul3A_30, %add3A_28 : i32
        %run_scoped3A = arith.constant 0 : i32
        "tpu.region"() ({
          %run_scoped3A_51 = tpu.sem_alloc : memref<!tpu.dma_semaphore, #tpu.memory_space<semaphore_mem>>
          %dma_start3A_52 = arith.constant 0 : i32
          %dma_start3A_53 = arith.constant 0 : i32
          %dma_start3A_54 = tpu.memref_slice %arg4[%run_scoped3A, %add3A_31, %dma_start3A_52, %dma_start3A_53] : memref<2x80x25x80xi32, #tpu.memory_space<hbm>> -> memref<1x1x25x80xi32, #tpu.memory_space<hbm>>
          %dma_start3A_55 = tpu.memref_squeeze %dma_start3A_54 : memref<1x1x25x80xi32, #tpu.memory_space<hbm>> -> memref<25x80xi32, #tpu.memory_space<hbm>>
          %dma_start3A_56 = arith.constant 0 : i32
          %dma_start3A_57 = arith.constant 0 : i32
          %dma_start3A_58 = tpu.memref_slice %arg4[%run_scoped3A, %add3A_31, %dma_start3A_56, %dma_start3A_57] : memref<2x80x25x80xi32, #tpu.memory_space<hbm>> -> memref<1x1x25x80xi32, #tpu.memory_space<hbm>>
          %dma_start3A_59 = tpu.memref_squeeze %dma_start3A_58 : memref<1x1x25x80xi32, #tpu.memory_space<hbm>> -> memref<25x80xi32, #tpu.memory_space<hbm>>
          tpu.enqueue_dma source(%dma_start3A_59 : memref<25x80xi32, #tpu.memory_space<hbm>>) target(%arg8 : memref<25x80xi32, #tpu.memory_space<vmem>>) target_semaphore(%run_scoped3A_51 : memref<!tpu.dma_semaphore, #tpu.memory_space<semaphore_mem>>)
          %dma_wait3A_60 = arith.constant 0 : i32
          %dma_wait3A_61 = arith.constant 0 : i32
          %dma_wait3A_62 = tpu.memref_slice %arg4[%run_scoped3A, %add3A_31, %dma_wait3A_60, %dma_wait3A_61] : memref<2x80x25x80xi32, #tpu.memory_space<hbm>> -> memref<1x1x25x80xi32, #tpu.memory_space<hbm>>
          %dma_wait3A_63 = tpu.memref_squeeze %dma_wait3A_62 : memref<1x1x25x80xi32, #tpu.memory_space<hbm>> -> memref<25x80xi32, #tpu.memory_space<hbm>>
          %dma_wait3A_64 = arith.constant 0 : i32
          %dma_wait3A_65 = arith.constant 0 : i32
          %dma_wait3A_66 = tpu.memref_slice %arg4[%run_scoped3A, %add3A_31, %dma_wait3A_64, %dma_wait3A_65] : memref<2x80x25x80xi32, #tpu.memory_space<hbm>> -> memref<1x1x25x80xi32, #tpu.memory_space<hbm>>
          %dma_wait3A_67 = tpu.memref_squeeze %dma_wait3A_66 : memref<1x1x25x80xi32, #tpu.memory_space<hbm>> -> memref<25x80xi32, #tpu.memory_space<hbm>>
          tpu.wait_dma2 semaphore(%run_scoped3A_51 : memref<!tpu.dma_semaphore, #tpu.memory_space<semaphore_mem>>) src(%dma_wait3A_67 : memref<25x80xi32, #tpu.memory_space<hbm>>) dst(%arg8 : memref<25x80xi32, #tpu.memory_space<vmem>>)
          tpu.yield
        }) : () -> ()
        %run_scoped3A_32 = arith.constant 1 : i32
        "tpu.region"() ({
          %run_scoped3A_51 = tpu.sem_alloc : memref<!tpu.dma_semaphore, #tpu.memory_space<semaphore_mem>>
          %dma_start3A_52 = arith.constant 0 : i32
          %dma_start3A_53 = arith.constant 0 : i32
          %dma_start3A_54 = tpu.memref_slice %arg4[%run_scoped3A_32, %add3A_31, %dma_start3A_52, %dma_start3A_53] : memref<2x80x25x80xi32, #tpu.memory_space<hbm>> -> memref<1x1x25x80xi32, #tpu.memory_space<hbm>>
          %dma_start3A_55 = tpu.memref_squeeze %dma_start3A_54 : memref<1x1x25x80xi32, #tpu.memory_space<hbm>> -> memref<25x80xi32, #tpu.memory_space<hbm>>
          %dma_start3A_56 = arith.constant 0 : i32
          %dma_start3A_57 = arith.constant 0 : i32
          %dma_start3A_58 = tpu.memref_slice %arg4[%run_scoped3A_32, %add3A_31, %dma_start3A_56, %dma_start3A_57] : memref<2x80x25x80xi32, #tpu.memory_space<hbm>> -> memref<1x1x25x80xi32, #tpu.memory_space<hbm>>
          %dma_start3A_59 = tpu.memref_squeeze %dma_start3A_58 : memref<1x1x25x80xi32, #tpu.memory_space<hbm>> -> memref<25x80xi32, #tpu.memory_space<hbm>>
          tpu.enqueue_dma source(%dma_start3A_59 : memref<25x80xi32, #tpu.memory_space<hbm>>) target(%arg9 : memref<25x80xi32, #tpu.memory_space<vmem>>) target_semaphore(%run_scoped3A_51 : memref<!tpu.dma_semaphore, #tpu.memory_space<semaphore_mem>>)
          %dma_wait3A_60 = arith.constant 0 : i32
          %dma_wait3A_61 = arith.constant 0 : i32
          %dma_wait3A_62 = tpu.memref_slice %arg4[%run_scoped3A_32, %add3A_31, %dma_wait3A_60, %dma_wait3A_61] : memref<2x80x25x80xi32, #tpu.memory_space<hbm>> -> memref<1x1x25x80xi32, #tpu.memory_space<hbm>>
          %dma_wait3A_63 = tpu.memref_squeeze %dma_wait3A_62 : memref<1x1x25x80xi32, #tpu.memory_space<hbm>> -> memref<25x80xi32, #tpu.memory_space<hbm>>
          %dma_wait3A_64 = arith.constant 0 : i32
          %dma_wait3A_65 = arith.constant 0 : i32
          %dma_wait3A_66 = tpu.memref_slice %arg4[%run_scoped3A_32, %add3A_31, %dma_wait3A_64, %dma_wait3A_65] : memref<2x80x25x80xi32, #tpu.memory_space<hbm>> -> memref<1x1x25x80xi32, #tpu.memory_space<hbm>>
          %dma_wait3A_67 = tpu.memref_squeeze %dma_wait3A_66 : memref<1x1x25x80xi32, #tpu.memory_space<hbm>> -> memref<25x80xi32, #tpu.memory_space<hbm>>
          tpu.wait_dma2 semaphore(%run_scoped3A_51 : memref<!tpu.dma_semaphore, #tpu.memory_space<semaphore_mem>>) src(%dma_wait3A_67 : memref<25x80xi32, #tpu.memory_space<hbm>>) dst(%arg9 : memref<25x80xi32, #tpu.memory_space<vmem>>)
          tpu.yield
        }) : () -> ()
        %dma_start3A = arith.constant 0 : i32
        %dma_start3A_33 = arith.constant 0 : i32
        %dma_start3A_34 = tpu.memref_slice %arg8[%dma_start3A, %dma_start3A_33] : memref<25x80xi32, #tpu.memory_space<vmem>> -> memref<1x80xi32, #tpu.memory_space<vmem>>
        %dma_start3A_35 = tpu.memref_squeeze %dma_start3A_34 : memref<1x80xi32, #tpu.memory_space<vmem>> -> memref<80xi32, #tpu.memory_space<vmem>>
        %dma_start3A_36 = arith.constant 0 : i32
        %dma_start3A_37 = arith.constant 0 : i32
        %dma_start3A_38 = tpu.memref_slice %arg2[%dma_start3A_36, %dma_start3A_37] : memref<10000x128xf32, #tpu.memory_space<hbm>> -> memref<10000x128xf32, #tpu.memory_space<hbm>>
        tpu.enqueue_indirect_dma source(%dma_start3A_38 : memref<10000x128xf32, #tpu.memory_space<hbm>>) target(%arg10 : memref<80x128xf32, #tpu.memory_space<vmem>>) offsets(%dma_start3A_35 : memref<80xi32, #tpu.memory_space<vmem>>) semaphore(%arg12 : memref<!tpu.dma_semaphore, #tpu.memory_space<semaphore_mem>>)
        %scan3A_39 = arith.constant 0 : i32
        %scan3A_40 = arith.constant 12 : i32
        %scan3A_41 = arith.addi %scan3A_39, %scan3A_40 : i32
        %scan3A_42 = arith.constant 1 : i32
        scf.for %scan3A_51 = %scan3A_39 to %scan3A_41 step %scan3A_42  : i32 {
          %mul3A_52 = arith.constant 2 : i32
          %mul3A_53 = arith.muli %scan3A_51, %mul3A_52 : i32
          %add3A_54 = arith.constant 0 : i32
          %add3A_55 = arith.addi %add3A_54, %mul3A_53 : i32
          %add3A_56 = arith.constant 1 : i32
          %add3A_57 = arith.addi %add3A_55, %add3A_56 : i32
          %dma_start3A_58 = arith.constant 0 : i32
          %dma_start3A_59 = tpu.memref_slice %arg8[%add3A_57, %dma_start3A_58] : memref<25x80xi32, #tpu.memory_space<vmem>> -> memref<1x80xi32, #tpu.memory_space<vmem>>
          %dma_start3A_60 = tpu.memref_squeeze %dma_start3A_59 : memref<1x80xi32, #tpu.memory_space<vmem>> -> memref<80xi32, #tpu.memory_space<vmem>>
          %dma_start3A_61 = arith.constant 0 : i32
          %dma_start3A_62 = arith.constant 0 : i32
          %dma_start3A_63 = tpu.memref_slice %arg2[%dma_start3A_61, %dma_start3A_62] : memref<10000x128xf32, #tpu.memory_space<hbm>> -> memref<10000x128xf32, #tpu.memory_space<hbm>>
          tpu.enqueue_indirect_dma source(%dma_start3A_63 : memref<10000x128xf32, #tpu.memory_space<hbm>>) target(%arg11 : memref<80x128xf32, #tpu.memory_space<vmem>>) offsets(%dma_start3A_60 : memref<80xi32, #tpu.memory_space<vmem>>) semaphore(%arg13 : memref<!tpu.dma_semaphore, #tpu.memory_space<semaphore_mem>>)
          %dma_wait3A_64 = arith.constant 0 : i32
          %dma_wait3A_65 = tpu.memref_slice %arg8[%add3A_55, %dma_wait3A_64] : memref<25x80xi32, #tpu.memory_space<vmem>> -> memref<1x80xi32, #tpu.memory_space<vmem>>
          %dma_wait3A_66 = tpu.memref_squeeze %dma_wait3A_65 : memref<1x80xi32, #tpu.memory_space<vmem>> -> memref<80xi32, #tpu.memory_space<vmem>>
          %dma_wait3A_67 = arith.constant 0 : i32
          %dma_wait3A_68 = arith.constant 0 : i32
          %dma_wait3A_69 = tpu.memref_slice %arg2[%dma_wait3A_67, %dma_wait3A_68] : memref<10000x128xf32, #tpu.memory_space<hbm>> -> memref<10000x128xf32, #tpu.memory_space<hbm>>
          tpu.wait_indirect_dma semaphore(%arg12 : memref<!tpu.dma_semaphore, #tpu.memory_space<semaphore_mem>>) src(%dma_wait3A_69 : memref<10000x128xf32, #tpu.memory_space<hbm>>) dst(%arg10 : memref<80x128xf32, #tpu.memory_space<vmem>>)
          "tpu.region"() ({
            %run_scoped3A_88 = tpu.sem_alloc : memref<!tpu.dma_semaphore, #tpu.memory_space<semaphore_mem>>
            %dma_start3A_89 = arith.constant 0 : i32
            %dma_start3A_90 = tpu.memref_slice %arg9[%add3A_55, %dma_start3A_89] : memref<25x80xi32, #tpu.memory_space<vmem>> -> memref<1x80xi32, #tpu.memory_space<vmem>>
            %dma_start3A_91 = tpu.memref_squeeze %dma_start3A_90 : memref<1x80xi32, #tpu.memory_space<vmem>> -> memref<80xi32, #tpu.memory_space<vmem>>
            %dma_start3A_92 = arith.constant 0 : i32
            %dma_start3A_93 = arith.constant 0 : i32
            %dma_start3A_94 = tpu.memref_slice %arg7[%dma_start3A_92, %dma_start3A_93] : memref<10240x128xf32, #tpu.memory_space<vmem_shared>> -> memref<10240x128xf32, #tpu.memory_space<vmem_shared>>
            tpu.enqueue_indirect_dma source(%arg10 : memref<80x128xf32, #tpu.memory_space<vmem>>) target(%dma_start3A_94 : memref<10240x128xf32, #tpu.memory_space<vmem_shared>>) offsets(%dma_start3A_91 : memref<80xi32, #tpu.memory_space<vmem>>) semaphore(%run_scoped3A_88 : memref<!tpu.dma_semaphore, #tpu.memory_space<semaphore_mem>>) {add = true}
            %dma_wait3A_95 = arith.constant 0 : i32
            %dma_wait3A_96 = tpu.memref_slice %arg9[%add3A_55, %dma_wait3A_95] : memref<25x80xi32, #tpu.memory_space<vmem>> -> memref<1x80xi32, #tpu.memory_space<vmem>>
            %dma_wait3A_97 = tpu.memref_squeeze %dma_wait3A_96 : memref<1x80xi32, #tpu.memory_space<vmem>> -> memref<80xi32, #tpu.memory_space<vmem>>
            %dma_wait3A_98 = arith.constant 0 : i32
            %dma_wait3A_99 = arith.constant 0 : i32
            %dma_wait3A_100 = tpu.memref_slice %arg7[%dma_wait3A_98, %dma_wait3A_99] : memref<10240x128xf32, #tpu.memory_space<vmem_shared>> -> memref<10240x128xf32, #tpu.memory_space<vmem_shared>>
            tpu.wait_indirect_dma semaphore(%run_scoped3A_88 : memref<!tpu.dma_semaphore, #tpu.memory_space<semaphore_mem>>) src(%arg10 : memref<80x128xf32, #tpu.memory_space<vmem>>) dst(%dma_wait3A_100 : memref<10240x128xf32, #tpu.memory_space<vmem_shared>>)
            tpu.yield
          }) : () -> ()
          %add3A_70 = arith.constant 2 : i32
          %add3A_71 = arith.addi %add3A_55, %add3A_70 : i32
          %dma_start3A_72 = arith.constant 0 : i32
          %dma_start3A_73 = tpu.memref_slice %arg8[%add3A_71, %dma_start3A_72] : memref<25x80xi32, #tpu.memory_space<vmem>> -> memref<1x80xi32, #tpu.memory_space<vmem>>
          %dma_start3A_74 = tpu.memref_squeeze %dma_start3A_73 : memref<1x80xi32, #tpu.memory_space<vmem>> -> memref<80xi32, #tpu.memory_space<vmem>>
          %dma_start3A_75 = arith.constant 0 : i32
          %dma_start3A_76 = arith.constant 0 : i32
          %dma_start3A_77 = tpu.memref_slice %arg2[%dma_start3A_75, %dma_start3A_76] : memref<10000x128xf32, #tpu.memory_space<hbm>> -> memref<10000x128xf32, #tpu.memory_space<hbm>>
          tpu.enqueue_indirect_dma source(%dma_start3A_77 : memref<10000x128xf32, #tpu.memory_space<hbm>>) target(%arg10 : memref<80x128xf32, #tpu.memory_space<vmem>>) offsets(%dma_start3A_74 : memref<80xi32, #tpu.memory_space<vmem>>) semaphore(%arg12 : memref<!tpu.dma_semaphore, #tpu.memory_space<semaphore_mem>>)
          %add3A_78 = arith.constant 1 : i32
          %add3A_79 = arith.addi %add3A_55, %add3A_78 : i32
          %dma_wait3A_80 = arith.constant 0 : i32
          %dma_wait3A_81 = tpu.memref_slice %arg8[%add3A_79, %dma_wait3A_80] : memref<25x80xi32, #tpu.memory_space<vmem>> -> memref<1x80xi32, #tpu.memory_space<vmem>>
          %dma_wait3A_82 = tpu.memref_squeeze %dma_wait3A_81 : memref<1x80xi32, #tpu.memory_space<vmem>> -> memref<80xi32, #tpu.memory_space<vmem>>
          %dma_wait3A_83 = arith.constant 0 : i32
          %dma_wait3A_84 = arith.constant 0 : i32
          %dma_wait3A_85 = tpu.memref_slice %arg2[%dma_wait3A_83, %dma_wait3A_84] : memref<10000x128xf32, #tpu.memory_space<hbm>> -> memref<10000x128xf32, #tpu.memory_space<hbm>>
          tpu.wait_indirect_dma semaphore(%arg13 : memref<!tpu.dma_semaphore, #tpu.memory_space<semaphore_mem>>) src(%dma_wait3A_85 : memref<10000x128xf32, #tpu.memory_space<hbm>>) dst(%arg11 : memref<80x128xf32, #tpu.memory_space<vmem>>)
          %add3A_86 = arith.constant 1 : i32
          %add3A_87 = arith.addi %add3A_55, %add3A_86 : i32
          "tpu.region"() ({
            %run_scoped3A_88 = tpu.sem_alloc : memref<!tpu.dma_semaphore, #tpu.memory_space<semaphore_mem>>
            %dma_start3A_89 = arith.constant 0 : i32
            %dma_start3A_90 = tpu.memref_slice %arg9[%add3A_87, %dma_start3A_89] : memref<25x80xi32, #tpu.memory_space<vmem>> -> memref<1x80xi32, #tpu.memory_space<vmem>>
            %dma_start3A_91 = tpu.memref_squeeze %dma_start3A_90 : memref<1x80xi32, #tpu.memory_space<vmem>> -> memref<80xi32, #tpu.memory_space<vmem>>
            %dma_start3A_92 = arith.constant 0 : i32
            %dma_start3A_93 = arith.constant 0 : i32
            %dma_start3A_94 = tpu.memref_slice %arg7[%dma_start3A_92, %dma_start3A_93] : memref<10240x128xf32, #tpu.memory_space<vmem_shared>> -> memref<10240x128xf32, #tpu.memory_space<vmem_shared>>
            tpu.enqueue_indirect_dma source(%arg11 : memref<80x128xf32, #tpu.memory_space<vmem>>) target(%dma_start3A_94 : memref<10240x128xf32, #tpu.memory_space<vmem_shared>>) offsets(%dma_start3A_91 : memref<80xi32, #tpu.memory_space<vmem>>) semaphore(%run_scoped3A_88 : memref<!tpu.dma_semaphore, #tpu.memory_space<semaphore_mem>>) {add = true}
            %dma_wait3A_95 = arith.constant 0 : i32
            %dma_wait3A_96 = tpu.memref_slice %arg9[%add3A_87, %dma_wait3A_95] : memref<25x80xi32, #tpu.memory_space<vmem>> -> memref<1x80xi32, #tpu.memory_space<vmem>>
            %dma_wait3A_97 = tpu.memref_squeeze %dma_wait3A_96 : memref<1x80xi32, #tpu.memory_space<vmem>> -> memref<80xi32, #tpu.memory_space<vmem>>
            %dma_wait3A_98 = arith.constant 0 : i32
            %dma_wait3A_99 = arith.constant 0 : i32
            %dma_wait3A_100 = tpu.memref_slice %arg7[%dma_wait3A_98, %dma_wait3A_99] : memref<10240x128xf32, #tpu.memory_space<vmem_shared>> -> memref<10240x128xf32, #tpu.memory_space<vmem_shared>>
            tpu.wait_indirect_dma semaphore(%run_scoped3A_88 : memref<!tpu.dma_semaphore, #tpu.memory_space<semaphore_mem>>) src(%arg11 : memref<80x128xf32, #tpu.memory_space<vmem>>) dst(%dma_wait3A_100 : memref<10240x128xf32, #tpu.memory_space<vmem_shared>>)
            tpu.yield
          }) : () -> ()
        }
        %scan3A_43 = arith.constant 12 : i32
        %dma_wait3A = arith.constant 24 : i32
        %dma_wait3A_44 = arith.constant 0 : i32
        %dma_wait3A_45 = tpu.memref_slice %arg8[%dma_wait3A, %dma_wait3A_44] : memref<25x80xi32, #tpu.memory_space<vmem>> -> memref<1x80xi32, #tpu.memory_space<vmem>>
        %dma_wait3A_46 = tpu.memref_squeeze %dma_wait3A_45 : memref<1x80xi32, #tpu.memory_space<vmem>> -> memref<80xi32, #tpu.memory_space<vmem>>
        %dma_wait3A_47 = arith.constant 0 : i32
        %dma_wait3A_48 = arith.constant 0 : i32
        %dma_wait3A_49 = tpu.memref_slice %arg2[%dma_wait3A_47, %dma_wait3A_48] : memref<10000x128xf32, #tpu.memory_space<hbm>> -> memref<10000x128xf32, #tpu.memory_space<hbm>>
        tpu.wait_indirect_dma semaphore(%arg12 : memref<!tpu.dma_semaphore, #tpu.memory_space<semaphore_mem>>) src(%dma_wait3A_49 : memref<10000x128xf32, #tpu.memory_space<hbm>>) dst(%arg10 : memref<80x128xf32, #tpu.memory_space<vmem>>)
        %run_scoped3A_50 = arith.constant 24 : i32
        "tpu.region"() ({
          %run_scoped3A_51 = tpu.sem_alloc : memref<!tpu.dma_semaphore, #tpu.memory_space<semaphore_mem>>
          %dma_start3A_52 = arith.constant 0 : i32
          %dma_start3A_53 = tpu.memref_slice %arg9[%run_scoped3A_50, %dma_start3A_52] : memref<25x80xi32, #tpu.memory_space<vmem>> -> memref<1x80xi32, #tpu.memory_space<vmem>>
          %dma_start3A_54 = tpu.memref_squeeze %dma_start3A_53 : memref<1x80xi32, #tpu.memory_space<vmem>> -> memref<80xi32, #tpu.memory_space<vmem>>
          %dma_start3A_55 = arith.constant 0 : i32
          %dma_start3A_56 = arith.constant 0 : i32
          %dma_start3A_57 = tpu.memref_slice %arg7[%dma_start3A_55, %dma_start3A_56] : memref<10240x128xf32, #tpu.memory_space<vmem_shared>> -> memref<10240x128xf32, #tpu.memory_space<vmem_shared>>
          tpu.enqueue_indirect_dma source(%arg10 : memref<80x128xf32, #tpu.memory_space<vmem>>) target(%dma_start3A_57 : memref<10240x128xf32, #tpu.memory_space<vmem_shared>>) offsets(%dma_start3A_54 : memref<80xi32, #tpu.memory_space<vmem>>) semaphore(%run_scoped3A_51 : memref<!tpu.dma_semaphore, #tpu.memory_space<semaphore_mem>>) {add = true}
          %dma_wait3A_58 = arith.constant 0 : i32
          %dma_wait3A_59 = tpu.memref_slice %arg9[%run_scoped3A_50, %dma_wait3A_58] : memref<25x80xi32, #tpu.memory_space<vmem>> -> memref<1x80xi32, #tpu.memory_space<vmem>>
          %dma_wait3A_60 = tpu.memref_squeeze %dma_wait3A_59 : memref<1x80xi32, #tpu.memory_space<vmem>> -> memref<80xi32, #tpu.memory_space<vmem>>
          %dma_wait3A_61 = arith.constant 0 : i32
          %dma_wait3A_62 = arith.constant 0 : i32
          %dma_wait3A_63 = tpu.memref_slice %arg7[%dma_wait3A_61, %dma_wait3A_62] : memref<10240x128xf32, #tpu.memory_space<vmem_shared>> -> memref<10240x128xf32, #tpu.memory_space<vmem_shared>>
          tpu.wait_indirect_dma semaphore(%run_scoped3A_51 : memref<!tpu.dma_semaphore, #tpu.memory_space<semaphore_mem>>) src(%arg10 : memref<80x128xf32, #tpu.memory_space<vmem>>) dst(%dma_wait3A_63 : memref<10240x128xf32, #tpu.memory_space<vmem_shared>>)
          tpu.yield
        }) : () -> ()
      }
      %scan3A_19 = arith.constant 5 : i32
      %barrier3A_20 = arith.constant 0 : index
      tpu.barrier barrier_id(%barrier3A_20)
      %scan3A_21 = arith.constant 0 : i32
      %scan3A_22 = arith.constant 5 : i32
      %scan3A_23 = arith.addi %scan3A_21, %scan3A_22 : i32
      %scan3A_24 = arith.constant 1 : i32
      scf.for %scan3A_26 = %scan3A_21 to %scan3A_23 step %scan3A_24  : i32 {
        %mul3A = arith.constant 1 : i32
        %mul3A_27 = arith.muli %scan3A_26, %mul3A : i32
        %add3A = arith.constant 0 : i32
        %add3A_28 = arith.addi %add3A, %mul3A_27 : i32
        %mul3A_29 = arith.constant 640 : i32
        %mul3A_30 = arith.muli %arg1, %mul3A_29 : i32
        %mul3A_31 = arith.constant 128 : i32
        %mul3A_32 = arith.muli %add3A_28, %mul3A_31 : i32
        %add3A_33 = arith.addi %mul3A_30, %mul3A_32 : i32
        "tpu.region"() ({
          %run_scoped3A = tpu.sem_alloc : memref<!tpu.dma_semaphore, #tpu.memory_space<semaphore_mem>>
          %dma_start3A = arith.constant 0 : i32
          %dma_start3A_34 = tpu.memref_slice %arg5[%add3A_33, %dma_start3A] : memref<10240x128xf32, #tpu.memory_space<hbm>> -> memref<128x128xf32, #tpu.memory_space<hbm>>
          %dma_start3A_35 = arith.constant 0 : i32
          %dma_start3A_36 = tpu.memref_slice %arg7[%add3A_33, %dma_start3A_35] : memref<10240x128xf32, #tpu.memory_space<vmem_shared>> -> memref<128x128xf32, #tpu.memory_space<vmem_shared>>
          tpu.enqueue_dma source(%dma_start3A_36 : memref<128x128xf32, #tpu.memory_space<vmem_shared>>) target(%dma_start3A_34 : memref<128x128xf32, #tpu.memory_space<hbm>>) target_semaphore(%run_scoped3A : memref<!tpu.dma_semaphore, #tpu.memory_space<semaphore_mem>>)
          %dma_wait3A = arith.constant 0 : i32
          %dma_wait3A_37 = tpu.memref_slice %arg5[%add3A_33, %dma_wait3A] : memref<10240x128xf32, #tpu.memory_space<hbm>> -> memref<128x128xf32, #tpu.memory_space<hbm>>
          %dma_wait3A_38 = arith.constant 0 : i32
          %dma_wait3A_39 = tpu.memref_slice %arg7[%add3A_33, %dma_wait3A_38] : memref<10240x128xf32, #tpu.memory_space<vmem_shared>> -> memref<128x128xf32, #tpu.memory_space<vmem_shared>>
          tpu.wait_dma2 semaphore(%run_scoped3A : memref<!tpu.dma_semaphore, #tpu.memory_space<semaphore_mem>>) src(%dma_wait3A_39 : memref<128x128xf32, #tpu.memory_space<vmem_shared>>) dst(%dma_wait3A_37 : memref<128x128xf32, #tpu.memory_space<hbm>>)
          tpu.yield
        }) : () -> ()
      }
      %scan3A_25 = arith.constant 5 : i32
    } else {
    }
    %eq3A_2 = arith.constant 1 : i32
    %eq3A_3 = arith.cmpi eq, %arg0, %eq3A_2 : i32
    %convert_element_type3A_4 = arith.extui %eq3A_3 : i1 to i32
    %cond3A_5 = arith.constant 0 : i32
    %cond3A_6 = arith.cmpi ne, %convert_element_type3A_4, %cond3A_5 : i32
    scf.if %cond3A_6 {
      %lt3A = arith.constant 15 : i32
      %lt3A_7 = arith.cmpi slt, %arg1, %lt3A : i32
      %convert_element_type3A_8 = arith.extui %lt3A_7 : i1 to i32
      %cond3A_9 = arith.constant 0 : i32
      %cond3A_10 = arith.cmpi ne, %convert_element_type3A_8, %cond3A_9 : i32
      scf.if %cond3A_10 {
        %mul3A = arith.constant 632 : i32
        %mul3A_26 = arith.muli %arg1, %mul3A : i32
        "tpu.region"() ({
          %run_scoped3A = tpu.sem_alloc : memref<!tpu.dma_semaphore, #tpu.memory_space<semaphore_mem>>
          %dma_start3A = arith.constant 0 : i32
          %dma_start3A_27 = tpu.memref_slice %arg7[%mul3A_26, %dma_start3A] : memref<10240x128xf32, #tpu.memory_space<vmem_shared>> -> memref<632x128xf32, #tpu.memory_space<vmem_shared>>
          %dma_start3A_28 = arith.constant 0 : i32
          %dma_start3A_29 = tpu.memref_slice %arg3[%mul3A_26, %dma_start3A_28] : memref<10000x128xf32, #tpu.memory_space<hbm>> -> memref<632x128xf32, #tpu.memory_space<hbm>>
          tpu.enqueue_dma source(%dma_start3A_29 : memref<632x128xf32, #tpu.memory_space<hbm>>) target(%dma_start3A_27 : memref<632x128xf32, #tpu.memory_space<vmem_shared>>) target_semaphore(%run_scoped3A : memref<!tpu.dma_semaphore, #tpu.memory_space<semaphore_mem>>)
          %dma_wait3A = arith.constant 0 : i32
          %dma_wait3A_30 = tpu.memref_slice %arg7[%mul3A_26, %dma_wait3A] : memref<10240x128xf32, #tpu.memory_space<vmem_shared>> -> memref<632x128xf32, #tpu.memory_space<vmem_shared>>
          %dma_wait3A_31 = arith.constant 0 : i32
          %dma_wait3A_32 = tpu.memref_slice %arg3[%mul3A_26, %dma_wait3A_31] : memref<10000x128xf32, #tpu.memory_space<hbm>> -> memref<632x128xf32, #tpu.memory_space<hbm>>
          tpu.wait_dma2 semaphore(%run_scoped3A : memref<!tpu.dma_semaphore, #tpu.memory_space<semaphore_mem>>) src(%dma_wait3A_32 : memref<632x128xf32, #tpu.memory_space<hbm>>) dst(%dma_wait3A_30 : memref<632x128xf32, #tpu.memory_space<vmem_shared>>)
          tpu.yield
        }) : () -> ()
      } else {
      }
      %eq3A_11 = arith.constant 15 : i32
      %eq3A_12 = arith.cmpi eq, %arg1, %eq3A_11 : i32
      %convert_element_type3A_13 = arith.extui %eq3A_12 : i1 to i32
      %cond3A_14 = arith.constant 0 : i32
      %cond3A_15 = arith.cmpi ne, %convert_element_type3A_13, %cond3A_14 : i32
      scf.if %cond3A_15 {
        "tpu.region"() ({
          %run_scoped3A = tpu.sem_alloc : memref<!tpu.dma_semaphore, #tpu.memory_space<semaphore_mem>>
          %dma_start3A = arith.constant 9480 : i32
          %dma_start3A_26 = arith.constant 0 : i32
          %dma_start3A_27 = tpu.memref_slice %arg7[%dma_start3A, %dma_start3A_26] : memref<10240x128xf32, #tpu.memory_space<vmem_shared>> -> memref<520x128xf32, #tpu.memory_space<vmem_shared>>
          %dma_start3A_28 = arith.constant 9480 : i32
          %dma_start3A_29 = arith.constant 0 : i32
          %dma_start3A_30 = tpu.memref_slice %arg3[%dma_start3A_28, %dma_start3A_29] : memref<10000x128xf32, #tpu.memory_space<hbm>> -> memref<520x128xf32, #tpu.memory_space<hbm>>
          tpu.enqueue_dma source(%dma_start3A_30 : memref<520x128xf32, #tpu.memory_space<hbm>>) target(%dma_start3A_27 : memref<520x128xf32, #tpu.memory_space<vmem_shared>>) target_semaphore(%run_scoped3A : memref<!tpu.dma_semaphore, #tpu.memory_space<semaphore_mem>>)
          %dma_wait3A = arith.constant 9480 : i32
          %dma_wait3A_31 = arith.constant 0 : i32
          %dma_wait3A_32 = tpu.memref_slice %arg7[%dma_wait3A, %dma_wait3A_31] : memref<10240x128xf32, #tpu.memory_space<vmem_shared>> -> memref<520x128xf32, #tpu.memory_space<vmem_shared>>
          %dma_wait3A_33 = arith.constant 9480 : i32
          %dma_wait3A_34 = arith.constant 0 : i32
          %dma_wait3A_35 = tpu.memref_slice %arg3[%dma_wait3A_33, %dma_wait3A_34] : memref<10000x128xf32, #tpu.memory_space<hbm>> -> memref<520x128xf32, #tpu.memory_space<hbm>>
          tpu.wait_dma2 semaphore(%run_scoped3A : memref<!tpu.dma_semaphore, #tpu.memory_space<semaphore_mem>>) src(%dma_wait3A_35 : memref<520x128xf32, #tpu.memory_space<hbm>>) dst(%dma_wait3A_32 : memref<520x128xf32, #tpu.memory_space<vmem_shared>>)
          tpu.yield
        }) : () -> ()
      } else {
      }
      %barrier3A = arith.constant 0 : index
      tpu.barrier barrier_id(%barrier3A)
      %scan3A = arith.constant 0 : i32
      %scan3A_16 = arith.constant 5 : i32
      %scan3A_17 = arith.addi %scan3A, %scan3A_16 : i32
      %scan3A_18 = arith.constant 1 : i32
      scf.for %scan3A_26 = %scan3A to %scan3A_17 step %scan3A_18  : i32 {
        %mul3A = arith.constant 1 : i32
        %mul3A_27 = arith.muli %scan3A_26, %mul3A : i32
        %add3A = arith.constant 0 : i32
        %add3A_28 = arith.addi %add3A, %mul3A_27 : i32
        %mul3A_29 = arith.constant 5 : i32
        %mul3A_30 = arith.muli %arg1, %mul3A_29 : i32
        %add3A_31 = arith.addi %mul3A_30, %add3A_28 : i32
        %run_scoped3A = arith.constant 0 : i32
        "tpu.region"() ({
          %run_scoped3A_51 = tpu.sem_alloc : memref<!tpu.dma_semaphore, #tpu.memory_space<semaphore_mem>>
          %dma_start3A_52 = arith.constant 0 : i32
          %dma_start3A_53 = arith.constant 0 : i32
          %dma_start3A_54 = tpu.memref_slice %arg4[%run_scoped3A, %add3A_31, %dma_start3A_52, %dma_start3A_53] : memref<2x80x25x80xi32, #tpu.memory_space<hbm>> -> memref<1x1x25x80xi32, #tpu.memory_space<hbm>>
          %dma_start3A_55 = tpu.memref_squeeze %dma_start3A_54 : memref<1x1x25x80xi32, #tpu.memory_space<hbm>> -> memref<25x80xi32, #tpu.memory_space<hbm>>
          %dma_start3A_56 = arith.constant 0 : i32
          %dma_start3A_57 = arith.constant 0 : i32
          %dma_start3A_58 = tpu.memref_slice %arg4[%run_scoped3A, %add3A_31, %dma_start3A_56, %dma_start3A_57] : memref<2x80x25x80xi32, #tpu.memory_space<hbm>> -> memref<1x1x25x80xi32, #tpu.memory_space<hbm>>
          %dma_start3A_59 = tpu.memref_squeeze %dma_start3A_58 : memref<1x1x25x80xi32, #tpu.memory_space<hbm>> -> memref<25x80xi32, #tpu.memory_space<hbm>>
          tpu.enqueue_dma source(%dma_start3A_59 : memref<25x80xi32, #tpu.memory_space<hbm>>) target(%arg8 : memref<25x80xi32, #tpu.memory_space<vmem>>) target_semaphore(%run_scoped3A_51 : memref<!tpu.dma_semaphore, #tpu.memory_space<semaphore_mem>>)
          %dma_wait3A_60 = arith.constant 0 : i32
          %dma_wait3A_61 = arith.constant 0 : i32
          %dma_wait3A_62 = tpu.memref_slice %arg4[%run_scoped3A, %add3A_31, %dma_wait3A_60, %dma_wait3A_61] : memref<2x80x25x80xi32, #tpu.memory_space<hbm>> -> memref<1x1x25x80xi32, #tpu.memory_space<hbm>>
          %dma_wait3A_63 = tpu.memref_squeeze %dma_wait3A_62 : memref<1x1x25x80xi32, #tpu.memory_space<hbm>> -> memref<25x80xi32, #tpu.memory_space<hbm>>
          %dma_wait3A_64 = arith.constant 0 : i32
          %dma_wait3A_65 = arith.constant 0 : i32
          %dma_wait3A_66 = tpu.memref_slice %arg4[%run_scoped3A, %add3A_31, %dma_wait3A_64, %dma_wait3A_65] : memref<2x80x25x80xi32, #tpu.memory_space<hbm>> -> memref<1x1x25x80xi32, #tpu.memory_space<hbm>>
          %dma_wait3A_67 = tpu.memref_squeeze %dma_wait3A_66 : memref<1x1x25x80xi32, #tpu.memory_space<hbm>> -> memref<25x80xi32, #tpu.memory_space<hbm>>
          tpu.wait_dma2 semaphore(%run_scoped3A_51 : memref<!tpu.dma_semaphore, #tpu.memory_space<semaphore_mem>>) src(%dma_wait3A_67 : memref<25x80xi32, #tpu.memory_space<hbm>>) dst(%arg8 : memref<25x80xi32, #tpu.memory_space<vmem>>)
          tpu.yield
        }) : () -> ()
        %run_scoped3A_32 = arith.constant 1 : i32
        "tpu.region"() ({
          %run_scoped3A_51 = tpu.sem_alloc : memref<!tpu.dma_semaphore, #tpu.memory_space<semaphore_mem>>
          %dma_start3A_52 = arith.constant 0 : i32
          %dma_start3A_53 = arith.constant 0 : i32
          %dma_start3A_54 = tpu.memref_slice %arg4[%run_scoped3A_32, %add3A_31, %dma_start3A_52, %dma_start3A_53] : memref<2x80x25x80xi32, #tpu.memory_space<hbm>> -> memref<1x1x25x80xi32, #tpu.memory_space<hbm>>
          %dma_start3A_55 = tpu.memref_squeeze %dma_start3A_54 : memref<1x1x25x80xi32, #tpu.memory_space<hbm>> -> memref<25x80xi32, #tpu.memory_space<hbm>>
          %dma_start3A_56 = arith.constant 0 : i32
          %dma_start3A_57 = arith.constant 0 : i32
          %dma_start3A_58 = tpu.memref_slice %arg4[%run_scoped3A_32, %add3A_31, %dma_start3A_56, %dma_start3A_57] : memref<2x80x25x80xi32, #tpu.memory_space<hbm>> -> memref<1x1x25x80xi32, #tpu.memory_space<hbm>>
          %dma_start3A_59 = tpu.memref_squeeze %dma_start3A_58 : memref<1x1x25x80xi32, #tpu.memory_space<hbm>> -> memref<25x80xi32, #tpu.memory_space<hbm>>
          tpu.enqueue_dma source(%dma_start3A_59 : memref<25x80xi32, #tpu.memory_space<hbm>>) target(%arg9 : memref<25x80xi32, #tpu.memory_space<vmem>>) target_semaphore(%run_scoped3A_51 : memref<!tpu.dma_semaphore, #tpu.memory_space<semaphore_mem>>)
          %dma_wait3A_60 = arith.constant 0 : i32
          %dma_wait3A_61 = arith.constant 0 : i32
          %dma_wait3A_62 = tpu.memref_slice %arg4[%run_scoped3A_32, %add3A_31, %dma_wait3A_60, %dma_wait3A_61] : memref<2x80x25x80xi32, #tpu.memory_space<hbm>> -> memref<1x1x25x80xi32, #tpu.memory_space<hbm>>
          %dma_wait3A_63 = tpu.memref_squeeze %dma_wait3A_62 : memref<1x1x25x80xi32, #tpu.memory_space<hbm>> -> memref<25x80xi32, #tpu.memory_space<hbm>>
          %dma_wait3A_64 = arith.constant 0 : i32
          %dma_wait3A_65 = arith.constant 0 : i32
          %dma_wait3A_66 = tpu.memref_slice %arg4[%run_scoped3A_32, %add3A_31, %dma_wait3A_64, %dma_wait3A_65] : memref<2x80x25x80xi32, #tpu.memory_space<hbm>> -> memref<1x1x25x80xi32, #tpu.memory_space<hbm>>
          %dma_wait3A_67 = tpu.memref_squeeze %dma_wait3A_66 : memref<1x1x25x80xi32, #tpu.memory_space<hbm>> -> memref<25x80xi32, #tpu.memory_space<hbm>>
          tpu.wait_dma2 semaphore(%run_scoped3A_51 : memref<!tpu.dma_semaphore, #tpu.memory_space<semaphore_mem>>) src(%dma_wait3A_67 : memref<25x80xi32, #tpu.memory_space<hbm>>) dst(%arg9 : memref<25x80xi32, #tpu.memory_space<vmem>>)
          tpu.yield
        }) : () -> ()
        %dma_start3A = arith.constant 0 : i32
        %dma_start3A_33 = arith.constant 0 : i32
        %dma_start3A_34 = tpu.memref_slice %arg8[%dma_start3A, %dma_start3A_33] : memref<25x80xi32, #tpu.memory_space<vmem>> -> memref<1x80xi32, #tpu.memory_space<vmem>>
        %dma_start3A_35 = tpu.memref_squeeze %dma_start3A_34 : memref<1x80xi32, #tpu.memory_space<vmem>> -> memref<80xi32, #tpu.memory_space<vmem>>
        %dma_start3A_36 = arith.constant 0 : i32
        %dma_start3A_37 = arith.constant 0 : i32
        %dma_start3A_38 = tpu.memref_slice %arg3[%dma_start3A_36, %dma_start3A_37] : memref<10000x128xf32, #tpu.memory_space<hbm>> -> memref<10000x128xf32, #tpu.memory_space<hbm>>
        tpu.enqueue_indirect_dma source(%dma_start3A_38 : memref<10000x128xf32, #tpu.memory_space<hbm>>) target(%arg10 : memref<80x128xf32, #tpu.memory_space<vmem>>) offsets(%dma_start3A_35 : memref<80xi32, #tpu.memory_space<vmem>>) semaphore(%arg12 : memref<!tpu.dma_semaphore, #tpu.memory_space<semaphore_mem>>)
        %scan3A_39 = arith.constant 0 : i32
        %scan3A_40 = arith.constant 12 : i32
        %scan3A_41 = arith.addi %scan3A_39, %scan3A_40 : i32
        %scan3A_42 = arith.constant 1 : i32
        scf.for %scan3A_51 = %scan3A_39 to %scan3A_41 step %scan3A_42  : i32 {
          %mul3A_52 = arith.constant 2 : i32
          %mul3A_53 = arith.muli %scan3A_51, %mul3A_52 : i32
          %add3A_54 = arith.constant 0 : i32
          %add3A_55 = arith.addi %add3A_54, %mul3A_53 : i32
          %add3A_56 = arith.constant 1 : i32
          %add3A_57 = arith.addi %add3A_55, %add3A_56 : i32
          %dma_start3A_58 = arith.constant 0 : i32
          %dma_start3A_59 = tpu.memref_slice %arg8[%add3A_57, %dma_start3A_58] : memref<25x80xi32, #tpu.memory_space<vmem>> -> memref<1x80xi32, #tpu.memory_space<vmem>>
          %dma_start3A_60 = tpu.memref_squeeze %dma_start3A_59 : memref<1x80xi32, #tpu.memory_space<vmem>> -> memref<80xi32, #tpu.memory_space<vmem>>
          %dma_start3A_61 = arith.constant 0 : i32
          %dma_start3A_62 = arith.constant 0 : i32
          %dma_start3A_63 = tpu.memref_slice %arg3[%dma_start3A_61, %dma_start3A_62] : memref<10000x128xf32, #tpu.memory_space<hbm>> -> memref<10000x128xf32, #tpu.memory_space<hbm>>
          tpu.enqueue_indirect_dma source(%dma_start3A_63 : memref<10000x128xf32, #tpu.memory_space<hbm>>) target(%arg11 : memref<80x128xf32, #tpu.memory_space<vmem>>) offsets(%dma_start3A_60 : memref<80xi32, #tpu.memory_space<vmem>>) semaphore(%arg13 : memref<!tpu.dma_semaphore, #tpu.memory_space<semaphore_mem>>)
          %dma_wait3A_64 = arith.constant 0 : i32
          %dma_wait3A_65 = tpu.memref_slice %arg8[%add3A_55, %dma_wait3A_64] : memref<25x80xi32, #tpu.memory_space<vmem>> -> memref<1x80xi32, #tpu.memory_space<vmem>>
          %dma_wait3A_66 = tpu.memref_squeeze %dma_wait3A_65 : memref<1x80xi32, #tpu.memory_space<vmem>> -> memref<80xi32, #tpu.memory_space<vmem>>
          %dma_wait3A_67 = arith.constant 0 : i32
          %dma_wait3A_68 = arith.constant 0 : i32
          %dma_wait3A_69 = tpu.memref_slice %arg3[%dma_wait3A_67, %dma_wait3A_68] : memref<10000x128xf32, #tpu.memory_space<hbm>> -> memref<10000x128xf32, #tpu.memory_space<hbm>>
          tpu.wait_indirect_dma semaphore(%arg12 : memref<!tpu.dma_semaphore, #tpu.memory_space<semaphore_mem>>) src(%dma_wait3A_69 : memref<10000x128xf32, #tpu.memory_space<hbm>>) dst(%arg10 : memref<80x128xf32, #tpu.memory_space<vmem>>)
          "tpu.region"() ({
            %run_scoped3A_88 = tpu.sem_alloc : memref<!tpu.dma_semaphore, #tpu.memory_space<semaphore_mem>>
            %dma_start3A_89 = arith.constant 0 : i32
            %dma_start3A_90 = tpu.memref_slice %arg9[%add3A_55, %dma_start3A_89] : memref<25x80xi32, #tpu.memory_space<vmem>> -> memref<1x80xi32, #tpu.memory_space<vmem>>
            %dma_start3A_91 = tpu.memref_squeeze %dma_start3A_90 : memref<1x80xi32, #tpu.memory_space<vmem>> -> memref<80xi32, #tpu.memory_space<vmem>>
            %dma_start3A_92 = arith.constant 0 : i32
            %dma_start3A_93 = arith.constant 0 : i32
            %dma_start3A_94 = tpu.memref_slice %arg7[%dma_start3A_92, %dma_start3A_93] : memref<10240x128xf32, #tpu.memory_space<vmem_shared>> -> memref<10240x128xf32, #tpu.memory_space<vmem_shared>>
            tpu.enqueue_indirect_dma source(%arg10 : memref<80x128xf32, #tpu.memory_space<vmem>>) target(%dma_start3A_94 : memref<10240x128xf32, #tpu.memory_space<vmem_shared>>) offsets(%dma_start3A_91 : memref<80xi32, #tpu.memory_space<vmem>>) semaphore(%run_scoped3A_88 : memref<!tpu.dma_semaphore, #tpu.memory_space<semaphore_mem>>) {add = true}
            %dma_wait3A_95 = arith.constant 0 : i32
            %dma_wait3A_96 = tpu.memref_slice %arg9[%add3A_55, %dma_wait3A_95] : memref<25x80xi32, #tpu.memory_space<vmem>> -> memref<1x80xi32, #tpu.memory_space<vmem>>
            %dma_wait3A_97 = tpu.memref_squeeze %dma_wait3A_96 : memref<1x80xi32, #tpu.memory_space<vmem>> -> memref<80xi32, #tpu.memory_space<vmem>>
            %dma_wait3A_98 = arith.constant 0 : i32
            %dma_wait3A_99 = arith.constant 0 : i32
            %dma_wait3A_100 = tpu.memref_slice %arg7[%dma_wait3A_98, %dma_wait3A_99] : memref<10240x128xf32, #tpu.memory_space<vmem_shared>> -> memref<10240x128xf32, #tpu.memory_space<vmem_shared>>
            tpu.wait_indirect_dma semaphore(%run_scoped3A_88 : memref<!tpu.dma_semaphore, #tpu.memory_space<semaphore_mem>>) src(%arg10 : memref<80x128xf32, #tpu.memory_space<vmem>>) dst(%dma_wait3A_100 : memref<10240x128xf32, #tpu.memory_space<vmem_shared>>)
            tpu.yield
          }) : () -> ()
          %add3A_70 = arith.constant 2 : i32
          %add3A_71 = arith.addi %add3A_55, %add3A_70 : i32
          %dma_start3A_72 = arith.constant 0 : i32
          %dma_start3A_73 = tpu.memref_slice %arg8[%add3A_71, %dma_start3A_72] : memref<25x80xi32, #tpu.memory_space<vmem>> -> memref<1x80xi32, #tpu.memory_space<vmem>>
          %dma_start3A_74 = tpu.memref_squeeze %dma_start3A_73 : memref<1x80xi32, #tpu.memory_space<vmem>> -> memref<80xi32, #tpu.memory_space<vmem>>
          %dma_start3A_75 = arith.constant 0 : i32
          %dma_start3A_76 = arith.constant 0 : i32
          %dma_start3A_77 = tpu.memref_slice %arg3[%dma_start3A_75, %dma_start3A_76] : memref<10000x128xf32, #tpu.memory_space<hbm>> -> memref<10000x128xf32, #tpu.memory_space<hbm>>
          tpu.enqueue_indirect_dma source(%dma_start3A_77 : memref<10000x128xf32, #tpu.memory_space<hbm>>) target(%arg10 : memref<80x128xf32, #tpu.memory_space<vmem>>) offsets(%dma_start3A_74 : memref<80xi32, #tpu.memory_space<vmem>>) semaphore(%arg12 : memref<!tpu.dma_semaphore, #tpu.memory_space<semaphore_mem>>)
          %add3A_78 = arith.constant 1 : i32
          %add3A_79 = arith.addi %add3A_55, %add3A_78 : i32
          %dma_wait3A_80 = arith.constant 0 : i32
          %dma_wait3A_81 = tpu.memref_slice %arg8[%add3A_79, %dma_wait3A_80] : memref<25x80xi32, #tpu.memory_space<vmem>> -> memref<1x80xi32, #tpu.memory_space<vmem>>
          %dma_wait3A_82 = tpu.memref_squeeze %dma_wait3A_81 : memref<1x80xi32, #tpu.memory_space<vmem>> -> memref<80xi32, #tpu.memory_space<vmem>>
          %dma_wait3A_83 = arith.constant 0 : i32
          %dma_wait3A_84 = arith.constant 0 : i32
          %dma_wait3A_85 = tpu.memref_slice %arg3[%dma_wait3A_83, %dma_wait3A_84] : memref<10000x128xf32, #tpu.memory_space<hbm>> -> memref<10000x128xf32, #tpu.memory_space<hbm>>
          tpu.wait_indirect_dma semaphore(%arg13 : memref<!tpu.dma_semaphore, #tpu.memory_space<semaphore_mem>>) src(%dma_wait3A_85 : memref<10000x128xf32, #tpu.memory_space<hbm>>) dst(%arg11 : memref<80x128xf32, #tpu.memory_space<vmem>>)
          %add3A_86 = arith.constant 1 : i32
          %add3A_87 = arith.addi %add3A_55, %add3A_86 : i32
          "tpu.region"() ({
            %run_scoped3A_88 = tpu.sem_alloc : memref<!tpu.dma_semaphore, #tpu.memory_space<semaphore_mem>>
            %dma_start3A_89 = arith.constant 0 : i32
            %dma_start3A_90 = tpu.memref_slice %arg9[%add3A_87, %dma_start3A_89] : memref<25x80xi32, #tpu.memory_space<vmem>> -> memref<1x80xi32, #tpu.memory_space<vmem>>
            %dma_start3A_91 = tpu.memref_squeeze %dma_start3A_90 : memref<1x80xi32, #tpu.memory_space<vmem>> -> memref<80xi32, #tpu.memory_space<vmem>>
            %dma_start3A_92 = arith.constant 0 : i32
            %dma_start3A_93 = arith.constant 0 : i32
            %dma_start3A_94 = tpu.memref_slice %arg7[%dma_start3A_92, %dma_start3A_93] : memref<10240x128xf32, #tpu.memory_space<vmem_shared>> -> memref<10240x128xf32, #tpu.memory_space<vmem_shared>>
            tpu.enqueue_indirect_dma source(%arg11 : memref<80x128xf32, #tpu.memory_space<vmem>>) target(%dma_start3A_94 : memref<10240x128xf32, #tpu.memory_space<vmem_shared>>) offsets(%dma_start3A_91 : memref<80xi32, #tpu.memory_space<vmem>>) semaphore(%run_scoped3A_88 : memref<!tpu.dma_semaphore, #tpu.memory_space<semaphore_mem>>) {add = true}
            %dma_wait3A_95 = arith.constant 0 : i32
            %dma_wait3A_96 = tpu.memref_slice %arg9[%add3A_87, %dma_wait3A_95] : memref<25x80xi32, #tpu.memory_space<vmem>> -> memref<1x80xi32, #tpu.memory_space<vmem>>
            %dma_wait3A_97 = tpu.memref_squeeze %dma_wait3A_96 : memref<1x80xi32, #tpu.memory_space<vmem>> -> memref<80xi32, #tpu.memory_space<vmem>>
            %dma_wait3A_98 = arith.constant 0 : i32
            %dma_wait3A_99 = arith.constant 0 : i32
            %dma_wait3A_100 = tpu.memref_slice %arg7[%dma_wait3A_98, %dma_wait3A_99] : memref<10240x128xf32, #tpu.memory_space<vmem_shared>> -> memref<10240x128xf32, #tpu.memory_space<vmem_shared>>
            tpu.wait_indirect_dma semaphore(%run_scoped3A_88 : memref<!tpu.dma_semaphore, #tpu.memory_space<semaphore_mem>>) src(%arg11 : memref<80x128xf32, #tpu.memory_space<vmem>>) dst(%dma_wait3A_100 : memref<10240x128xf32, #tpu.memory_space<vmem_shared>>)
            tpu.yield
          }) : () -> ()
        }
        %scan3A_43 = arith.constant 12 : i32
        %dma_wait3A = arith.constant 24 : i32
        %dma_wait3A_44 = arith.constant 0 : i32
        %dma_wait3A_45 = tpu.memref_slice %arg8[%dma_wait3A, %dma_wait3A_44] : memref<25x80xi32, #tpu.memory_space<vmem>> -> memref<1x80xi32, #tpu.memory_space<vmem>>
        %dma_wait3A_46 = tpu.memref_squeeze %dma_wait3A_45 : memref<1x80xi32, #tpu.memory_space<vmem>> -> memref<80xi32, #tpu.memory_space<vmem>>
        %dma_wait3A_47 = arith.constant 0 : i32
        %dma_wait3A_48 = arith.constant 0 : i32
        %dma_wait3A_49 = tpu.memref_slice %arg3[%dma_wait3A_47, %dma_wait3A_48] : memref<10000x128xf32, #tpu.memory_space<hbm>> -> memref<10000x128xf32, #tpu.memory_space<hbm>>
        tpu.wait_indirect_dma semaphore(%arg12 : memref<!tpu.dma_semaphore, #tpu.memory_space<semaphore_mem>>) src(%dma_wait3A_49 : memref<10000x128xf32, #tpu.memory_space<hbm>>) dst(%arg10 : memref<80x128xf32, #tpu.memory_space<vmem>>)
        %run_scoped3A_50 = arith.constant 24 : i32
        "tpu.region"() ({
          %run_scoped3A_51 = tpu.sem_alloc : memref<!tpu.dma_semaphore, #tpu.memory_space<semaphore_mem>>
          %dma_start3A_52 = arith.constant 0 : i32
          %dma_start3A_53 = tpu.memref_slice %arg9[%run_scoped3A_50, %dma_start3A_52] : memref<25x80xi32, #tpu.memory_space<vmem>> -> memref<1x80xi32, #tpu.memory_space<vmem>>
          %dma_start3A_54 = tpu.memref_squeeze %dma_start3A_53 : memref<1x80xi32, #tpu.memory_space<vmem>> -> memref<80xi32, #tpu.memory_space<vmem>>
          %dma_start3A_55 = arith.constant 0 : i32
          %dma_start3A_56 = arith.constant 0 : i32
          %dma_start3A_57 = tpu.memref_slice %arg7[%dma_start3A_55, %dma_start3A_56] : memref<10240x128xf32, #tpu.memory_space<vmem_shared>> -> memref<10240x128xf32, #tpu.memory_space<vmem_shared>>
          tpu.enqueue_indirect_dma source(%arg10 : memref<80x128xf32, #tpu.memory_space<vmem>>) target(%dma_start3A_57 : memref<10240x128xf32, #tpu.memory_space<vmem_shared>>) offsets(%dma_start3A_54 : memref<80xi32, #tpu.memory_space<vmem>>) semaphore(%run_scoped3A_51 : memref<!tpu.dma_semaphore, #tpu.memory_space<semaphore_mem>>) {add = true}
          %dma_wait3A_58 = arith.constant 0 : i32
          %dma_wait3A_59 = tpu.memref_slice %arg9[%run_scoped3A_50, %dma_wait3A_58] : memref<25x80xi32, #tpu.memory_space<vmem>> -> memref<1x80xi32, #tpu.memory_space<vmem>>
          %dma_wait3A_60 = tpu.memref_squeeze %dma_wait3A_59 : memref<1x80xi32, #tpu.memory_space<vmem>> -> memref<80xi32, #tpu.memory_space<vmem>>
          %dma_wait3A_61 = arith.constant 0 : i32
          %dma_wait3A_62 = arith.constant 0 : i32
          %dma_wait3A_63 = tpu.memref_slice %arg7[%dma_wait3A_61, %dma_wait3A_62] : memref<10240x128xf32, #tpu.memory_space<vmem_shared>> -> memref<10240x128xf32, #tpu.memory_space<vmem_shared>>
          tpu.wait_indirect_dma semaphore(%run_scoped3A_51 : memref<!tpu.dma_semaphore, #tpu.memory_space<semaphore_mem>>) src(%arg10 : memref<80x128xf32, #tpu.memory_space<vmem>>) dst(%dma_wait3A_63 : memref<10240x128xf32, #tpu.memory_space<vmem_shared>>)
          tpu.yield
        }) : () -> ()
      }
      %scan3A_19 = arith.constant 5 : i32
      %barrier3A_20 = arith.constant 0 : index
      tpu.barrier barrier_id(%barrier3A_20)
      %scan3A_21 = arith.constant 0 : i32
      %scan3A_22 = arith.constant 5 : i32
      %scan3A_23 = arith.addi %scan3A_21, %scan3A_22 : i32
      %scan3A_24 = arith.constant 1 : i32
      scf.for %scan3A_26 = %scan3A_21 to %scan3A_23 step %scan3A_24  : i32 {
        %mul3A = arith.constant 1 : i32
        %mul3A_27 = arith.muli %scan3A_26, %mul3A : i32
        %add3A = arith.constant 0 : i32
        %add3A_28 = arith.addi %add3A, %mul3A_27 : i32
        %mul3A_29 = arith.constant 640 : i32
        %mul3A_30 = arith.muli %arg1, %mul3A_29 : i32
        %mul3A_31 = arith.constant 128 : i32
        %mul3A_32 = arith.muli %add3A_28, %mul3A_31 : i32
        %add3A_33 = arith.addi %mul3A_30, %mul3A_32 : i32
        "tpu.region"() ({
          %run_scoped3A = tpu.sem_alloc : memref<!tpu.dma_semaphore, #tpu.memory_space<semaphore_mem>>
          %dma_start3A = arith.constant 0 : i32
          %dma_start3A_34 = tpu.memref_slice %arg6[%add3A_33, %dma_start3A] : memref<10240x128xf32, #tpu.memory_space<hbm>> -> memref<128x128xf32, #tpu.memory_space<hbm>>
          %dma_start3A_35 = arith.constant 0 : i32
          %dma_start3A_36 = tpu.memref_slice %arg7[%add3A_33, %dma_start3A_35] : memref<10240x128xf32, #tpu.memory_space<vmem_shared>> -> memref<128x128xf32, #tpu.memory_space<vmem_shared>>
          tpu.enqueue_dma source(%dma_start3A_36 : memref<128x128xf32, #tpu.memory_space<vmem_shared>>) target(%dma_start3A_34 : memref<128x128xf32, #tpu.memory_space<hbm>>) target_semaphore(%run_scoped3A : memref<!tpu.dma_semaphore, #tpu.memory_space<semaphore_mem>>)
          %dma_wait3A = arith.constant 0 : i32
          %dma_wait3A_37 = tpu.memref_slice %arg6[%add3A_33, %dma_wait3A] : memref<10240x128xf32, #tpu.memory_space<hbm>> -> memref<128x128xf32, #tpu.memory_space<hbm>>
          %dma_wait3A_38 = arith.constant 0 : i32
          %dma_wait3A_39 = tpu.memref_slice %arg7[%add3A_33, %dma_wait3A_38] : memref<10240x128xf32, #tpu.memory_space<vmem_shared>> -> memref<128x128xf32, #tpu.memory_space<vmem_shared>>
          tpu.wait_dma2 semaphore(%run_scoped3A : memref<!tpu.dma_semaphore, #tpu.memory_space<semaphore_mem>>) src(%dma_wait3A_39 : memref<128x128xf32, #tpu.memory_space<vmem_shared>>) dst(%dma_wait3A_37 : memref<128x128xf32, #tpu.memory_space<hbm>>)
          tpu.yield
        }) : () -> ()
      }
      %scan3A_25 = arith.constant 5 : i32
    } else {
    }
    return
  }
}

module attributes {stable_mosaic.version = 14 : i64} {
  func.func @body(%arg0: i32, %arg1: memref<2048x128xf32, #tpu.memory_space<vmem>>, %arg2: memref<2048x128xf32, #tpu.memory_space<vmem>>, %arg3: memref<2048x1xf32, #tpu.memory_space<vmem>>, %arg4: memref<1x256xf32, #tpu.memory_space<vmem>>, %arg5: memref<2048x256xf32, #tpu.memory_space<vmem>>) attributes {dimension_semantics = [#tpu.dimension_semantics<arbitrary>], iteration_bounds = array<i64: 5>, scalar_prefetch = 0 : i64, scratch_operands = 0 : i64, tpu.core_type = #tpu.core_type<tc>, window_params = [{transform_indices = @transform_0, window_bounds = array<i64: 2048, 128>}, {transform_indices = @transform_1, window_bounds = array<i64: 2048, 128>}, {transform_indices = @transform_2, window_bounds = array<i64: 2048, 1>}, {pipeline_mode = #tpu.pipeline_mode<synchronous>, transform_indices = @transform_3, window_bounds = array<i64: 1, 256>}, {transform_indices = @transform_4, window_bounds = array<i64: 2048, 256>}]} {
    %get3A = arith.constant 0 : index
    %get3A_0 = arith.constant 0 : index
    %get3A_1 = vector.load %arg1[%get3A, %get3A_0] : memref<2048x128xf32, #tpu.memory_space<vmem>>, vector<2048x128xf32>
    %get3A_2 = arith.constant 0 : index
    %get3A_3 = arith.constant 0 : index
    %get3A_4 = vector.load %arg2[%get3A_2, %get3A_3] : memref<2048x128xf32, #tpu.memory_space<vmem>>, vector<2048x128xf32>
    %concatenate3A = tpu.concatenate %get3A_1, %get3A_4 in 1 : vector<2048x128xf32>, vector<2048x128xf32> -> vector<2048x256xf32>
    %get3A_5 = arith.constant 0 : index
    %get3A_6 = arith.constant 0 : index
    %get3A_7 = vector.load %arg3[%get3A_5, %get3A_6] : memref<2048x1xf32, #tpu.memory_space<vmem>>, vector<2048x1xf32>
    %mul3A = vector.broadcast %get3A_7 : vector<2048x1xf32> to vector<2048x256xf32>
    %mul3A_8 = arith.mulf %concatenate3A, %mul3A : vector<2048x256xf32>
    %get3A_9 = arith.constant 0 : index
    %get3A_10 = arith.constant 0 : index
    %get3A_11 = vector.load %arg4[%get3A_9, %get3A_10] : memref<1x256xf32, #tpu.memory_space<vmem>>, vector<1x256xf32>
    %add3A = vector.broadcast %get3A_11 : vector<1x256xf32> to vector<2048x256xf32>
    %add3A_12 = arith.addf %mul3A_8, %add3A : vector<2048x256xf32>
    %swap3A = arith.constant 0 : index
    %swap3A_13 = arith.constant 0 : index
    %swap3A_14 = vector.load %arg5[%swap3A, %swap3A_13] : memref<2048x256xf32, #tpu.memory_space<vmem>>, vector<2048x256xf32>
    tpu.vector_store %arg5[%swap3A, %swap3A_13], %add3A_12 {strides = array<i32>} : memref<2048x256xf32, #tpu.memory_space<vmem>>, vector<2048x256xf32>,
    return
  }
  func.func @transform_0(%arg0: i32) -> (i32, i32) {
    %c0_i32 = arith.constant 0 : i32
    %c0_i32_0 = arith.constant 0 : i32
    return %arg0, %c0_i32 : i32, i32
  }
  func.func @transform_1(%arg0: i32) -> (i32, i32) {
    %c0_i32 = arith.constant 0 : i32
    %c0_i32_0 = arith.constant 0 : i32
    return %arg0, %c0_i32 : i32, i32
  }
  func.func @transform_2(%arg0: i32) -> (i32, i32) {
    %c0_i32 = arith.constant 0 : i32
    %c0_i32_0 = arith.constant 0 : i32
    return %arg0, %c0_i32 : i32, i32
  }
  func.func @transform_3(%arg0: i32) -> (i32, i32) {
    %c0_i32 = arith.constant 0 : i32
    %c0_i32_0 = arith.constant 0 : i32
    %c0_i32_1 = arith.constant 0 : i32
    return %c0_i32, %c0_i32_0 : i32, i32
  }
  func.func @transform_4(%arg0: i32) -> (i32, i32) {
    %c0_i32 = arith.constant 0 : i32
    %c0_i32_0 = arith.constant 0 : i32
    return %arg0, %c0_i32 : i32, i32
  }
}

module attributes {stable_mosaic.version = 14 : i64} {
  func.func @body(%arg0: i32, %arg1: memref<2048x128xf32, #tpu.memory_space<vmem>>, %arg2: memref<2048x128xf32, #tpu.memory_space<vmem>>, %arg3: memref<2048x1xf32, #tpu.memory_space<vmem>>, %arg4: memref<2048x1xf32, #tpu.memory_space<vmem>>, %arg5: memref<256x512xf32, #tpu.memory_space<vmem>>, %arg6: memref<1x512xf32, #tpu.memory_space<vmem>>, %arg7: memref<512x256xf32, #tpu.memory_space<vmem>>, %arg8: memref<2048x128xf32, #tpu.memory_space<vmem>>, %arg9: memref<2048x128xf32, #tpu.memory_space<vmem>>) attributes {dimension_semantics = [#tpu.dimension_semantics<arbitrary>], iteration_bounds = array<i64: 5>, scalar_prefetch = 0 : i64, scratch_operands = 0 : i64, tpu.core_type = #tpu.core_type<tc>, window_params = [{transform_indices = @transform_0, window_bounds = array<i64: 2048, 128>}, {transform_indices = @transform_1, window_bounds = array<i64: 2048, 128>}, {transform_indices = @transform_2, window_bounds = array<i64: 2048, 1>}, {transform_indices = @transform_3, window_bounds = array<i64: 2048, 1>}, {pipeline_mode = #tpu.pipeline_mode<synchronous>, transform_indices = @transform_4, window_bounds = array<i64: 256, 512>}, {pipeline_mode = #tpu.pipeline_mode<synchronous>, transform_indices = @transform_5, window_bounds = array<i64: 1, 512>}, {pipeline_mode = #tpu.pipeline_mode<synchronous>, transform_indices = @transform_6, window_bounds = array<i64: 512, 256>}, {transform_indices = @transform_7, window_bounds = array<i64: 2048, 128>}, {transform_indices = @transform_8, window_bounds = array<i64: 2048, 128>}]} {
    %get3A = arith.constant 0 : index
    %get3A_0 = arith.constant 0 : index
    %get3A_1 = vector.load %arg1[%get3A, %get3A_0] : memref<2048x128xf32, #tpu.memory_space<vmem>>, vector<2048x128xf32>
    %get3A_2 = arith.constant 0 : index
    %get3A_3 = arith.constant 0 : index
    %get3A_4 = vector.load %arg2[%get3A_2, %get3A_3] : memref<2048x128xf32, #tpu.memory_space<vmem>>, vector<2048x128xf32>
    %concatenate3A = tpu.concatenate %get3A_1, %get3A_4 in 1 : vector<2048x128xf32>, vector<2048x128xf32> -> vector<2048x256xf32>
    %get3A_5 = arith.constant 0 : index
    %get3A_6 = arith.constant 0 : index
    %get3A_7 = vector.load %arg3[%get3A_5, %get3A_6] : memref<2048x1xf32, #tpu.memory_space<vmem>>, vector<2048x1xf32>
    %mul3A = vector.broadcast %get3A_7 : vector<2048x1xf32> to vector<2048x256xf32>
    %mul3A_8 = arith.mulf %concatenate3A, %mul3A : vector<2048x256xf32>
    %get3A_9 = arith.constant 0 : index
    %get3A_10 = arith.constant 0 : index
    %get3A_11 = vector.load %arg5[%get3A_9, %get3A_10] : memref<256x512xf32, #tpu.memory_space<vmem>>, vector<256x512xf32>
    %dot_general3A = arith.constant dense<0.000000e+00> : vector<2048x512xf32>
    %dot_general3A_12 = tpu.matmul %mul3A_8, %get3A_11, %dot_general3A {dimension_numbers = #tpu.dot_dimension_numbers<[1], [0], [0], [1], [0, 0, 1, 1], [], []>, transpose_lhs_hint = false} : vector<2048x256xf32>, vector<256x512xf32>, vector<2048x512xf32> -> vector<2048x512xf32>
    %get3A_13 = arith.constant 0 : index
    %get3A_14 = arith.constant 0 : index
    %get3A_15 = vector.load %arg6[%get3A_13, %get3A_14] : memref<1x512xf32, #tpu.memory_space<vmem>>, vector<1x512xf32>
    %add3A = vector.broadcast %get3A_15 : vector<1x512xf32> to vector<2048x512xf32>
    %add3A_16 = arith.addf %dot_general3A_12, %add3A : vector<2048x512xf32>
    %max3A = arith.constant 0.000000e+00 : f32
    %max3A_17 = vector.broadcast %max3A : f32 to vector<2048x512xf32>
    %max3A_18 = arith.maximumf %add3A_16, %max3A_17 : vector<2048x512xf32>
    %get3A_19 = arith.constant 0 : index
    %get3A_20 = arith.constant 0 : index
    %get3A_21 = vector.load %arg7[%get3A_19, %get3A_20] : memref<512x256xf32, #tpu.memory_space<vmem>>, vector<512x256xf32>
    %dot_general3A_22 = arith.constant dense<0.000000e+00> : vector<2048x256xf32>
    %dot_general3A_23 = tpu.matmul %max3A_18, %get3A_21, %dot_general3A_22 {dimension_numbers = #tpu.dot_dimension_numbers<[1], [0], [0], [1], [0, 0, 1, 1], [], []>, transpose_lhs_hint = false} : vector<2048x512xf32>, vector<512x256xf32>, vector<2048x256xf32> -> vector<2048x256xf32>
    %get3A_24 = arith.constant 0 : index
    %get3A_25 = arith.constant 0 : index
    %get3A_26 = vector.load %arg4[%get3A_24, %get3A_25] : memref<2048x1xf32, #tpu.memory_space<vmem>>, vector<2048x1xf32>
    %mul3A_27 = vector.broadcast %get3A_26 : vector<2048x1xf32> to vector<2048x256xf32>
    %mul3A_28 = arith.mulf %dot_general3A_23, %mul3A_27 : vector<2048x256xf32>
    %slice3A = vector.extract_strided_slice %mul3A_28 {offsets = [0, 0], sizes = [2048, 128], strides = [1, 1]} : vector<2048x256xf32> to vector<2048x128xf32>
    %swap3A = arith.constant 0 : index
    %swap3A_29 = arith.constant 0 : index
    %swap3A_30 = vector.load %arg8[%swap3A, %swap3A_29] : memref<2048x128xf32, #tpu.memory_space<vmem>>, vector<2048x128xf32>
    tpu.vector_store %arg8[%swap3A, %swap3A_29], %slice3A {strides = array<i32>} : memref<2048x128xf32, #tpu.memory_space<vmem>>, vector<2048x128xf32>,
    %slice3A_31 = vector.extract_strided_slice %mul3A_28 {offsets = [0, 128], sizes = [2048, 128], strides = [1, 1]} : vector<2048x256xf32> to vector<2048x128xf32>
    %swap3A_32 = arith.constant 0 : index
    %swap3A_33 = arith.constant 0 : index
    %swap3A_34 = vector.load %arg9[%swap3A_32, %swap3A_33] : memref<2048x128xf32, #tpu.memory_space<vmem>>, vector<2048x128xf32>
    tpu.vector_store %arg9[%swap3A_32, %swap3A_33], %slice3A_31 {strides = array<i32>} : memref<2048x128xf32, #tpu.memory_space<vmem>>, vector<2048x128xf32>,
    return
  }
  func.func @transform_0(%arg0: i32) -> (i32, i32) {
    %c0_i32 = arith.constant 0 : i32
    %c0_i32_0 = arith.constant 0 : i32
    return %arg0, %c0_i32 : i32, i32
  }
  func.func @transform_1(%arg0: i32) -> (i32, i32) {
    %c0_i32 = arith.constant 0 : i32
    %c0_i32_0 = arith.constant 0 : i32
    return %arg0, %c0_i32 : i32, i32
  }
  func.func @transform_2(%arg0: i32) -> (i32, i32) {
    %c0_i32 = arith.constant 0 : i32
    %c0_i32_0 = arith.constant 0 : i32
    return %arg0, %c0_i32 : i32, i32
  }
  func.func @transform_3(%arg0: i32) -> (i32, i32) {
    %c0_i32 = arith.constant 0 : i32
    %c0_i32_0 = arith.constant 0 : i32
    return %arg0, %c0_i32 : i32, i32
  }
  func.func @transform_4(%arg0: i32) -> (i32, i32) {
    %c0_i32 = arith.constant 0 : i32
    %c0_i32_0 = arith.constant 0 : i32
    %c0_i32_1 = arith.constant 0 : i32
    return %c0_i32, %c0_i32_0 : i32, i32
  }
  func.func @transform_5(%arg0: i32) -> (i32, i32) {
    %c0_i32 = arith.constant 0 : i32
    %c0_i32_0 = arith.constant 0 : i32
    %c0_i32_1 = arith.constant 0 : i32
    return %c0_i32, %c0_i32_0 : i32, i32
  }
  func.func @transform_6(%arg0: i32) -> (i32, i32) {
    %c0_i32 = arith.constant 0 : i32
    %c0_i32_0 = arith.constant 0 : i32
    %c0_i32_1 = arith.constant 0 : i32
    return %c0_i32, %c0_i32_0 : i32, i32
  }
  func.func @transform_7(%arg0: i32) -> (i32, i32) {
    %c0_i32 = arith.constant 0 : i32
    %c0_i32_0 = arith.constant 0 : i32
    return %arg0, %c0_i32 : i32, i32
  }
  func.func @transform_8(%arg0: i32) -> (i32, i32) {
    %c0_i32 = arith.constant 0 : i32
    %c0_i32_0 = arith.constant 0 : i32
    return %arg0, %c0_i32 : i32, i32
  }
}

module attributes {stable_mosaic.version = 14 : i64} {
  func.func @body(%arg0: i32, %arg1: memref<10240xf32, #tpu.memory_space<vmem>>, %arg2: memref<10240xf32, #tpu.memory_space<vmem>>, %arg3: memref<2048x256xf32, #tpu.memory_space<vmem>>, %arg4: memref<2048x1xf32, #tpu.memory_space<vmem>>, %arg5: memref<2048x1xf32, #tpu.memory_space<vmem>>, %arg6: memref<2048x128xf32, #tpu.memory_space<vmem>>, %arg7: memref<2048x128xf32, #tpu.memory_space<vmem>>) attributes {dimension_semantics = [#tpu.dimension_semantics<arbitrary>], iteration_bounds = array<i64: 5>, scalar_prefetch = 0 : i64, scratch_operands = 0 : i64, tpu.core_type = #tpu.core_type<tc>, window_params = [{pipeline_mode = #tpu.pipeline_mode<synchronous>, transform_indices = @transform_0, window_bounds = array<i64: 10240>}, {pipeline_mode = #tpu.pipeline_mode<synchronous>, transform_indices = @transform_1, window_bounds = array<i64: 10240>}, {transform_indices = @transform_2, window_bounds = array<i64: 2048, 256>}, {transform_indices = @transform_3, window_bounds = array<i64: 2048, 1>}, {transform_indices = @transform_4, window_bounds = array<i64: 2048, 1>}, {transform_indices = @transform_5, window_bounds = array<i64: 2048, 128>}, {transform_indices = @transform_6, window_bounds = array<i64: 2048, 128>}]} {
    %mul3A = arith.constant 2048 : i32
    %mul3A_0 = arith.muli %arg0, %mul3A : i32
    %get3A = arith.index_cast %mul3A_0 : i32 to index
    %get3A_1 = vector.load %arg1[%get3A] : memref<10240xf32, #tpu.memory_space<vmem>>, vector<2048xf32>
    %reshape3A = vector.shape_cast %get3A_1 : vector<2048xf32> to vector<2048x1xf32>
    %add3A = arith.constant 1.000000e+00 : f32
    %add3A_2 = vector.broadcast %add3A : f32 to vector<2048x1xf32>
    %add3A_3 = arith.addf %reshape3A, %add3A_2 : vector<2048x1xf32>
    %rsqrt3A = math.rsqrt %add3A_3 : vector<2048x1xf32>
    %mul3A_4 = arith.constant 2048 : i32
    %mul3A_5 = arith.muli %arg0, %mul3A_4 : i32
    %get3A_6 = arith.index_cast %mul3A_5 : i32 to index
    %get3A_7 = vector.load %arg2[%get3A_6] : memref<10240xf32, #tpu.memory_space<vmem>>, vector<2048xf32>
    %reshape3A_8 = vector.shape_cast %get3A_7 : vector<2048xf32> to vector<2048x1xf32>
    %add3A_9 = arith.constant 1.000000e+00 : f32
    %add3A_10 = vector.broadcast %add3A_9 : f32 to vector<2048x1xf32>
    %add3A_11 = arith.addf %reshape3A_8, %add3A_10 : vector<2048x1xf32>
    %rsqrt3A_12 = math.rsqrt %add3A_11 : vector<2048x1xf32>
    %swap3A = arith.constant 0 : index
    %swap3A_13 = arith.constant 0 : index
    %swap3A_14 = vector.load %arg4[%swap3A, %swap3A_13] : memref<2048x1xf32, #tpu.memory_space<vmem>>, vector<2048x1xf32>
    tpu.vector_store %arg4[%swap3A, %swap3A_13], %rsqrt3A {strides = array<i32>} : memref<2048x1xf32, #tpu.memory_space<vmem>>, vector<2048x1xf32>,
    %swap3A_15 = arith.constant 0 : index
    %swap3A_16 = arith.constant 0 : index
    %swap3A_17 = vector.load %arg5[%swap3A_15, %swap3A_16] : memref<2048x1xf32, #tpu.memory_space<vmem>>, vector<2048x1xf32>
    tpu.vector_store %arg5[%swap3A_15, %swap3A_16], %rsqrt3A_12 {strides = array<i32>} : memref<2048x1xf32, #tpu.memory_space<vmem>>, vector<2048x1xf32>,
    %get3A_18 = arith.constant 0 : index
    %get3A_19 = arith.constant 0 : index
    %get3A_20 = vector.load %arg3[%get3A_18, %get3A_19] : memref<2048x256xf32, #tpu.memory_space<vmem>>, vector<2048x128xf32>
    %mul3A_21 = vector.broadcast %rsqrt3A : vector<2048x1xf32> to vector<2048x128xf32>
    %mul3A_22 = arith.mulf %mul3A_21, %get3A_20 : vector<2048x128xf32>
    %swap3A_23 = arith.constant 0 : index
    %swap3A_24 = arith.constant 0 : index
    %swap3A_25 = vector.load %arg6[%swap3A_23, %swap3A_24] : memref<2048x128xf32, #tpu.memory_space<vmem>>, vector<2048x128xf32>
    tpu.vector_store %arg6[%swap3A_23, %swap3A_24], %mul3A_22 {strides = array<i32>} : memref<2048x128xf32, #tpu.memory_space<vmem>>, vector<2048x128xf32>,
    %get3A_26 = arith.constant 0 : index
    %get3A_27 = arith.constant 128 : index
    %get3A_28 = vector.load %arg3[%get3A_26, %get3A_27] : memref<2048x256xf32, #tpu.memory_space<vmem>>, vector<2048x128xf32>
    %mul3A_29 = vector.broadcast %rsqrt3A : vector<2048x1xf32> to vector<2048x128xf32>
    %mul3A_30 = arith.mulf %mul3A_29, %get3A_28 : vector<2048x128xf32>
    %swap3A_31 = arith.constant 0 : index
    %swap3A_32 = arith.constant 0 : index
    %swap3A_33 = vector.load %arg7[%swap3A_31, %swap3A_32] : memref<2048x128xf32, #tpu.memory_space<vmem>>, vector<2048x128xf32>
    tpu.vector_store %arg7[%swap3A_31, %swap3A_32], %mul3A_30 {strides = array<i32>} : memref<2048x128xf32, #tpu.memory_space<vmem>>, vector<2048x128xf32>,
    return
  }
  func.func @transform_0(%arg0: i32) -> i32 {
    %c0_i32 = arith.constant 0 : i32
    %c0_i32_0 = arith.constant 0 : i32
    return %c0_i32 : i32
  }
  func.func @transform_1(%arg0: i32) -> i32 {
    %c0_i32 = arith.constant 0 : i32
    %c0_i32_0 = arith.constant 0 : i32
    return %c0_i32 : i32
  }
  func.func @transform_2(%arg0: i32) -> (i32, i32) {
    %c0_i32 = arith.constant 0 : i32
    %c0_i32_0 = arith.constant 0 : i32
    return %arg0, %c0_i32 : i32, i32
  }
  func.func @transform_3(%arg0: i32) -> (i32, i32) {
    %c0_i32 = arith.constant 0 : i32
    %c0_i32_0 = arith.constant 0 : i32
    return %arg0, %c0_i32 : i32, i32
  }
  func.func @transform_4(%arg0: i32) -> (i32, i32) {
    %c0_i32 = arith.constant 0 : i32
    %c0_i32_0 = arith.constant 0 : i32
    return %arg0, %c0_i32 : i32, i32
  }
  func.func @transform_5(%arg0: i32) -> (i32, i32) {
    %c0_i32 = arith.constant 0 : i32
    %c0_i32_0 = arith.constant 0 : i32
    return %arg0, %c0_i32 : i32, i32
  }
  func.func @transform_6(%arg0: i32) -> (i32, i32) {
    %c0_i32 = arith.constant 0 : i32
    %c0_i32_0 = arith.constant 0 : i32
    return %arg0, %c0_i32 : i32, i32
  }
}

</mosaic_0001>

<sc_bundles>
// kernel: kernel.11.cloned.1.call-start
scs
__scs_entry_jumppad:
0x0: {  	(pc) =	sbr.rel $0x88, $3  }
0x1: {  	(tag) =	ssettag $0x0;
	lr =	simm.s32 $0x1  }
0x2: {  	[smem:$0x3F9B] =	sst lr;
	_ =	strace $0xD0000000  }
0x3: {  	_ = 	snop  }
0x4: {  	_ = 	snop  }
0x5: {  	_ = 	snop  }
0x6: {  	_ = 	snop  }
0x7: {  	_ = 	snop  }
__scs_overlays_trampoline_lowered:
0x8: {  	[smem:$0x3FAA] =	sst s0  }
0x9: {  	[smem:$0x3FAB] =	sst s1  }
0xa: {  	[smem:$0x3FAC] =	sst s2  }
0xb: {  	[smem:$0x3FAD] =	sst s3  }
0xc: {  	[smem:$0x3FAE] =	sst s4  }
0xd: {  	[smem:$0x3FAF] =	sst s5  }
0xe: {  	[smem:$0x3FB0] =	sst s6  }
0xf: {  	[smem:$0x3FB1] =	sst s7  }
0x10: {  	[smem:$0x3FB2] =	sst s8  }
0x11: {  	[smem:$0x3FB3] =	sst s9;
	s0 =	simm.s32 @!p0 $0x0  }
0x12: {  	s1 =	sld [smem:$0x3F99];
	s0 =	simm.s32 @p0 $0x1  }
0x13: {  	[smem:$0x3FB4] =	sst s0;
	s0 =	simm.s32 @!p1 $0x0  }
0x14: {  	s2 =	sld [smem:$0x3F98];
	s0 =	simm.s32 @p1 $0x1  }
0x15: {  	[smem:$0x3FB5] =	sst s0;
	s0 =	simm.s32 @!p2 $0x0  }
0x16: {  	s3 =	sld [smem:$0x3FDB];
	s0 =	simm.s32 @p2 $0x1  }
0x17: {  	s4 =	simm.s32 $0x1BF5;
	[smem:$0x3FB7] =	sst s0  }
0x18: {  	s0 =	sld [smem:$0x3F9A];
	_ =	swait.ge [sflag:s4], $0x0  }
0x19: {  	s7 =	sld [smem:$0x3F9B]  }
0x1a: {  	s8 =	sadd.s32 $0xFFFFE003, lr  }
0x1b: {  	s9 =	sadd.s32 $0xFFFFFEF7, lr;
	s5 =	simm.s32 $0xFFFFFFFF;
	p2 =	slt.u32 s8, $0xFFFFF086  }
0x1c: {  	p1 =	slt.u32 s9, $0xF7A;
	s5 =	simm.s32 @!p2 $0x0  }
0x1d: {  	s5 =	simm.s32 @p1 $0x1;
	p0 =	seq.s32 s7, s2  }
0x1e: {  	s7 =	smul.u32 @!p0 $0xF7A, s2;
	p2 =	seq.s32 @!p0 s5, $0x0  }
0x1f: {  	s9 =	smul.u32 $0xF7A, s1;
	s8 =	simm.s32 @!p0 $0x1BF5;
	p2 =	por !p2, p0  }
0x20: {  	[sflag:s8] =	ssyncset.s32 @!p0 $0xFFFFF086;
	s6 =	sadd.s32 @!p0 s3, s7;
	s7 =	simm.s32 @!p0 $0x108  }
0x21: {  	s3 =	sadd.s32 s3, s9;
	s6 =	sadd.s32 @!p0 $0x88, s6;
	s7 =	simm.s32 @p2 $0x1082  }
0x22: {  	[simem:s7], [sflag:s8] =	dma.local @!p0 [hbm:s6], $0xF7A  }
0x23: {  	s9 =	sor.u32 $0xD0000000, s2;
	s6 =	simm.s32 $0x108;
	_ =	swait.ge @!p0 [sflag:s8], $0x0  }
0x24: {  	s3 =	sadd.s32 $0x88, s3;
	s6 =	simm.s32 @!p1 $0x1082;
	[sflag:s4] =	ssyncset.s32 $0xFFFFF086  }
0x25: {  	[simem:s6], [sflag:s4] =	dma.local [hbm:s3], $0xF7A  }
0x26: {  	[smem:$0x3F9B] =	sst s1;
	(tag) =	ssettag s2;
	_ =	strace s9  }
0x27: {  	s1 =	sld [smem:$0x3FAB]  }
0x28: {  	s2 =	sld [smem:$0x3FAC]  }
0x29: {  	s4 =	sld [smem:$0x3FAE]  }
0x2a: {  	p0 =	seq.s32 s5, $0x0;
	s5 =	sld [smem:$0x3FAF]  }
0x2b: {  	s6 =	sld [smem:$0x3FB0]  }
0x2c: {  	s7 =	sld [smem:$0x3FB1]  }
0x2d: {  	s3 =	simm.s32 $0x108;
	s8 =	sld [smem:$0x3FB2]  }
0x2e: {  	s3 =	simm.s32 @!p0 $0x1082;
	s9 =	sld [smem:$0x3FB3]  }
0x2f: {  	lr =	sadd.s32 s0, s3;
	s0 =	sld [smem:$0x3FAA]  }
0x30: {  	s3 =	sld [smem:$0x3FAD]  }
0x31: {  	[smem:$0x3FB6] =	sst s10  }
0x32: {  	s10 =	sld [smem:$0x3FB4];
	_ =	sdelay $0x3  }
0x33: {  	p0 =	seq.s32 s10, $0x1;
	s10 =	sld [smem:$0x3FB6];
	_ =	sdelay $0x3  }
0x34: {  	[smem:$0x3FB6] =	sst s10  }
0x35: {  	s10 =	sld [smem:$0x3FB5];
	_ =	sdelay $0x3  }
0x36: {  	p1 =	seq.s32 s10, $0x1;
	s10 =	sld [smem:$0x3FB6];
	_ =	sdelay $0x3  }
0x37: {  	[smem:$0x3FB6] =	sst s10  }
0x38: {  	s10 =	sld [smem:$0x3FB7]  }
0x39: {  	_ = 	snop;
	(pc) =	sbr.ind lr, $3  }
0x3a: {  	_ = 	snop  }
0x3b: {  	_ = 	snop  }
0x3c: {  	p2 =	seq.s32 s10, $0x1;
	s10 =	sld [smem:$0x3FB6]  }
0x3d: {  	_ =	shalt  }
0x3e: {  	_ =	shalt  }
0x3f: {  	_ =	shalt  }
0x40: {  	_ =	shalt  }
0x41: {  	_ =	shalt  }
0x42: {  	_ =	shalt  }
0x43: {  	_ =	shalt  }
0x44: {  	_ =	shalt  }
0x45: {  	_ =	shalt  }
0x46: {  	_ =	shalt  }
0x47: {  	_ =	shalt  }
0x48: {  	_ =	shalt  }
0x49: {  	_ =	shalt  }
0x4a: {  	_ =	shalt  }
0x4b: {  	_ =	shalt  }
0x4c: {  	_ =	shalt  }
0x4d: {  	_ =	shalt  }
0x4e: {  	_ =	shalt  }
0x4f: {  	_ =	shalt  }
0x50: {  	_ =	shalt  }
0x51: {  	_ =	shalt  }
0x52: {  	_ =	shalt  }
0x53: {  	_ =	shalt  }
0x54: {  	_ =	shalt  }
0x55: {  	_ =	shalt  }
0x56: {  	_ =	shalt  }
0x57: {  	_ =	shalt  }
0x58: {  	_ =	shalt  }
0x59: {  	_ =	shalt  }
0x5a: {  	_ =	shalt  }
0x5b: {  	_ =	shalt  }
0x5c: {  	_ =	shalt  }
0x5d: {  	_ =	shalt  }
0x5e: {  	_ =	shalt  }
0x5f: {  	_ =	shalt  }
0x60: {  	_ =	shalt  }
0x61: {  	_ =	shalt  }
0x62: {  	_ =	shalt  }
0x63: {  	_ =	shalt  }
0x64: {  	_ =	shalt  }
0x65: {  	_ =	shalt  }
0x66: {  	_ =	shalt  }
0x67: {  	_ =	shalt  }
0x68: {  	_ =	shalt  }
0x69: {  	_ =	shalt  }
0x6a: {  	_ =	shalt  }
0x6b: {  	_ =	shalt  }
0x6c: {  	_ =	shalt  }
0x6d: {  	_ =	shalt  }
0x6e: {  	_ =	shalt  }
0x6f: {  	_ =	shalt  }
0x70: {  	_ =	shalt  }
0x71: {  	_ =	shalt  }
0x72: {  	_ =	shalt  }
0x73: {  	_ =	shalt  }
0x74: {  	_ =	shalt  }
0x75: {  	_ =	shalt  }
0x76: {  	_ =	shalt  }
0x77: {  	_ =	shalt  }
0x78: {  	_ =	shalt  }
0x79: {  	_ =	shalt  }
0x7a: {  	_ =	shalt  }
0x7b: {  	_ =	shalt  }
0x7c: {  	_ =	shalt  }
0x7d: {  	_ =	shalt  }
0x7e: {  	_ =	shalt  }
0x7f: {  	_ =	shalt  }
0x80: {  	_ =	shalt  }
0x81: {  	_ =	shalt  }
0x82: {  	_ =	shalt  }
0x83: {  	_ =	shalt  }
0x84: {  	_ =	shalt  }
0x85: {  	_ =	shalt  }
0x86: {  	_ =	shalt  }
0x87: {  	_ =	shalt  }
.Lfunc_end0:
.L_simem_size_0:
called_computation.1_lowered:
.L_overlay_start_0:
0x88: {  	s2 =	sld [smem:$0x3FD9]  }
0x89: {  	s3 =	sld [smem:$0x3FFE];
	_ =	sdelay $0x1  }
0x8a: {  	s1 =	srdreg.scid  }
0x8b: {  	s0 =	sand.u32 $0x1, s1  }
0x8c: {  	s17 =	sshll.u32 s0, $0xA;
	s2 =	sadd.s32 s3, s2  }
0x8d: {  	s2 =	sadd.s32 s2, s17  }
0x8e: {  	[smem:$0x3FC2] =	sst s2  }
0x8f: {  	_ = 	snop  }
0x90: {  	s2 =	sld [smem:$0x3FD0];
	(tm) =	ssettm $0x1  }
0x91: {  	s18 =	sld [smem:$0x3FFB];
	_ =	sdelay $0x3  }
0x92: {  	_ =	strace s18  }
0x93: {  	s3 =	sld [smem:$0x3FFC];
	_ =	sdelay $0x3  }
0x94: {  	_ =	strace s3  }
0x95: {  	s3 =	sld [smem:$0x3FFD];
	_ =	sdelay $0x3  }
0x96: {  	_ =	strace s3  }
0x97: {  	_ =	strace $0x8FFFFFFF  }
0x98: {  	s19 =	sld [smem:$0x3FDB];
	_ =	sdelay $0x1  }
0x99: {  	s4 =	simm.s32 $_scs_section_size  }
0x9a: {  	s5 =	simm.s32 $_size__tile_overlayer_lowered;
	s6 =	simm.s32 $_tile_overlayer_lowered  }
0x9b: {  	s22 =	simm.s32 $0x1BFF;
	s21 =	sshll.u32 s6, $0x1;
	s3 =	sadd.s32 s4, s19  }
0x9c: {  	s7 =	simm.s32 $0x0;
	s20 =	sshll.u32 s5, $0x1;
	s5 =	sadd.s32 s21, s3  }
0x9d: {  	[timem:s7], [sflag:s22] =	dma.local [hbm:s5], s20  }
0x9e: {  	_ =	swait.ge [sflag:s22], s20  }
0x9f: {  	s4 =	ssub.s32 $0x0, s20;
	[sflag:s22] =	ssyncset.done $0x0  }
0xa0: {  	[sflag:s22] =	ssyncadd.s32 s4;
	_ =	sdelay $0x1  }
0xa1: {  	s23 =	simm.s32 $0x1B8B  }
0xa2: {  	_ =	swait.ge [sflag:s23], $0x1  }
0xa3: {  	[sflag:s23] =	ssyncset.done $0x0  }
0xa4: {  	s25 =	simm.s32 $0x1B8E;
	s24 =	sld [smem:$0x3FFE];
	[sflag:s23] =	ssyncadd.s32 $0xFFFFFFFF  }
0xa5: {  	s26 =	simm.s32 $execute0_lowered;
	[smem:$0x3FD2] =	sst s25  }
0xa6: {  	s5 =	sshll.u32 s26, $0x1;
	_ =	strace $0x80000049;
	[dreg:$0x1] =	wrdreg $0xFFFFFFFF  }
0xa7: {  	s28 =	simm.s32 $_size_execute0_lowered;
	s3 =	sadd.s32 s3, s5;
	[dreg:$0x0] =	wrdreg $0x0  }
0xa8: {  	s5 =	sshll.u32 s28, $0x1;
	[dreg:$0x2] =	wrdreg s3  }
0xa9: {  	[dreg:$0x3] =	wrdreg s5  }
0xaa: {  	[dreg:$0x4] =	wrdreg $0xC0  }
0xab: {  	_ =	task [dreg:s7], $0x5FFFF  }
0xac: {  	[dreg:$0x1] =	wrdreg $0xFFFFFFFF  }
0xad: {  	[dreg:$0x0] =	wrdreg $0x60  }
0xae: {  	[dreg:$0x2] =	wrdreg s24  }
0xaf: {  	[dreg:$0x3] =	wrdreg s2  }
0xb0: {  	[dreg:$0x4] =	wrdreg $0x0  }
0xb1: {  	[dreg:$0x5] =	wrdreg $0x9  }
0xb2: {  	_ =	task.clear_ibuf [dreg:s7], $0x6FFFF;
	_ =	strace $0x90000049  }
0xb3: {  	s29 =	simm.s32 $0x9;
	_ =	strace $0x8000004B  }
0xb4: {  	_ =	swait.ge [sflag:s29], $0x1  }
0xb5: {  	[sflag:s29] =	ssyncadd.s32 $0xFFFFFFFF  }
0xb6: {  	_ =	strace $0x9000004B  }
0xb7: {  	_ =	sfence  }
0xb8: {  	s30 =	sld [smem:$0x0];
	_ =	sdelay $0x2  }
0xb9: {  	s31 =	sshll.u32 s1, $0xD;
	s1 =	sshrl.u32 s1, $0x2  }
0xba: {  	s3 =	sand.u32 $0x4000, s31;
	s1 =	sadd.s32 s1, s30  }
0xbb: {  	s0 =	sor.u32 s3, s0;
	s1 =	sshll.u32 s1, $0x11  }
0xbc: {  	s0 =	sor.u32 s1, s0  }
0xbd: {  	s0 =	sadd.s32 $0x8F2B, s0  }
0xbe: {  	[sflag:s0] =	ssyncadd.remote.s32 $0x1  }
0xbf: {  	_ =	sfence.sel $0xFFFF  }
0xc0: {  	[dreg:$0x0] =	wrdreg $0xFFFFFFFF;
	(pc) =	sbr.abs _section_cstart, $3  }
0xc1: {  	[dreg:$0x1] =	wrdreg $0xFFFFFFFF  }
0xc2: {  	_ =	task.clear_ibuf [dreg:s7], $0x2FFFF;
	_ =	strace $0x9FFFFFFF  }
0xc3: {  	(tm) =	ssettm $0x7FFFFFFF  }
tec
execute0_lowered:
.L_overlay_start_1:
0x0: {  	(tag) =	ssettag $0x1  }
0x1: {  	s0 =	rddreg [dreg:$0x0]  }
0x2: {  	s2 =	rddreg [dreg:$0x2];
	s3 =	simm.s32 $0x0;
	s1 =	srdreg.scid  }
0x3: {  	s4 =	stileid.u32;
	s29 =	simm.s32 $0x14000;
	s30 =	simm.s32 $0x3  }
0x4: {  	s31 =	simm.s32 $0x15000;
	s13 =	simm.s32 $0x2;
	s9 =	smul.u32 $0x4F000, s4  }
0x5: {  	[smem:$0x7FF] =	sst s3;
	s5 =	sadd.s32 $0x17400, s0;
	s12 =	smul.u32 $0x2780, s4  }
0x6: {  	s6 =	sadd.s32 $0x3E600, s0;
	s1 =	sand.u32 $0x1, s1;
	s11 =	smul.u32 $0x5, s4  }
0x7: {  	s7 =	sadd.s32 $0x3400, s0;
	s10 =	sadd.s32 $0x65800, s0;
	s19 =	smul.u32 $0x280, s4  }
0x8: {  	s17 =	sadd.s32 $0x128400, s2;
	s18 =	sadd.s32 $0x3C480, s0;
	s22 =	smul.u32 $0x50000, s4  }
0x9: {  	s24 =	smul.u32 $0x2800, s4;
	_ =	strace $0x8000004A;
	[dreg:$0x4] =	wrdreg s10  }
0xa: {  	p1 =	seq.s32 s4, $0xF;
	s8 =	ssub.s32 $0x2, s1;
	[dreg:$0x7] =	wrdreg s17  }
0xb: {  	p0 =	seq.s32 s1, $0x1;
	[dreg:$0x8] =	wrdreg s18;
	s10 =	simm.s32 $0x1  }
0xc: {  	s14 =	sshrl.u32 s8, $0x1;
	s15 =	sshrl.u32 s9, $0x2;
	s16 =	sadd.s32 s5, s12  }
0xd: {  	s20 =	sadd.s32 s6, s12;
	s18 =	sadd.s32 $0x80, s19;
	[dreg:$0xc] =	wrdreg s24  }
0xe: {  	s23 =	sadd.s32 $0x180, s19;
	s24 =	sadd.s32 $0x200, s19;
	s8 =	ssub.s32 s8, s14  }
0xf: {  	s1 =	sadd.s32 s15, s2;
	[dreg:$0x6] =	wrdreg s16;
	s14 =	sadd.s32 $0xD400, s0  }
0x10: {  	[dreg:$0x9] =	wrdreg s20;
	s0 =	sadd.s32 $0x63680, s0;
	s25 =	sshll.u32 s18, $0x4  }
0x11: {  	s28 =	sshll.u32 s24, $0x4;
	s15 =	simm.s32 $0x15C00;
	[dreg:$0x5] =	wrdreg s1  }
.Ltmp0:
0x12: {  	[dreg:$0xa] =	wrdreg s0;
	s21 =	smax.u32 s8, $0x1;
	(pc) =	sbr.rel .LBB2_1-.Ltmp0, $4  }
0x13: {  	[dreg:$0xd] =	wrdreg s25;
	s0 =	sshrl.u32 s22, $0x2;
	s1 =	simm.s32 $0x16000  }
0x14: {  	[dreg:$0xb] =	wrdreg s21;
	s21 =	sadd.s32 $0x100, s19;
	s0 =	sadd.s32 s0, s2  }
0x15: {  	s8 =	simm.s32 $0x18800;
	s26 =	sshll.u32 s21, $0x4;
	s25 =	sshrl.u32 s0, $0x3  }
0x16: {  	s0 =	simm.s32 $0x50;
	[dreg:$0xe] =	wrdreg s26;
	s26 =	sshll.u32 s23, $0x4  }
.LBB2_12:
0x17: {  	s12 =	sshll.u32 s4, $0x6;
	s16 =	rddreg [dreg:$0xc]  }
0x18: {  	[bflag:$0x0] =	sbarrier.arrive $0xFFFF;
	s16 =	sadd.s32 s9, s16;
	s12 =	sor.u32 $0x1C03, s12  }
0x19: {  	[hbm:s16], [sflag:s12] =	dma.local [spmem:s25], $0x800  }
0x1a: {  	s22 =	sshll.u32 s18, $0x7;
	_ =	swait.ge [sflag:s30], $0x800  }
0x1b: {  	s16 =	sadd.s32 s22, s2;
	[sflag:s30] =	ssyncset.done $0x0;
	s17 =	rddreg [dreg:$0xd]  }
0x1c: {  	s16 =	sshrl.u32 s16, $0x3;
	s17 =	sadd.s32 s9, s17;
	[sflag:s30] =	ssyncadd.s32 $0xFFFFF800  }
0x1d: {  	[hbm:s17], [sflag:s12] =	dma.local [spmem:s16], $0x800  }
0x1e: {  	s17 =	sshll.u32 s21, $0x7;
	_ =	swait.ge [sflag:s30], $0x800  }
0x1f: {  	s16 =	sadd.s32 s17, s2;
	[sflag:s30] =	ssyncset.done $0x0;
	s19 =	rddreg [dreg:$0xe]  }
0x20: {  	s16 =	sshrl.u32 s16, $0x3;
	s17 =	sadd.s32 s9, s19;
	[sflag:s30] =	ssyncadd.s32 $0xFFFFF800  }
0x21: {  	[hbm:s17], [sflag:s12] =	dma.local [spmem:s16], $0x800  }
0x22: {  	s20 =	sshll.u32 s23, $0x7;
	_ =	swait.ge [sflag:s30], $0x800  }
0x23: {  	s16 =	sadd.s32 s20, s2;
	[sflag:s30] =	ssyncset.done $0x0  }
0x24: {  	s22 =	sadd.s32 s9, s26;
	s16 =	sshrl.u32 s16, $0x3;
	[sflag:s30] =	ssyncadd.s32 $0xFFFFF800  }
0x25: {  	[hbm:s22], [sflag:s12] =	dma.local [spmem:s16], $0x800  }
0x26: {  	s19 =	sshll.u32 s24, $0x7;
	_ =	swait.ge [sflag:s30], $0x800  }
0x27: {  	s16 =	sadd.s32 s19, s2;
	[sflag:s30] =	ssyncset.done $0x0  }
0x28: {  	s20 =	sadd.s32 s9, s28;
	s16 =	sshrl.u32 s16, $0x3;
	[sflag:s30] =	ssyncadd.s32 $0xFFFFF800  }
0x29: {  	[hbm:s20], [sflag:s12] =	dma.local [spmem:s16], $0x800  }
0x2a: {  	_ =	swait.ge [sflag:s30], $0x800  }
0x2b: {  	s3 =	sadd.s32 $0x1, s3;
	s22 =	rddreg [dreg:$0xb]  }
0x2c: {  	p2 =	sne.s32 s3, s22  }
.Ltmp1:
0x2d: {  	_ = 	snop;
	(pc) =	sbr.rel @!p2 .LBB2_13-.Ltmp1, $3  }
0x2e: {  	_ =	sdelay $0x1  }
0x2f: {  	[sflag:s30] =	ssyncset.done $0x0  }
0x30: {  	[sflag:s30] =	ssyncadd.s32 $0xFFFFF800  }
.LBB2_1:
.Ltmp2:
0x31: {  	(pc) =	sbr.rel @!p0 .LBB2_2-.Ltmp2, $4  }
0x32: {  	_ = 	snop  }
0x33: {  	s9 =	rddreg [dreg:$0x7]  }
0x34: {  	s12 =	sshll.u32 @!p1 s4, $0x6;
	s16 =	sshrl.u32 @p1 s9, $0x3;
	s9 =	rddreg [dreg:$0x5]  }
0x35: {  	s12 =	sor.u32 @!p1 $0x1C03, s12;
	s9 =	sshrl.u32 @!p1 s9, $0x3  }
0x36: {  	s17 =	simm.s32 @p1 $0x1FC3;
	s19 =	rddreg [dreg:$0xa]  }
0x37: {  	[spmem:s16], [sflag:s17] =	dma.local @p1 [hbm:s19], $0x2080  }
0x38: {  	s16 =	simm.s32 @p1 $0x3  }
0x39: {  	_ =	swait.ge @p1 [sflag:s16], $0x2080  }
0x3a: {  	[sflag:s16] =	ssyncset.done @p1 $0x0  }
0x3b: {  	[sflag:s16] =	ssyncadd.s32 @p1 $0xFFFFDF80;
	s16 =	rddreg [dreg:$0x9]  }
0x3c: {  	[spmem:s9], [sflag:s12] =	dma.local @!p1 [hbm:s16], $0x2780  }
0x3d: {  	s9 =	simm.s32 @!p1 $0x3  }
0x3e: {  	_ =	swait.ge @!p1 [sflag:s9], $0x2780  }
0x3f: {  	[sflag:s9] =	ssyncset.done @!p1 $0x0  }
0x40: {  	[sflag:s9] =	ssyncadd.s32 @!p1 $0xFFFFD880  }
0x41: {  	s16 =	simm.s32 $0x0;
	s9 =	simm.s32 $0x0;
	[bflag:$0x0] =	sbarrier.arrive $0xFFFF  }
.LBB2_8:
0x42: {  	s12 =	sadd.s32 s11, s9  }
0x43: {  	s12 =	sshll.u32 s12, $0x9  }
0x44: {  	s17 =	sadd.s32 s7, s12  }
0x45: {  	[tilespmem:s29], [sflag:$0x3] =	stream.linear.gather [hbm4b:s17+s16], $0xC80, $0x38;
	[tilespmem:$0x1B000] =	vst v63  }
0x46: {  	_ =	swait.ge [sflag:s30], $0xC80  }
0x47: {  	[sflag:s30] =	ssyncset.done $0x0  }
0x48: {  	s12 =	sadd.s32 s12, s14;
	[sflag:s30] =	ssyncadd.s32 $0xFFFFF380  }
0x49: {  	[tilespmem:s31], [sflag:$0x3] =	stream.linear.gather [hbm4b:s12+s16], $0xC80, $0x38;
	[tilespmem:$0x1B000] =	vst v63  }
0x4a: {  	_ =	swait.ge [sflag:s30], $0xC80  }
0x4b: {  	[sflag:s30] =	ssyncset.done $0x0  }
0x4c: {  	[sflag:s30] =	ssyncadd.s32 $0xFFFFF380  }
0x4d: {  	[tilespmem:s1], [sflag:$0x1] =	stream.indirect.gather [hbm4b:s6+s0], $0x80, s29, s0, $0xb8;
	[tilespmem:$0x1B000] =	vst v63  }
0x4e: {  	s17 =	simm.s32 $0x14080  }
0x4f: {  	[tilespmem:s8], [sflag:$0x2] =	stream.indirect.gather [hbm4b:s6+s0], $0x80, s17, s0, $0xb8;
	[tilespmem:$0x1B000] =	vst v63  }
0x50: {  	_ =	swait.ge [sflag:s10], $0x2800  }
0x51: {  	[sflag:s10] =	ssyncset.done $0x0  }
0x52: {  	s19 =	simm.s32 $0x15000;
	[sflag:s10] =	ssyncadd.s32 $0xFFFFD800  }
0x53: {  	[spmem:s2] =	stream.indirect.scatter.add.f32 [tilespmem:s1], [sflag:$0x3], $0x80, s19, s0, $0xb8;
	[tilespmem:$0x1B000] =	vst v63  }
0x54: {  	_ =	swait.ge [sflag:s30], $0x2800  }
0x55: {  	[sflag:s30] =	ssyncset.done $0x0  }
0x56: {  	s20 =	simm.s32 $0x14100;
	[sflag:s30] =	ssyncadd.s32 $0xFFFFD800  }
0x57: {  	[tilespmem:s1], [sflag:$0x1] =	stream.indirect.gather [hbm4b:s6+s0], $0x80, s20, s0, $0xb8;
	[tilespmem:$0x1B000] =	vst v63  }
0x58: {  	_ =	swait.ge [sflag:s13], $0x2800  }
0x59: {  	[sflag:s13] =	ssyncset.done $0x0  }
0x5a: {  	s22 =	simm.s32 $0x15080;
	[sflag:s13] =	ssyncadd.s32 $0xFFFFD800  }
0x5b: {  	[spmem:s2] =	stream.indirect.scatter.add.f32 [tilespmem:s8], [sflag:$0x3], $0x80, s22, s0, $0xb8;
	[tilespmem:$0x1B000] =	vst v63  }
0x5c: {  	_ =	swait.ge [sflag:s30], $0x2800  }
0x5d: {  	s12 =	simm.s32 $0x100;
	s17 =	simm.s32 $0x800;
	[sflag:s30] =	ssyncset.done $0x0  }
.LBB2_9:
0x5e: {  	s19 =	sadd.s32 $0x14080, s12  }
0x5f: {  	[sflag:s30] =	ssyncadd.s32 $0xFFFFD800;
	s20 =	smov.u32 s17;
	s22 =	sadd.s32 $0x400, s17  }
0x60: {  	[tilespmem:s8], [sflag:$0x2] =	stream.indirect.gather [hbm4b:s6+s0], $0x80, s19, s0, $0xb8;
	[tilespmem:$0x1B000] =	vst v63  }
0x61: {  	p2 =	sne.s32 s17, $0x2C00;
	_ =	swait.ge [sflag:s10], $0x2800  }
0x62: {  	[sflag:s10] =	ssyncset.done $0x0  }
0x63: {  	s17 =	sadd.s32 $0x15000, s12;
	[sflag:s10] =	ssyncadd.s32 $0xFFFFD800  }
0x64: {  	[spmem:s2] =	stream.indirect.scatter.add.f32 [tilespmem:s1], [sflag:$0x3], $0x80, s17, s0, $0xb8;
	[tilespmem:$0x1B000] =	vst v63  }
0x65: {  	_ =	swait.ge [sflag:s30], $0x2800  }
0x66: {  	[sflag:s30] =	ssyncset.done $0x0  }
0x67: {  	s17 =	sadd.s32 $0x14100, s12;
	[sflag:s30] =	ssyncadd.s32 $0xFFFFD800  }
0x68: {  	[tilespmem:s1], [sflag:$0x1] =	stream.indirect.gather [hbm4b:s6+s0], $0x80, s17, s0, $0xb8;
	[tilespmem:$0x1B000] =	vst v63  }
0x69: {  	_ =	swait.ge [sflag:s13], $0x2800  }
.Ltmp3:
0x6a: {  	[sflag:s13] =	ssyncset.done $0x0;
	(pc) =	sbr.rel @p2 .LBB2_9-.Ltmp3, $4  }
0x6b: {  	s12 =	sadd.s32 $0x15080, s12;
	[sflag:s13] =	ssyncadd.s32 $0xFFFFD800  }
0x6c: {  	[spmem:s2] =	stream.indirect.scatter.add.f32 [tilespmem:s8], [sflag:$0x3], $0x80, s12, s0, $0xb8;
	[tilespmem:$0x1B000] =	vst v63  }
0x6d: {  	_ =	swait.ge [sflag:s30], $0x2800  }
0x6e: {  	s17 =	smov.u32 s22;
	s12 =	sshra.s32 s20, $0x2;
	[sflag:s30] =	ssyncset.done $0x0  }
0x6f: {  	s17 =	sadd.s32 $0x14080, s12;
	[sflag:s30] =	ssyncadd.s32 $0xFFFFD800  }
0x70: {  	[tilespmem:s8], [sflag:$0x2] =	stream.indirect.gather [hbm4b:s6+s0], $0x80, s17, s0, $0xb8;
	[tilespmem:$0x1B000] =	vst v63  }
0x71: {  	_ =	swait.ge [sflag:s10], $0x2800  }
0x72: {  	[sflag:s10] =	ssyncset.done $0x0  }
0x73: {  	s19 =	sadd.s32 $0x15000, s12;
	[sflag:s10] =	ssyncadd.s32 $0xFFFFD800  }
0x74: {  	[spmem:s2] =	stream.indirect.scatter.add.f32 [tilespmem:s1], [sflag:$0x3], $0x80, s19, s0, $0xb8;
	[tilespmem:$0x1B000] =	vst v63  }
0x75: {  	_ =	swait.ge [sflag:s30], $0x2800  }
0x76: {  	[sflag:s30] =	ssyncset.done $0x0  }
0x77: {  	s20 =	sadd.s32 $0x14100, s12;
	[sflag:s30] =	ssyncadd.s32 $0xFFFFD800  }
0x78: {  	[tilespmem:s1], [sflag:$0x1] =	stream.indirect.gather [hbm4b:s6+s0], $0x80, s20, s0, $0xb8;
	[tilespmem:$0x1B000] =	vst v63  }
0x79: {  	_ =	swait.ge [sflag:s13], $0x2800  }
0x7a: {  	[sflag:s13] =	ssyncset.done $0x0  }
0x7b: {  	s22 =	sadd.s32 $0x15080, s12;
	[sflag:s13] =	ssyncadd.s32 $0xFFFFD800  }
0x7c: {  	[spmem:s2] =	stream.indirect.scatter.add.f32 [tilespmem:s8], [sflag:$0x3], $0x80, s22, s0, $0xb8;
	[tilespmem:$0x1B000] =	vst v63  }
0x7d: {  	_ =	swait.ge [sflag:s30], $0x2800  }
0x7e: {  	[sflag:s30] =	ssyncset.done $0x0  }
0x7f: {  	[sflag:s30] =	ssyncadd.s32 $0xFFFFD800  }
0x80: {  	s9 =	sadd.s32 $0x1, s9;
	_ =	swait.ge [sflag:s10], $0x2800  }
0x81: {  	p2 =	sne.s32 s9, $0x5;
	[sflag:s10] =	ssyncset.done $0x0  }
.Ltmp4:
0x82: {  	[sflag:s10] =	ssyncadd.s32 $0xFFFFD800;
	(pc) =	sbr.rel @p2 .LBB2_8-.Ltmp4, $4  }
0x83: {  	[spmem:s2] =	stream.indirect.scatter.add.f32 [tilespmem:s1], [sflag:$0x3], $0x80, s15, s0, $0xb8;
	[tilespmem:$0x1B000] =	vst v63  }
0x84: {  	_ =	swait.ge [sflag:s30], $0x2800  }
0x85: {  	[sflag:s30] =	ssyncset.done $0x0  }
0x86: {  	[sflag:s30] =	ssyncadd.s32 $0xFFFFD800  }
.Ltmp5:
0x87: {  	(pc) =	sbr.rel .LBB2_12-.Ltmp5, $2  }
0x88: {  	_ =	sdelay $0x2  }
0x89: {  	s9 =	rddreg [dreg:$0x4]  }
.LBB2_2:
0x8a: {  	s17 =	simm.s32 @p1 $0x1FC3;
	s19 =	rddreg [dreg:$0x8]  }
0x8b: {  	[spmem:s16], [sflag:s17] =	dma.local @p1 [hbm:s19], $0x2080  }
0x8c: {  	s16 =	simm.s32 @p1 $0x3  }
0x8d: {  	_ =	swait.ge @p1 [sflag:s16], $0x2080  }
0x8e: {  	[sflag:s16] =	ssyncset.done @p1 $0x0  }
0x8f: {  	[sflag:s16] =	ssyncadd.s32 @p1 $0xFFFFDF80;
	s16 =	rddreg [dreg:$0x6]  }
0x90: {  	[spmem:s9], [sflag:s12] =	dma.local @!p1 [hbm:s16], $0x2780  }
0x91: {  	s9 =	simm.s32 @!p1 $0x3  }
0x92: {  	_ =	swait.ge @!p1 [sflag:s9], $0x2780  }
0x93: {  	[sflag:s9] =	ssyncset.done @!p1 $0x0  }
0x94: {  	[sflag:s9] =	ssyncadd.s32 @!p1 $0xFFFFD880  }
0x95: {  	s16 =	simm.s32 $0x0;
	s9 =	simm.s32 $0x0;
	[bflag:$0x0] =	sbarrier.arrive $0xFFFF  }
.LBB2_3:
0x96: {  	s12 =	sadd.s32 s11, s9  }
0x97: {  	s12 =	sshll.u32 s12, $0x9  }
0x98: {  	s17 =	sadd.s32 s7, s12  }
0x99: {  	[tilespmem:s29], [sflag:$0x3] =	stream.linear.gather [hbm4b:s17+s16], $0xC80, $0x38;
	[tilespmem:$0x1B000] =	vst v63  }
0x9a: {  	_ =	swait.ge [sflag:s30], $0xC80  }
0x9b: {  	[sflag:s30] =	ssyncset.done $0x0  }
0x9c: {  	s12 =	sadd.s32 s12, s14;
	[sflag:s30] =	ssyncadd.s32 $0xFFFFF380  }
0x9d: {  	[tilespmem:s31], [sflag:$0x3] =	stream.linear.gather [hbm4b:s12+s16], $0xC80, $0x38;
	[tilespmem:$0x1B000] =	vst v63  }
0x9e: {  	_ =	swait.ge [sflag:s30], $0xC80  }
0x9f: {  	[sflag:s30] =	ssyncset.done $0x0  }
0xa0: {  	[sflag:s30] =	ssyncadd.s32 $0xFFFFF380  }
0xa1: {  	[tilespmem:s1], [sflag:$0x1] =	stream.indirect.gather [hbm4b:s5+s0], $0x80, s29, s0, $0xb8;
	[tilespmem:$0x1B000] =	vst v63  }
0xa2: {  	s17 =	simm.s32 $0x14080  }
0xa3: {  	[tilespmem:s8], [sflag:$0x2] =	stream.indirect.gather [hbm4b:s5+s0], $0x80, s17, s0, $0xb8;
	[tilespmem:$0x1B000] =	vst v63  }
0xa4: {  	_ =	swait.ge [sflag:s10], $0x2800  }
0xa5: {  	[sflag:s10] =	ssyncset.done $0x0  }
0xa6: {  	s19 =	simm.s32 $0x15000;
	[sflag:s10] =	ssyncadd.s32 $0xFFFFD800  }
0xa7: {  	[spmem:s2] =	stream.indirect.scatter.add.f32 [tilespmem:s1], [sflag:$0x3], $0x80, s19, s0, $0xb8;
	[tilespmem:$0x1B000] =	vst v63  }
0xa8: {  	_ =	swait.ge [sflag:s30], $0x2800  }
0xa9: {  	[sflag:s30] =	ssyncset.done $0x0  }
0xaa: {  	s20 =	simm.s32 $0x14100;
	[sflag:s30] =	ssyncadd.s32 $0xFFFFD800  }
0xab: {  	[tilespmem:s1], [sflag:$0x1] =	stream.indirect.gather [hbm4b:s5+s0], $0x80, s20, s0, $0xb8;
	[tilespmem:$0x1B000] =	vst v63  }
0xac: {  	_ =	swait.ge [sflag:s13], $0x2800  }
0xad: {  	[sflag:s13] =	ssyncset.done $0x0  }
0xae: {  	s22 =	simm.s32 $0x15080;
	[sflag:s13] =	ssyncadd.s32 $0xFFFFD800  }
0xaf: {  	[spmem:s2] =	stream.indirect.scatter.add.f32 [tilespmem:s8], [sflag:$0x3], $0x80, s22, s0, $0xb8;
	[tilespmem:$0x1B000] =	vst v63  }
0xb0: {  	_ =	swait.ge [sflag:s30], $0x2800  }
0xb1: {  	s12 =	simm.s32 $0x100;
	s17 =	simm.s32 $0x800;
	[sflag:s30] =	ssyncset.done $0x0  }
.LBB2_4:
0xb2: {  	s19 =	sadd.s32 $0x14080, s12  }
0xb3: {  	[sflag:s30] =	ssyncadd.s32 $0xFFFFD800;
	s20 =	smov.u32 s17;
	s22 =	sadd.s32 $0x400, s17  }
0xb4: {  	[tilespmem:s8], [sflag:$0x2] =	stream.indirect.gather [hbm4b:s5+s0], $0x80, s19, s0, $0xb8;
	[tilespmem:$0x1B000] =	vst v63  }
0xb5: {  	p2 =	sne.s32 s17, $0x2C00;
	_ =	swait.ge [sflag:s10], $0x2800  }
0xb6: {  	[sflag:s10] =	ssyncset.done $0x0  }
0xb7: {  	s17 =	sadd.s32 $0x15000, s12;
	[sflag:s10] =	ssyncadd.s32 $0xFFFFD800  }
0xb8: {  	[spmem:s2] =	stream.indirect.scatter.add.f32 [tilespmem:s1], [sflag:$0x3], $0x80, s17, s0, $0xb8;
	[tilespmem:$0x1B000] =	vst v63  }
0xb9: {  	_ =	swait.ge [sflag:s30], $0x2800  }
0xba: {  	[sflag:s30] =	ssyncset.done $0x0  }
0xbb: {  	s17 =	sadd.s32 $0x14100, s12;
	[sflag:s30] =	ssyncadd.s32 $0xFFFFD800  }
0xbc: {  	[tilespmem:s1], [sflag:$0x1] =	stream.indirect.gather [hbm4b:s5+s0], $0x80, s17, s0, $0xb8;
	[tilespmem:$0x1B000] =	vst v63  }
0xbd: {  	_ =	swait.ge [sflag:s13], $0x2800  }
.Ltmp6:
0xbe: {  	[sflag:s13] =	ssyncset.done $0x0;
	(pc) =	sbr.rel @p2 .LBB2_4-.Ltmp6, $4  }
0xbf: {  	s12 =	sadd.s32 $0x15080, s12;
	[sflag:s13] =	ssyncadd.s32 $0xFFFFD800  }
0xc0: {  	[spmem:s2] =	stream.indirect.scatter.add.f32 [tilespmem:s8], [sflag:$0x3], $0x80, s12, s0, $0xb8;
	[tilespmem:$0x1B000] =	vst v63  }
0xc1: {  	_ =	swait.ge [sflag:s30], $0x2800  }
0xc2: {  	s17 =	smov.u32 s22;
	s12 =	sshra.s32 s20, $0x2;
	[sflag:s30] =	ssyncset.done $0x0  }
0xc3: {  	s17 =	sadd.s32 $0x14080, s12;
	[sflag:s30] =	ssyncadd.s32 $0xFFFFD800  }
0xc4: {  	[tilespmem:s8], [sflag:$0x2] =	stream.indirect.gather [hbm4b:s5+s0], $0x80, s17, s0, $0xb8;
	[tilespmem:$0x1B000] =	vst v63  }
0xc5: {  	_ =	swait.ge [sflag:s10], $0x2800  }
0xc6: {  	[sflag:s10] =	ssyncset.done $0x0  }
0xc7: {  	s19 =	sadd.s32 $0x15000, s12;
	[sflag:s10] =	ssyncadd.s32 $0xFFFFD800  }
0xc8: {  	[spmem:s2] =	stream.indirect.scatter.add.f32 [tilespmem:s1], [sflag:$0x3], $0x80, s19, s0, $0xb8;
	[tilespmem:$0x1B000] =	vst v63  }
0xc9: {  	_ =	swait.ge [sflag:s30], $0x2800  }
0xca: {  	[sflag:s30] =	ssyncset.done $0x0  }
0xcb: {  	s20 =	sadd.s32 $0x14100, s12;
	[sflag:s30] =	ssyncadd.s32 $0xFFFFD800  }
0xcc: {  	[tilespmem:s1], [sflag:$0x1] =	stream.indirect.gather [hbm4b:s5+s0], $0x80, s20, s0, $0xb8;
	[tilespmem:$0x1B000] =	vst v63  }
0xcd: {  	_ =	swait.ge [sflag:s13], $0x2800  }
0xce: {  	[sflag:s13] =	ssyncset.done $0x0  }
0xcf: {  	s22 =	sadd.s32 $0x15080, s12;
	[sflag:s13] =	ssyncadd.s32 $0xFFFFD800  }
0xd0: {  	[spmem:s2] =	stream.indirect.scatter.add.f32 [tilespmem:s8], [sflag:$0x3], $0x80, s22, s0, $0xb8;
	[tilespmem:$0x1B000] =	vst v63  }
0xd1: {  	_ =	swait.ge [sflag:s30], $0x2800  }
0xd2: {  	[sflag:s30] =	ssyncset.done $0x0  }
0xd3: {  	[sflag:s30] =	ssyncadd.s32 $0xFFFFD800  }
0xd4: {  	s9 =	sadd.s32 $0x1, s9;
	_ =	swait.ge [sflag:s10], $0x2800  }
0xd5: {  	p2 =	seq.s32 s9, $0x5;
	[sflag:s10] =	ssyncset.done $0x0  }
.Ltmp7:
0xd6: {  	[sflag:s10] =	ssyncadd.s32 $0xFFFFD800;
	(pc) =	sbr.rel @!p2 .LBB2_3-.Ltmp7, $4  }
0xd7: {  	[spmem:s2] =	stream.indirect.scatter.add.f32 [tilespmem:s1], [sflag:$0x3], $0x80, s15, s0, $0xb8;
	[tilespmem:$0x1B000] =	vst v63  }
0xd8: {  	_ =	swait.ge [sflag:s30], $0x2800  }
0xd9: {  	[sflag:s30] =	ssyncset.done $0x0  }
0xda: {  	[sflag:s30] =	ssyncadd.s32 $0xFFFFD800  }
.Ltmp8:
0xdb: {  	(pc) =	sbr.rel .LBB2_12-.Ltmp8, $2  }
0xdc: {  	_ =	sdelay $0x2  }
0xdd: {  	s9 =	rddreg [dreg:$0x1]  }
.LBB2_13:
0xde: {  	_ =	sfence.sel $0x180000  }
0xdf: {  	[bflag:$0x0] =	sbarrier.arrive $0xFFFF  }
0xe0: {  	_ =	strace $0x9000004A  }
0xe1: {  	[bflag:$0x2] =	sbarrier.arrive $0xFFFF  }
0xe2: {  	p0 =	sne.s32 s4, $0x0;
	s0 =	rddreg [dreg:$0x3]  }
0xe3: {  	s0 =	sadd.s32 @!p0 $0x100000, s0  }
0xe4: {  	[sflag:s0] =	ssyncadd.tile.s32 @!p0 $0x1;
	_ =	shalt  }
.Lfunc_end2:
_tile_overlayer_lowered:
.L_overlay_start_2:
0xe5: {  	(tag) =	ssettag $0x2  }
0xe6: {  	s0 =	rddreg [dreg:$0x0];
	s2 =	stileid.u32  }
0xe7: {  	s1 =	rddreg [dreg:$0x1];
	p0 =	sne.s32 s2, $0x0  }
0xe8: {  	s3 =	rddreg [dreg:$0x2];
	[bflag:$0x3] =	sbarrier.arrive $0xFFFF;
	s2 =	simm.s32 @!p0 $0x1C03  }
0xe9: {  	[timem:s3], [sflag:s2] =	dma.local @!p0 [hbm:s0], s1  }
0xea: {  	s0 =	simm.s32 @!p0 $0x3  }
0xeb: {  	_ =	swait.ge @!p0 [sflag:s0], s1  }
0xec: {  	s1 =	ssub.s32 @!p0 $0x0, s1;
	[sflag:s0] =	ssyncset.done @!p0 $0x0  }
0xed: {  	[sflag:s0] =	ssyncadd.s32 @!p0 s1  }
0xee: {  	[bflag:$0x3] =	sbarrier.arrive $0xFFFF  }
0xef: {  	_ =	shalt  }

// kernel: kernel.14.cloned.1.call-start
scs
__scs_entry_jumppad:
0x0: {  	(pc) =	sbr.rel $0x88, $3  }
0x1: {  	(tag) =	ssettag $0x0;
	lr =	simm.s32 $0x1  }
0x2: {  	[smem:$0x3F9B] =	sst lr;
	_ =	strace $0xD0000000  }
0x3: {  	_ = 	snop  }
0x4: {  	_ = 	snop  }
0x5: {  	_ = 	snop  }
0x6: {  	_ = 	snop  }
0x7: {  	_ = 	snop  }
__scs_overlays_trampoline_lowered:
0x8: {  	[smem:$0x3FAA] =	sst s0  }
0x9: {  	[smem:$0x3FAB] =	sst s1  }
0xa: {  	[smem:$0x3FAC] =	sst s2  }
0xb: {  	[smem:$0x3FAD] =	sst s3  }
0xc: {  	[smem:$0x3FAE] =	sst s4  }
0xd: {  	[smem:$0x3FAF] =	sst s5  }
0xe: {  	[smem:$0x3FB0] =	sst s6  }
0xf: {  	[smem:$0x3FB1] =	sst s7  }
0x10: {  	[smem:$0x3FB2] =	sst s8  }
0x11: {  	[smem:$0x3FB3] =	sst s9;
	s0 =	simm.s32 @!p0 $0x0  }
0x12: {  	s1 =	sld [smem:$0x3F99];
	s0 =	simm.s32 @p0 $0x1  }
0x13: {  	[smem:$0x3FB4] =	sst s0;
	s0 =	simm.s32 @!p1 $0x0  }
0x14: {  	s2 =	sld [smem:$0x3F98];
	s0 =	simm.s32 @p1 $0x1  }
0x15: {  	[smem:$0x3FB5] =	sst s0;
	s0 =	simm.s32 @!p2 $0x0  }
0x16: {  	s3 =	sld [smem:$0x3FDB];
	s0 =	simm.s32 @p2 $0x1  }
0x17: {  	s4 =	simm.s32 $0x1BF5;
	[smem:$0x3FB7] =	sst s0  }
0x18: {  	s0 =	sld [smem:$0x3F9A];
	_ =	swait.ge [sflag:s4], $0x0  }
0x19: {  	s7 =	sld [smem:$0x3F9B]  }
0x1a: {  	s8 =	sadd.s32 $0xFFFFE003, lr  }
0x1b: {  	s9 =	sadd.s32 $0xFFFFFEF7, lr;
	s5 =	simm.s32 $0xFFFFFFFF;
	p2 =	slt.u32 s8, $0xFFFFF086  }
0x1c: {  	p1 =	slt.u32 s9, $0xF7A;
	s5 =	simm.s32 @!p2 $0x0  }
0x1d: {  	s5 =	simm.s32 @p1 $0x1;
	p0 =	seq.s32 s7, s2  }
0x1e: {  	s7 =	smul.u32 @!p0 $0xF7A, s2;
	p2 =	seq.s32 @!p0 s5, $0x0  }
0x1f: {  	s9 =	smul.u32 $0xF7A, s1;
	s8 =	simm.s32 @!p0 $0x1BF5;
	p2 =	por !p2, p0  }
0x20: {  	[sflag:s8] =	ssyncset.s32 @!p0 $0xFFFFF086;
	s6 =	sadd.s32 @!p0 s3, s7;
	s7 =	simm.s32 @!p0 $0x108  }
0x21: {  	s3 =	sadd.s32 s3, s9;
	s6 =	sadd.s32 @!p0 $0x88, s6;
	s7 =	simm.s32 @p2 $0x1082  }
0x22: {  	[simem:s7], [sflag:s8] =	dma.local @!p0 [hbm:s6], $0xF7A  }
0x23: {  	s9 =	sor.u32 $0xD0000000, s2;
	s6 =	simm.s32 $0x108;
	_ =	swait.ge @!p0 [sflag:s8], $0x0  }
0x24: {  	s3 =	sadd.s32 $0x88, s3;
	s6 =	simm.s32 @!p1 $0x1082;
	[sflag:s4] =	ssyncset.s32 $0xFFFFF086  }
0x25: {  	[simem:s6], [sflag:s4] =	dma.local [hbm:s3], $0xF7A  }
0x26: {  	[smem:$0x3F9B] =	sst s1;
	(tag) =	ssettag s2;
	_ =	strace s9  }
0x27: {  	s1 =	sld [smem:$0x3FAB]  }
0x28: {  	s2 =	sld [smem:$0x3FAC]  }
0x29: {  	s4 =	sld [smem:$0x3FAE]  }
0x2a: {  	p0 =	seq.s32 s5, $0x0;
	s5 =	sld [smem:$0x3FAF]  }
0x2b: {  	s6 =	sld [smem:$0x3FB0]  }
0x2c: {  	s7 =	sld [smem:$0x3FB1]  }
0x2d: {  	s3 =	simm.s32 $0x108;
	s8 =	sld [smem:$0x3FB2]  }
0x2e: {  	s3 =	simm.s32 @!p0 $0x1082;
	s9 =	sld [smem:$0x3FB3]  }
0x2f: {  	lr =	sadd.s32 s0, s3;
	s0 =	sld [smem:$0x3FAA]  }
0x30: {  	s3 =	sld [smem:$0x3FAD]  }
0x31: {  	[smem:$0x3FB6] =	sst s10  }
0x32: {  	s10 =	sld [smem:$0x3FB4];
	_ =	sdelay $0x3  }
0x33: {  	p0 =	seq.s32 s10, $0x1;
	s10 =	sld [smem:$0x3FB6];
	_ =	sdelay $0x3  }
0x34: {  	[smem:$0x3FB6] =	sst s10  }
0x35: {  	s10 =	sld [smem:$0x3FB5];
	_ =	sdelay $0x3  }
0x36: {  	p1 =	seq.s32 s10, $0x1;
	s10 =	sld [smem:$0x3FB6];
	_ =	sdelay $0x3  }
0x37: {  	[smem:$0x3FB6] =	sst s10  }
0x38: {  	s10 =	sld [smem:$0x3FB7]  }
0x39: {  	_ = 	snop;
	(pc) =	sbr.ind lr, $3  }
0x3a: {  	_ = 	snop  }
0x3b: {  	_ = 	snop  }
0x3c: {  	p2 =	seq.s32 s10, $0x1;
	s10 =	sld [smem:$0x3FB6]  }
0x3d: {  	_ =	shalt  }
0x3e: {  	_ =	shalt  }
0x3f: {  	_ =	shalt  }
0x40: {  	_ =	shalt  }
0x41: {  	_ =	shalt  }
0x42: {  	_ =	shalt  }
0x43: {  	_ =	shalt  }
0x44: {  	_ =	shalt  }
0x45: {  	_ =	shalt  }
0x46: {  	_ =	shalt  }
0x47: {  	_ =	shalt  }
0x48: {  	_ =	shalt  }
0x49: {  	_ =	shalt  }
0x4a: {  	_ =	shalt  }
0x4b: {  	_ =	shalt  }
0x4c: {  	_ =	shalt  }
0x4d: {  	_ =	shalt  }
0x4e: {  	_ =	shalt  }
0x4f: {  	_ =	shalt  }
0x50: {  	_ =	shalt  }
0x51: {  	_ =	shalt  }
0x52: {  	_ =	shalt  }
0x53: {  	_ =	shalt  }
0x54: {  	_ =	shalt  }
0x55: {  	_ =	shalt  }
0x56: {  	_ =	shalt  }
0x57: {  	_ =	shalt  }
0x58: {  	_ =	shalt  }
0x59: {  	_ =	shalt  }
0x5a: {  	_ =	shalt  }
0x5b: {  	_ =	shalt  }
0x5c: {  	_ =	shalt  }
0x5d: {  	_ =	shalt  }
0x5e: {  	_ =	shalt  }
0x5f: {  	_ =	shalt  }
0x60: {  	_ =	shalt  }
0x61: {  	_ =	shalt  }
0x62: {  	_ =	shalt  }
0x63: {  	_ =	shalt  }
0x64: {  	_ =	shalt  }
0x65: {  	_ =	shalt  }
0x66: {  	_ =	shalt  }
0x67: {  	_ =	shalt  }
0x68: {  	_ =	shalt  }
0x69: {  	_ =	shalt  }
0x6a: {  	_ =	shalt  }
0x6b: {  	_ =	shalt  }
0x6c: {  	_ =	shalt  }
0x6d: {  	_ =	shalt  }
0x6e: {  	_ =	shalt  }
0x6f: {  	_ =	shalt  }
0x70: {  	_ =	shalt  }
0x71: {  	_ =	shalt  }
0x72: {  	_ =	shalt  }
0x73: {  	_ =	shalt  }
0x74: {  	_ =	shalt  }
0x75: {  	_ =	shalt  }
0x76: {  	_ =	shalt  }
0x77: {  	_ =	shalt  }
0x78: {  	_ =	shalt  }
0x79: {  	_ =	shalt  }
0x7a: {  	_ =	shalt  }
0x7b: {  	_ =	shalt  }
0x7c: {  	_ =	shalt  }
0x7d: {  	_ =	shalt  }
0x7e: {  	_ =	shalt  }
0x7f: {  	_ =	shalt  }
0x80: {  	_ =	shalt  }
0x81: {  	_ =	shalt  }
0x82: {  	_ =	shalt  }
0x83: {  	_ =	shalt  }
0x84: {  	_ =	shalt  }
0x85: {  	_ =	shalt  }
0x86: {  	_ =	shalt  }
0x87: {  	_ =	shalt  }
.Lfunc_end0:
.L_simem_size_0:
called_computation.2_lowered:
.L_overlay_start_0:
0x88: {  	s2 =	sld [smem:$0x3FD9]  }
0x89: {  	s3 =	sld [smem:$0x3FFE];
	_ =	sdelay $0x1  }
0x8a: {  	s1 =	srdreg.scid  }
0x8b: {  	s0 =	sand.u32 $0x1, s1  }
0x8c: {  	s17 =	sshll.u32 s0, $0xA;
	s2 =	sadd.s32 s3, s2  }
0x8d: {  	s2 =	sadd.s32 s2, s17  }
0x8e: {  	[smem:$0x3FC2] =	sst s2  }
0x8f: {  	_ = 	snop  }
0x90: {  	s2 =	sld [smem:$0x3FD0];
	(tm) =	ssettm $0x1  }
0x91: {  	s18 =	sld [smem:$0x3FFB];
	_ =	sdelay $0x3  }
0x92: {  	_ =	strace s18  }
0x93: {  	s3 =	sld [smem:$0x3FFC];
	_ =	sdelay $0x3  }
0x94: {  	_ =	strace s3  }
0x95: {  	s3 =	sld [smem:$0x3FFD];
	_ =	sdelay $0x3  }
0x96: {  	_ =	strace s3  }
0x97: {  	_ =	strace $0x8FFFFFFF  }
0x98: {  	s19 =	sld [smem:$0x3FDB];
	_ =	sdelay $0x1  }
0x99: {  	s4 =	simm.s32 $_scs_section_size  }
0x9a: {  	s5 =	simm.s32 $_size__tile_overlayer_lowered;
	s6 =	simm.s32 $_tile_overlayer_lowered  }
0x9b: {  	s22 =	simm.s32 $0x1BFF;
	s21 =	sshll.u32 s6, $0x1;
	s3 =	sadd.s32 s4, s19  }
0x9c: {  	s7 =	simm.s32 $0x0;
	s20 =	sshll.u32 s5, $0x1;
	s5 =	sadd.s32 s21, s3  }
0x9d: {  	[timem:s7], [sflag:s22] =	dma.local [hbm:s5], s20  }
0x9e: {  	_ =	swait.ge [sflag:s22], s20  }
0x9f: {  	s4 =	ssub.s32 $0x0, s20;
	[sflag:s22] =	ssyncset.done $0x0  }
0xa0: {  	[sflag:s22] =	ssyncadd.s32 s4;
	_ =	sdelay $0x1  }
0xa1: {  	s23 =	simm.s32 $0x1B8B  }
0xa2: {  	_ =	swait.ge [sflag:s23], $0x1  }
0xa3: {  	[sflag:s23] =	ssyncset.done $0x0  }
0xa4: {  	s25 =	simm.s32 $0x1B8E;
	s24 =	sld [smem:$0x3FFE];
	[sflag:s23] =	ssyncadd.s32 $0xFFFFFFFF  }
0xa5: {  	s26 =	simm.s32 $execute0_lowered;
	[smem:$0x3FD2] =	sst s25  }
0xa6: {  	s5 =	sshll.u32 s26, $0x1;
	_ =	strace $0x8000004C;
	[dreg:$0x1] =	wrdreg $0xFFFFFFFF  }
0xa7: {  	s28 =	simm.s32 $_size_execute0_lowered;
	s3 =	sadd.s32 s3, s5;
	[dreg:$0x0] =	wrdreg $0x0  }
0xa8: {  	s5 =	sshll.u32 s28, $0x1;
	[dreg:$0x2] =	wrdreg s3  }
0xa9: {  	[dreg:$0x3] =	wrdreg s5  }
0xaa: {  	[dreg:$0x4] =	wrdreg $0xC0  }
0xab: {  	_ =	task [dreg:s7], $0x5FFFF  }
0xac: {  	[dreg:$0x1] =	wrdreg $0xFFFFFFFF  }
0xad: {  	[dreg:$0x0] =	wrdreg $0x60  }
0xae: {  	[dreg:$0x2] =	wrdreg s24  }
0xaf: {  	[dreg:$0x3] =	wrdreg s2  }
0xb0: {  	[dreg:$0x4] =	wrdreg $0x0  }
0xb1: {  	[dreg:$0x5] =	wrdreg $0x9  }
0xb2: {  	_ =	task.clear_ibuf [dreg:s7], $0x6FFFF;
	_ =	strace $0x9000004C  }
0xb3: {  	s29 =	simm.s32 $0x9;
	_ =	strace $0x8000004E  }
0xb4: {  	_ =	swait.ge [sflag:s29], $0x1  }
0xb5: {  	[sflag:s29] =	ssyncadd.s32 $0xFFFFFFFF  }
0xb6: {  	_ =	strace $0x9000004E  }
0xb7: {  	_ =	sfence  }
0xb8: {  	s30 =	sld [smem:$0x0];
	_ =	sdelay $0x2  }
0xb9: {  	s31 =	sshll.u32 s1, $0xD;
	s1 =	sshrl.u32 s1, $0x2  }
0xba: {  	s3 =	sand.u32 $0x4000, s31;
	s1 =	sadd.s32 s1, s30  }
0xbb: {  	s0 =	sor.u32 s3, s0;
	s1 =	sshll.u32 s1, $0x11  }
0xbc: {  	s0 =	sor.u32 s1, s0  }
0xbd: {  	s0 =	sadd.s32 $0x8F2B, s0  }
0xbe: {  	[sflag:s0] =	ssyncadd.remote.s32 $0x1  }
0xbf: {  	_ =	sfence.sel $0xFFFF  }
0xc0: {  	[dreg:$0x0] =	wrdreg $0xFFFFFFFF;
	(pc) =	sbr.abs _section_cstart, $3  }
0xc1: {  	[dreg:$0x1] =	wrdreg $0xFFFFFFFF  }
0xc2: {  	_ =	task.clear_ibuf [dreg:s7], $0x2FFFF;
	_ =	strace $0x9FFFFFFF  }
0xc3: {  	(tm) =	ssettm $0x7FFFFFFF  }
tec
execute0_lowered:
.L_overlay_start_1:
0x0: {  	(tag) =	ssettag $0x1  }
0x1: {  	s0 =	rddreg [dreg:$0x0]  }
0x2: {  	s2 =	rddreg [dreg:$0x2];
	s3 =	simm.s32 $0x0;
	s1 =	srdreg.scid  }
0x3: {  	s4 =	stileid.u32;
	s29 =	simm.s32 $0x14000;
	s30 =	simm.s32 $0x3  }
0x4: {  	s31 =	simm.s32 $0x15000;
	s13 =	simm.s32 $0x2;
	s9 =	smul.u32 $0x4F000, s4  }
0x5: {  	[smem:$0x7FF] =	sst s3;
	s5 =	sadd.s32 $0x17400, s0;
	s12 =	smul.u32 $0x2780, s4  }
0x6: {  	s6 =	sadd.s32 $0x3E600, s0;
	s1 =	sand.u32 $0x1, s1;
	s11 =	smul.u32 $0x5, s4  }
0x7: {  	s7 =	sadd.s32 $0x3400, s0;
	s10 =	sadd.s32 $0x65800, s0;
	s19 =	smul.u32 $0x280, s4  }
0x8: {  	s17 =	sadd.s32 $0x128400, s2;
	s18 =	sadd.s32 $0x3C480, s0;
	s22 =	smul.u32 $0x50000, s4  }
0x9: {  	s24 =	smul.u32 $0x2800, s4;
	_ =	strace $0x8000004D;
	[dreg:$0x4] =	wrdreg s10  }
0xa: {  	p1 =	seq.s32 s4, $0xF;
	s8 =	ssub.s32 $0x2, s1;
	[dreg:$0x7] =	wrdreg s17  }
0xb: {  	p0 =	seq.s32 s1, $0x1;
	[dreg:$0x8] =	wrdreg s18;
	s10 =	simm.s32 $0x1  }
0xc: {  	s14 =	sshrl.u32 s8, $0x1;
	s15 =	sshrl.u32 s9, $0x2;
	s16 =	sadd.s32 s5, s12  }
0xd: {  	s20 =	sadd.s32 s6, s12;
	s18 =	sadd.s32 $0x80, s19;
	[dreg:$0xc] =	wrdreg s24  }
0xe: {  	s23 =	sadd.s32 $0x180, s19;
	s24 =	sadd.s32 $0x200, s19;
	s8 =	ssub.s32 s8, s14  }
0xf: {  	s1 =	sadd.s32 s15, s2;
	[dreg:$0x6] =	wrdreg s16;
	s14 =	sadd.s32 $0xD400, s0  }
0x10: {  	[dreg:$0x9] =	wrdreg s20;
	s0 =	sadd.s32 $0x63680, s0;
	s25 =	sshll.u32 s18, $0x4  }
0x11: {  	s28 =	sshll.u32 s24, $0x4;
	s15 =	simm.s32 $0x15C00;
	[dreg:$0x5] =	wrdreg s1  }
.Ltmp0:
0x12: {  	[dreg:$0xa] =	wrdreg s0;
	s21 =	smax.u32 s8, $0x1;
	(pc) =	sbr.rel .LBB2_1-.Ltmp0, $4  }
0x13: {  	[dreg:$0xd] =	wrdreg s25;
	s0 =	sshrl.u32 s22, $0x2;
	s1 =	simm.s32 $0x16000  }
0x14: {  	[dreg:$0xb] =	wrdreg s21;
	s21 =	sadd.s32 $0x100, s19;
	s0 =	sadd.s32 s0, s2  }
0x15: {  	s8 =	simm.s32 $0x18800;
	s26 =	sshll.u32 s21, $0x4;
	s25 =	sshrl.u32 s0, $0x3  }
0x16: {  	s0 =	simm.s32 $0x50;
	[dreg:$0xe] =	wrdreg s26;
	s26 =	sshll.u32 s23, $0x4  }
.LBB2_12:
0x17: {  	s12 =	sshll.u32 s4, $0x6;
	s16 =	rddreg [dreg:$0xc]  }
0x18: {  	[bflag:$0x0] =	sbarrier.arrive $0xFFFF;
	s16 =	sadd.s32 s9, s16;
	s12 =	sor.u32 $0x1C03, s12  }
0x19: {  	[hbm:s16], [sflag:s12] =	dma.local [spmem:s25], $0x800  }
0x1a: {  	s22 =	sshll.u32 s18, $0x7;
	_ =	swait.ge [sflag:s30], $0x800  }
0x1b: {  	s16 =	sadd.s32 s22, s2;
	[sflag:s30] =	ssyncset.done $0x0;
	s17 =	rddreg [dreg:$0xd]  }
0x1c: {  	s16 =	sshrl.u32 s16, $0x3;
	s17 =	sadd.s32 s9, s17;
	[sflag:s30] =	ssyncadd.s32 $0xFFFFF800  }
0x1d: {  	[hbm:s17], [sflag:s12] =	dma.local [spmem:s16], $0x800  }
0x1e: {  	s17 =	sshll.u32 s21, $0x7;
	_ =	swait.ge [sflag:s30], $0x800  }
0x1f: {  	s16 =	sadd.s32 s17, s2;
	[sflag:s30] =	ssyncset.done $0x0;
	s19 =	rddreg [dreg:$0xe]  }
0x20: {  	s16 =	sshrl.u32 s16, $0x3;
	s17 =	sadd.s32 s9, s19;
	[sflag:s30] =	ssyncadd.s32 $0xFFFFF800  }
0x21: {  	[hbm:s17], [sflag:s12] =	dma.local [spmem:s16], $0x800  }
0x22: {  	s20 =	sshll.u32 s23, $0x7;
	_ =	swait.ge [sflag:s30], $0x800  }
0x23: {  	s16 =	sadd.s32 s20, s2;
	[sflag:s30] =	ssyncset.done $0x0  }
0x24: {  	s22 =	sadd.s32 s9, s26;
	s16 =	sshrl.u32 s16, $0x3;
	[sflag:s30] =	ssyncadd.s32 $0xFFFFF800  }
0x25: {  	[hbm:s22], [sflag:s12] =	dma.local [spmem:s16], $0x800  }
0x26: {  	s19 =	sshll.u32 s24, $0x7;
	_ =	swait.ge [sflag:s30], $0x800  }
0x27: {  	s16 =	sadd.s32 s19, s2;
	[sflag:s30] =	ssyncset.done $0x0  }
0x28: {  	s20 =	sadd.s32 s9, s28;
	s16 =	sshrl.u32 s16, $0x3;
	[sflag:s30] =	ssyncadd.s32 $0xFFFFF800  }
0x29: {  	[hbm:s20], [sflag:s12] =	dma.local [spmem:s16], $0x800  }
0x2a: {  	_ =	swait.ge [sflag:s30], $0x800  }
0x2b: {  	s3 =	sadd.s32 $0x1, s3;
	s22 =	rddreg [dreg:$0xb]  }
0x2c: {  	p2 =	sne.s32 s3, s22  }
.Ltmp1:
0x2d: {  	_ = 	snop;
	(pc) =	sbr.rel @!p2 .LBB2_13-.Ltmp1, $3  }
0x2e: {  	_ =	sdelay $0x1  }
0x2f: {  	[sflag:s30] =	ssyncset.done $0x0  }
0x30: {  	[sflag:s30] =	ssyncadd.s32 $0xFFFFF800  }
.LBB2_1:
.Ltmp2:
0x31: {  	(pc) =	sbr.rel @!p0 .LBB2_2-.Ltmp2, $4  }
0x32: {  	_ = 	snop  }
0x33: {  	s9 =	rddreg [dreg:$0x7]  }
0x34: {  	s12 =	sshll.u32 @!p1 s4, $0x6;
	s16 =	sshrl.u32 @p1 s9, $0x3;
	s9 =	rddreg [dreg:$0x5]  }
0x35: {  	s12 =	sor.u32 @!p1 $0x1C03, s12;
	s9 =	sshrl.u32 @!p1 s9, $0x3  }
0x36: {  	s17 =	simm.s32 @p1 $0x1FC3;
	s19 =	rddreg [dreg:$0xa]  }
0x37: {  	[spmem:s16], [sflag:s17] =	dma.local @p1 [hbm:s19], $0x2080  }
0x38: {  	s16 =	simm.s32 @p1 $0x3  }
0x39: {  	_ =	swait.ge @p1 [sflag:s16], $0x2080  }
0x3a: {  	[sflag:s16] =	ssyncset.done @p1 $0x0  }
0x3b: {  	[sflag:s16] =	ssyncadd.s32 @p1 $0xFFFFDF80;
	s16 =	rddreg [dreg:$0x9]  }
0x3c: {  	[spmem:s9], [sflag:s12] =	dma.local @!p1 [hbm:s16], $0x2780  }
0x3d: {  	s9 =	simm.s32 @!p1 $0x3  }
0x3e: {  	_ =	swait.ge @!p1 [sflag:s9], $0x2780  }
0x3f: {  	[sflag:s9] =	ssyncset.done @!p1 $0x0  }
0x40: {  	[sflag:s9] =	ssyncadd.s32 @!p1 $0xFFFFD880  }
0x41: {  	s16 =	simm.s32 $0x0;
	s9 =	simm.s32 $0x0;
	[bflag:$0x0] =	sbarrier.arrive $0xFFFF  }
.LBB2_8:
0x42: {  	s12 =	sadd.s32 s11, s9  }
0x43: {  	s12 =	sshll.u32 s12, $0x9  }
0x44: {  	s17 =	sadd.s32 s7, s12  }
0x45: {  	[tilespmem:s29], [sflag:$0x3] =	stream.linear.gather [hbm4b:s17+s16], $0xC80, $0x38;
	[tilespmem:$0x1B000] =	vst v63  }
0x46: {  	_ =	swait.ge [sflag:s30], $0xC80  }
0x47: {  	[sflag:s30] =	ssyncset.done $0x0  }
0x48: {  	s12 =	sadd.s32 s12, s14;
	[sflag:s30] =	ssyncadd.s32 $0xFFFFF380  }
0x49: {  	[tilespmem:s31], [sflag:$0x3] =	stream.linear.gather [hbm4b:s12+s16], $0xC80, $0x38;
	[tilespmem:$0x1B000] =	vst v63  }
0x4a: {  	_ =	swait.ge [sflag:s30], $0xC80  }
0x4b: {  	[sflag:s30] =	ssyncset.done $0x0  }
0x4c: {  	[sflag:s30] =	ssyncadd.s32 $0xFFFFF380  }
0x4d: {  	[tilespmem:s1], [sflag:$0x1] =	stream.indirect.gather [hbm4b:s6+s0], $0x80, s29, s0, $0xb8;
	[tilespmem:$0x1B000] =	vst v63  }
0x4e: {  	s17 =	simm.s32 $0x14080  }
0x4f: {  	[tilespmem:s8], [sflag:$0x2] =	stream.indirect.gather [hbm4b:s6+s0], $0x80, s17, s0, $0xb8;
	[tilespmem:$0x1B000] =	vst v63  }
0x50: {  	_ =	swait.ge [sflag:s10], $0x2800  }
0x51: {  	[sflag:s10] =	ssyncset.done $0x0  }
0x52: {  	s19 =	simm.s32 $0x15000;
	[sflag:s10] =	ssyncadd.s32 $0xFFFFD800  }
0x53: {  	[spmem:s2] =	stream.indirect.scatter.add.f32 [tilespmem:s1], [sflag:$0x3], $0x80, s19, s0, $0xb8;
	[tilespmem:$0x1B000] =	vst v63  }
0x54: {  	_ =	swait.ge [sflag:s30], $0x2800  }
0x55: {  	[sflag:s30] =	ssyncset.done $0x0  }
0x56: {  	s20 =	simm.s32 $0x14100;
	[sflag:s30] =	ssyncadd.s32 $0xFFFFD800  }
0x57: {  	[tilespmem:s1], [sflag:$0x1] =	stream.indirect.gather [hbm4b:s6+s0], $0x80, s20, s0, $0xb8;
	[tilespmem:$0x1B000] =	vst v63  }
0x58: {  	_ =	swait.ge [sflag:s13], $0x2800  }
0x59: {  	[sflag:s13] =	ssyncset.done $0x0  }
0x5a: {  	s22 =	simm.s32 $0x15080;
	[sflag:s13] =	ssyncadd.s32 $0xFFFFD800  }
0x5b: {  	[spmem:s2] =	stream.indirect.scatter.add.f32 [tilespmem:s8], [sflag:$0x3], $0x80, s22, s0, $0xb8;
	[tilespmem:$0x1B000] =	vst v63  }
0x5c: {  	_ =	swait.ge [sflag:s30], $0x2800  }
0x5d: {  	s12 =	simm.s32 $0x100;
	s17 =	simm.s32 $0x800;
	[sflag:s30] =	ssyncset.done $0x0  }
.LBB2_9:
0x5e: {  	s19 =	sadd.s32 $0x14080, s12  }
0x5f: {  	[sflag:s30] =	ssyncadd.s32 $0xFFFFD800;
	s20 =	smov.u32 s17;
	s22 =	sadd.s32 $0x400, s17  }
0x60: {  	[tilespmem:s8], [sflag:$0x2] =	stream.indirect.gather [hbm4b:s6+s0], $0x80, s19, s0, $0xb8;
	[tilespmem:$0x1B000] =	vst v63  }
0x61: {  	p2 =	sne.s32 s17, $0x2C00;
	_ =	swait.ge [sflag:s10], $0x2800  }
0x62: {  	[sflag:s10] =	ssyncset.done $0x0  }
0x63: {  	s17 =	sadd.s32 $0x15000, s12;
	[sflag:s10] =	ssyncadd.s32 $0xFFFFD800  }
0x64: {  	[spmem:s2] =	stream.indirect.scatter.add.f32 [tilespmem:s1], [sflag:$0x3], $0x80, s17, s0, $0xb8;
	[tilespmem:$0x1B000] =	vst v63  }
0x65: {  	_ =	swait.ge [sflag:s30], $0x2800  }
0x66: {  	[sflag:s30] =	ssyncset.done $0x0  }
0x67: {  	s17 =	sadd.s32 $0x14100, s12;
	[sflag:s30] =	ssyncadd.s32 $0xFFFFD800  }
0x68: {  	[tilespmem:s1], [sflag:$0x1] =	stream.indirect.gather [hbm4b:s6+s0], $0x80, s17, s0, $0xb8;
	[tilespmem:$0x1B000] =	vst v63  }
0x69: {  	_ =	swait.ge [sflag:s13], $0x2800  }
.Ltmp3:
0x6a: {  	[sflag:s13] =	ssyncset.done $0x0;
	(pc) =	sbr.rel @p2 .LBB2_9-.Ltmp3, $4  }
0x6b: {  	s12 =	sadd.s32 $0x15080, s12;
	[sflag:s13] =	ssyncadd.s32 $0xFFFFD800  }
0x6c: {  	[spmem:s2] =	stream.indirect.scatter.add.f32 [tilespmem:s8], [sflag:$0x3], $0x80, s12, s0, $0xb8;
	[tilespmem:$0x1B000] =	vst v63  }
0x6d: {  	_ =	swait.ge [sflag:s30], $0x2800  }
0x6e: {  	s17 =	smov.u32 s22;
	s12 =	sshra.s32 s20, $0x2;
	[sflag:s30] =	ssyncset.done $0x0  }
0x6f: {  	s17 =	sadd.s32 $0x14080, s12;
	[sflag:s30] =	ssyncadd.s32 $0xFFFFD800  }
0x70: {  	[tilespmem:s8], [sflag:$0x2] =	stream.indirect.gather [hbm4b:s6+s0], $0x80, s17, s0, $0xb8;
	[tilespmem:$0x1B000] =	vst v63  }
0x71: {  	_ =	swait.ge [sflag:s10], $0x2800  }
0x72: {  	[sflag:s10] =	ssyncset.done $0x0  }
0x73: {  	s19 =	sadd.s32 $0x15000, s12;
	[sflag:s10] =	ssyncadd.s32 $0xFFFFD800  }
0x74: {  	[spmem:s2] =	stream.indirect.scatter.add.f32 [tilespmem:s1], [sflag:$0x3], $0x80, s19, s0, $0xb8;
	[tilespmem:$0x1B000] =	vst v63  }
0x75: {  	_ =	swait.ge [sflag:s30], $0x2800  }
0x76: {  	[sflag:s30] =	ssyncset.done $0x0  }
0x77: {  	s20 =	sadd.s32 $0x14100, s12;
	[sflag:s30] =	ssyncadd.s32 $0xFFFFD800  }
0x78: {  	[tilespmem:s1], [sflag:$0x1] =	stream.indirect.gather [hbm4b:s6+s0], $0x80, s20, s0, $0xb8;
	[tilespmem:$0x1B000] =	vst v63  }
0x79: {  	_ =	swait.ge [sflag:s13], $0x2800  }
0x7a: {  	[sflag:s13] =	ssyncset.done $0x0  }
0x7b: {  	s22 =	sadd.s32 $0x15080, s12;
	[sflag:s13] =	ssyncadd.s32 $0xFFFFD800  }
0x7c: {  	[spmem:s2] =	stream.indirect.scatter.add.f32 [tilespmem:s8], [sflag:$0x3], $0x80, s22, s0, $0xb8;
	[tilespmem:$0x1B000] =	vst v63  }
0x7d: {  	_ =	swait.ge [sflag:s30], $0x2800  }
0x7e: {  	[sflag:s30] =	ssyncset.done $0x0  }
0x7f: {  	[sflag:s30] =	ssyncadd.s32 $0xFFFFD800  }
0x80: {  	s9 =	sadd.s32 $0x1, s9;
	_ =	swait.ge [sflag:s10], $0x2800  }
0x81: {  	p2 =	sne.s32 s9, $0x5;
	[sflag:s10] =	ssyncset.done $0x0  }
.Ltmp4:
0x82: {  	[sflag:s10] =	ssyncadd.s32 $0xFFFFD800;
	(pc) =	sbr.rel @p2 .LBB2_8-.Ltmp4, $4  }
0x83: {  	[spmem:s2] =	stream.indirect.scatter.add.f32 [tilespmem:s1], [sflag:$0x3], $0x80, s15, s0, $0xb8;
	[tilespmem:$0x1B000] =	vst v63  }
0x84: {  	_ =	swait.ge [sflag:s30], $0x2800  }
0x85: {  	[sflag:s30] =	ssyncset.done $0x0  }
0x86: {  	[sflag:s30] =	ssyncadd.s32 $0xFFFFD800  }
.Ltmp5:
0x87: {  	(pc) =	sbr.rel .LBB2_12-.Ltmp5, $2  }
0x88: {  	_ =	sdelay $0x2  }
0x89: {  	s9 =	rddreg [dreg:$0x4]  }
.LBB2_2:
0x8a: {  	s17 =	simm.s32 @p1 $0x1FC3;
	s19 =	rddreg [dreg:$0x8]  }
0x8b: {  	[spmem:s16], [sflag:s17] =	dma.local @p1 [hbm:s19], $0x2080  }
0x8c: {  	s16 =	simm.s32 @p1 $0x3  }
0x8d: {  	_ =	swait.ge @p1 [sflag:s16], $0x2080  }
0x8e: {  	[sflag:s16] =	ssyncset.done @p1 $0x0  }
0x8f: {  	[sflag:s16] =	ssyncadd.s32 @p1 $0xFFFFDF80;
	s16 =	rddreg [dreg:$0x6]  }
0x90: {  	[spmem:s9], [sflag:s12] =	dma.local @!p1 [hbm:s16], $0x2780  }
0x91: {  	s9 =	simm.s32 @!p1 $0x3  }
0x92: {  	_ =	swait.ge @!p1 [sflag:s9], $0x2780  }
0x93: {  	[sflag:s9] =	ssyncset.done @!p1 $0x0  }
0x94: {  	[sflag:s9] =	ssyncadd.s32 @!p1 $0xFFFFD880  }
0x95: {  	s16 =	simm.s32 $0x0;
	s9 =	simm.s32 $0x0;
	[bflag:$0x0] =	sbarrier.arrive $0xFFFF  }
.LBB2_3:
0x96: {  	s12 =	sadd.s32 s11, s9  }
0x97: {  	s12 =	sshll.u32 s12, $0x9  }
0x98: {  	s17 =	sadd.s32 s7, s12  }
0x99: {  	[tilespmem:s29], [sflag:$0x3] =	stream.linear.gather [hbm4b:s17+s16], $0xC80, $0x38;
	[tilespmem:$0x1B000] =	vst v63  }
0x9a: {  	_ =	swait.ge [sflag:s30], $0xC80  }
0x9b: {  	[sflag:s30] =	ssyncset.done $0x0  }
0x9c: {  	s12 =	sadd.s32 s12, s14;
	[sflag:s30] =	ssyncadd.s32 $0xFFFFF380  }
0x9d: {  	[tilespmem:s31], [sflag:$0x3] =	stream.linear.gather [hbm4b:s12+s16], $0xC80, $0x38;
	[tilespmem:$0x1B000] =	vst v63  }
0x9e: {  	_ =	swait.ge [sflag:s30], $0xC80  }
0x9f: {  	[sflag:s30] =	ssyncset.done $0x0  }
0xa0: {  	[sflag:s30] =	ssyncadd.s32 $0xFFFFF380  }
0xa1: {  	[tilespmem:s1], [sflag:$0x1] =	stream.indirect.gather [hbm4b:s5+s0], $0x80, s29, s0, $0xb8;
	[tilespmem:$0x1B000] =	vst v63  }
0xa2: {  	s17 =	simm.s32 $0x14080  }
0xa3: {  	[tilespmem:s8], [sflag:$0x2] =	stream.indirect.gather [hbm4b:s5+s0], $0x80, s17, s0, $0xb8;
	[tilespmem:$0x1B000] =	vst v63  }
0xa4: {  	_ =	swait.ge [sflag:s10], $0x2800  }
0xa5: {  	[sflag:s10] =	ssyncset.done $0x0  }
0xa6: {  	s19 =	simm.s32 $0x15000;
	[sflag:s10] =	ssyncadd.s32 $0xFFFFD800  }
0xa7: {  	[spmem:s2] =	stream.indirect.scatter.add.f32 [tilespmem:s1], [sflag:$0x3], $0x80, s19, s0, $0xb8;
	[tilespmem:$0x1B000] =	vst v63  }
0xa8: {  	_ =	swait.ge [sflag:s30], $0x2800  }
0xa9: {  	[sflag:s30] =	ssyncset.done $0x0  }
0xaa: {  	s20 =	simm.s32 $0x14100;
	[sflag:s30] =	ssyncadd.s32 $0xFFFFD800  }
0xab: {  	[tilespmem:s1], [sflag:$0x1] =	stream.indirect.gather [hbm4b:s5+s0], $0x80, s20, s0, $0xb8;
	[tilespmem:$0x1B000] =	vst v63  }
0xac: {  	_ =	swait.ge [sflag:s13], $0x2800  }
0xad: {  	[sflag:s13] =	ssyncset.done $0x0  }
0xae: {  	s22 =	simm.s32 $0x15080;
	[sflag:s13] =	ssyncadd.s32 $0xFFFFD800  }
0xaf: {  	[spmem:s2] =	stream.indirect.scatter.add.f32 [tilespmem:s8], [sflag:$0x3], $0x80, s22, s0, $0xb8;
	[tilespmem:$0x1B000] =	vst v63  }
0xb0: {  	_ =	swait.ge [sflag:s30], $0x2800  }
0xb1: {  	s12 =	simm.s32 $0x100;
	s17 =	simm.s32 $0x800;
	[sflag:s30] =	ssyncset.done $0x0  }
.LBB2_4:
0xb2: {  	s19 =	sadd.s32 $0x14080, s12  }
0xb3: {  	[sflag:s30] =	ssyncadd.s32 $0xFFFFD800;
	s20 =	smov.u32 s17;
	s22 =	sadd.s32 $0x400, s17  }
0xb4: {  	[tilespmem:s8], [sflag:$0x2] =	stream.indirect.gather [hbm4b:s5+s0], $0x80, s19, s0, $0xb8;
	[tilespmem:$0x1B000] =	vst v63  }
0xb5: {  	p2 =	sne.s32 s17, $0x2C00;
	_ =	swait.ge [sflag:s10], $0x2800  }
0xb6: {  	[sflag:s10] =	ssyncset.done $0x0  }
0xb7: {  	s17 =	sadd.s32 $0x15000, s12;
	[sflag:s10] =	ssyncadd.s32 $0xFFFFD800  }
0xb8: {  	[spmem:s2] =	stream.indirect.scatter.add.f32 [tilespmem:s1], [sflag:$0x3], $0x80, s17, s0, $0xb8;
	[tilespmem:$0x1B000] =	vst v63  }
0xb9: {  	_ =	swait.ge [sflag:s30], $0x2800  }
0xba: {  	[sflag:s30] =	ssyncset.done $0x0  }
0xbb: {  	s17 =	sadd.s32 $0x14100, s12;
	[sflag:s30] =	ssyncadd.s32 $0xFFFFD800  }
0xbc: {  	[tilespmem:s1], [sflag:$0x1] =	stream.indirect.gather [hbm4b:s5+s0], $0x80, s17, s0, $0xb8;
	[tilespmem:$0x1B000] =	vst v63  }
0xbd: {  	_ =	swait.ge [sflag:s13], $0x2800  }
.Ltmp6:
0xbe: {  	[sflag:s13] =	ssyncset.done $0x0;
	(pc) =	sbr.rel @p2 .LBB2_4-.Ltmp6, $4  }
0xbf: {  	s12 =	sadd.s32 $0x15080, s12;
	[sflag:s13] =	ssyncadd.s32 $0xFFFFD800  }
0xc0: {  	[spmem:s2] =	stream.indirect.scatter.add.f32 [tilespmem:s8], [sflag:$0x3], $0x80, s12, s0, $0xb8;
	[tilespmem:$0x1B000] =	vst v63  }
0xc1: {  	_ =	swait.ge [sflag:s30], $0x2800  }
0xc2: {  	s17 =	smov.u32 s22;
	s12 =	sshra.s32 s20, $0x2;
	[sflag:s30] =	ssyncset.done $0x0  }
0xc3: {  	s17 =	sadd.s32 $0x14080, s12;
	[sflag:s30] =	ssyncadd.s32 $0xFFFFD800  }
0xc4: {  	[tilespmem:s8], [sflag:$0x2] =	stream.indirect.gather [hbm4b:s5+s0], $0x80, s17, s0, $0xb8;
	[tilespmem:$0x1B000] =	vst v63  }
0xc5: {  	_ =	swait.ge [sflag:s10], $0x2800  }
0xc6: {  	[sflag:s10] =	ssyncset.done $0x0  }
0xc7: {  	s19 =	sadd.s32 $0x15000, s12;
	[sflag:s10] =	ssyncadd.s32 $0xFFFFD800  }
0xc8: {  	[spmem:s2] =	stream.indirect.scatter.add.f32 [tilespmem:s1], [sflag:$0x3], $0x80, s19, s0, $0xb8;
	[tilespmem:$0x1B000] =	vst v63  }
0xc9: {  	_ =	swait.ge [sflag:s30], $0x2800  }
0xca: {  	[sflag:s30] =	ssyncset.done $0x0  }
0xcb: {  	s20 =	sadd.s32 $0x14100, s12;
	[sflag:s30] =	ssyncadd.s32 $0xFFFFD800  }
0xcc: {  	[tilespmem:s1], [sflag:$0x1] =	stream.indirect.gather [hbm4b:s5+s0], $0x80, s20, s0, $0xb8;
	[tilespmem:$0x1B000] =	vst v63  }
0xcd: {  	_ =	swait.ge [sflag:s13], $0x2800  }
0xce: {  	[sflag:s13] =	ssyncset.done $0x0  }
0xcf: {  	s22 =	sadd.s32 $0x15080, s12;
	[sflag:s13] =	ssyncadd.s32 $0xFFFFD800  }
0xd0: {  	[spmem:s2] =	stream.indirect.scatter.add.f32 [tilespmem:s8], [sflag:$0x3], $0x80, s22, s0, $0xb8;
	[tilespmem:$0x1B000] =	vst v63  }
0xd1: {  	_ =	swait.ge [sflag:s30], $0x2800  }
0xd2: {  	[sflag:s30] =	ssyncset.done $0x0  }
0xd3: {  	[sflag:s30] =	ssyncadd.s32 $0xFFFFD800  }
0xd4: {  	s9 =	sadd.s32 $0x1, s9;
	_ =	swait.ge [sflag:s10], $0x2800  }
0xd5: {  	p2 =	seq.s32 s9, $0x5;
	[sflag:s10] =	ssyncset.done $0x0  }
.Ltmp7:
0xd6: {  	[sflag:s10] =	ssyncadd.s32 $0xFFFFD800;
	(pc) =	sbr.rel @!p2 .LBB2_3-.Ltmp7, $4  }
0xd7: {  	[spmem:s2] =	stream.indirect.scatter.add.f32 [tilespmem:s1], [sflag:$0x3], $0x80, s15, s0, $0xb8;
	[tilespmem:$0x1B000] =	vst v63  }
0xd8: {  	_ =	swait.ge [sflag:s30], $0x2800  }
0xd9: {  	[sflag:s30] =	ssyncset.done $0x0  }
0xda: {  	[sflag:s30] =	ssyncadd.s32 $0xFFFFD800  }
.Ltmp8:
0xdb: {  	(pc) =	sbr.rel .LBB2_12-.Ltmp8, $2  }
0xdc: {  	_ =	sdelay $0x2  }
0xdd: {  	s9 =	rddreg [dreg:$0x1]  }
.LBB2_13:
0xde: {  	_ =	sfence.sel $0x180000  }
0xdf: {  	[bflag:$0x0] =	sbarrier.arrive $0xFFFF  }
0xe0: {  	_ =	strace $0x9000004D  }
0xe1: {  	[bflag:$0x2] =	sbarrier.arrive $0xFFFF  }
0xe2: {  	p0 =	sne.s32 s4, $0x0;
	s0 =	rddreg [dreg:$0x3]  }
0xe3: {  	s0 =	sadd.s32 @!p0 $0x100000, s0  }
0xe4: {  	[sflag:s0] =	ssyncadd.tile.s32 @!p0 $0x1;
	_ =	shalt  }
.Lfunc_end2:
_tile_overlayer_lowered:
.L_overlay_start_2:
0xe5: {  	(tag) =	ssettag $0x2  }
0xe6: {  	s0 =	rddreg [dreg:$0x0];
	s2 =	stileid.u32  }
0xe7: {  	s1 =	rddreg [dreg:$0x1];
	p0 =	sne.s32 s2, $0x0  }
0xe8: {  	s3 =	rddreg [dreg:$0x2];
	[bflag:$0x3] =	sbarrier.arrive $0xFFFF;
	s2 =	simm.s32 @!p0 $0x1C03  }
0xe9: {  	[timem:s3], [sflag:s2] =	dma.local @!p0 [hbm:s0], s1  }
0xea: {  	s0 =	simm.s32 @!p0 $0x3  }
0xeb: {  	_ =	swait.ge @!p0 [sflag:s0], s1  }
0xec: {  	s1 =	ssub.s32 @!p0 $0x0, s1;
	[sflag:s0] =	ssyncset.done @!p0 $0x0  }
0xed: {  	[sflag:s0] =	ssyncadd.s32 @!p0 s1  }
0xee: {  	[bflag:$0x3] =	sbarrier.arrive $0xFFFF  }
0xef: {  	_ =	shalt  }

// kernel: kernel.8.cloned.1.call-start
scs
__scs_entry_jumppad:
0x0: {  	(pc) =	sbr.rel $0x88, $3  }
0x1: {  	(tag) =	ssettag $0x0;
	lr =	simm.s32 $0x1  }
0x2: {  	[smem:$0x3F9B] =	sst lr;
	_ =	strace $0xD0000000  }
0x3: {  	_ = 	snop  }
0x4: {  	_ = 	snop  }
0x5: {  	_ = 	snop  }
0x6: {  	_ = 	snop  }
0x7: {  	_ = 	snop  }
__scs_overlays_trampoline_lowered:
0x8: {  	[smem:$0x3FAA] =	sst s0  }
0x9: {  	[smem:$0x3FAB] =	sst s1  }
0xa: {  	[smem:$0x3FAC] =	sst s2  }
0xb: {  	[smem:$0x3FAD] =	sst s3  }
0xc: {  	[smem:$0x3FAE] =	sst s4  }
0xd: {  	[smem:$0x3FAF] =	sst s5  }
0xe: {  	[smem:$0x3FB0] =	sst s6  }
0xf: {  	[smem:$0x3FB1] =	sst s7  }
0x10: {  	[smem:$0x3FB2] =	sst s8  }
0x11: {  	[smem:$0x3FB3] =	sst s9;
	s0 =	simm.s32 @!p0 $0x0  }
0x12: {  	s1 =	sld [smem:$0x3F99];
	s0 =	simm.s32 @p0 $0x1  }
0x13: {  	[smem:$0x3FB4] =	sst s0;
	s0 =	simm.s32 @!p1 $0x0  }
0x14: {  	s2 =	sld [smem:$0x3F98];
	s0 =	simm.s32 @p1 $0x1  }
0x15: {  	[smem:$0x3FB5] =	sst s0;
	s0 =	simm.s32 @!p2 $0x0  }
0x16: {  	s3 =	sld [smem:$0x3FDB];
	s0 =	simm.s32 @p2 $0x1  }
0x17: {  	s4 =	simm.s32 $0x1BF5;
	[smem:$0x3FB7] =	sst s0  }
0x18: {  	s0 =	sld [smem:$0x3F9A];
	_ =	swait.ge [sflag:s4], $0x0  }
0x19: {  	s7 =	sld [smem:$0x3F9B]  }
0x1a: {  	s8 =	sadd.s32 $0xFFFFE003, lr  }
0x1b: {  	s9 =	sadd.s32 $0xFFFFFEF7, lr;
	s5 =	simm.s32 $0xFFFFFFFF;
	p2 =	slt.u32 s8, $0xFFFFF086  }
0x1c: {  	p1 =	slt.u32 s9, $0xF7A;
	s5 =	simm.s32 @!p2 $0x0  }
0x1d: {  	s5 =	simm.s32 @p1 $0x1;
	p0 =	seq.s32 s7, s2  }
0x1e: {  	s7 =	smul.u32 @!p0 $0xF7A, s2;
	p2 =	seq.s32 @!p0 s5, $0x0  }
0x1f: {  	s9 =	smul.u32 $0xF7A, s1;
	s8 =	simm.s32 @!p0 $0x1BF5;
	p2 =	por !p2, p0  }
0x20: {  	[sflag:s8] =	ssyncset.s32 @!p0 $0xFFFFF086;
	s6 =	sadd.s32 @!p0 s3, s7;
	s7 =	simm.s32 @!p0 $0x108  }
0x21: {  	s3 =	sadd.s32 s3, s9;
	s6 =	sadd.s32 @!p0 $0x88, s6;
	s7 =	simm.s32 @p2 $0x1082  }
0x22: {  	[simem:s7], [sflag:s8] =	dma.local @!p0 [hbm:s6], $0xF7A  }
0x23: {  	s9 =	sor.u32 $0xD0000000, s2;
	s6 =	simm.s32 $0x108;
	_ =	swait.ge @!p0 [sflag:s8], $0x0  }
0x24: {  	s3 =	sadd.s32 $0x88, s3;
	s6 =	simm.s32 @!p1 $0x1082;
	[sflag:s4] =	ssyncset.s32 $0xFFFFF086  }
0x25: {  	[simem:s6], [sflag:s4] =	dma.local [hbm:s3], $0xF7A  }
0x26: {  	[smem:$0x3F9B] =	sst s1;
	(tag) =	ssettag s2;
	_ =	strace s9  }
0x27: {  	s1 =	sld [smem:$0x3FAB]  }
0x28: {  	s2 =	sld [smem:$0x3FAC]  }
0x29: {  	s4 =	sld [smem:$0x3FAE]  }
0x2a: {  	p0 =	seq.s32 s5, $0x0;
	s5 =	sld [smem:$0x3FAF]  }
0x2b: {  	s6 =	sld [smem:$0x3FB0]  }
0x2c: {  	s7 =	sld [smem:$0x3FB1]  }
0x2d: {  	s3 =	simm.s32 $0x108;
	s8 =	sld [smem:$0x3FB2]  }
0x2e: {  	s3 =	simm.s32 @!p0 $0x1082;
	s9 =	sld [smem:$0x3FB3]  }
0x2f: {  	lr =	sadd.s32 s0, s3;
	s0 =	sld [smem:$0x3FAA]  }
0x30: {  	s3 =	sld [smem:$0x3FAD]  }
0x31: {  	[smem:$0x3FB6] =	sst s10  }
0x32: {  	s10 =	sld [smem:$0x3FB4];
	_ =	sdelay $0x3  }
0x33: {  	p0 =	seq.s32 s10, $0x1;
	s10 =	sld [smem:$0x3FB6];
	_ =	sdelay $0x3  }
0x34: {  	[smem:$0x3FB6] =	sst s10  }
0x35: {  	s10 =	sld [smem:$0x3FB5];
	_ =	sdelay $0x3  }
0x36: {  	p1 =	seq.s32 s10, $0x1;
	s10 =	sld [smem:$0x3FB6];
	_ =	sdelay $0x3  }
0x37: {  	[smem:$0x3FB6] =	sst s10  }
0x38: {  	s10 =	sld [smem:$0x3FB7]  }
0x39: {  	_ = 	snop;
	(pc) =	sbr.ind lr, $3  }
0x3a: {  	_ = 	snop  }
0x3b: {  	_ = 	snop  }
0x3c: {  	p2 =	seq.s32 s10, $0x1;
	s10 =	sld [smem:$0x3FB6]  }
0x3d: {  	_ =	shalt  }
0x3e: {  	_ =	shalt  }
0x3f: {  	_ =	shalt  }
0x40: {  	_ =	shalt  }
0x41: {  	_ =	shalt  }
0x42: {  	_ =	shalt  }
0x43: {  	_ =	shalt  }
0x44: {  	_ =	shalt  }
0x45: {  	_ =	shalt  }
0x46: {  	_ =	shalt  }
0x47: {  	_ =	shalt  }
0x48: {  	_ =	shalt  }
0x49: {  	_ =	shalt  }
0x4a: {  	_ =	shalt  }
0x4b: {  	_ =	shalt  }
0x4c: {  	_ =	shalt  }
0x4d: {  	_ =	shalt  }
0x4e: {  	_ =	shalt  }
0x4f: {  	_ =	shalt  }
0x50: {  	_ =	shalt  }
0x51: {  	_ =	shalt  }
0x52: {  	_ =	shalt  }
0x53: {  	_ =	shalt  }
0x54: {  	_ =	shalt  }
0x55: {  	_ =	shalt  }
0x56: {  	_ =	shalt  }
0x57: {  	_ =	shalt  }
0x58: {  	_ =	shalt  }
0x59: {  	_ =	shalt  }
0x5a: {  	_ =	shalt  }
0x5b: {  	_ =	shalt  }
0x5c: {  	_ =	shalt  }
0x5d: {  	_ =	shalt  }
0x5e: {  	_ =	shalt  }
0x5f: {  	_ =	shalt  }
0x60: {  	_ =	shalt  }
0x61: {  	_ =	shalt  }
0x62: {  	_ =	shalt  }
0x63: {  	_ =	shalt  }
0x64: {  	_ =	shalt  }
0x65: {  	_ =	shalt  }
0x66: {  	_ =	shalt  }
0x67: {  	_ =	shalt  }
0x68: {  	_ =	shalt  }
0x69: {  	_ =	shalt  }
0x6a: {  	_ =	shalt  }
0x6b: {  	_ =	shalt  }
0x6c: {  	_ =	shalt  }
0x6d: {  	_ =	shalt  }
0x6e: {  	_ =	shalt  }
0x6f: {  	_ =	shalt  }
0x70: {  	_ =	shalt  }
0x71: {  	_ =	shalt  }
0x72: {  	_ =	shalt  }
0x73: {  	_ =	shalt  }
0x74: {  	_ =	shalt  }
0x75: {  	_ =	shalt  }
0x76: {  	_ =	shalt  }
0x77: {  	_ =	shalt  }
0x78: {  	_ =	shalt  }
0x79: {  	_ =	shalt  }
0x7a: {  	_ =	shalt  }
0x7b: {  	_ =	shalt  }
0x7c: {  	_ =	shalt  }
0x7d: {  	_ =	shalt  }
0x7e: {  	_ =	shalt  }
0x7f: {  	_ =	shalt  }
0x80: {  	_ =	shalt  }
0x81: {  	_ =	shalt  }
0x82: {  	_ =	shalt  }
0x83: {  	_ =	shalt  }
0x84: {  	_ =	shalt  }
0x85: {  	_ =	shalt  }
0x86: {  	_ =	shalt  }
0x87: {  	_ =	shalt  }
.Lfunc_end0:
.L_simem_size_0:
called_computation_lowered:
.L_overlay_start_0:
0x88: {  	s2 =	sld [smem:$0x3FD9]  }
0x89: {  	s3 =	sld [smem:$0x3FFE];
	_ =	sdelay $0x1  }
0x8a: {  	s1 =	srdreg.scid  }
0x8b: {  	s0 =	sand.u32 $0x1, s1  }
0x8c: {  	s17 =	sshll.u32 s0, $0xA;
	s2 =	sadd.s32 s3, s2  }
0x8d: {  	s2 =	sadd.s32 s2, s17  }
0x8e: {  	[smem:$0x3FC2] =	sst s2  }
0x8f: {  	_ = 	snop  }
0x90: {  	s2 =	sld [smem:$0x3FD0];
	(tm) =	ssettm $0x1  }
0x91: {  	s18 =	sld [smem:$0x3FFB];
	_ =	sdelay $0x3  }
0x92: {  	_ =	strace s18  }
0x93: {  	s3 =	sld [smem:$0x3FFC];
	_ =	sdelay $0x3  }
0x94: {  	_ =	strace s3  }
0x95: {  	s3 =	sld [smem:$0x3FFD];
	_ =	sdelay $0x3  }
0x96: {  	_ =	strace s3  }
0x97: {  	_ =	strace $0x8FFFFFFF  }
0x98: {  	s19 =	sld [smem:$0x3FDB];
	_ =	sdelay $0x1  }
0x99: {  	s4 =	simm.s32 $_scs_section_size  }
0x9a: {  	s5 =	simm.s32 $_size__tile_overlayer_lowered;
	s6 =	simm.s32 $_tile_overlayer_lowered  }
0x9b: {  	s22 =	simm.s32 $0x1BFF;
	s21 =	sshll.u32 s6, $0x1;
	s3 =	sadd.s32 s4, s19  }
0x9c: {  	s7 =	simm.s32 $0x0;
	s20 =	sshll.u32 s5, $0x1;
	s5 =	sadd.s32 s21, s3  }
0x9d: {  	[timem:s7], [sflag:s22] =	dma.local [hbm:s5], s20  }
0x9e: {  	_ =	swait.ge [sflag:s22], s20  }
0x9f: {  	s4 =	ssub.s32 $0x0, s20;
	[sflag:s22] =	ssyncset.done $0x0  }
0xa0: {  	[sflag:s22] =	ssyncadd.s32 s4;
	_ =	sdelay $0x1  }
0xa1: {  	s23 =	simm.s32 $0x1B8B  }
0xa2: {  	_ =	swait.ge [sflag:s23], $0x1  }
0xa3: {  	[sflag:s23] =	ssyncset.done $0x0  }
0xa4: {  	s25 =	simm.s32 $0x1B8E;
	s24 =	sld [smem:$0x3FFE];
	[sflag:s23] =	ssyncadd.s32 $0xFFFFFFFF  }
0xa5: {  	s26 =	simm.s32 $execute0_lowered;
	[smem:$0x3FD2] =	sst s25  }
0xa6: {  	s5 =	sshll.u32 s26, $0x1;
	_ =	strace $0x80000046;
	[dreg:$0x1] =	wrdreg $0xFFFFFFFF  }
0xa7: {  	s28 =	simm.s32 $_size_execute0_lowered;
	s3 =	sadd.s32 s3, s5;
	[dreg:$0x0] =	wrdreg $0x0  }
0xa8: {  	s5 =	sshll.u32 s28, $0x1;
	[dreg:$0x2] =	wrdreg s3  }
0xa9: {  	[dreg:$0x3] =	wrdreg s5  }
0xaa: {  	[dreg:$0x4] =	wrdreg $0xC0  }
0xab: {  	_ =	task [dreg:s7], $0x5FFFF  }
0xac: {  	[dreg:$0x1] =	wrdreg $0xFFFFFFFF  }
0xad: {  	[dreg:$0x0] =	wrdreg $0x60  }
0xae: {  	[dreg:$0x2] =	wrdreg s24  }
0xaf: {  	[dreg:$0x3] =	wrdreg s2  }
0xb0: {  	[dreg:$0x4] =	wrdreg $0x0  }
0xb1: {  	[dreg:$0x5] =	wrdreg $0x9  }
0xb2: {  	_ =	task.clear_ibuf [dreg:s7], $0x6FFFF;
	_ =	strace $0x90000046  }
0xb3: {  	s29 =	simm.s32 $0x9;
	_ =	strace $0x80000048  }
0xb4: {  	_ =	swait.ge [sflag:s29], $0x1  }
0xb5: {  	[sflag:s29] =	ssyncadd.s32 $0xFFFFFFFF  }
0xb6: {  	_ =	strace $0x90000048  }
0xb7: {  	_ =	sfence  }
0xb8: {  	s30 =	sld [smem:$0x0];
	_ =	sdelay $0x2  }
0xb9: {  	s31 =	sshll.u32 s1, $0xD;
	s1 =	sshrl.u32 s1, $0x2  }
0xba: {  	s3 =	sand.u32 $0x4000, s31;
	s1 =	sadd.s32 s1, s30  }
0xbb: {  	s0 =	sor.u32 s3, s0;
	s1 =	sshll.u32 s1, $0x11  }
0xbc: {  	s0 =	sor.u32 s1, s0  }
0xbd: {  	s0 =	sadd.s32 $0x8F2B, s0  }
0xbe: {  	[sflag:s0] =	ssyncadd.remote.s32 $0x1  }
0xbf: {  	_ =	sfence.sel $0xFFFF  }
0xc0: {  	[dreg:$0x0] =	wrdreg $0xFFFFFFFF;
	(pc) =	sbr.abs _section_cstart, $3  }
0xc1: {  	[dreg:$0x1] =	wrdreg $0xFFFFFFFF  }
0xc2: {  	_ =	task.clear_ibuf [dreg:s7], $0x2FFFF;
	_ =	strace $0x9FFFFFFF  }
0xc3: {  	(tm) =	ssettm $0x7FFFFFFF  }
tec
execute0_lowered:
.L_overlay_start_1:
0x0: {  	(tag) =	ssettag $0x1  }
0x1: {  	s0 =	rddreg [dreg:$0x0]  }
0x2: {  	s1 =	rddreg [dreg:$0x2]  }
0x3: {  	s2 =	srdreg.scid;
	s9 =	stileid.u32;
	s22 =	simm.s32 $0x0  }
0x4: {  	s2 =	sand.u32 $0x1, s2;
	[smem:$0x7FF] =	sst s22;
	s6 =	smul.u32 $0x5000, s9  }
0x5: {  	s7 =	sadd.s32 $0x3400, s0;
	s8 =	sadd.s32 $0x17400, s0;
	s19 =	sshll.u32 s9, $0x7  }
0x6: {  	s26 =	smul.u32 $0xA00, s9;
	s0 =	sadd.s32 $0xD400, s0;
	s4 =	ssub.s32 $0x2, s2  }
0x7: {  	_ =	strace $0x80000047;
	[dreg:$0x4] =	wrdreg s8;
	s20 =	sand.u32 $0x380, s19  }
0x8: {  	s5 =	sshrl.u32 s4, $0x1;
	s11 =	sadd.s32 $0x200, s26;
	s12 =	sadd.s32 s7, s26  }
0x9: {  	s14 =	sadd.s32 $0x400, s26;
	[dreg:$0xd] =	wrdreg s12;
	s13 =	sadd.s32 s7, s11  }
0xa: {  	s6 =	sshrl.u32 s6, $0x2;
	s15 =	sadd.s32 s7, s14;
	[dreg:$0xe] =	wrdreg s13  }
0xb: {  	s4 =	ssub.s32 s4, s5;
	s18 =	sadd.s32 s11, s0;
	[dreg:$0xf] =	wrdreg s15  }
0xc: {  	s5 =	sadd.s32 s6, s1;
	s19 =	sadd.s32 s14, s0;
	[dreg:$0x13] =	wrdreg s18  }
0xd: {  	s23 =	sadd.s32 $0x80, s5;
	[dreg:$0x14] =	wrdreg s19  }
0xe: {  	s24 =	sadd.s32 $0x100, s5;
	[dreg:$0x6] =	wrdreg s23  }
0xf: {  	s3 =	sshrl.u32 s9, $0x3;
	s25 =	sadd.s32 $0x180, s5;
	[dreg:$0x7] =	wrdreg s24  }
0x10: {  	s3 =	smul.u32 $0x50000, s3;
	s6 =	sadd.s32 $0x280, s5;
	[dreg:$0x8] =	wrdreg s25  }
0x11: {  	s16 =	sadd.s32 $0x600, s26;
	s8 =	sadd.s32 $0x300, s5;
	[dreg:$0xa] =	wrdreg s6  }
0x12: {  	s3 =	sshrl.u32 s3, $0x2;
	s10 =	sadd.s32 $0x380, s5;
	[dreg:$0xb] =	wrdreg s8  }
0x13: {  	s3 =	sadd.s32 s3, s1;
	s1 =	sadd.s32 s26, s0;
	[dreg:$0xc] =	wrdreg s10  }
0x14: {  	s17 =	sadd.s32 $0x800, s26;
	s26 =	sadd.s32 $0x14180, s5;
	[dreg:$0x12] =	wrdreg s1  }
0x15: {  	p0 =	seq.s32 s2, $0x1;
	s2 =	sadd.s32 $0x14280, s5;
	[dreg:$0x1b] =	wrdreg s26  }
0x16: {  	s11 =	sadd.s32 $0x480, s5;
	[dreg:$0x1d] =	wrdreg s2  }
0x17: {  	s12 =	sadd.s32 $0x880, s5;
	[smem:$0x7D7] =	sst s11  }
0x18: {  	s13 =	sadd.s32 $0xC80, s5;
	[smem:$0x7D8] =	sst s12  }
0x19: {  	s14 =	sadd.s32 $0x1080, s5;
	[smem:$0x7D9] =	sst s13  }
0x1a: {  	s15 =	sadd.s32 $0x500, s5;
	[smem:$0x7DA] =	sst s14  }
0x1b: {  	s18 =	sadd.s32 $0x1100, s5;
	[smem:$0x7DB] =	sst s15  }
0x1c: {  	s19 =	sadd.s32 $0x580, s5;
	[smem:$0x7DE] =	sst s18  }
0x1d: {  	s21 =	sadd.s32 s20, s3;
	[smem:$0x7DF] =	sst s19  }
0x1e: {  	s3 =	sadd.s32 $0x200, s5;
	[dreg:$0x5] =	wrdreg s21  }
0x1f: {  	s10 =	sadd.s32 s7, s16;
	[dreg:$0x9] =	wrdreg s3  }
0x20: {  	s7 =	sadd.s32 s7, s17;
	[dreg:$0x10] =	wrdreg s10  }
0x21: {  	s20 =	sadd.s32 s16, s0;
	[dreg:$0x11] =	wrdreg s7  }
0x22: {  	s0 =	sadd.s32 s17, s0;
	[dreg:$0x15] =	wrdreg s20  }
0x23: {  	s23 =	smax.u32 s4, $0x1;
	[dreg:$0x16] =	wrdreg s0  }
0x24: {  	s24 =	sadd.s32 $0x14080, s5;
	[dreg:$0x18] =	wrdreg s23  }
0x25: {  	s25 =	sadd.s32 $0x14100, s5;
	[dreg:$0x19] =	wrdreg s24  }
0x26: {  	s1 =	sadd.s32 $0x14200, s5;
	[dreg:$0x1a] =	wrdreg s25  }
0x27: {  	s4 =	sadd.s32 $0x14380, s5;
	[dreg:$0x1c] =	wrdreg s1  }
0x28: {  	s8 =	sadd.s32 $0x800, s5;
	[dreg:$0x1f] =	wrdreg s4  }
0x29: {  	s6 =	smul.u32 $0x50, s9;
	s9 =	sadd.s32 $0xC00, s5;
	[smem:$0x7D4] =	sst s8  }
0x2a: {  	s16 =	sadd.s32 $0x900, s5;
	[smem:$0x7D5] =	sst s9  }
0x2b: {  	s17 =	sadd.s32 $0xD00, s5;
	[smem:$0x7DC] =	sst s16  }
0x2c: {  	s26 =	sadd.s32 $0xE00, s5;
	[smem:$0x7DD] =	sst s17  }
0x2d: {  	s2 =	sadd.s32 $0x680, s5;
	[smem:$0x7E5] =	sst s26  }
0x2e: {  	s11 =	sadd.s32 $0x780, s5;
	[smem:$0x7E7] =	sst s2  }
0x2f: {  	s12 =	sadd.s32 $0xB80, s5;
	[smem:$0x7EF] =	sst s11  }
0x30: {  	s13 =	sadd.s32 $0xF80, s5;
	[smem:$0x7F0] =	sst s12  }
0x31: {  	s14 =	sadd.s32 $0x1380, s5;
	[smem:$0x7F1] =	sst s13  }
0x32: {  	s15 =	sadd.s32 $0x14400, s5;
	[smem:$0x7F2] =	sst s14  }
0x33: {  	s18 =	sadd.s32 $0x15000, s5;
	[smem:$0x7F3] =	sst s15  }
0x34: {  	s19 =	sadd.s32 $0x14480, s5;
	[smem:$0x7F6] =	sst s18  }
0x35: {  	s21 =	sadd.s32 $0x14000, s5;
	[smem:$0x7F7] =	sst s19  }
0x36: {  	s3 =	sadd.s32 $0x14300, s5;
	[dreg:$0x17] =	wrdreg s21  }
0x37: {  	[dreg:$0x1e] =	wrdreg s3  }
0x38: {  	s7 =	sadd.s32 $0x400, s5;
	[smem:$0x7D2] =	sst s6  }
0x39: {  	s10 =	sadd.s32 $0x1000, s5;
	[smem:$0x7D3] =	sst s7  }
0x3a: {  	s28 =	sadd.s32 $0x14A80, s5;
	s20 =	sadd.s32 $0x980, s5;
	[smem:$0x7D6] =	sst s10  }
0x3b: {  	s29 =	sadd.s32 $0x14E80, s5;
	s23 =	sadd.s32 $0x1180, s5;
	[smem:$0x7E0] =	sst s20  }
0x3c: {  	s30 =	sadd.s32 $0x15280, s5;
	s24 =	sadd.s32 $0x600, s5;
	[smem:$0x7E2] =	sst s23  }
0x3d: {  	s31 =	sadd.s32 $0x14700, s5;
	s25 =	sadd.s32 $0xA00, s5;
	[smem:$0x7E3] =	sst s24  }
0x3e: {  	s1 =	sadd.s32 $0x1200, s5;
	s4 =	sadd.s32 $0xE80, s5;
	[smem:$0x7E4] =	sst s25  }
0x3f: {  	s8 =	sadd.s32 $0xB00, s5;
	s9 =	sadd.s32 $0xF00, s5;
	[smem:$0x7E6] =	sst s1  }
0x40: {  	s16 =	sadd.s32 $0x14800, s5;
	s17 =	sadd.s32 $0x14C00, s5;
	[smem:$0x7E9] =	sst s4  }
0x41: {  	s26 =	sadd.s32 $0x14D00, s5;
	s11 =	sadd.s32 $0x15180, s5;
	[smem:$0x7EC] =	sst s8  }
0x42: {  	s12 =	sadd.s32 $0x14600, s5;
	s13 =	sadd.s32 $0x14A00, s5;
	[smem:$0x7ED] =	sst s9  }
0x43: {  	s0 =	sadd.s32 $0x14B00, s5;
	s2 =	sadd.s32 $0x15300, s5;
	[smem:$0x7F4] =	sst s16  }
0x44: {  	s14 =	sadd.s32 $0x14B80, s5;
	s15 =	sadd.s32 $0x14F80, s5;
	[smem:$0x7F5] =	sst s17  }
0x45: {  	s18 =	simm.s32 $0x1;
	s21 =	sadd.s32 $0xD80, s5;
	[smem:$0x7FD] =	sst s26  }
0x46: {  	s19 =	simm.s32 $0x3800;
	s3 =	sadd.s32 $0xA80, s5;
	[smem:$0x7E1] =	sst s21  }
0x47: {  	s6 =	sadd.s32 $0x1280, s5;
	s7 =	sadd.s32 $0x700, s5;
	[smem:$0x7E8] =	sst s3  }
0x48: {  	s10 =	sadd.s32 $0x1300, s5;
	s20 =	sadd.s32 $0x14880, s5;
	[smem:$0x7EA] =	sst s6  }
0x49: {  	s23 =	sadd.s32 $0x15080, s5;
	s24 =	sadd.s32 $0x14500, s5;
	[smem:$0x7EB] =	sst s7  }
0x4a: {  	s25 =	sadd.s32 $0x14900, s5;
	s8 =	sadd.s32 $0x14580, s5;
	[smem:$0x7EE] =	sst s10  }
0x4b: {  	s9 =	sadd.s32 $0x14980, s5;
	s26 =	sadd.s32 $0x14680, s5;
	[smem:$0x7F8] =	sst s20  }
.Ltmp0:
0x4c: {  	s1 =	sadd.s32 $0x14F00, s5;
	[smem:$0x7FA] =	sst s23;
	(pc) =	sbr.rel .LBB2_1-.Ltmp0, $4  }
0x4d: {  	s4 =	sadd.s32 $0x14780, s5;
	s16 =	sadd.s32 $0x15380, s5;
	[smem:$0x7FB] =	sst s24  }
0x4e: {  	s17 =	simm.s32 $0x2800;
	s21 =	sadd.s32 $0x14C80, s5;
	[smem:$0x7FC] =	sst s25  }
0x4f: {  	s7 =	sadd.s32 $0x15100, s5;
	s10 =	sadd.s32 $0x14D80, s5;
	s24 =	sadd.s32 $0x14E00, s5  }
0x50: {  	v0 =	vimm.f32 $0.0e+00;
	v1 =	vimm.f32 $1.000000000e+00;
	s25 =	sadd.s32 $0x15200, s5;
	s20 =	simm.s32 $0x0;
	[smem:$0x7F9] =	sst s21  }
.LBB2_16:
0x51: {  	v2 =	vld [tilespmem:s22+$0x6080]  }
0x52: {  	v3 =	vld [tilespmem:s22+$0x6000];
	_ =	sdelay $0x1  }
0x53: {  	v4 =	vld [tilespmem:s22+$0x6100];
	_ =	sdelay $0x1  }
0x54: {  	v5 =	vld [tilespmem:s22+$0x6180]  }
0x55: {  	v2 =	vadd.f32 v2, v3  }
0x56: {  	v3 =	vld [tilespmem:s22+$0x6200]  }
0x57: {  	v2 =	vadd.f32 v4, v2  }
0x58: {  	v56 =	vld [tilespmem:s22+$0x6280]  }
0x59: {  	v2 =	vadd.f32 v5, v2  }
0x5a: {  	v57 =	vld [tilespmem:s22+$0x6300]  }
0x5b: {  	v2 =	vadd.f32 v3, v2  }
0x5c: {  	v3 =	vld [tilespmem:s22+$0x6380]  }
0x5d: {  	v2 =	vadd.f32 v56, v2  }
0x5e: {  	v58 =	vld [tilespmem:s22+$0x7400]  }
0x5f: {  	v2 =	vadd.f32 v57, v2  }
0x60: {  	v59 =	vld [tilespmem:s22+$0x7480]  }
0x61: {  	v2 =	vadd.f32 v3, v2  }
0x62: {  	v3 =	vld [tilespmem:s22+$0x7500]  }
0x63: {  	v2 =	vadd.f32 v58, v2  }
0x64: {  	v60 =	vld [tilespmem:s22+$0x7580]  }
0x65: {  	v2 =	vadd.f32 v59, v2  }
0x66: {  	v61 =	vld [tilespmem:s22+$0x7600]  }
0x67: {  	v2 =	vadd.f32 v3, v2  }
0x68: {  	v3 =	vld [tilespmem:s22+$0x7680]  }
0x69: {  	v2 =	vadd.f32 v60, v2  }
0x6a: {  	v62 =	vld [tilespmem:s22+$0x7700]  }
0x6b: {  	v2 =	vadd.f32 v61, v2  }
0x6c: {  	v63 =	vld [tilespmem:s22+$0x7780]  }
0x6d: {  	v2 =	vadd.f32 v3, v2;
	_ =	sdelay $0x1  }
0x6e: {  	v2 =	vadd.f32 v62, v2;
	_ =	sdelay $0x1  }
0x6f: {  	v2 =	vadd.f32 v63, v2  }
0x70: {  	s3 =	sadd.s32 $0x10, s21  }
0x71: {  	[tilespmem:s3+$0x0] =	vst v2;
	s3 =	rddreg [dreg:$0x1]  }
.LBB2_30:
0x72: {  	s6 =	sld [smem:$0x7D2];
	_ =	sdelay $0x2  }
0x73: {  	s22 =	simm.s32 $0x0;
	s21 =	simm.s32 $0x8800;
	s3 =	sadd.s32 s3, s6  }
0x74: {  	[hbm4b:s3+s22] =	stream.linear.scatter [tilespmem:s21], [sflag:$0x1], $0x280, $0x38;
	[tilespmem:$0x8A80] =	vst v63  }
0x75: {  	_ =	swait.ge [sflag:s18], $0x280  }
0x76: {  	s20 =	sadd.s32 $0x1, s20;
	s23 =	rddreg [dreg:$0x18]  }
0x77: {  	p1 =	sne.s32 s20, s23  }
.Ltmp1:
0x78: {  	_ = 	snop;
	(pc) =	sbr.rel @!p1 .LBB2_31-.Ltmp1, $3  }
0x79: {  	_ =	sdelay $0x1  }
0x7a: {  	[sflag:s18] =	ssyncset.done $0x0  }
0x7b: {  	[sflag:s18] =	ssyncadd.s32 $0xFFFFFD80  }
.LBB2_1:
0x7c: {  	s3 =	simm.s32 $0x40;
	s21 =	simm.s32 $0x0  }
.LBB2_2:
0x7d: {  	p1 =	sne.s32 s3, $0x9FC0;
	[tilespmem:s21+$0x3800] =	vst v0;
	s21 =	smov.u32 s3;
	s3 =	sadd.s32 $0x40, s3  }
.Ltmp2:
0x7e: {  	(pc) =	sbr.rel @p1 .LBB2_2-.Ltmp2, $2  }
0x7f: {  	_ =	sdelay $0x2  }
0x80: {  	s21 =	sshra.s32 s21, $0x2  }
.Ltmp3:
0x81: {  	(pc) =	sbr.rel @!p0 .LBB2_4-.Ltmp3, $2  }
0x82: {  	_ =	sdelay $0x2  }
0x83: {  	[tilespmem:s21+$0x3800] =	vst v0  }
0x84: {  	s3 =	rddreg [dreg:$0x12]  }
0x85: {  	[tilespmem:s17], [sflag:$0x1] =	stream.linear.gather [hbm4b:s3+s22], $0xC80, $0x38;
	[tilespmem:$0x8A80] =	vst v63  }
0x86: {  	_ =	swait.ge [sflag:s18], $0xC80  }
0x87: {  	[sflag:s18] =	ssyncset.done $0x0  }
0x88: {  	s3 =	simm.s32 $0x100;
	[sflag:s18] =	ssyncadd.s32 $0xFFFFF380  }
.LBB2_18:
0x89: {  	s6 =	sshra.s32 s3, $0x2  }
0x8a: {  	v2 =	vld [tilespmem:s6+$0x27C0];
	_ =	sdelay $0x7  }
0x8b: {  	[tilespmem:v2+s19+$0x0] =	vst.idx.add.f32.msk $0xffff, v1  }
0x8c: {  	v2 =	vld [tilespmem:s6+$0x27D0];
	_ =	sdelay $0x7  }
0x8d: {  	[tilespmem:v2+s19+$0x0] =	vst.idx.add.f32.msk $0xffff, v1  }
0x8e: {  	v2 =	vld [tilespmem:s6+$0x27E0];
	_ =	sdelay $0x7  }
0x8f: {  	[tilespmem:v2+s19+$0x0] =	vst.idx.add.f32.msk $0xffff, v1  }
0x90: {  	v2 =	vld [tilespmem:s6+$0x27F0];
	_ =	sdelay $0x7  }
0x91: {  	[tilespmem:v2+s19+$0x0] =	vst.idx.add.f32.msk $0xffff, v1  }
0x92: {  	v2 =	vld [tilespmem:s6+$0x2800];
	_ =	sdelay $0x2  }
0x93: {  	p1 =	sne.s32 s3, $0x3100  }
.Ltmp4:
0x94: {  	_ = 	snop;
	(pc) =	sbr.rel @p1 .LBB2_18-.Ltmp4, $2  }
0x95: {  	_ =	sdelay $0x2  }
0x96: {  	s3 =	sadd.s32 $0x200, s3;
	[tilespmem:v2+s19+$0x0] =	vst.idx.add.f32.msk $0xffff, v1  }
0x97: {  	s3 =	simm.s32 $0x0;
	s6 =	rddreg [dreg:$0x13]  }
0x98: {  	[tilespmem:s17], [sflag:$0x1] =	stream.linear.gather [hbm4b:s6+s3], $0xC80, $0x38;
	[tilespmem:$0x8A80] =	vst v63  }
0x99: {  	_ =	swait.ge [sflag:s18], $0xC80  }
0x9a: {  	[sflag:s18] =	ssyncset.done $0x0  }
0x9b: {  	[sflag:s18] =	ssyncadd.s32 $0xFFFFF380  }
.LBB2_20:
0x9c: {  	s6 =	sshra.s32 s3, $0x2  }
0x9d: {  	v2 =	vld [tilespmem:s6+$0x2800];
	_ =	sdelay $0x7  }
0x9e: {  	[tilespmem:v2+s19+$0x0] =	vst.idx.add.f32.msk $0xffff, v1  }
0x9f: {  	v2 =	vld [tilespmem:s6+$0x2810];
	_ =	sdelay $0x7  }
0xa0: {  	[tilespmem:v2+s19+$0x0] =	vst.idx.add.f32.msk $0xffff, v1  }
0xa1: {  	v2 =	vld [tilespmem:s6+$0x2820];
	_ =	sdelay $0x7  }
0xa2: {  	[tilespmem:v2+s19+$0x0] =	vst.idx.add.f32.msk $0xffff, v1  }
0xa3: {  	v2 =	vld [tilespmem:s6+$0x2830];
	_ =	sdelay $0x7  }
0xa4: {  	[tilespmem:v2+s19+$0x0] =	vst.idx.add.f32.msk $0xffff, v1  }
0xa5: {  	v2 =	vld [tilespmem:s6+$0x2840];
	_ =	sdelay $0x2  }
0xa6: {  	p1 =	sne.s32 s3, $0x3000  }
.Ltmp5:
0xa7: {  	_ = 	snop;
	(pc) =	sbr.rel @p1 .LBB2_20-.Ltmp5, $2  }
0xa8: {  	_ =	sdelay $0x2  }
0xa9: {  	s3 =	sadd.s32 $0x200, s3;
	[tilespmem:v2+s19+$0x0] =	vst.idx.add.f32.msk $0xffff, v1  }
0xaa: {  	s3 =	simm.s32 $0x0;
	s6 =	rddreg [dreg:$0x14]  }
0xab: {  	[tilespmem:s17], [sflag:$0x1] =	stream.linear.gather [hbm4b:s6+s3], $0xC80, $0x38;
	[tilespmem:$0x8A80] =	vst v63  }
0xac: {  	_ =	swait.ge [sflag:s18], $0xC80  }
0xad: {  	[sflag:s18] =	ssyncset.done $0x0  }
0xae: {  	[sflag:s18] =	ssyncadd.s32 $0xFFFFF380  }
.LBB2_22:
0xaf: {  	s6 =	sshra.s32 s3, $0x2  }
0xb0: {  	v2 =	vld [tilespmem:s6+$0x2800];
	_ =	sdelay $0x7  }
0xb1: {  	[tilespmem:v2+s19+$0x0] =	vst.idx.add.f32.msk $0xffff, v1  }
0xb2: {  	v2 =	vld [tilespmem:s6+$0x2810];
	_ =	sdelay $0x7  }
0xb3: {  	[tilespmem:v2+s19+$0x0] =	vst.idx.add.f32.msk $0xffff, v1  }
0xb4: {  	v2 =	vld [tilespmem:s6+$0x2820];
	_ =	sdelay $0x7  }
0xb5: {  	[tilespmem:v2+s19+$0x0] =	vst.idx.add.f32.msk $0xffff, v1  }
0xb6: {  	v2 =	vld [tilespmem:s6+$0x2830];
	_ =	sdelay $0x7  }
0xb7: {  	[tilespmem:v2+s19+$0x0] =	vst.idx.add.f32.msk $0xffff, v1  }
0xb8: {  	v2 =	vld [tilespmem:s6+$0x2840];
	_ =	sdelay $0x2  }
0xb9: {  	p1 =	sne.s32 s3, $0x3000  }
.Ltmp6:
0xba: {  	_ = 	snop;
	(pc) =	sbr.rel @p1 .LBB2_22-.Ltmp6, $2  }
0xbb: {  	_ =	sdelay $0x2  }
0xbc: {  	s3 =	sadd.s32 $0x200, s3;
	[tilespmem:v2+s19+$0x0] =	vst.idx.add.f32.msk $0xffff, v1  }
0xbd: {  	s3 =	simm.s32 $0x0;
	s6 =	rddreg [dreg:$0x15]  }
0xbe: {  	[tilespmem:s17], [sflag:$0x1] =	stream.linear.gather [hbm4b:s6+s3], $0xC80, $0x38;
	[tilespmem:$0x8A80] =	vst v63  }
0xbf: {  	_ =	swait.ge [sflag:s18], $0xC80  }
0xc0: {  	[sflag:s18] =	ssyncset.done $0x0  }
0xc1: {  	[sflag:s18] =	ssyncadd.s32 $0xFFFFF380  }
.LBB2_24:
0xc2: {  	s6 =	sshra.s32 s3, $0x2  }
0xc3: {  	v2 =	vld [tilespmem:s6+$0x2800];
	_ =	sdelay $0x7  }
0xc4: {  	[tilespmem:v2+s19+$0x0] =	vst.idx.add.f32.msk $0xffff, v1  }
0xc5: {  	v2 =	vld [tilespmem:s6+$0x2810];
	_ =	sdelay $0x7  }
0xc6: {  	[tilespmem:v2+s19+$0x0] =	vst.idx.add.f32.msk $0xffff, v1  }
0xc7: {  	v2 =	vld [tilespmem:s6+$0x2820];
	_ =	sdelay $0x7  }
0xc8: {  	[tilespmem:v2+s19+$0x0] =	vst.idx.add.f32.msk $0xffff, v1  }
0xc9: {  	v2 =	vld [tilespmem:s6+$0x2830];
	_ =	sdelay $0x7  }
0xca: {  	[tilespmem:v2+s19+$0x0] =	vst.idx.add.f32.msk $0xffff, v1  }
0xcb: {  	v2 =	vld [tilespmem:s6+$0x2840];
	_ =	sdelay $0x2  }
0xcc: {  	p1 =	sne.s32 s3, $0x3000  }
.Ltmp7:
0xcd: {  	_ = 	snop;
	(pc) =	sbr.rel @p1 .LBB2_24-.Ltmp7, $2  }
0xce: {  	_ =	sdelay $0x2  }
0xcf: {  	s3 =	sadd.s32 $0x200, s3;
	[tilespmem:v2+s19+$0x0] =	vst.idx.add.f32.msk $0xffff, v1  }
0xd0: {  	s3 =	simm.s32 $0x0;
	s6 =	rddreg [dreg:$0x16]  }
0xd1: {  	[tilespmem:s17], [sflag:$0x1] =	stream.linear.gather [hbm4b:s6+s3], $0xC80, $0x38;
	[tilespmem:$0x8A80] =	vst v63  }
0xd2: {  	_ =	swait.ge [sflag:s18], $0xC80  }
0xd3: {  	[sflag:s18] =	ssyncset.done $0x0  }
0xd4: {  	[sflag:s18] =	ssyncadd.s32 $0xFFFFF380  }
.LBB2_26:
0xd5: {  	s6 =	sshra.s32 s3, $0x2  }
0xd6: {  	v2 =	vld [tilespmem:s6+$0x2800];
	_ =	sdelay $0x7  }
0xd7: {  	[tilespmem:v2+s19+$0x0] =	vst.idx.add.f32.msk $0xffff, v1  }
0xd8: {  	v2 =	vld [tilespmem:s6+$0x2810];
	_ =	sdelay $0x7  }
0xd9: {  	[tilespmem:v2+s19+$0x0] =	vst.idx.add.f32.msk $0xffff, v1  }
0xda: {  	v2 =	vld [tilespmem:s6+$0x2820];
	_ =	sdelay $0x7  }
0xdb: {  	[tilespmem:v2+s19+$0x0] =	vst.idx.add.f32.msk $0xffff, v1  }
0xdc: {  	v2 =	vld [tilespmem:s6+$0x2830];
	_ =	sdelay $0x7  }
0xdd: {  	[tilespmem:v2+s19+$0x0] =	vst.idx.add.f32.msk $0xffff, v1  }
0xde: {  	v2 =	vld [tilespmem:s6+$0x2840];
	_ =	sdelay $0x2  }
0xdf: {  	p1 =	sne.s32 s3, $0x3000  }
.Ltmp8:
0xe0: {  	_ = 	snop;
	(pc) =	sbr.rel @p1 .LBB2_26-.Ltmp8, $2  }
0xe1: {  	_ =	sdelay $0x2  }
0xe2: {  	s3 =	sadd.s32 $0x200, s3;
	[tilespmem:v2+s19+$0x0] =	vst.idx.add.f32.msk $0xffff, v1  }
0xe3: {  	s3 =	rddreg [dreg:$0x5];
	s6 =	simm.s32 $0x80;
	s21 =	simm.s32 $0x400  }
0xe4: {  	[spmem:s3] =	stream.strided.scatter [tilespmem:s19], [sflag:$0x1], $0x2800, s21, s6, $0x38;
	[tilespmem:$0x8A80] =	vst v63  }
0xe5: {  	_ =	swait.ge [sflag:s18], $0x2800  }
0xe6: {  	[sflag:s18] =	ssyncset.done $0x0  }
0xe7: {  	[sflag:s18] =	ssyncadd.s32 $0xFFFFD800  }
0xe8: {  	[bflag:$0x0] =	sbarrier.arrive $0xFFFF  }
0xe9: {  	s23 =	simm.s32 $0x6000;
	s6 =	sld [smem:$0x7D3]  }
0xea: {  	[tilespmem:s23], [sflag:$0x1] =	stream.linear.gather [spmem:s5], $0x80, $0x38;
	[tilespmem:$0x8A80] =	vst v63  }
0xeb: {  	s21 =	simm.s32 $0x6400;
	s22 =	sld [smem:$0x7D4]  }
0xec: {  	[tilespmem:s21], [sflag:$0x1] =	stream.linear.gather [spmem:s6], $0x80, $0x38;
	[tilespmem:$0x8A80] =	vst v63  }
0xed: {  	s23 =	simm.s32 $0x6800;
	s6 =	sld [smem:$0x7D5]  }
0xee: {  	[tilespmem:s23], [sflag:$0x1] =	stream.linear.gather [spmem:s22], $0x80, $0x38;
	[tilespmem:$0x8A80] =	vst v63  }
0xef: {  	s21 =	simm.s32 $0x6C00;
	s22 =	sld [smem:$0x7D6]  }
0xf0: {  	[tilespmem:s21], [sflag:$0x1] =	stream.linear.gather [spmem:s6], $0x80, $0x38;
	[tilespmem:$0x8A80] =	vst v63  }
0xf1: {  	s23 =	simm.s32 $0x7000  }
0xf2: {  	[tilespmem:s23], [sflag:$0x1] =	stream.linear.gather [spmem:s22], $0x80, $0x38;
	[tilespmem:$0x8A80] =	vst v63  }
0xf3: {  	_ =	swait.ge [sflag:s18], $0x280  }
0xf4: {  	[sflag:s18] =	ssyncset.done $0x0;
	s6 =	rddreg [dreg:$0x6]  }
0xf5: {  	s21 =	simm.s32 $0x6080;
	s22 =	sld [smem:$0x7D7];
	[sflag:s18] =	ssyncadd.s32 $0xFFFFFD80  }
0xf6: {  	[tilespmem:s21], [sflag:$0x1] =	stream.linear.gather [spmem:s6], $0x80, $0x38;
	[tilespmem:$0x8A80] =	vst v63  }
0xf7: {  	s23 =	simm.s32 $0x6480;
	s6 =	sld [smem:$0x7D8]  }
0xf8: {  	[tilespmem:s23], [sflag:$0x1] =	stream.linear.gather [spmem:s22], $0x80, $0x38;
	[tilespmem:$0x8A80] =	vst v63  }
0xf9: {  	s21 =	simm.s32 $0x6880;
	s22 =	sld [smem:$0x7D9]  }
0xfa: {  	[tilespmem:s21], [sflag:$0x1] =	stream.linear.gather [spmem:s6], $0x80, $0x38;
	[tilespmem:$0x8A80] =	vst v63  }
0xfb: {  	s23 =	simm.s32 $0x6C80;
	s6 =	sld [smem:$0x7DA]  }
0xfc: {  	[tilespmem:s23], [sflag:$0x1] =	stream.linear.gather [spmem:s22], $0x80, $0x38;
	[tilespmem:$0x8A80] =	vst v63  }
0xfd: {  	s21 =	simm.s32 $0x7080  }
0xfe: {  	[tilespmem:s21], [sflag:$0x1] =	stream.linear.gather [spmem:s6], $0x80, $0x38;
	[tilespmem:$0x8A80] =	vst v63  }
0xff: {  	_ =	swait.ge [sflag:s18], $0x280  }
0x100: {  	[sflag:s18] =	ssyncset.done $0x0;
	s22 =	rddreg [dreg:$0x7]  }
0x101: {  	s23 =	simm.s32 $0x6100;
	s6 =	sld [smem:$0x7DB];
	[sflag:s18] =	ssyncadd.s32 $0xFFFFFD80  }
0x102: {  	[tilespmem:s23], [sflag:$0x1] =	stream.linear.gather [spmem:s22], $0x80, $0x38;
	[tilespmem:$0x8A80] =	vst v63  }
0x103: {  	s21 =	simm.s32 $0x6500;
	s22 =	sld [smem:$0x7DC]  }
0x104: {  	[tilespmem:s21], [sflag:$0x1] =	stream.linear.gather [spmem:s6], $0x80, $0x38;
	[tilespmem:$0x8A80] =	vst v63  }
0x105: {  	s23 =	simm.s32 $0x6900;
	s6 =	sld [smem:$0x7DD]  }
0x106: {  	[tilespmem:s23], [sflag:$0x1] =	stream.linear.gather [spmem:s22], $0x80, $0x38;
	[tilespmem:$0x8A80] =	vst v63  }
0x107: {  	s21 =	simm.s32 $0x6D00;
	s22 =	sld [smem:$0x7DE]  }
0x108: {  	[tilespmem:s21], [sflag:$0x1] =	stream.linear.gather [spmem:s6], $0x80, $0x38;
	[tilespmem:$0x8A80] =	vst v63  }
0x109: {  	s23 =	simm.s32 $0x7100  }
0x10a: {  	[tilespmem:s23], [sflag:$0x1] =	stream.linear.gather [spmem:s22], $0x80, $0x38;
	[tilespmem:$0x8A80] =	vst v63  }
0x10b: {  	_ =	swait.ge [sflag:s18], $0x280  }
0x10c: {  	[sflag:s18] =	ssyncset.done $0x0;
	s6 =	rddreg [dreg:$0x8]  }
0x10d: {  	s21 =	simm.s32 $0x6180;
	s22 =	sld [smem:$0x7DF];
	[sflag:s18] =	ssyncadd.s32 $0xFFFFFD80  }
0x10e: {  	[tilespmem:s21], [sflag:$0x1] =	stream.linear.gather [spmem:s6], $0x80, $0x38;
	[tilespmem:$0x8A80] =	vst v63  }
0x10f: {  	s23 =	simm.s32 $0x6580;
	s6 =	sld [smem:$0x7E0]  }
0x110: {  	[tilespmem:s23], [sflag:$0x1] =	stream.linear.gather [spmem:s22], $0x80, $0x38;
	[tilespmem:$0x8A80] =	vst v63  }
0x111: {  	s21 =	simm.s32 $0x6980;
	s22 =	sld [smem:$0x7E1]  }
0x112: {  	[tilespmem:s21], [sflag:$0x1] =	stream.linear.gather [spmem:s6], $0x80, $0x38;
	[tilespmem:$0x8A80] =	vst v63  }
0x113: {  	s23 =	simm.s32 $0x6D80;
	s6 =	sld [smem:$0x7E2]  }
0x114: {  	[tilespmem:s23], [sflag:$0x1] =	stream.linear.gather [spmem:s22], $0x80, $0x38;
	[tilespmem:$0x8A80] =	vst v63  }
0x115: {  	s21 =	simm.s32 $0x7180  }
0x116: {  	[tilespmem:s21], [sflag:$0x1] =	stream.linear.gather [spmem:s6], $0x80, $0x38;
	[tilespmem:$0x8A80] =	vst v63  }
0x117: {  	_ =	swait.ge [sflag:s18], $0x280  }
0x118: {  	[sflag:s18] =	ssyncset.done $0x0;
	s22 =	rddreg [dreg:$0x9]  }
0x119: {  	s23 =	simm.s32 $0x6200;
	s6 =	sld [smem:$0x7E3];
	[sflag:s18] =	ssyncadd.s32 $0xFFFFFD80  }
0x11a: {  	[tilespmem:s23], [sflag:$0x1] =	stream.linear.gather [spmem:s22], $0x80, $0x38;
	[tilespmem:$0x8A80] =	vst v63  }
0x11b: {  	s21 =	simm.s32 $0x6600;
	s22 =	sld [smem:$0x7E4]  }
0x11c: {  	[tilespmem:s21], [sflag:$0x1] =	stream.linear.gather [spmem:s6], $0x80, $0x38;
	[tilespmem:$0x8A80] =	vst v63  }
0x11d: {  	s23 =	simm.s32 $0x6A00;
	s6 =	sld [smem:$0x7E5]  }
0x11e: {  	[tilespmem:s23], [sflag:$0x1] =	stream.linear.gather [spmem:s22], $0x80, $0x38;
	[tilespmem:$0x8A80] =	vst v63  }
0x11f: {  	s21 =	simm.s32 $0x6E00;
	s22 =	sld [smem:$0x7E6]  }
0x120: {  	[tilespmem:s21], [sflag:$0x1] =	stream.linear.gather [spmem:s6], $0x80, $0x38;
	[tilespmem:$0x8A80] =	vst v63  }
0x121: {  	s23 =	simm.s32 $0x7200  }
0x122: {  	[tilespmem:s23], [sflag:$0x1] =	stream.linear.gather [spmem:s22], $0x80, $0x38;
	[tilespmem:$0x8A80] =	vst v63  }
0x123: {  	_ =	swait.ge [sflag:s18], $0x280  }
0x124: {  	[sflag:s18] =	ssyncset.done $0x0;
	s6 =	rddreg [dreg:$0xa]  }
0x125: {  	s21 =	simm.s32 $0x6280;
	s22 =	sld [smem:$0x7E7];
	[sflag:s18] =	ssyncadd.s32 $0xFFFFFD80  }
0x126: {  	[tilespmem:s21], [sflag:$0x1] =	stream.linear.gather [spmem:s6], $0x80, $0x38;
	[tilespmem:$0x8A80] =	vst v63  }
0x127: {  	s23 =	simm.s32 $0x6680;
	s6 =	sld [smem:$0x7E8]  }
0x128: {  	[tilespmem:s23], [sflag:$0x1] =	stream.linear.gather [spmem:s22], $0x80, $0x38;
	[tilespmem:$0x8A80] =	vst v63  }
0x129: {  	s21 =	simm.s32 $0x6A80;
	s22 =	sld [smem:$0x7E9]  }
0x12a: {  	[tilespmem:s21], [sflag:$0x1] =	stream.linear.gather [spmem:s6], $0x80, $0x38;
	[tilespmem:$0x8A80] =	vst v63  }
0x12b: {  	s23 =	simm.s32 $0x6E80;
	s6 =	sld [smem:$0x7EA]  }
0x12c: {  	[tilespmem:s23], [sflag:$0x1] =	stream.linear.gather [spmem:s22], $0x80, $0x38;
	[tilespmem:$0x8A80] =	vst v63  }
0x12d: {  	s21 =	simm.s32 $0x7280  }
0x12e: {  	[tilespmem:s21], [sflag:$0x1] =	stream.linear.gather [spmem:s6], $0x80, $0x38;
	[tilespmem:$0x8A80] =	vst v63  }
0x12f: {  	_ =	swait.ge [sflag:s18], $0x280  }
0x130: {  	[sflag:s18] =	ssyncset.done $0x0;
	s22 =	rddreg [dreg:$0xb]  }
0x131: {  	s23 =	simm.s32 $0x6300;
	s6 =	sld [smem:$0x7EB];
	[sflag:s18] =	ssyncadd.s32 $0xFFFFFD80  }
0x132: {  	[tilespmem:s23], [sflag:$0x1] =	stream.linear.gather [spmem:s22], $0x80, $0x38;
	[tilespmem:$0x8A80] =	vst v63  }
0x133: {  	s21 =	simm.s32 $0x6700;
	s22 =	sld [smem:$0x7EC]  }
0x134: {  	[tilespmem:s21], [sflag:$0x1] =	stream.linear.gather [spmem:s6], $0x80, $0x38;
	[tilespmem:$0x8A80] =	vst v63  }
0x135: {  	s23 =	simm.s32 $0x6B00;
	s6 =	sld [smem:$0x7ED]  }
0x136: {  	[tilespmem:s23], [sflag:$0x1] =	stream.linear.gather [spmem:s22], $0x80, $0x38;
	[tilespmem:$0x8A80] =	vst v63  }
0x137: {  	s21 =	simm.s32 $0x6F00;
	s22 =	sld [smem:$0x7EE]  }
0x138: {  	[tilespmem:s21], [sflag:$0x1] =	stream.linear.gather [spmem:s6], $0x80, $0x38;
	[tilespmem:$0x8A80] =	vst v63  }
0x139: {  	s23 =	simm.s32 $0x7300  }
0x13a: {  	[tilespmem:s23], [sflag:$0x1] =	stream.linear.gather [spmem:s22], $0x80, $0x38;
	[tilespmem:$0x8A80] =	vst v63  }
0x13b: {  	_ =	swait.ge [sflag:s18], $0x280  }
0x13c: {  	[sflag:s18] =	ssyncset.done $0x0;
	s6 =	rddreg [dreg:$0xc]  }
0x13d: {  	s21 =	simm.s32 $0x6380;
	s22 =	sld [smem:$0x7EF];
	[sflag:s18] =	ssyncadd.s32 $0xFFFFFD80  }
0x13e: {  	[tilespmem:s21], [sflag:$0x1] =	stream.linear.gather [spmem:s6], $0x80, $0x38;
	[tilespmem:$0x8A80] =	vst v63  }
0x13f: {  	s23 =	simm.s32 $0x6780;
	s6 =	sld [smem:$0x7F0]  }
0x140: {  	[tilespmem:s23], [sflag:$0x1] =	stream.linear.gather [spmem:s22], $0x80, $0x38;
	[tilespmem:$0x8A80] =	vst v63  }
0x141: {  	s21 =	simm.s32 $0x6B80;
	s22 =	sld [smem:$0x7F1]  }
0x142: {  	[tilespmem:s21], [sflag:$0x1] =	stream.linear.gather [spmem:s6], $0x80, $0x38;
	[tilespmem:$0x8A80] =	vst v63  }
0x143: {  	s23 =	simm.s32 $0x6F80;
	s6 =	sld [smem:$0x7F2]  }
0x144: {  	[tilespmem:s23], [sflag:$0x1] =	stream.linear.gather [spmem:s22], $0x80, $0x38;
	[tilespmem:$0x8A80] =	vst v63  }
0x145: {  	s21 =	simm.s32 $0x7380  }
0x146: {  	[tilespmem:s21], [sflag:$0x1] =	stream.linear.gather [spmem:s6], $0x80, $0x38;
	[tilespmem:$0x8A80] =	vst v63  }
0x147: {  	_ =	swait.ge [sflag:s18], $0x280  }
0x148: {  	[sflag:s18] =	ssyncset.done $0x0;
	s22 =	rddreg [dreg:$0x17]  }
0x149: {  	s23 =	simm.s32 $0x7400;
	s6 =	sld [smem:$0x7F3];
	[sflag:s18] =	ssyncadd.s32 $0xFFFFFD80  }
0x14a: {  	[tilespmem:s23], [sflag:$0x1] =	stream.linear.gather [spmem:s22], $0x80, $0x38;
	[tilespmem:$0x8A80] =	vst v63  }
0x14b: {  	s21 =	simm.s32 $0x7800;
	s22 =	sld [smem:$0x7F4]  }
0x14c: {  	[tilespmem:s21], [sflag:$0x1] =	stream.linear.gather [spmem:s6], $0x80, $0x38;
	[tilespmem:$0x8A80] =	vst v63  }
0x14d: {  	s23 =	simm.s32 $0x7C00;
	s6 =	sld [smem:$0x7F5]  }
0x14e: {  	[tilespmem:s23], [sflag:$0x1] =	stream.linear.gather [spmem:s22], $0x80, $0x38;
	[tilespmem:$0x8A80] =	vst v63  }
0x14f: {  	s21 =	simm.s32 $0x8000;
	s22 =	sld [smem:$0x7F6]  }
0x150: {  	[tilespmem:s21], [sflag:$0x1] =	stream.linear.gather [spmem:s6], $0x80, $0x38;
	[tilespmem:$0x8A80] =	vst v63  }
0x151: {  	s23 =	simm.s32 $0x8400  }
0x152: {  	[tilespmem:s23], [sflag:$0x1] =	stream.linear.gather [spmem:s22], $0x80, $0x38;
	[tilespmem:$0x8A80] =	vst v63  }
0x153: {  	_ =	swait.ge [sflag:s18], $0x280  }
0x154: {  	[sflag:s18] =	ssyncset.done $0x0;
	s6 =	rddreg [dreg:$0x19]  }
0x155: {  	s21 =	simm.s32 $0x7480;
	s22 =	sld [smem:$0x7F7];
	[sflag:s18] =	ssyncadd.s32 $0xFFFFFD80  }
0x156: {  	[tilespmem:s21], [sflag:$0x1] =	stream.linear.gather [spmem:s6], $0x80, $0x38;
	[tilespmem:$0x8A80] =	vst v63  }
0x157: {  	s23 =	simm.s32 $0x7880;
	s6 =	sld [smem:$0x7F8]  }
0x158: {  	[tilespmem:s23], [sflag:$0x1] =	stream.linear.gather [spmem:s22], $0x80, $0x38;
	[tilespmem:$0x8A80] =	vst v63  }
0x159: {  	s21 =	simm.s32 $0x7C80;
	s22 =	sld [smem:$0x7F9]  }
0x15a: {  	[tilespmem:s21], [sflag:$0x1] =	stream.linear.gather [spmem:s6], $0x80, $0x38;
	[tilespmem:$0x8A80] =	vst v63  }
0x15b: {  	s23 =	simm.s32 $0x8080;
	s6 =	sld [smem:$0x7FA]  }
0x15c: {  	[tilespmem:s23], [sflag:$0x1] =	stream.linear.gather [spmem:s22], $0x80, $0x38;
	[tilespmem:$0x8A80] =	vst v63  }
0x15d: {  	s21 =	simm.s32 $0x8480  }
0x15e: {  	[tilespmem:s21], [sflag:$0x1] =	stream.linear.gather [spmem:s6], $0x80, $0x38;
	[tilespmem:$0x8A80] =	vst v63  }
0x15f: {  	_ =	swait.ge [sflag:s18], $0x280  }
0x160: {  	[sflag:s18] =	ssyncset.done $0x0;
	s22 =	rddreg [dreg:$0x1a]  }
0x161: {  	s23 =	simm.s32 $0x7500;
	s6 =	sld [smem:$0x7FB];
	[sflag:s18] =	ssyncadd.s32 $0xFFFFFD80  }
0x162: {  	[tilespmem:s23], [sflag:$0x1] =	stream.linear.gather [spmem:s22], $0x80, $0x38;
	[tilespmem:$0x8A80] =	vst v63  }
0x163: {  	s21 =	simm.s32 $0x7900;
	s22 =	sld [smem:$0x7FC]  }
0x164: {  	[tilespmem:s21], [sflag:$0x1] =	stream.linear.gather [spmem:s6], $0x80, $0x38;
	[tilespmem:$0x8A80] =	vst v63  }
0x165: {  	s23 =	simm.s32 $0x7D00;
	s21 =	sld [smem:$0x7FD]  }
0x166: {  	[tilespmem:s23], [sflag:$0x1] =	stream.linear.gather [spmem:s22], $0x80, $0x38;
	[tilespmem:$0x8A80] =	vst v63  }
0x167: {  	s22 =	simm.s32 $0x8100  }
0x168: {  	[tilespmem:s22], [sflag:$0x1] =	stream.linear.gather [spmem:s21], $0x80, $0x38;
	[tilespmem:$0x8A80] =	vst v63  }
0x169: {  	s23 =	simm.s32 $0x8500  }
0x16a: {  	[tilespmem:s23], [sflag:$0x1] =	stream.linear.gather [spmem:s7], $0x80, $0x38;
	[tilespmem:$0x8A80] =	vst v63  }
0x16b: {  	_ =	swait.ge [sflag:s18], $0x280  }
0x16c: {  	[sflag:s18] =	ssyncset.done $0x0  }
0x16d: {  	s21 =	simm.s32 $0x7580;
	s6 =	rddreg [dreg:$0x1b];
	[sflag:s18] =	ssyncadd.s32 $0xFFFFFD80  }
0x16e: {  	[tilespmem:s21], [sflag:$0x1] =	stream.linear.gather [spmem:s6], $0x80, $0x38;
	[tilespmem:$0x8A80] =	vst v63  }
0x16f: {  	s22 =	simm.s32 $0x7980  }
0x170: {  	[tilespmem:s22], [sflag:$0x1] =	stream.linear.gather [spmem:s8], $0x80, $0x38;
	[tilespmem:$0x8A80] =	vst v63  }
0x171: {  	s23 =	simm.s32 $0x7D80  }
0x172: {  	[tilespmem:s23], [sflag:$0x1] =	stream.linear.gather [spmem:s9], $0x80, $0x38;
	[tilespmem:$0x8A80] =	vst v63  }
0x173: {  	s6 =	simm.s32 $0x8180  }
0x174: {  	[tilespmem:s6], [sflag:$0x1] =	stream.linear.gather [spmem:s10], $0x80, $0x38;
	[tilespmem:$0x8A80] =	vst v63  }
0x175: {  	s21 =	simm.s32 $0x8580  }
0x176: {  	[tilespmem:s21], [sflag:$0x1] =	stream.linear.gather [spmem:s11], $0x80, $0x38;
	[tilespmem:$0x8A80] =	vst v63  }
0x177: {  	_ =	swait.ge [sflag:s18], $0x280  }
0x178: {  	[sflag:s18] =	ssyncset.done $0x0  }
0x179: {  	s23 =	simm.s32 $0x7600;
	s22 =	rddreg [dreg:$0x1c];
	[sflag:s18] =	ssyncadd.s32 $0xFFFFFD80  }
0x17a: {  	[tilespmem:s23], [sflag:$0x1] =	stream.linear.gather [spmem:s22], $0x80, $0x38;
	[tilespmem:$0x8A80] =	vst v63  }
0x17b: {  	s6 =	simm.s32 $0x7A00  }
0x17c: {  	[tilespmem:s6], [sflag:$0x1] =	stream.linear.gather [spmem:s12], $0x80, $0x38;
	[tilespmem:$0x8A80] =	vst v63  }
0x17d: {  	s21 =	simm.s32 $0x7E00  }
0x17e: {  	[tilespmem:s21], [sflag:$0x1] =	stream.linear.gather [spmem:s13], $0x80, $0x38;
	[tilespmem:$0x8A80] =	vst v63  }
0x17f: {  	s22 =	simm.s32 $0x8200  }
0x180: {  	[tilespmem:s22], [sflag:$0x1] =	stream.linear.gather [spmem:s24], $0x80, $0x38;
	[tilespmem:$0x8A80] =	vst v63  }
0x181: {  	s23 =	simm.s32 $0x8600  }
0x182: {  	[tilespmem:s23], [sflag:$0x1] =	stream.linear.gather [spmem:s25], $0x80, $0x38;
	[tilespmem:$0x8A80] =	vst v63  }
0x183: {  	_ =	swait.ge [sflag:s18], $0x280  }
0x184: {  	[sflag:s18] =	ssyncset.done $0x0  }
0x185: {  	s21 =	simm.s32 $0x7680;
	s6 =	rddreg [dreg:$0x1d];
	[sflag:s18] =	ssyncadd.s32 $0xFFFFFD80  }
0x186: {  	[tilespmem:s21], [sflag:$0x1] =	stream.linear.gather [spmem:s6], $0x80, $0x38;
	[tilespmem:$0x8A80] =	vst v63  }
0x187: {  	s22 =	simm.s32 $0x7A80  }
0x188: {  	[tilespmem:s22], [sflag:$0x1] =	stream.linear.gather [spmem:s26], $0x80, $0x38;
	[tilespmem:$0x8A80] =	vst v63  }
0x189: {  	s23 =	simm.s32 $0x7E80  }
0x18a: {  	[tilespmem:s23], [sflag:$0x1] =	stream.linear.gather [spmem:s28], $0x80, $0x38;
	[tilespmem:$0x8A80] =	vst v63  }
0x18b: {  	s6 =	simm.s32 $0x8280  }
0x18c: {  	[tilespmem:s6], [sflag:$0x1] =	stream.linear.gather [spmem:s29], $0x80, $0x38;
	[tilespmem:$0x8A80] =	vst v63  }
0x18d: {  	s21 =	simm.s32 $0x8680  }
0x18e: {  	[tilespmem:s21], [sflag:$0x1] =	stream.linear.gather [spmem:s30], $0x80, $0x38;
	[tilespmem:$0x8A80] =	vst v63  }
0x18f: {  	_ =	swait.ge [sflag:s18], $0x280  }
0x190: {  	[sflag:s18] =	ssyncset.done $0x0  }
0x191: {  	s23 =	simm.s32 $0x7700;
	s22 =	rddreg [dreg:$0x1e];
	[sflag:s18] =	ssyncadd.s32 $0xFFFFFD80  }
0x192: {  	[tilespmem:s23], [sflag:$0x1] =	stream.linear.gather [spmem:s22], $0x80, $0x38;
	[tilespmem:$0x8A80] =	vst v63  }
0x193: {  	s6 =	simm.s32 $0x7B00  }
0x194: {  	[tilespmem:s6], [sflag:$0x1] =	stream.linear.gather [spmem:s31], $0x80, $0x38;
	[tilespmem:$0x8A80] =	vst v63  }
0x195: {  	s21 =	simm.s32 $0x7F00  }
0x196: {  	[tilespmem:s21], [sflag:$0x1] =	stream.linear.gather [spmem:s0], $0x80, $0x38;
	[tilespmem:$0x8A80] =	vst v63  }
0x197: {  	s22 =	simm.s32 $0x8300  }
0x198: {  	[tilespmem:s22], [sflag:$0x1] =	stream.linear.gather [spmem:s1], $0x80, $0x38;
	[tilespmem:$0x8A80] =	vst v63  }
0x199: {  	s23 =	simm.s32 $0x8700  }
0x19a: {  	[tilespmem:s23], [sflag:$0x1] =	stream.linear.gather [spmem:s2], $0x80, $0x38;
	[tilespmem:$0x8A80] =	vst v63  }
0x19b: {  	_ =	swait.ge [sflag:s18], $0x280  }
0x19c: {  	[sflag:s18] =	ssyncset.done $0x0  }
0x19d: {  	s21 =	simm.s32 $0x7780;
	s6 =	rddreg [dreg:$0x1f];
	[sflag:s18] =	ssyncadd.s32 $0xFFFFFD80  }
0x19e: {  	[tilespmem:s21], [sflag:$0x1] =	stream.linear.gather [spmem:s6], $0x80, $0x38;
	[tilespmem:$0x8A80] =	vst v63  }
0x19f: {  	s22 =	simm.s32 $0x7B80  }
0x1a0: {  	[tilespmem:s22], [sflag:$0x1] =	stream.linear.gather [spmem:s4], $0x80, $0x38;
	[tilespmem:$0x8A80] =	vst v63  }
0x1a1: {  	s23 =	simm.s32 $0x7F80  }
0x1a2: {  	[tilespmem:s23], [sflag:$0x1] =	stream.linear.gather [spmem:s14], $0x80, $0x38;
	[tilespmem:$0x8A80] =	vst v63  }
0x1a3: {  	s6 =	simm.s32 $0x8380  }
0x1a4: {  	[tilespmem:s6], [sflag:$0x1] =	stream.linear.gather [spmem:s15], $0x80, $0x38;
	[tilespmem:$0x8A80] =	vst v63  }
0x1a5: {  	s21 =	simm.s32 $0x8780  }
0x1a6: {  	[tilespmem:s21], [sflag:$0x1] =	stream.linear.gather [spmem:s16], $0x80, $0x38;
	[tilespmem:$0x8A80] =	vst v63  }
0x1a7: {  	s22 =	simm.s32 $0x0;
	_ =	swait.ge [sflag:s18], $0x280  }
0x1a8: {  	s3 =	sand.u32 $0x1C00, s22;
	s23 =	sand.u32 $0x70, s22;
	[sflag:s18] =	ssyncset.done $0x0  }
0x1a9: {  	s3 =	sor.u32 s23, s3;
	[sflag:s18] =	ssyncadd.s32 $0xFFFFFD80  }
0x1aa: {  	v2 =	vld [tilespmem:s3+$0x6080]  }
0x1ab: {  	v3 =	vld [tilespmem:s3+$0x6000];
	_ =	sdelay $0x1  }
0x1ac: {  	v4 =	vld [tilespmem:s3+$0x6100];
	_ =	sdelay $0x1  }
0x1ad: {  	v5 =	vld [tilespmem:s3+$0x6180]  }
0x1ae: {  	v2 =	vadd.f32 v2, v3  }
0x1af: {  	v3 =	vld [tilespmem:s3+$0x6200]  }
0x1b0: {  	v2 =	vadd.f32 v4, v2  }
0x1b1: {  	v56 =	vld [tilespmem:s3+$0x6280]  }
0x1b2: {  	v2 =	vadd.f32 v5, v2  }
0x1b3: {  	v57 =	vld [tilespmem:s3+$0x6300]  }
0x1b4: {  	v2 =	vadd.f32 v3, v2  }
0x1b5: {  	v3 =	vld [tilespmem:s3+$0x6380]  }
0x1b6: {  	v2 =	vadd.f32 v56, v2  }
0x1b7: {  	v58 =	vld [tilespmem:s3+$0x7400]  }
0x1b8: {  	v2 =	vadd.f32 v57, v2  }
0x1b9: {  	v59 =	vld [tilespmem:s3+$0x7480]  }
0x1ba: {  	v2 =	vadd.f32 v3, v2  }
0x1bb: {  	v3 =	vld [tilespmem:s3+$0x7500]  }
0x1bc: {  	v2 =	vadd.f32 v58, v2  }
0x1bd: {  	v60 =	vld [tilespmem:s3+$0x7580]  }
0x1be: {  	v2 =	vadd.f32 v59, v2  }
0x1bf: {  	v61 =	vld [tilespmem:s3+$0x7600]  }
0x1c0: {  	v2 =	vadd.f32 v3, v2  }
0x1c1: {  	v3 =	vld [tilespmem:s3+$0x7680]  }
0x1c2: {  	v2 =	vadd.f32 v60, v2  }
0x1c3: {  	v62 =	vld [tilespmem:s3+$0x7700]  }
0x1c4: {  	v2 =	vadd.f32 v61, v2  }
0x1c5: {  	v63 =	vld [tilespmem:s3+$0x7780]  }
0x1c6: {  	v2 =	vadd.f32 v3, v2;
	_ =	sdelay $0x1  }
0x1c7: {  	v2 =	vadd.f32 v62, v2;
	_ =	sdelay $0x1  }
0x1c8: {  	s23 =	simm.s32 $0x80;
	s6 =	simm.s32 $0x10;
	v2 =	vadd.f32 v63, v2  }
0x1c9: {  	s22 =	sand.u32 $0x1C00, s23;
	s21 =	simm.s32 $0x8800;
	s3 =	sand.u32 $0x70, s6  }
0x1ca: {  	s22 =	sor.u32 s3, s22;
	s3 =	simm.s32 $0x20;
	[tilespmem:s21+$0x0] =	vst v2  }
.LBB2_28:
0x1cb: {  	p1 =	sne.s32 s3, $0x270;
	v2 =	vld [tilespmem:s22+$0x6080]  }
0x1cc: {  	v3 =	vld [tilespmem:s22+$0x6000];
	_ =	sdelay $0x1  }
0x1cd: {  	v4 =	vld [tilespmem:s22+$0x6100];
	_ =	sdelay $0x1  }
0x1ce: {  	v5 =	vld [tilespmem:s22+$0x6180]  }
0x1cf: {  	v2 =	vadd.f32 v2, v3  }
0x1d0: {  	v3 =	vld [tilespmem:s22+$0x6200]  }
0x1d1: {  	v2 =	vadd.f32 v4, v2  }
0x1d2: {  	v4 =	vld [tilespmem:s22+$0x6280]  }
0x1d3: {  	v2 =	vadd.f32 v5, v2  }
0x1d4: {  	v5 =	vld [tilespmem:s22+$0x6300]  }
0x1d5: {  	v2 =	vadd.f32 v3, v2  }
0x1d6: {  	v3 =	vld [tilespmem:s22+$0x6380]  }
0x1d7: {  	v2 =	vadd.f32 v4, v2  }
0x1d8: {  	v4 =	vld [tilespmem:s22+$0x7400]  }
0x1d9: {  	v2 =	vadd.f32 v5, v2  }
0x1da: {  	v5 =	vld [tilespmem:s22+$0x7480]  }
0x1db: {  	v2 =	vadd.f32 v3, v2  }
0x1dc: {  	v3 =	vld [tilespmem:s22+$0x7500]  }
0x1dd: {  	v2 =	vadd.f32 v4, v2  }
0x1de: {  	v4 =	vld [tilespmem:s22+$0x7580]  }
0x1df: {  	v2 =	vadd.f32 v5, v2  }
0x1e0: {  	v5 =	vld [tilespmem:s22+$0x7600]  }
0x1e1: {  	v2 =	vadd.f32 v3, v2  }
0x1e2: {  	v3 =	vld [tilespmem:s22+$0x7680]  }
0x1e3: {  	v2 =	vadd.f32 v4, v2  }
0x1e4: {  	v4 =	vld [tilespmem:s22+$0x7700]  }
0x1e5: {  	v2 =	vadd.f32 v5, v2  }
0x1e6: {  	v5 =	vld [tilespmem:s22+$0x7780]  }
0x1e7: {  	v2 =	vadd.f32 v3, v2;
	_ =	sdelay $0x1  }
.Ltmp9:
0x1e8: {  	v2 =	vadd.f32 v4, v2;
	(pc) =	sbr.rel @p1 .LBB2_28-.Ltmp9, $4  }
0x1e9: {  	_ = 	snop  }
0x1ea: {  	s23 =	sadd.s32 $0x80, s23;
	v2 =	vadd.f32 v5, v2  }
0x1eb: {  	s6 =	sand.u32 $0x70, s3;
	s21 =	sadd.s32 $0x10, s21;
	s22 =	sand.u32 $0x1C00, s23  }
0x1ec: {  	s3 =	sadd.s32 $0x10, s3;
	s22 =	sor.u32 s6, s22;
	[tilespmem:s21+$0x0] =	vst v2  }
0x1ed: {  	v2 =	vld [tilespmem:s22+$0x6080]  }
0x1ee: {  	v3 =	vld [tilespmem:s22+$0x6000];
	_ =	sdelay $0x1  }
0x1ef: {  	v4 =	vld [tilespmem:s22+$0x6100];
	_ =	sdelay $0x1  }
0x1f0: {  	v5 =	vld [tilespmem:s22+$0x6180]  }
0x1f1: {  	v2 =	vadd.f32 v2, v3  }
0x1f2: {  	v3 =	vld [tilespmem:s22+$0x6200]  }
0x1f3: {  	v2 =	vadd.f32 v4, v2  }
0x1f4: {  	v56 =	vld [tilespmem:s22+$0x6280]  }
0x1f5: {  	v2 =	vadd.f32 v5, v2  }
0x1f6: {  	v57 =	vld [tilespmem:s22+$0x6300]  }
0x1f7: {  	v2 =	vadd.f32 v3, v2  }
0x1f8: {  	v3 =	vld [tilespmem:s22+$0x6380]  }
0x1f9: {  	v2 =	vadd.f32 v56, v2  }
0x1fa: {  	v58 =	vld [tilespmem:s22+$0x7400]  }
0x1fb: {  	v2 =	vadd.f32 v57, v2  }
0x1fc: {  	v59 =	vld [tilespmem:s22+$0x7480]  }
0x1fd: {  	v2 =	vadd.f32 v3, v2  }
0x1fe: {  	v3 =	vld [tilespmem:s22+$0x7500]  }
0x1ff: {  	v2 =	vadd.f32 v58, v2  }
0x200: {  	v60 =	vld [tilespmem:s22+$0x7580]  }
0x201: {  	v2 =	vadd.f32 v59, v2  }
0x202: {  	v61 =	vld [tilespmem:s22+$0x7600]  }
0x203: {  	v2 =	vadd.f32 v3, v2  }
0x204: {  	v3 =	vld [tilespmem:s22+$0x7680]  }
0x205: {  	v2 =	vadd.f32 v60, v2  }
0x206: {  	v62 =	vld [tilespmem:s22+$0x7700]  }
0x207: {  	v2 =	vadd.f32 v61, v2  }
0x208: {  	v63 =	vld [tilespmem:s22+$0x7780]  }
0x209: {  	v2 =	vadd.f32 v3, v2;
	_ =	sdelay $0x1  }
.Ltmp10:
0x20a: {  	v2 =	vadd.f32 v62, v2;
	(pc) =	sbr.rel .LBB2_30-.Ltmp10, $4  }
0x20b: {  	_ = 	snop  }
0x20c: {  	v2 =	vadd.f32 v63, v2  }
0x20d: {  	s3 =	sadd.s32 $0x10, s21  }
0x20e: {  	[tilespmem:s3+$0x0] =	vst v2;
	s3 =	rddreg [dreg:$0x4]  }
.LBB2_4:
0x20f: {  	s3 =	rddreg [dreg:$0xd]  }
0x210: {  	[tilespmem:s17], [sflag:$0x1] =	stream.linear.gather [hbm4b:s3+s22], $0xC80, $0x38;
	[tilespmem:$0x8A80] =	vst v63  }
0x211: {  	_ =	swait.ge [sflag:s18], $0xC80  }
0x212: {  	[sflag:s18] =	ssyncset.done $0x0  }
0x213: {  	s3 =	simm.s32 $0x100;
	[sflag:s18] =	ssyncadd.s32 $0xFFFFF380  }
.LBB2_5:
0x214: {  	s21 =	sshra.s32 s3, $0x2  }
0x215: {  	v2 =	vld [tilespmem:s21+$0x27C0];
	_ =	sdelay $0x7  }
0x216: {  	[tilespmem:v2+s19+$0x0] =	vst.idx.add.f32.msk $0xffff, v1  }
0x217: {  	v2 =	vld [tilespmem:s21+$0x27D0];
	_ =	sdelay $0x7  }
0x218: {  	[tilespmem:v2+s19+$0x0] =	vst.idx.add.f32.msk $0xffff, v1  }
0x219: {  	v2 =	vld [tilespmem:s21+$0x27E0];
	_ =	sdelay $0x7  }
0x21a: {  	[tilespmem:v2+s19+$0x0] =	vst.idx.add.f32.msk $0xffff, v1  }
0x21b: {  	v2 =	vld [tilespmem:s21+$0x27F0];
	_ =	sdelay $0x7  }
0x21c: {  	[tilespmem:v2+s19+$0x0] =	vst.idx.add.f32.msk $0xffff, v1  }
0x21d: {  	v2 =	vld [tilespmem:s21+$0x2800];
	_ =	sdelay $0x2  }
0x21e: {  	p1 =	sne.s32 s3, $0x3100  }
.Ltmp11:
0x21f: {  	_ = 	snop;
	(pc) =	sbr.rel @p1 .LBB2_5-.Ltmp11, $2  }
0x220: {  	_ =	sdelay $0x2  }
0x221: {  	s3 =	sadd.s32 $0x200, s3;
	[tilespmem:v2+s19+$0x0] =	vst.idx.add.f32.msk $0xffff, v1  }
0x222: {  	s3 =	simm.s32 $0x0;
	s6 =	rddreg [dreg:$0xe]  }
0x223: {  	[tilespmem:s17], [sflag:$0x1] =	stream.linear.gather [hbm4b:s6+s3], $0xC80, $0x38;
	[tilespmem:$0x8A80] =	vst v63  }
0x224: {  	_ =	swait.ge [sflag:s18], $0xC80  }
0x225: {  	[sflag:s18] =	ssyncset.done $0x0  }
0x226: {  	[sflag:s18] =	ssyncadd.s32 $0xFFFFF380  }
.LBB2_7:
0x227: {  	s21 =	sshra.s32 s3, $0x2  }
0x228: {  	v2 =	vld [tilespmem:s21+$0x2800];
	_ =	sdelay $0x7  }
0x229: {  	[tilespmem:v2+s19+$0x0] =	vst.idx.add.f32.msk $0xffff, v1  }
0x22a: {  	v2 =	vld [tilespmem:s21+$0x2810];
	_ =	sdelay $0x7  }
0x22b: {  	[tilespmem:v2+s19+$0x0] =	vst.idx.add.f32.msk $0xffff, v1  }
0x22c: {  	v2 =	vld [tilespmem:s21+$0x2820];
	_ =	sdelay $0x7  }
0x22d: {  	[tilespmem:v2+s19+$0x0] =	vst.idx.add.f32.msk $0xffff, v1  }
0x22e: {  	v2 =	vld [tilespmem:s21+$0x2830];
	_ =	sdelay $0x7  }
0x22f: {  	[tilespmem:v2+s19+$0x0] =	vst.idx.add.f32.msk $0xffff, v1  }
0x230: {  	v2 =	vld [tilespmem:s21+$0x2840];
	_ =	sdelay $0x2  }
0x231: {  	p1 =	sne.s32 s3, $0x3000  }
.Ltmp12:
0x232: {  	_ = 	snop;
	(pc) =	sbr.rel @p1 .LBB2_7-.Ltmp12, $2  }
0x233: {  	_ =	sdelay $0x2  }
0x234: {  	s3 =	sadd.s32 $0x200, s3;
	[tilespmem:v2+s19+$0x0] =	vst.idx.add.f32.msk $0xffff, v1  }
0x235: {  	s3 =	simm.s32 $0x0;
	s6 =	rddreg [dreg:$0xf]  }
0x236: {  	[tilespmem:s17], [sflag:$0x1] =	stream.linear.gather [hbm4b:s6+s3], $0xC80, $0x38;
	[tilespmem:$0x8A80] =	vst v63  }
0x237: {  	_ =	swait.ge [sflag:s18], $0xC80  }
0x238: {  	[sflag:s18] =	ssyncset.done $0x0  }
0x239: {  	[sflag:s18] =	ssyncadd.s32 $0xFFFFF380  }
.LBB2_9:
0x23a: {  	s21 =	sshra.s32 s3, $0x2  }
0x23b: {  	v2 =	vld [tilespmem:s21+$0x2800];
	_ =	sdelay $0x7  }
0x23c: {  	[tilespmem:v2+s19+$0x0] =	vst.idx.add.f32.msk $0xffff, v1  }
0x23d: {  	v2 =	vld [tilespmem:s21+$0x2810];
	_ =	sdelay $0x7  }
0x23e: {  	[tilespmem:v2+s19+$0x0] =	vst.idx.add.f32.msk $0xffff, v1  }
0x23f: {  	v2 =	vld [tilespmem:s21+$0x2820];
	_ =	sdelay $0x7  }
0x240: {  	[tilespmem:v2+s19+$0x0] =	vst.idx.add.f32.msk $0xffff, v1  }
0x241: {  	v2 =	vld [tilespmem:s21+$0x2830];
	_ =	sdelay $0x7  }
0x242: {  	[tilespmem:v2+s19+$0x0] =	vst.idx.add.f32.msk $0xffff, v1  }
0x243: {  	v2 =	vld [tilespmem:s21+$0x2840];
	_ =	sdelay $0x2  }
0x244: {  	p1 =	sne.s32 s3, $0x3000  }
.Ltmp13:
0x245: {  	_ = 	snop;
	(pc) =	sbr.rel @p1 .LBB2_9-.Ltmp13, $2  }
0x246: {  	_ =	sdelay $0x2  }
0x247: {  	s3 =	sadd.s32 $0x200, s3;
	[tilespmem:v2+s19+$0x0] =	vst.idx.add.f32.msk $0xffff, v1  }
0x248: {  	s3 =	simm.s32 $0x0;
	s6 =	rddreg [dreg:$0x10]  }
0x249: {  	[tilespmem:s17], [sflag:$0x1] =	stream.linear.gather [hbm4b:s6+s3], $0xC80, $0x38;
	[tilespmem:$0x8A80] =	vst v63  }
0x24a: {  	_ =	swait.ge [sflag:s18], $0xC80  }
0x24b: {  	[sflag:s18] =	ssyncset.done $0x0  }
0x24c: {  	[sflag:s18] =	ssyncadd.s32 $0xFFFFF380  }
.LBB2_11:
0x24d: {  	s21 =	sshra.s32 s3, $0x2  }
0x24e: {  	v2 =	vld [tilespmem:s21+$0x2800];
	_ =	sdelay $0x7  }
0x24f: {  	[tilespmem:v2+s19+$0x0] =	vst.idx.add.f32.msk $0xffff, v1  }
0x250: {  	v2 =	vld [tilespmem:s21+$0x2810];
	_ =	sdelay $0x7  }
0x251: {  	[tilespmem:v2+s19+$0x0] =	vst.idx.add.f32.msk $0xffff, v1  }
0x252: {  	v2 =	vld [tilespmem:s21+$0x2820];
	_ =	sdelay $0x7  }
0x253: {  	[tilespmem:v2+s19+$0x0] =	vst.idx.add.f32.msk $0xffff, v1  }
0x254: {  	v2 =	vld [tilespmem:s21+$0x2830];
	_ =	sdelay $0x7  }
0x255: {  	[tilespmem:v2+s19+$0x0] =	vst.idx.add.f32.msk $0xffff, v1  }
0x256: {  	v2 =	vld [tilespmem:s21+$0x2840];
	_ =	sdelay $0x2  }
0x257: {  	p1 =	sne.s32 s3, $0x3000  }
.Ltmp14:
0x258: {  	_ = 	snop;
	(pc) =	sbr.rel @p1 .LBB2_11-.Ltmp14, $2  }
0x259: {  	_ =	sdelay $0x2  }
0x25a: {  	s3 =	sadd.s32 $0x200, s3;
	[tilespmem:v2+s19+$0x0] =	vst.idx.add.f32.msk $0xffff, v1  }
0x25b: {  	s3 =	simm.s32 $0x0;
	s6 =	rddreg [dreg:$0x11]  }
0x25c: {  	[tilespmem:s17], [sflag:$0x1] =	stream.linear.gather [hbm4b:s6+s3], $0xC80, $0x38;
	[tilespmem:$0x8A80] =	vst v63  }
0x25d: {  	_ =	swait.ge [sflag:s18], $0xC80  }
0x25e: {  	[sflag:s18] =	ssyncset.done $0x0  }
0x25f: {  	[sflag:s18] =	ssyncadd.s32 $0xFFFFF380  }
.LBB2_13:
0x260: {  	s21 =	sshra.s32 s3, $0x2  }
0x261: {  	v2 =	vld [tilespmem:s21+$0x2800];
	_ =	sdelay $0x7  }
0x262: {  	[tilespmem:v2+s19+$0x0] =	vst.idx.add.f32.msk $0xffff, v1  }
0x263: {  	v2 =	vld [tilespmem:s21+$0x2810];
	_ =	sdelay $0x7  }
0x264: {  	[tilespmem:v2+s19+$0x0] =	vst.idx.add.f32.msk $0xffff, v1  }
0x265: {  	v2 =	vld [tilespmem:s21+$0x2820];
	_ =	sdelay $0x7  }
0x266: {  	[tilespmem:v2+s19+$0x0] =	vst.idx.add.f32.msk $0xffff, v1  }
0x267: {  	v2 =	vld [tilespmem:s21+$0x2830];
	_ =	sdelay $0x7  }
0x268: {  	[tilespmem:v2+s19+$0x0] =	vst.idx.add.f32.msk $0xffff, v1  }
0x269: {  	v2 =	vld [tilespmem:s21+$0x2840];
	_ =	sdelay $0x2  }
0x26a: {  	p1 =	sne.s32 s3, $0x3000  }
.Ltmp15:
0x26b: {  	_ = 	snop;
	(pc) =	sbr.rel @p1 .LBB2_13-.Ltmp15, $2  }
0x26c: {  	_ =	sdelay $0x2  }
0x26d: {  	s3 =	sadd.s32 $0x200, s3;
	[tilespmem:v2+s19+$0x0] =	vst.idx.add.f32.msk $0xffff, v1  }
0x26e: {  	s3 =	rddreg [dreg:$0x5];
	s6 =	simm.s32 $0x80;
	s21 =	simm.s32 $0x400  }
0x26f: {  	[spmem:s3] =	stream.strided.scatter [tilespmem:s19], [sflag:$0x1], $0x2800, s21, s6, $0x38;
	[tilespmem:$0x8A80] =	vst v63  }
0x270: {  	_ =	swait.ge [sflag:s18], $0x2800  }
0x271: {  	[sflag:s18] =	ssyncset.done $0x0  }
0x272: {  	[sflag:s18] =	ssyncadd.s32 $0xFFFFD800  }
0x273: {  	[bflag:$0x0] =	sbarrier.arrive $0xFFFF  }
0x274: {  	s23 =	simm.s32 $0x6000;
	s6 =	sld [smem:$0x7D3]  }
0x275: {  	[tilespmem:s23], [sflag:$0x1] =	stream.linear.gather [spmem:s5], $0x80, $0x38;
	[tilespmem:$0x8A80] =	vst v63  }
0x276: {  	s21 =	simm.s32 $0x6400;
	s22 =	sld [smem:$0x7D4]  }
0x277: {  	[tilespmem:s21], [sflag:$0x1] =	stream.linear.gather [spmem:s6], $0x80, $0x38;
	[tilespmem:$0x8A80] =	vst v63  }
0x278: {  	s23 =	simm.s32 $0x6800;
	s6 =	sld [smem:$0x7D5]  }
0x279: {  	[tilespmem:s23], [sflag:$0x1] =	stream.linear.gather [spmem:s22], $0x80, $0x38;
	[tilespmem:$0x8A80] =	vst v63  }
0x27a: {  	s21 =	simm.s32 $0x6C00;
	s22 =	sld [smem:$0x7D6]  }
0x27b: {  	[tilespmem:s21], [sflag:$0x1] =	stream.linear.gather [spmem:s6], $0x80, $0x38;
	[tilespmem:$0x8A80] =	vst v63  }
0x27c: {  	s23 =	simm.s32 $0x7000  }
0x27d: {  	[tilespmem:s23], [sflag:$0x1] =	stream.linear.gather [spmem:s22], $0x80, $0x38;
	[tilespmem:$0x8A80] =	vst v63  }
0x27e: {  	_ =	swait.ge [sflag:s18], $0x280  }
0x27f: {  	[sflag:s18] =	ssyncset.done $0x0;
	s6 =	rddreg [dreg:$0x6]  }
0x280: {  	s21 =	simm.s32 $0x6080;
	s22 =	sld [smem:$0x7D7];
	[sflag:s18] =	ssyncadd.s32 $0xFFFFFD80  }
0x281: {  	[tilespmem:s21], [sflag:$0x1] =	stream.linear.gather [spmem:s6], $0x80, $0x38;
	[tilespmem:$0x8A80] =	vst v63  }
0x282: {  	s23 =	simm.s32 $0x6480;
	s6 =	sld [smem:$0x7D8]  }
0x283: {  	[tilespmem:s23], [sflag:$0x1] =	stream.linear.gather [spmem:s22], $0x80, $0x38;
	[tilespmem:$0x8A80] =	vst v63  }
0x284: {  	s21 =	simm.s32 $0x6880;
	s22 =	sld [smem:$0x7D9]  }
0x285: {  	[tilespmem:s21], [sflag:$0x1] =	stream.linear.gather [spmem:s6], $0x80, $0x38;
	[tilespmem:$0x8A80] =	vst v63  }
0x286: {  	s23 =	simm.s32 $0x6C80;
	s6 =	sld [smem:$0x7DA]  }
0x287: {  	[tilespmem:s23], [sflag:$0x1] =	stream.linear.gather [spmem:s22], $0x80, $0x38;
	[tilespmem:$0x8A80] =	vst v63  }
0x288: {  	s21 =	simm.s32 $0x7080  }
0x289: {  	[tilespmem:s21], [sflag:$0x1] =	stream.linear.gather [spmem:s6], $0x80, $0x38;
	[tilespmem:$0x8A80] =	vst v63  }
0x28a: {  	_ =	swait.ge [sflag:s18], $0x280  }
0x28b: {  	[sflag:s18] =	ssyncset.done $0x0;
	s22 =	rddreg [dreg:$0x7]  }
0x28c: {  	s23 =	simm.s32 $0x6100;
	s6 =	sld [smem:$0x7DB];
	[sflag:s18] =	ssyncadd.s32 $0xFFFFFD80  }
0x28d: {  	[tilespmem:s23], [sflag:$0x1] =	stream.linear.gather [spmem:s22], $0x80, $0x38;
	[tilespmem:$0x8A80] =	vst v63  }
0x28e: {  	s21 =	simm.s32 $0x6500;
	s22 =	sld [smem:$0x7DC]  }
0x28f: {  	[tilespmem:s21], [sflag:$0x1] =	stream.linear.gather [spmem:s6], $0x80, $0x38;
	[tilespmem:$0x8A80] =	vst v63  }
0x290: {  	s23 =	simm.s32 $0x6900;
	s6 =	sld [smem:$0x7DD]  }
0x291: {  	[tilespmem:s23], [sflag:$0x1] =	stream.linear.gather [spmem:s22], $0x80, $0x38;
	[tilespmem:$0x8A80] =	vst v63  }
0x292: {  	s21 =	simm.s32 $0x6D00;
	s22 =	sld [smem:$0x7DE]  }
0x293: {  	[tilespmem:s21], [sflag:$0x1] =	stream.linear.gather [spmem:s6], $0x80, $0x38;
	[tilespmem:$0x8A80] =	vst v63  }
0x294: {  	s23 =	simm.s32 $0x7100  }
0x295: {  	[tilespmem:s23], [sflag:$0x1] =	stream.linear.gather [spmem:s22], $0x80, $0x38;
	[tilespmem:$0x8A80] =	vst v63  }
0x296: {  	_ =	swait.ge [sflag:s18], $0x280  }
0x297: {  	[sflag:s18] =	ssyncset.done $0x0;
	s6 =	rddreg [dreg:$0x8]  }
0x298: {  	s21 =	simm.s32 $0x6180;
	s22 =	sld [smem:$0x7DF];
	[sflag:s18] =	ssyncadd.s32 $0xFFFFFD80  }
0x299: {  	[tilespmem:s21], [sflag:$0x1] =	stream.linear.gather [spmem:s6], $0x80, $0x38;
	[tilespmem:$0x8A80] =	vst v63  }
0x29a: {  	s23 =	simm.s32 $0x6580;
	s6 =	sld [smem:$0x7E0]  }
0x29b: {  	[tilespmem:s23], [sflag:$0x1] =	stream.linear.gather [spmem:s22], $0x80, $0x38;
	[tilespmem:$0x8A80] =	vst v63  }
0x29c: {  	s21 =	simm.s32 $0x6980;
	s22 =	sld [smem:$0x7E1]  }
0x29d: {  	[tilespmem:s21], [sflag:$0x1] =	stream.linear.gather [spmem:s6], $0x80, $0x38;
	[tilespmem:$0x8A80] =	vst v63  }
0x29e: {  	s23 =	simm.s32 $0x6D80;
	s6 =	sld [smem:$0x7E2]  }
0x29f: {  	[tilespmem:s23], [sflag:$0x1] =	stream.linear.gather [spmem:s22], $0x80, $0x38;
	[tilespmem:$0x8A80] =	vst v63  }
0x2a0: {  	s21 =	simm.s32 $0x7180  }
0x2a1: {  	[tilespmem:s21], [sflag:$0x1] =	stream.linear.gather [spmem:s6], $0x80, $0x38;
	[tilespmem:$0x8A80] =	vst v63  }
0x2a2: {  	_ =	swait.ge [sflag:s18], $0x280  }
0x2a3: {  	[sflag:s18] =	ssyncset.done $0x0;
	s22 =	rddreg [dreg:$0x9]  }
0x2a4: {  	s23 =	simm.s32 $0x6200;
	s6 =	sld [smem:$0x7E3];
	[sflag:s18] =	ssyncadd.s32 $0xFFFFFD80  }
0x2a5: {  	[tilespmem:s23], [sflag:$0x1] =	stream.linear.gather [spmem:s22], $0x80, $0x38;
	[tilespmem:$0x8A80] =	vst v63  }
0x2a6: {  	s21 =	simm.s32 $0x6600;
	s22 =	sld [smem:$0x7E4]  }
0x2a7: {  	[tilespmem:s21], [sflag:$0x1] =	stream.linear.gather [spmem:s6], $0x80, $0x38;
	[tilespmem:$0x8A80] =	vst v63  }
0x2a8: {  	s23 =	simm.s32 $0x6A00;
	s6 =	sld [smem:$0x7E5]  }
0x2a9: {  	[tilespmem:s23], [sflag:$0x1] =	stream.linear.gather [spmem:s22], $0x80, $0x38;
	[tilespmem:$0x8A80] =	vst v63  }
0x2aa: {  	s21 =	simm.s32 $0x6E00;
	s22 =	sld [smem:$0x7E6]  }
0x2ab: {  	[tilespmem:s21], [sflag:$0x1] =	stream.linear.gather [spmem:s6], $0x80, $0x38;
	[tilespmem:$0x8A80] =	vst v63  }
0x2ac: {  	s23 =	simm.s32 $0x7200  }
0x2ad: {  	[tilespmem:s23], [sflag:$0x1] =	stream.linear.gather [spmem:s22], $0x80, $0x38;
	[tilespmem:$0x8A80] =	vst v63  }
0x2ae: {  	_ =	swait.ge [sflag:s18], $0x280  }
0x2af: {  	[sflag:s18] =	ssyncset.done $0x0;
	s6 =	rddreg [dreg:$0xa]  }
0x2b0: {  	s21 =	simm.s32 $0x6280;
	s22 =	sld [smem:$0x7E7];
	[sflag:s18] =	ssyncadd.s32 $0xFFFFFD80  }
0x2b1: {  	[tilespmem:s21], [sflag:$0x1] =	stream.linear.gather [spmem:s6], $0x80, $0x38;
	[tilespmem:$0x8A80] =	vst v63  }
0x2b2: {  	s23 =	simm.s32 $0x6680;
	s6 =	sld [smem:$0x7E8]  }
0x2b3: {  	[tilespmem:s23], [sflag:$0x1] =	stream.linear.gather [spmem:s22], $0x80, $0x38;
	[tilespmem:$0x8A80] =	vst v63  }
0x2b4: {  	s21 =	simm.s32 $0x6A80;
	s22 =	sld [smem:$0x7E9]  }
0x2b5: {  	[tilespmem:s21], [sflag:$0x1] =	stream.linear.gather [spmem:s6], $0x80, $0x38;
	[tilespmem:$0x8A80] =	vst v63  }
0x2b6: {  	s23 =	simm.s32 $0x6E80;
	s6 =	sld [smem:$0x7EA]  }
0x2b7: {  	[tilespmem:s23], [sflag:$0x1] =	stream.linear.gather [spmem:s22], $0x80, $0x38;
	[tilespmem:$0x8A80] =	vst v63  }
0x2b8: {  	s21 =	simm.s32 $0x7280  }
0x2b9: {  	[tilespmem:s21], [sflag:$0x1] =	stream.linear.gather [spmem:s6], $0x80, $0x38;
	[tilespmem:$0x8A80] =	vst v63  }
0x2ba: {  	_ =	swait.ge [sflag:s18], $0x280  }
0x2bb: {  	[sflag:s18] =	ssyncset.done $0x0;
	s22 =	rddreg [dreg:$0xb]  }
0x2bc: {  	s23 =	simm.s32 $0x6300;
	s6 =	sld [smem:$0x7EB];
	[sflag:s18] =	ssyncadd.s32 $0xFFFFFD80  }
0x2bd: {  	[tilespmem:s23], [sflag:$0x1] =	stream.linear.gather [spmem:s22], $0x80, $0x38;
	[tilespmem:$0x8A80] =	vst v63  }
0x2be: {  	s21 =	simm.s32 $0x6700;
	s22 =	sld [smem:$0x7EC]  }
0x2bf: {  	[tilespmem:s21], [sflag:$0x1] =	stream.linear.gather [spmem:s6], $0x80, $0x38;
	[tilespmem:$0x8A80] =	vst v63  }
0x2c0: {  	s23 =	simm.s32 $0x6B00;
	s6 =	sld [smem:$0x7ED]  }
0x2c1: {  	[tilespmem:s23], [sflag:$0x1] =	stream.linear.gather [spmem:s22], $0x80, $0x38;
	[tilespmem:$0x8A80] =	vst v63  }
0x2c2: {  	s21 =	simm.s32 $0x6F00;
	s22 =	sld [smem:$0x7EE]  }
0x2c3: {  	[tilespmem:s21], [sflag:$0x1] =	stream.linear.gather [spmem:s6], $0x80, $0x38;
	[tilespmem:$0x8A80] =	vst v63  }
0x2c4: {  	s23 =	simm.s32 $0x7300  }
0x2c5: {  	[tilespmem:s23], [sflag:$0x1] =	stream.linear.gather [spmem:s22], $0x80, $0x38;
	[tilespmem:$0x8A80] =	vst v63  }
0x2c6: {  	_ =	swait.ge [sflag:s18], $0x280  }
0x2c7: {  	[sflag:s18] =	ssyncset.done $0x0;
	s6 =	rddreg [dreg:$0xc]  }
0x2c8: {  	s21 =	simm.s32 $0x6380;
	s22 =	sld [smem:$0x7EF];
	[sflag:s18] =	ssyncadd.s32 $0xFFFFFD80  }
0x2c9: {  	[tilespmem:s21], [sflag:$0x1] =	stream.linear.gather [spmem:s6], $0x80, $0x38;
	[tilespmem:$0x8A80] =	vst v63  }
0x2ca: {  	s23 =	simm.s32 $0x6780;
	s6 =	sld [smem:$0x7F0]  }
0x2cb: {  	[tilespmem:s23], [sflag:$0x1] =	stream.linear.gather [spmem:s22], $0x80, $0x38;
	[tilespmem:$0x8A80] =	vst v63  }
0x2cc: {  	s21 =	simm.s32 $0x6B80;
	s22 =	sld [smem:$0x7F1]  }
0x2cd: {  	[tilespmem:s21], [sflag:$0x1] =	stream.linear.gather [spmem:s6], $0x80, $0x38;
	[tilespmem:$0x8A80] =	vst v63  }
0x2ce: {  	s23 =	simm.s32 $0x6F80;
	s6 =	sld [smem:$0x7F2]  }
0x2cf: {  	[tilespmem:s23], [sflag:$0x1] =	stream.linear.gather [spmem:s22], $0x80, $0x38;
	[tilespmem:$0x8A80] =	vst v63  }
0x2d0: {  	s21 =	simm.s32 $0x7380  }
0x2d1: {  	[tilespmem:s21], [sflag:$0x1] =	stream.linear.gather [spmem:s6], $0x80, $0x38;
	[tilespmem:$0x8A80] =	vst v63  }
0x2d2: {  	_ =	swait.ge [sflag:s18], $0x280  }
0x2d3: {  	[sflag:s18] =	ssyncset.done $0x0;
	s22 =	rddreg [dreg:$0x17]  }
0x2d4: {  	s23 =	simm.s32 $0x7400;
	s6 =	sld [smem:$0x7F3];
	[sflag:s18] =	ssyncadd.s32 $0xFFFFFD80  }
0x2d5: {  	[tilespmem:s23], [sflag:$0x1] =	stream.linear.gather [spmem:s22], $0x80, $0x38;
	[tilespmem:$0x8A80] =	vst v63  }
0x2d6: {  	s21 =	simm.s32 $0x7800;
	s22 =	sld [smem:$0x7F4]  }
0x2d7: {  	[tilespmem:s21], [sflag:$0x1] =	stream.linear.gather [spmem:s6], $0x80, $0x38;
	[tilespmem:$0x8A80] =	vst v63  }
0x2d8: {  	s23 =	simm.s32 $0x7C00;
	s6 =	sld [smem:$0x7F5]  }
0x2d9: {  	[tilespmem:s23], [sflag:$0x1] =	stream.linear.gather [spmem:s22], $0x80, $0x38;
	[tilespmem:$0x8A80] =	vst v63  }
0x2da: {  	s21 =	simm.s32 $0x8000;
	s22 =	sld [smem:$0x7F6]  }
0x2db: {  	[tilespmem:s21], [sflag:$0x1] =	stream.linear.gather [spmem:s6], $0x80, $0x38;
	[tilespmem:$0x8A80] =	vst v63  }
0x2dc: {  	s23 =	simm.s32 $0x8400  }
0x2dd: {  	[tilespmem:s23], [sflag:$0x1] =	stream.linear.gather [spmem:s22], $0x80, $0x38;
	[tilespmem:$0x8A80] =	vst v63  }
0x2de: {  	_ =	swait.ge [sflag:s18], $0x280  }
0x2df: {  	[sflag:s18] =	ssyncset.done $0x0;
	s6 =	rddreg [dreg:$0x19]  }
0x2e0: {  	s21 =	simm.s32 $0x7480;
	s22 =	sld [smem:$0x7F7];
	[sflag:s18] =	ssyncadd.s32 $0xFFFFFD80  }
0x2e1: {  	[tilespmem:s21], [sflag:$0x1] =	stream.linear.gather [spmem:s6], $0x80, $0x38;
	[tilespmem:$0x8A80] =	vst v63  }
0x2e2: {  	s23 =	simm.s32 $0x7880;
	s6 =	sld [smem:$0x7F8]  }
0x2e3: {  	[tilespmem:s23], [sflag:$0x1] =	stream.linear.gather [spmem:s22], $0x80, $0x38;
	[tilespmem:$0x8A80] =	vst v63  }
0x2e4: {  	s21 =	simm.s32 $0x7C80;
	s22 =	sld [smem:$0x7F9]  }
0x2e5: {  	[tilespmem:s21], [sflag:$0x1] =	stream.linear.gather [spmem:s6], $0x80, $0x38;
	[tilespmem:$0x8A80] =	vst v63  }
0x2e6: {  	s23 =	simm.s32 $0x8080;
	s6 =	sld [smem:$0x7FA]  }
0x2e7: {  	[tilespmem:s23], [sflag:$0x1] =	stream.linear.gather [spmem:s22], $0x80, $0x38;
	[tilespmem:$0x8A80] =	vst v63  }
0x2e8: {  	s21 =	simm.s32 $0x8480  }
0x2e9: {  	[tilespmem:s21], [sflag:$0x1] =	stream.linear.gather [spmem:s6], $0x80, $0x38;
	[tilespmem:$0x8A80] =	vst v63  }
0x2ea: {  	_ =	swait.ge [sflag:s18], $0x280  }
0x2eb: {  	[sflag:s18] =	ssyncset.done $0x0;
	s22 =	rddreg [dreg:$0x1a]  }
0x2ec: {  	s23 =	simm.s32 $0x7500;
	s6 =	sld [smem:$0x7FB];
	[sflag:s18] =	ssyncadd.s32 $0xFFFFFD80  }
0x2ed: {  	[tilespmem:s23], [sflag:$0x1] =	stream.linear.gather [spmem:s22], $0x80, $0x38;
	[tilespmem:$0x8A80] =	vst v63  }
0x2ee: {  	s21 =	simm.s32 $0x7900;
	s22 =	sld [smem:$0x7FC]  }
0x2ef: {  	[tilespmem:s21], [sflag:$0x1] =	stream.linear.gather [spmem:s6], $0x80, $0x38;
	[tilespmem:$0x8A80] =	vst v63  }
0x2f0: {  	s23 =	simm.s32 $0x7D00;
	s21 =	sld [smem:$0x7FD]  }
0x2f1: {  	[tilespmem:s23], [sflag:$0x1] =	stream.linear.gather [spmem:s22], $0x80, $0x38;
	[tilespmem:$0x8A80] =	vst v63  }
0x2f2: {  	s22 =	simm.s32 $0x8100  }
0x2f3: {  	[tilespmem:s22], [sflag:$0x1] =	stream.linear.gather [spmem:s21], $0x80, $0x38;
	[tilespmem:$0x8A80] =	vst v63  }
0x2f4: {  	s23 =	simm.s32 $0x8500  }
0x2f5: {  	[tilespmem:s23], [sflag:$0x1] =	stream.linear.gather [spmem:s7], $0x80, $0x38;
	[tilespmem:$0x8A80] =	vst v63  }
0x2f6: {  	_ =	swait.ge [sflag:s18], $0x280  }
0x2f7: {  	[sflag:s18] =	ssyncset.done $0x0  }
0x2f8: {  	s21 =	simm.s32 $0x7580;
	s6 =	rddreg [dreg:$0x1b];
	[sflag:s18] =	ssyncadd.s32 $0xFFFFFD80  }
0x2f9: {  	[tilespmem:s21], [sflag:$0x1] =	stream.linear.gather [spmem:s6], $0x80, $0x38;
	[tilespmem:$0x8A80] =	vst v63  }
0x2fa: {  	s22 =	simm.s32 $0x7980  }
0x2fb: {  	[tilespmem:s22], [sflag:$0x1] =	stream.linear.gather [spmem:s8], $0x80, $0x38;
	[tilespmem:$0x8A80] =	vst v63  }
0x2fc: {  	s23 =	simm.s32 $0x7D80  }
0x2fd: {  	[tilespmem:s23], [sflag:$0x1] =	stream.linear.gather [spmem:s9], $0x80, $0x38;
	[tilespmem:$0x8A80] =	vst v63  }
0x2fe: {  	s6 =	simm.s32 $0x8180  }
0x2ff: {  	[tilespmem:s6], [sflag:$0x1] =	stream.linear.gather [spmem:s10], $0x80, $0x38;
	[tilespmem:$0x8A80] =	vst v63  }
0x300: {  	s21 =	simm.s32 $0x8580  }
0x301: {  	[tilespmem:s21], [sflag:$0x1] =	stream.linear.gather [spmem:s11], $0x80, $0x38;
	[tilespmem:$0x8A80] =	vst v63  }
0x302: {  	_ =	swait.ge [sflag:s18], $0x280  }
0x303: {  	[sflag:s18] =	ssyncset.done $0x0  }
0x304: {  	s23 =	simm.s32 $0x7600;
	s22 =	rddreg [dreg:$0x1c];
	[sflag:s18] =	ssyncadd.s32 $0xFFFFFD80  }
0x305: {  	[tilespmem:s23], [sflag:$0x1] =	stream.linear.gather [spmem:s22], $0x80, $0x38;
	[tilespmem:$0x8A80] =	vst v63  }
0x306: {  	s6 =	simm.s32 $0x7A00  }
0x307: {  	[tilespmem:s6], [sflag:$0x1] =	stream.linear.gather [spmem:s12], $0x80, $0x38;
	[tilespmem:$0x8A80] =	vst v63  }
0x308: {  	s21 =	simm.s32 $0x7E00  }
0x309: {  	[tilespmem:s21], [sflag:$0x1] =	stream.linear.gather [spmem:s13], $0x80, $0x38;
	[tilespmem:$0x8A80] =	vst v63  }
0x30a: {  	s22 =	simm.s32 $0x8200  }
0x30b: {  	[tilespmem:s22], [sflag:$0x1] =	stream.linear.gather [spmem:s24], $0x80, $0x38;
	[tilespmem:$0x8A80] =	vst v63  }
0x30c: {  	s23 =	simm.s32 $0x8600  }
0x30d: {  	[tilespmem:s23], [sflag:$0x1] =	stream.linear.gather [spmem:s25], $0x80, $0x38;
	[tilespmem:$0x8A80] =	vst v63  }
0x30e: {  	_ =	swait.ge [sflag:s18], $0x280  }
0x30f: {  	[sflag:s18] =	ssyncset.done $0x0  }
0x310: {  	s21 =	simm.s32 $0x7680;
	s6 =	rddreg [dreg:$0x1d];
	[sflag:s18] =	ssyncadd.s32 $0xFFFFFD80  }
0x311: {  	[tilespmem:s21], [sflag:$0x1] =	stream.linear.gather [spmem:s6], $0x80, $0x38;
	[tilespmem:$0x8A80] =	vst v63  }
0x312: {  	s22 =	simm.s32 $0x7A80  }
0x313: {  	[tilespmem:s22], [sflag:$0x1] =	stream.linear.gather [spmem:s26], $0x80, $0x38;
	[tilespmem:$0x8A80] =	vst v63  }
0x314: {  	s23 =	simm.s32 $0x7E80  }
0x315: {  	[tilespmem:s23], [sflag:$0x1] =	stream.linear.gather [spmem:s28], $0x80, $0x38;
	[tilespmem:$0x8A80] =	vst v63  }
0x316: {  	s6 =	simm.s32 $0x8280  }
0x317: {  	[tilespmem:s6], [sflag:$0x1] =	stream.linear.gather [spmem:s29], $0x80, $0x38;
	[tilespmem:$0x8A80] =	vst v63  }
0x318: {  	s21 =	simm.s32 $0x8680  }
0x319: {  	[tilespmem:s21], [sflag:$0x1] =	stream.linear.gather [spmem:s30], $0x80, $0x38;
	[tilespmem:$0x8A80] =	vst v63  }
0x31a: {  	_ =	swait.ge [sflag:s18], $0x280  }
0x31b: {  	[sflag:s18] =	ssyncset.done $0x0  }
0x31c: {  	s23 =	simm.s32 $0x7700;
	s22 =	rddreg [dreg:$0x1e];
	[sflag:s18] =	ssyncadd.s32 $0xFFFFFD80  }
0x31d: {  	[tilespmem:s23], [sflag:$0x1] =	stream.linear.gather [spmem:s22], $0x80, $0x38;
	[tilespmem:$0x8A80] =	vst v63  }
0x31e: {  	s21 =	simm.s32 $0x7B00  }
0x31f: {  	[tilespmem:s21], [sflag:$0x1] =	stream.linear.gather [spmem:s31], $0x80, $0x38;
	[tilespmem:$0x8A80] =	vst v63  }
0x320: {  	s22 =	simm.s32 $0x7F00  }
0x321: {  	[tilespmem:s22], [sflag:$0x1] =	stream.linear.gather [spmem:s0], $0x80, $0x38;
	[tilespmem:$0x8A80] =	vst v63  }
0x322: {  	s23 =	simm.s32 $0x8300  }
0x323: {  	[tilespmem:s23], [sflag:$0x1] =	stream.linear.gather [spmem:s1], $0x80, $0x38;
	[tilespmem:$0x8A80] =	vst v63  }
0x324: {  	s6 =	simm.s32 $0x8700  }
0x325: {  	[tilespmem:s6], [sflag:$0x1] =	stream.linear.gather [spmem:s2], $0x80, $0x38;
	[tilespmem:$0x8A80] =	vst v63  }
0x326: {  	_ =	swait.ge [sflag:s18], $0x280  }
0x327: {  	[sflag:s18] =	ssyncset.done $0x0  }
0x328: {  	s22 =	simm.s32 $0x7780;
	s21 =	rddreg [dreg:$0x1f];
	[sflag:s18] =	ssyncadd.s32 $0xFFFFFD80  }
0x329: {  	[tilespmem:s22], [sflag:$0x1] =	stream.linear.gather [spmem:s21], $0x80, $0x38;
	[tilespmem:$0x8A80] =	vst v63  }
0x32a: {  	s23 =	simm.s32 $0x7B80  }
0x32b: {  	[tilespmem:s23], [sflag:$0x1] =	stream.linear.gather [spmem:s4], $0x80, $0x38;
	[tilespmem:$0x8A80] =	vst v63  }
0x32c: {  	s6 =	simm.s32 $0x7F80  }
0x32d: {  	[tilespmem:s6], [sflag:$0x1] =	stream.linear.gather [spmem:s14], $0x80, $0x38;
	[tilespmem:$0x8A80] =	vst v63  }
0x32e: {  	s21 =	simm.s32 $0x8380  }
0x32f: {  	[tilespmem:s21], [sflag:$0x1] =	stream.linear.gather [spmem:s15], $0x80, $0x38;
	[tilespmem:$0x8A80] =	vst v63  }
0x330: {  	s22 =	simm.s32 $0x8780  }
0x331: {  	[tilespmem:s22], [sflag:$0x1] =	stream.linear.gather [spmem:s16], $0x80, $0x38;
	[tilespmem:$0x8A80] =	vst v63  }
0x332: {  	s23 =	simm.s32 $0x0;
	_ =	swait.ge [sflag:s18], $0x280  }
0x333: {  	s3 =	sand.u32 $0x1C00, s23;
	s6 =	sand.u32 $0x70, s23;
	[sflag:s18] =	ssyncset.done $0x0  }
0x334: {  	s3 =	sor.u32 s6, s3;
	[sflag:s18] =	ssyncadd.s32 $0xFFFFFD80  }
0x335: {  	v2 =	vld [tilespmem:s3+$0x6080]  }
0x336: {  	v3 =	vld [tilespmem:s3+$0x6000];
	_ =	sdelay $0x1  }
0x337: {  	v4 =	vld [tilespmem:s3+$0x6100];
	_ =	sdelay $0x1  }
0x338: {  	v5 =	vld [tilespmem:s3+$0x6180]  }
0x339: {  	v2 =	vadd.f32 v2, v3  }
0x33a: {  	v3 =	vld [tilespmem:s3+$0x6200]  }
0x33b: {  	v2 =	vadd.f32 v4, v2  }
0x33c: {  	v56 =	vld [tilespmem:s3+$0x6280]  }
0x33d: {  	v2 =	vadd.f32 v5, v2  }
0x33e: {  	v57 =	vld [tilespmem:s3+$0x6300]  }
0x33f: {  	v2 =	vadd.f32 v3, v2  }
0x340: {  	v3 =	vld [tilespmem:s3+$0x6380]  }
0x341: {  	v2 =	vadd.f32 v56, v2  }
0x342: {  	v58 =	vld [tilespmem:s3+$0x7400]  }
0x343: {  	v2 =	vadd.f32 v57, v2  }
0x344: {  	v59 =	vld [tilespmem:s3+$0x7480]  }
0x345: {  	v2 =	vadd.f32 v3, v2  }
0x346: {  	v3 =	vld [tilespmem:s3+$0x7500]  }
0x347: {  	v2 =	vadd.f32 v58, v2  }
0x348: {  	v60 =	vld [tilespmem:s3+$0x7580]  }
0x349: {  	v2 =	vadd.f32 v59, v2  }
0x34a: {  	v61 =	vld [tilespmem:s3+$0x7600]  }
0x34b: {  	v2 =	vadd.f32 v3, v2  }
0x34c: {  	v3 =	vld [tilespmem:s3+$0x7680]  }
0x34d: {  	v2 =	vadd.f32 v60, v2  }
0x34e: {  	v62 =	vld [tilespmem:s3+$0x7700]  }
0x34f: {  	v2 =	vadd.f32 v61, v2  }
0x350: {  	v63 =	vld [tilespmem:s3+$0x7780]  }
0x351: {  	v2 =	vadd.f32 v3, v2;
	_ =	sdelay $0x1  }
0x352: {  	v2 =	vadd.f32 v62, v2;
	_ =	sdelay $0x1  }
0x353: {  	s23 =	simm.s32 $0x80;
	s22 =	simm.s32 $0x10;
	v2 =	vadd.f32 v63, v2  }
0x354: {  	s21 =	simm.s32 $0x8800;
	s3 =	sand.u32 $0x70, s22;
	s22 =	sand.u32 $0x1C00, s23  }
0x355: {  	s22 =	sor.u32 s3, s22;
	s3 =	simm.s32 $0x20;
	[tilespmem:s21+$0x0] =	vst v2  }
.LBB2_15:
0x356: {  	p1 =	seq.s32 s3, $0x270;
	v2 =	vld [tilespmem:s22+$0x6080]  }
0x357: {  	v3 =	vld [tilespmem:s22+$0x6000];
	_ =	sdelay $0x1  }
0x358: {  	v4 =	vld [tilespmem:s22+$0x6100];
	_ =	sdelay $0x1  }
0x359: {  	v5 =	vld [tilespmem:s22+$0x6180]  }
0x35a: {  	v2 =	vadd.f32 v2, v3  }
0x35b: {  	v3 =	vld [tilespmem:s22+$0x6200]  }
0x35c: {  	v2 =	vadd.f32 v4, v2  }
0x35d: {  	v4 =	vld [tilespmem:s22+$0x6280]  }
0x35e: {  	v2 =	vadd.f32 v5, v2  }
0x35f: {  	v5 =	vld [tilespmem:s22+$0x6300]  }
0x360: {  	v2 =	vadd.f32 v3, v2  }
0x361: {  	v3 =	vld [tilespmem:s22+$0x6380]  }
0x362: {  	v2 =	vadd.f32 v4, v2  }
0x363: {  	v4 =	vld [tilespmem:s22+$0x7400]  }
0x364: {  	v2 =	vadd.f32 v5, v2  }
0x365: {  	v5 =	vld [tilespmem:s22+$0x7480]  }
0x366: {  	v2 =	vadd.f32 v3, v2  }
0x367: {  	v3 =	vld [tilespmem:s22+$0x7500]  }
0x368: {  	v2 =	vadd.f32 v4, v2  }
0x369: {  	v4 =	vld [tilespmem:s22+$0x7580]  }
0x36a: {  	v2 =	vadd.f32 v5, v2  }
0x36b: {  	v5 =	vld [tilespmem:s22+$0x7600]  }
0x36c: {  	v2 =	vadd.f32 v3, v2  }
0x36d: {  	v3 =	vld [tilespmem:s22+$0x7680]  }
0x36e: {  	v2 =	vadd.f32 v4, v2  }
0x36f: {  	v4 =	vld [tilespmem:s22+$0x7700]  }
0x370: {  	v2 =	vadd.f32 v5, v2  }
0x371: {  	v5 =	vld [tilespmem:s22+$0x7780]  }
0x372: {  	v2 =	vadd.f32 v3, v2;
	_ =	sdelay $0x1  }
.Ltmp16:
0x373: {  	v2 =	vadd.f32 v4, v2;
	(pc) =	sbr.rel @!p1 .LBB2_15-.Ltmp16, $4  }
0x374: {  	_ = 	snop  }
0x375: {  	s23 =	sadd.s32 $0x80, s23;
	v2 =	vadd.f32 v5, v2  }
0x376: {  	s21 =	sadd.s32 $0x10, s21;
	s6 =	sand.u32 $0x1C00, s23;
	s22 =	sand.u32 $0x70, s3  }
0x377: {  	s3 =	sadd.s32 $0x10, s3;
	s22 =	sor.u32 s22, s6;
	[tilespmem:s21+$0x0] =	vst v2  }
.Ltmp17:
0x378: {  	_ = 	snop;
	(pc) =	sbr.rel .LBB2_16-.Ltmp17, $1  }
0x379: {  	_ =	sdelay $0x3  }
.LBB2_31:
0x37a: {  	_ =	sfence.sel $0x180000  }
0x37b: {  	[bflag:$0x0] =	sbarrier.arrive $0xFFFF  }
0x37c: {  	_ =	strace $0x90000047  }
0x37d: {  	s0 =	stileid.u32;
	[bflag:$0x2] =	sbarrier.arrive $0xFFFF  }
0x37e: {  	p0 =	sne.s32 s0, $0x0;
	s0 =	rddreg [dreg:$0x3]  }
0x37f: {  	s0 =	sadd.s32 @!p0 $0x100000, s0  }
0x380: {  	[sflag:s0] =	ssyncadd.tile.s32 @!p0 $0x1;
	_ =	shalt  }
.Lfunc_end2:
_tile_overlayer_lowered:
.L_overlay_start_2:
0x381: {  	(tag) =	ssettag $0x2  }
0x382: {  	s0 =	rddreg [dreg:$0x0];
	s2 =	stileid.u32  }
0x383: {  	s1 =	rddreg [dreg:$0x1];
	p0 =	sne.s32 s2, $0x0  }
0x384: {  	s3 =	rddreg [dreg:$0x2];
	[bflag:$0x3] =	sbarrier.arrive $0xFFFF;
	s2 =	simm.s32 @!p0 $0x1C01  }
0x385: {  	[timem:s3], [sflag:s2] =	dma.local @!p0 [hbm:s0], s1  }
0x386: {  	s0 =	simm.s32 @!p0 $0x1  }
0x387: {  	_ =	swait.ge @!p0 [sflag:s0], s1  }
0x388: {  	s1 =	ssub.s32 @!p0 $0x0, s1;
	[sflag:s0] =	ssyncset.done @!p0 $0x0  }
0x389: {  	[sflag:s0] =	ssyncadd.s32 @!p0 s1  }
0x38a: {  	[bflag:$0x3] =	sbarrier.arrive $0xFFFF  }
0x38b: {  	_ =	shalt  }

</sc_bundles>
